<compile_context>
chip_gen: v7x
topology: tpu7x:2x2x1
jax: 0.10.2.dev20260603
libtpu: 0.0.44.dev20260713+nightly
codegen_flags: <defaults>
</compile_context>

<pallas_src>
import functools

import jax
import jax.numpy as jnp
from jax import lax
from jax.experimental import pallas as pl
from jax.experimental.pallas import tpu as pltpu
from jax.experimental.pallas import tpu_sc as plsc

VOCAB = 1000001
EMBED_D = 32
BATCH = 4096
HIST = 200

NUM_CORES = 2
NUM_SUBCORES = 16
NW = NUM_CORES * NUM_SUBCORES
B_TOT = BATCH * HIST
B_PER_W = B_TOT // NW
G = 128
K = 8
STEP = G * K
N_STEPS = B_PER_W // STEP
N_PAIRS = (N_STEPS - 1) // 2
GS = G + 1


def _make_gather():
    mesh = plsc.VectorSubcoreMesh(
        core_axis_name="c", subcore_axis_name="s",
        num_cores=NUM_CORES, num_subcores=NUM_SUBCORES)

    @functools.partial(
        pl.kernel,
        out_type=jax.ShapeDtypeStruct((HIST, 4, BATCH // 128, 8, 128),
                                      jnp.float32),
        mesh=mesh,
        scratch_types=[
            pltpu.VMEM((B_PER_W,), jnp.int32),
            pltpu.VMEM((STEP, EMBED_D), jnp.float32),
            pltpu.VMEM((STEP, EMBED_D), jnp.float32),
            pltpu.VMEM((4, K, 8, GS), jnp.float32),
            pltpu.SemaphoreType.DMA,
            pltpu.SemaphoreType.DMA,
            pltpu.SemaphoreType.DMA,
        ],
        compiler_params=pltpu.CompilerParams(use_tc_tiling_on_sc=False,
                                             needs_layout_passes=False),
    )
    def k(table_hbm, idx_hbm, out_hbm, idx_v, r0_v, r1_v, t_v,
          gsem0, gsem1, osem):
        wid = lax.axis_index("s") * NUM_CORES + lax.axis_index("c")
        base = wid * B_PER_W
        pltpu.sync_copy(idx_hbm.at[pl.ds(base, B_PER_W)], idx_v)
        iota = lax.iota(jnp.int32, 16)
        p0_lo = lax.shift_right_logical(iota, 3)
        p0_hi = p0_lo + 2
        p2 = lax.bitwise_and(iota, 7)

        def fire(t, r_v, sem):
            for j in range(K):
                pltpu.async_copy(
                    table_hbm.at[idx_v.at[pl.ds(t * STEP + j * G, G)]],
                    r_v.at[pl.ds(j * G, G)], sem)

        def drain(r_v, sem):
            for j in range(K):
                pltpu.make_async_copy(
                    table_hbm.at[idx_v.at[pl.ds(j * G, G)]],
                    r_v.at[pl.ds(j * G, G)], sem).wait()

        def out_slice(t):
            g = base + t * STEP
            l = g // BATCH
            cb = (g % BATCH) // G
            return out_hbm.at[l, :, pl.ds(cb, K), :, :]

        def transpose_and_put(t, r_v):
            for c in range(K):
                cv = jnp.full((16,), c, dtype=jnp.int32)

                def _j(j, c=c, cv=cv):
                    jv = jnp.full((16,), j, dtype=jnp.int32)
                    row = c * G + j
                    vals_lo = r_v[row, pl.ds(0, 16)]
                    vals_hi = r_v[row, pl.ds(16, 16)]
                    plsc.store_scatter(t_v, [p0_lo, cv, p2, jv], vals_lo)
                    plsc.store_scatter(t_v, [p0_hi, cv, p2, jv], vals_hi)

                pl.loop(0, G, unroll=4)(_j)

            pltpu.async_copy(t_v.at[:, :, :, pl.ds(0, G)], out_slice(t), osem)

        def wait_out():
            pltpu.make_async_copy(t_v.at[:, :, :, pl.ds(0, G)], out_slice(0),
                                  osem).wait()

        pltpu.async_copy(t_v.at[:, :, :, pl.ds(0, G)], out_slice(0), osem)
        fire(0, r0_v, gsem0)

        @pl.loop(0, N_PAIRS)
        def _pair(u):
            t0 = u * 2
            fire(t0 + 1, r1_v, gsem1)
            drain(r0_v, gsem0)
            wait_out()
            transpose_and_put(t0, r0_v)
            fire(t0 + 2, r0_v, gsem0)
            drain(r1_v, gsem1)
            wait_out()
            transpose_and_put(t0 + 1, r1_v)

        drain(r0_v, gsem0)
        wait_out()
        transpose_and_put(N_STEPS - 1, r0_v)
        wait_out()

    return k


_gather = _make_gather()

def kernel(inputs, table):
    idx = (inputs.T.astype(jnp.int32) * 4).reshape(B_TOT)
    tp = jnp.pad(table, ((0, 0), (0, 128 - EMBED_D)))
    x = _gather(tp.reshape(VOCAB * 4, EMBED_D), idx)
    return x.transpose(0, 2, 4, 1, 3).reshape(HIST, BATCH, EMBED_D)

# --- scband reference (transcript-rebuilt; emitter-appended) ---
"""Pipeline reference for scband-embedding-80341658239361 (READ-ONLY COPY).

The authoritative reference and input builder live on the scoring server;
editing this copy changes nothing except your own understanding.
"""

import jax, jax.numpy as jnp
import numpy as np

VOCAB_SIZE = 1000000
EMBED_DIM = 32
BATCH = 4096
HIST_LEN = 200


def setup_inputs(seed: int = 0) -> dict:
    key = jax.random.key(seed)
    k_idx, k_tab = jax.random.split(key)
    inputs = jax.random.randint(k_idx, (BATCH, HIST_LEN), 0, VOCAB_SIZE + 1, dtype=jnp.int64)
    # Embedding table: (vocab_size + 1, embed_dim), padding_idx=0 -> row 0 zeros
    table = jax.random.normal(k_tab, (VOCAB_SIZE + 1, EMBED_DIM), dtype=jnp.float32)
    table = table.at[0].set(0.0)
    return {"inputs": inputs, "table": table}


def reference(inputs, table):
    # transpose=True: [B, L] -> [L, B]
    idx = inputs.T
    # eval mode: input_dropout and embedding dropout are no-ops
    embeddings = jnp.take(table, idx, axis=0)  # [L, B, D]
    return embeddings

if __name__ == "__main__":
    import jax
    _d = setup_inputs()
    print(jax.jit(kernel)(*tuple(_d.values())))

</pallas_src>

<mosaic_0001>
#map = affine_map<(d0, d1) -> (0, 0)>
#map1 = affine_map<(d0, d1) -> (0)>
#map2 = affine_map<(d0, d1) -> (0, 0, 0, 0, 0)>
module attributes {stable_mosaic.version = 14 : i64} {
  func.func @k(%arg0: i32, %arg1: i32, %arg2: memref<4000004x32xf32, #tpu.memory_space<hbm>>, %arg3: memref<819200xi32, #tpu.memory_space<hbm>>, %arg4: memref<200x4x32x8x128xf32, #tpu.memory_space<hbm>>, %arg5: memref<25600xi32, #tpu.memory_space<vmem>>, %arg6: memref<1024x32xf32, #tpu.memory_space<vmem>>, %arg7: memref<1024x32xf32, #tpu.memory_space<vmem>>, %arg8: memref<4x8x8x129xf32, #tpu.memory_space<vmem>>, %arg9: memref<!tpu.dma_semaphore, #tpu.memory_space<semaphore_mem>>, %arg10: memref<!tpu.dma_semaphore, #tpu.memory_space<semaphore_mem>>, %arg11: memref<!tpu.dma_semaphore, #tpu.memory_space<semaphore_mem>>) attributes {dimension_semantics = [#tpu.dimension_semantics<core_parallel>, #tpu.dimension_semantics<subcore_parallel>], iteration_bounds = array<i64: 2, 16>, scalar_prefetch = 0 : i64, scratch_operands = 7 : i64, tpu.core_type = #tpu.core_type<sc_vector_subcore>, window_params = [{transform_indices = #map}, {transform_indices = #map1}, {transform_indices = #map2}]} {
    %mul3A = arith.constant 2 : i32
    %mul3A_0 = arith.muli %arg1, %mul3A : i32
    %add3A = arith.addi %mul3A_0, %arg0 : i32
    %mul3A_1 = arith.constant 25600 : i32
    %mul3A_2 = arith.muli %add3A, %mul3A_1 : i32
    "tpu.region"() ({
      %run_scoped3A = tpu.sem_alloc : memref<!tpu.dma_semaphore, #tpu.memory_space<semaphore_mem>>
      %dma_start3A_530 = tpu.memref_slice %arg3[%mul3A_2] : memref<819200xi32, #tpu.memory_space<hbm>> -> memref<25600xi32, #tpu.memory_space<hbm>>
      %dma_start3A_531 = tpu.memref_slice %arg3[%mul3A_2] : memref<819200xi32, #tpu.memory_space<hbm>> -> memref<25600xi32, #tpu.memory_space<hbm>>
      tpu.enqueue_dma source(%dma_start3A_531 : memref<25600xi32, #tpu.memory_space<hbm>>) target(%arg5 : memref<25600xi32, #tpu.memory_space<vmem>>) target_semaphore(%run_scoped3A : memref<!tpu.dma_semaphore, #tpu.memory_space<semaphore_mem>>)
      %dma_wait3A_532 = tpu.memref_slice %arg3[%mul3A_2] : memref<819200xi32, #tpu.memory_space<hbm>> -> memref<25600xi32, #tpu.memory_space<hbm>>
      %dma_wait3A_533 = tpu.memref_slice %arg3[%mul3A_2] : memref<819200xi32, #tpu.memory_space<hbm>> -> memref<25600xi32, #tpu.memory_space<hbm>>
      tpu.wait_dma2 semaphore(%run_scoped3A : memref<!tpu.dma_semaphore, #tpu.memory_space<semaphore_mem>>) src(%dma_wait3A_533 : memref<25600xi32, #tpu.memory_space<hbm>>) dst(%arg5 : memref<25600xi32, #tpu.memory_space<vmem>>)
      tpu.yield
    }) : () -> ()
    %iota3A = tpu.iota {dimensions = array<i32: 0>} : vector<16xi32>
    %shift_right_logical3A = arith.constant 3 : i32
    %shift_right_logical3A_3 = vector.broadcast %shift_right_logical3A : i32 to vector<16xi32>
    %shift_right_logical3A_4 = arith.shrui %iota3A, %shift_right_logical3A_3 : vector<16xi32>
    %add3A_5 = arith.constant 2 : i32
    %add3A_6 = vector.broadcast %add3A_5 : i32 to vector<16xi32>
    %add3A_7 = arith.addi %shift_right_logical3A_4, %add3A_6 : vector<16xi32>
    %and3A = arith.constant 7 : i32
    %and3A_8 = vector.broadcast %and3A : i32 to vector<16xi32>
    %and3A_9 = arith.andi %iota3A, %and3A_8 : vector<16xi32>
    %add3A_10 = arith.constant 0 : i32
    %add3A_11 = arith.addi %mul3A_2, %add3A_10 : i32
    %jit3A = arith.constant 4096 : i32
    %div3A = arith.divsi %add3A_11, %jit3A : i32
    %sign3A = arith.constant 0 : i32
    %sign3A_12 = arith.cmpi sgt, %add3A_11, %sign3A : i32
    %sign3A_13 = arith.extui %sign3A_12 : i1 to i32
    %sign3A_14 = arith.constant 0 : i32
    %sign3A_15 = arith.cmpi slt, %add3A_11, %sign3A_14 : i32
    %sign3A_16 = arith.extui %sign3A_15 : i1 to i32
    %sign3A_17 = arith.subi %sign3A_13, %sign3A_16 : i32
    %sign3A_18 = arith.constant 0 : i32
    %sign3A_19 = arith.cmpi sgt, %jit3A, %sign3A_18 : i32
    %sign3A_20 = arith.extui %sign3A_19 : i1 to i32
    %sign3A_21 = arith.constant 0 : i32
    %sign3A_22 = arith.cmpi slt, %jit3A, %sign3A_21 : i32
    %sign3A_23 = arith.extui %sign3A_22 : i1 to i32
    %sign3A_24 = arith.subi %sign3A_20, %sign3A_23 : i32
    %ne3A = arith.cmpi ne, %sign3A_17, %sign3A_24 : i32
    %rem3A = arith.remsi %add3A_11, %jit3A : i32
    %ne3A_25 = arith.constant 0 : i32
    %ne3A_26 = arith.cmpi ne, %rem3A, %ne3A_25 : i32
    %and3A_27 = arith.andi %ne3A, %ne3A_26 : i1
    %sub3A = arith.constant 1 : i32
    %sub3A_28 = arith.subi %div3A, %sub3A : i32
    %select_n3A = arith.select %and3A_27, %sub3A_28, %div3A : i32
    %jit3A_29 = arith.constant 4096 : i32
    %eq3A = arith.constant 0 : i32
    %eq3A_30 = arith.cmpi eq, %jit3A_29, %eq3A : i32
    %jit3A_31 = arith.constant 1 : i32
    %select_n3A_32 = arith.select %eq3A_30, %jit3A_31, %jit3A_29 : i32
    %rem3A_33 = arith.remsi %add3A_11, %select_n3A_32 : i32
    %ne3A_34 = arith.constant 0 : i32
    %ne3A_35 = arith.cmpi ne, %rem3A_33, %ne3A_34 : i32
    %lt3A = arith.constant 0 : i32
    %lt3A_36 = arith.cmpi slt, %rem3A_33, %lt3A : i32
    %lt3A_37 = arith.constant 0 : i32
    %lt3A_38 = arith.cmpi slt, %select_n3A_32, %lt3A_37 : i32
    %ne3A_39 = arith.xori %lt3A_36, %lt3A_38 : i1
    %and3A_40 = arith.andi %ne3A_39, %ne3A_35 : i1
    %add3A_41 = arith.addi %rem3A_33, %select_n3A_32 : i32
    %select_n3A_42 = arith.select %and3A_40, %add3A_41, %rem3A_33 : i32
    %jit3A_43 = arith.constant 128 : i32
    %div3A_44 = arith.divsi %select_n3A_42, %jit3A_43 : i32
    %sign3A_45 = arith.constant 0 : i32
    %sign3A_46 = arith.cmpi sgt, %select_n3A_42, %sign3A_45 : i32
    %sign3A_47 = arith.extui %sign3A_46 : i1 to i32
    %sign3A_48 = arith.constant 0 : i32
    %sign3A_49 = arith.cmpi slt, %select_n3A_42, %sign3A_48 : i32
    %sign3A_50 = arith.extui %sign3A_49 : i1 to i32
    %sign3A_51 = arith.subi %sign3A_47, %sign3A_50 : i32
    %sign3A_52 = arith.constant 0 : i32
    %sign3A_53 = arith.cmpi sgt, %jit3A_43, %sign3A_52 : i32
    %sign3A_54 = arith.extui %sign3A_53 : i1 to i32
    %sign3A_55 = arith.constant 0 : i32
    %sign3A_56 = arith.cmpi slt, %jit3A_43, %sign3A_55 : i32
    %sign3A_57 = arith.extui %sign3A_56 : i1 to i32
    %sign3A_58 = arith.subi %sign3A_54, %sign3A_57 : i32
    %ne3A_59 = arith.cmpi ne, %sign3A_51, %sign3A_58 : i32
    %rem3A_60 = arith.remsi %select_n3A_42, %jit3A_43 : i32
    %ne3A_61 = arith.constant 0 : i32
    %ne3A_62 = arith.cmpi ne, %rem3A_60, %ne3A_61 : i32
    %and3A_63 = arith.andi %ne3A_59, %ne3A_62 : i1
    %sub3A_64 = arith.constant 1 : i32
    %sub3A_65 = arith.subi %div3A_44, %sub3A_64 : i32
    %select_n3A_66 = arith.select %and3A_63, %sub3A_65, %div3A_44 : i32
    %dma_start3A = arith.constant 0 : i32
    %dma_start3A_67 = arith.constant 0 : i32
    %dma_start3A_68 = arith.constant 0 : i32
    %dma_start3A_69 = arith.constant 0 : i32
    %dma_start3A_70 = tpu.memref_slice %arg8[%dma_start3A, %dma_start3A_67, %dma_start3A_68, %dma_start3A_69] : memref<4x8x8x129xf32, #tpu.memory_space<vmem>> -> memref<4x8x8x128xf32, #tpu.memory_space<vmem>>
    %dma_start3A_71 = arith.constant 0 : i32
    %dma_start3A_72 = arith.constant 0 : i32
    %dma_start3A_73 = arith.constant 0 : i32
    %dma_start3A_74 = tpu.memref_slice %arg4[%select_n3A, %dma_start3A_71, %select_n3A_66, %dma_start3A_72, %dma_start3A_73] : memref<200x4x32x8x128xf32, #tpu.memory_space<hbm>> -> memref<1x4x8x8x128xf32, #tpu.memory_space<hbm>>
    %dma_start3A_75 = tpu.memref_squeeze %dma_start3A_74 : memref<1x4x8x8x128xf32, #tpu.memory_space<hbm>> -> memref<4x8x8x128xf32, #tpu.memory_space<hbm>>
    %dma_start3A_76 = arith.constant 0 : i32
    %dma_start3A_77 = arith.constant 0 : i32
    %dma_start3A_78 = arith.constant 0 : i32
    %dma_start3A_79 = tpu.memref_slice %arg4[%select_n3A, %dma_start3A_76, %select_n3A_66, %dma_start3A_77, %dma_start3A_78] : memref<200x4x32x8x128xf32, #tpu.memory_space<hbm>> -> memref<1x4x8x8x128xf32, #tpu.memory_space<hbm>>
    %dma_start3A_80 = tpu.memref_squeeze %dma_start3A_79 : memref<1x4x8x8x128xf32, #tpu.memory_space<hbm>> -> memref<4x8x8x128xf32, #tpu.memory_space<hbm>>
    %dma_start3A_81 = arith.constant 0 : i32
    %dma_start3A_82 = arith.constant 0 : i32
    %dma_start3A_83 = arith.constant 0 : i32
    %dma_start3A_84 = arith.constant 0 : i32
    %dma_start3A_85 = tpu.memref_slice %arg8[%dma_start3A_81, %dma_start3A_82, %dma_start3A_83, %dma_start3A_84] : memref<4x8x8x129xf32, #tpu.memory_space<vmem>> -> memref<4x8x8x128xf32, #tpu.memory_space<vmem>>
    tpu.enqueue_dma source(%dma_start3A_85 : memref<4x8x8x128xf32, #tpu.memory_space<vmem>>) target(%dma_start3A_80 : memref<4x8x8x128xf32, #tpu.memory_space<hbm>>) target_semaphore(%arg11 : memref<!tpu.dma_semaphore, #tpu.memory_space<semaphore_mem>>)
    %dma_start3A_86 = arith.constant 0 : i32
    %dma_start3A_87 = arith.constant 0 : i32
    %dma_start3A_88 = tpu.memref_slice %arg6[%dma_start3A_86, %dma_start3A_87] : memref<1024x32xf32, #tpu.memory_space<vmem>> -> memref<128x32xf32, #tpu.memory_space<vmem>>
    %dma_start3A_89 = arith.constant 0 : i32
    %dma_start3A_90 = tpu.memref_slice %arg5[%dma_start3A_89] : memref<25600xi32, #tpu.memory_space<vmem>> -> memref<128xi32, #tpu.memory_space<vmem>>
    %dma_start3A_91 = arith.constant 0 : i32
    %dma_start3A_92 = arith.constant 0 : i32
    %dma_start3A_93 = tpu.memref_slice %arg2[%dma_start3A_91, %dma_start3A_92] : memref<4000004x32xf32, #tpu.memory_space<hbm>> -> memref<4000004x32xf32, #tpu.memory_space<hbm>>
    tpu.enqueue_indirect_dma source(%dma_start3A_93 : memref<4000004x32xf32, #tpu.memory_space<hbm>>) target(%dma_start3A_88 : memref<128x32xf32, #tpu.memory_space<vmem>>) offsets(%dma_start3A_90 : memref<128xi32, #tpu.memory_space<vmem>>) semaphore(%arg9 : memref<!tpu.dma_semaphore, #tpu.memory_space<semaphore_mem>>)
    %dma_start3A_94 = arith.constant 128 : i32
    %dma_start3A_95 = arith.constant 0 : i32
    %dma_start3A_96 = tpu.memref_slice %arg6[%dma_start3A_94, %dma_start3A_95] : memref<1024x32xf32, #tpu.memory_space<vmem>> -> memref<128x32xf32, #tpu.memory_space<vmem>>
    %dma_start3A_97 = arith.constant 128 : i32
    %dma_start3A_98 = tpu.memref_slice %arg5[%dma_start3A_97] : memref<25600xi32, #tpu.memory_space<vmem>> -> memref<128xi32, #tpu.memory_space<vmem>>
    %dma_start3A_99 = arith.constant 0 : i32
    %dma_start3A_100 = arith.constant 0 : i32
    %dma_start3A_101 = tpu.memref_slice %arg2[%dma_start3A_99, %dma_start3A_100] : memref<4000004x32xf32, #tpu.memory_space<hbm>> -> memref<4000004x32xf32, #tpu.memory_space<hbm>>
    tpu.enqueue_indirect_dma source(%dma_start3A_101 : memref<4000004x32xf32, #tpu.memory_space<hbm>>) target(%dma_start3A_96 : memref<128x32xf32, #tpu.memory_space<vmem>>) offsets(%dma_start3A_98 : memref<128xi32, #tpu.memory_space<vmem>>) semaphore(%arg9 : memref<!tpu.dma_semaphore, #tpu.memory_space<semaphore_mem>>)
    %dma_start3A_102 = arith.constant 256 : i32
    %dma_start3A_103 = arith.constant 0 : i32
    %dma_start3A_104 = tpu.memref_slice %arg6[%dma_start3A_102, %dma_start3A_103] : memref<1024x32xf32, #tpu.memory_space<vmem>> -> memref<128x32xf32, #tpu.memory_space<vmem>>
    %dma_start3A_105 = arith.constant 256 : i32
    %dma_start3A_106 = tpu.memref_slice %arg5[%dma_start3A_105] : memref<25600xi32, #tpu.memory_space<vmem>> -> memref<128xi32, #tpu.memory_space<vmem>>
    %dma_start3A_107 = arith.constant 0 : i32
    %dma_start3A_108 = arith.constant 0 : i32
    %dma_start3A_109 = tpu.memref_slice %arg2[%dma_start3A_107, %dma_start3A_108] : memref<4000004x32xf32, #tpu.memory_space<hbm>> -> memref<4000004x32xf32, #tpu.memory_space<hbm>>
    tpu.enqueue_indirect_dma source(%dma_start3A_109 : memref<4000004x32xf32, #tpu.memory_space<hbm>>) target(%dma_start3A_104 : memref<128x32xf32, #tpu.memory_space<vmem>>) offsets(%dma_start3A_106 : memref<128xi32, #tpu.memory_space<vmem>>) semaphore(%arg9 : memref<!tpu.dma_semaphore, #tpu.memory_space<semaphore_mem>>)
    %dma_start3A_110 = arith.constant 384 : i32
    %dma_start3A_111 = arith.constant 0 : i32
    %dma_start3A_112 = tpu.memref_slice %arg6[%dma_start3A_110, %dma_start3A_111] : memref<1024x32xf32, #tpu.memory_space<vmem>> -> memref<128x32xf32, #tpu.memory_space<vmem>>
    %dma_start3A_113 = arith.constant 384 : i32
    %dma_start3A_114 = tpu.memref_slice %arg5[%dma_start3A_113] : memref<25600xi32, #tpu.memory_space<vmem>> -> memref<128xi32, #tpu.memory_space<vmem>>
    %dma_start3A_115 = arith.constant 0 : i32
    %dma_start3A_116 = arith.constant 0 : i32
    %dma_start3A_117 = tpu.memref_slice %arg2[%dma_start3A_115, %dma_start3A_116] : memref<4000004x32xf32, #tpu.memory_space<hbm>> -> memref<4000004x32xf32, #tpu.memory_space<hbm>>
    tpu.enqueue_indirect_dma source(%dma_start3A_117 : memref<4000004x32xf32, #tpu.memory_space<hbm>>) target(%dma_start3A_112 : memref<128x32xf32, #tpu.memory_space<vmem>>) offsets(%dma_start3A_114 : memref<128xi32, #tpu.memory_space<vmem>>) semaphore(%arg9 : memref<!tpu.dma_semaphore, #tpu.memory_space<semaphore_mem>>)
    %dma_start3A_118 = arith.constant 512 : i32
    %dma_start3A_119 = arith.constant 0 : i32
    %dma_start3A_120 = tpu.memref_slice %arg6[%dma_start3A_118, %dma_start3A_119] : memref<1024x32xf32, #tpu.memory_space<vmem>> -> memref<128x32xf32, #tpu.memory_space<vmem>>
    %dma_start3A_121 = arith.constant 512 : i32
    %dma_start3A_122 = tpu.memref_slice %arg5[%dma_start3A_121] : memref<25600xi32, #tpu.memory_space<vmem>> -> memref<128xi32, #tpu.memory_space<vmem>>
    %dma_start3A_123 = arith.constant 0 : i32
    %dma_start3A_124 = arith.constant 0 : i32
    %dma_start3A_125 = tpu.memref_slice %arg2[%dma_start3A_123, %dma_start3A_124] : memref<4000004x32xf32, #tpu.memory_space<hbm>> -> memref<4000004x32xf32, #tpu.memory_space<hbm>>
    tpu.enqueue_indirect_dma source(%dma_start3A_125 : memref<4000004x32xf32, #tpu.memory_space<hbm>>) target(%dma_start3A_120 : memref<128x32xf32, #tpu.memory_space<vmem>>) offsets(%dma_start3A_122 : memref<128xi32, #tpu.memory_space<vmem>>) semaphore(%arg9 : memref<!tpu.dma_semaphore, #tpu.memory_space<semaphore_mem>>)
    %dma_start3A_126 = arith.constant 640 : i32
    %dma_start3A_127 = arith.constant 0 : i32
    %dma_start3A_128 = tpu.memref_slice %arg6[%dma_start3A_126, %dma_start3A_127] : memref<1024x32xf32, #tpu.memory_space<vmem>> -> memref<128x32xf32, #tpu.memory_space<vmem>>
    %dma_start3A_129 = arith.constant 640 : i32
    %dma_start3A_130 = tpu.memref_slice %arg5[%dma_start3A_129] : memref<25600xi32, #tpu.memory_space<vmem>> -> memref<128xi32, #tpu.memory_space<vmem>>
    %dma_start3A_131 = arith.constant 0 : i32
    %dma_start3A_132 = arith.constant 0 : i32
    %dma_start3A_133 = tpu.memref_slice %arg2[%dma_start3A_131, %dma_start3A_132] : memref<4000004x32xf32, #tpu.memory_space<hbm>> -> memref<4000004x32xf32, #tpu.memory_space<hbm>>
    tpu.enqueue_indirect_dma source(%dma_start3A_133 : memref<4000004x32xf32, #tpu.memory_space<hbm>>) target(%dma_start3A_128 : memref<128x32xf32, #tpu.memory_space<vmem>>) offsets(%dma_start3A_130 : memref<128xi32, #tpu.memory_space<vmem>>) semaphore(%arg9 : memref<!tpu.dma_semaphore, #tpu.memory_space<semaphore_mem>>)
    %dma_start3A_134 = arith.constant 768 : i32
    %dma_start3A_135 = arith.constant 0 : i32
    %dma_start3A_136 = tpu.memref_slice %arg6[%dma_start3A_134, %dma_start3A_135] : memref<1024x32xf32, #tpu.memory_space<vmem>> -> memref<128x32xf32, #tpu.memory_space<vmem>>
    %dma_start3A_137 = arith.constant 768 : i32
    %dma_start3A_138 = tpu.memref_slice %arg5[%dma_start3A_137] : memref<25600xi32, #tpu.memory_space<vmem>> -> memref<128xi32, #tpu.memory_space<vmem>>
    %dma_start3A_139 = arith.constant 0 : i32
    %dma_start3A_140 = arith.constant 0 : i32
    %dma_start3A_141 = tpu.memref_slice %arg2[%dma_start3A_139, %dma_start3A_140] : memref<4000004x32xf32, #tpu.memory_space<hbm>> -> memref<4000004x32xf32, #tpu.memory_space<hbm>>
    tpu.enqueue_indirect_dma source(%dma_start3A_141 : memref<4000004x32xf32, #tpu.memory_space<hbm>>) target(%dma_start3A_136 : memref<128x32xf32, #tpu.memory_space<vmem>>) offsets(%dma_start3A_138 : memref<128xi32, #tpu.memory_space<vmem>>) semaphore(%arg9 : memref<!tpu.dma_semaphore, #tpu.memory_space<semaphore_mem>>)
    %dma_start3A_142 = arith.constant 896 : i32
    %dma_start3A_143 = arith.constant 0 : i32
    %dma_start3A_144 = tpu.memref_slice %arg6[%dma_start3A_142, %dma_start3A_143] : memref<1024x32xf32, #tpu.memory_space<vmem>> -> memref<128x32xf32, #tpu.memory_space<vmem>>
    %dma_start3A_145 = arith.constant 896 : i32
    %dma_start3A_146 = tpu.memref_slice %arg5[%dma_start3A_145] : memref<25600xi32, #tpu.memory_space<vmem>> -> memref<128xi32, #tpu.memory_space<vmem>>
    %dma_start3A_147 = arith.constant 0 : i32
    %dma_start3A_148 = arith.constant 0 : i32
    %dma_start3A_149 = tpu.memref_slice %arg2[%dma_start3A_147, %dma_start3A_148] : memref<4000004x32xf32, #tpu.memory_space<hbm>> -> memref<4000004x32xf32, #tpu.memory_space<hbm>>
    tpu.enqueue_indirect_dma source(%dma_start3A_149 : memref<4000004x32xf32, #tpu.memory_space<hbm>>) target(%dma_start3A_144 : memref<128x32xf32, #tpu.memory_space<vmem>>) offsets(%dma_start3A_146 : memref<128xi32, #tpu.memory_space<vmem>>) semaphore(%arg9 : memref<!tpu.dma_semaphore, #tpu.memory_space<semaphore_mem>>)
    %scan3A = arith.constant 0 : i32
    %scan3A_150 = arith.constant 12 : i32
    %scan3A_151 = arith.addi %scan3A, %scan3A_150 : i32
    %scan3A_152 = arith.constant 1 : i32
    scf.for %scan3A_530 = %scan3A to %scan3A_151 step %scan3A_152  : i32 {
      %mul3A_531 = arith.constant 1 : i32
      %mul3A_532 = arith.muli %scan3A_530, %mul3A_531 : i32
      %add3A_533 = arith.constant 0 : i32
      %add3A_534 = arith.addi %add3A_533, %mul3A_532 : i32
      %mul3A_535 = arith.constant 2 : i32
      %mul3A_536 = arith.muli %add3A_534, %mul3A_535 : i32
      %add3A_537 = arith.constant 1 : i32
      %add3A_538 = arith.addi %mul3A_536, %add3A_537 : i32
      %mul3A_539 = arith.constant 1024 : i32
      %mul3A_540 = arith.muli %add3A_538, %mul3A_539 : i32
      %add3A_541 = arith.constant 0 : i32
      %add3A_542 = arith.addi %mul3A_540, %add3A_541 : i32
      %dma_start3A_543 = arith.constant 0 : i32
      %dma_start3A_544 = arith.constant 0 : i32
      %dma_start3A_545 = tpu.memref_slice %arg7[%dma_start3A_543, %dma_start3A_544] : memref<1024x32xf32, #tpu.memory_space<vmem>> -> memref<128x32xf32, #tpu.memory_space<vmem>>
      %dma_start3A_546 = tpu.memref_slice %arg5[%add3A_542] : memref<25600xi32, #tpu.memory_space<vmem>> -> memref<128xi32, #tpu.memory_space<vmem>>
      %dma_start3A_547 = arith.constant 0 : i32
      %dma_start3A_548 = arith.constant 0 : i32
      %dma_start3A_549 = tpu.memref_slice %arg2[%dma_start3A_547, %dma_start3A_548] : memref<4000004x32xf32, #tpu.memory_space<hbm>> -> memref<4000004x32xf32, #tpu.memory_space<hbm>>
      tpu.enqueue_indirect_dma source(%dma_start3A_549 : memref<4000004x32xf32, #tpu.memory_space<hbm>>) target(%dma_start3A_545 : memref<128x32xf32, #tpu.memory_space<vmem>>) offsets(%dma_start3A_546 : memref<128xi32, #tpu.memory_space<vmem>>) semaphore(%arg10 : memref<!tpu.dma_semaphore, #tpu.memory_space<semaphore_mem>>)
      %mul3A_550 = arith.constant 1024 : i32
      %mul3A_551 = arith.muli %add3A_538, %mul3A_550 : i32
      %add3A_552 = arith.constant 128 : i32
      %add3A_553 = arith.addi %mul3A_551, %add3A_552 : i32
      %dma_start3A_554 = arith.constant 128 : i32
      %dma_start3A_555 = arith.constant 0 : i32
      %dma_start3A_556 = tpu.memref_slice %arg7[%dma_start3A_554, %dma_start3A_555] : memref<1024x32xf32, #tpu.memory_space<vmem>> -> memref<128x32xf32, #tpu.memory_space<vmem>>
      %dma_start3A_557 = tpu.memref_slice %arg5[%add3A_553] : memref<25600xi32, #tpu.memory_space<vmem>> -> memref<128xi32, #tpu.memory_space<vmem>>
      %dma_start3A_558 = arith.constant 0 : i32
      %dma_start3A_559 = arith.constant 0 : i32
      %dma_start3A_560 = tpu.memref_slice %arg2[%dma_start3A_558, %dma_start3A_559] : memref<4000004x32xf32, #tpu.memory_space<hbm>> -> memref<4000004x32xf32, #tpu.memory_space<hbm>>
      tpu.enqueue_indirect_dma source(%dma_start3A_560 : memref<4000004x32xf32, #tpu.memory_space<hbm>>) target(%dma_start3A_556 : memref<128x32xf32, #tpu.memory_space<vmem>>) offsets(%dma_start3A_557 : memref<128xi32, #tpu.memory_space<vmem>>) semaphore(%arg10 : memref<!tpu.dma_semaphore, #tpu.memory_space<semaphore_mem>>)
      %mul3A_561 = arith.constant 1024 : i32
      %mul3A_562 = arith.muli %add3A_538, %mul3A_561 : i32
      %add3A_563 = arith.constant 256 : i32
      %add3A_564 = arith.addi %mul3A_562, %add3A_563 : i32
      %dma_start3A_565 = arith.constant 256 : i32
      %dma_start3A_566 = arith.constant 0 : i32
      %dma_start3A_567 = tpu.memref_slice %arg7[%dma_start3A_565, %dma_start3A_566] : memref<1024x32xf32, #tpu.memory_space<vmem>> -> memref<128x32xf32, #tpu.memory_space<vmem>>
      %dma_start3A_568 = tpu.memref_slice %arg5[%add3A_564] : memref<25600xi32, #tpu.memory_space<vmem>> -> memref<128xi32, #tpu.memory_space<vmem>>
      %dma_start3A_569 = arith.constant 0 : i32
      %dma_start3A_570 = arith.constant 0 : i32
      %dma_start3A_571 = tpu.memref_slice %arg2[%dma_start3A_569, %dma_start3A_570] : memref<4000004x32xf32, #tpu.memory_space<hbm>> -> memref<4000004x32xf32, #tpu.memory_space<hbm>>
      tpu.enqueue_indirect_dma source(%dma_start3A_571 : memref<4000004x32xf32, #tpu.memory_space<hbm>>) target(%dma_start3A_567 : memref<128x32xf32, #tpu.memory_space<vmem>>) offsets(%dma_start3A_568 : memref<128xi32, #tpu.memory_space<vmem>>) semaphore(%arg10 : memref<!tpu.dma_semaphore, #tpu.memory_space<semaphore_mem>>)
      %mul3A_572 = arith.constant 1024 : i32
      %mul3A_573 = arith.muli %add3A_538, %mul3A_572 : i32
      %add3A_574 = arith.constant 384 : i32
      %add3A_575 = arith.addi %mul3A_573, %add3A_574 : i32
      %dma_start3A_576 = arith.constant 384 : i32
      %dma_start3A_577 = arith.constant 0 : i32
      %dma_start3A_578 = tpu.memref_slice %arg7[%dma_start3A_576, %dma_start3A_577] : memref<1024x32xf32, #tpu.memory_space<vmem>> -> memref<128x32xf32, #tpu.memory_space<vmem>>
      %dma_start3A_579 = tpu.memref_slice %arg5[%add3A_575] : memref<25600xi32, #tpu.memory_space<vmem>> -> memref<128xi32, #tpu.memory_space<vmem>>
      %dma_start3A_580 = arith.constant 0 : i32
      %dma_start3A_581 = arith.constant 0 : i32
      %dma_start3A_582 = tpu.memref_slice %arg2[%dma_start3A_580, %dma_start3A_581] : memref<4000004x32xf32, #tpu.memory_space<hbm>> -> memref<4000004x32xf32, #tpu.memory_space<hbm>>
      tpu.enqueue_indirect_dma source(%dma_start3A_582 : memref<4000004x32xf32, #tpu.memory_space<hbm>>) target(%dma_start3A_578 : memref<128x32xf32, #tpu.memory_space<vmem>>) offsets(%dma_start3A_579 : memref<128xi32, #tpu.memory_space<vmem>>) semaphore(%arg10 : memref<!tpu.dma_semaphore, #tpu.memory_space<semaphore_mem>>)
      %mul3A_583 = arith.constant 1024 : i32
      %mul3A_584 = arith.muli %add3A_538, %mul3A_583 : i32
      %add3A_585 = arith.constant 512 : i32
      %add3A_586 = arith.addi %mul3A_584, %add3A_585 : i32
      %dma_start3A_587 = arith.constant 512 : i32
      %dma_start3A_588 = arith.constant 0 : i32
      %dma_start3A_589 = tpu.memref_slice %arg7[%dma_start3A_587, %dma_start3A_588] : memref<1024x32xf32, #tpu.memory_space<vmem>> -> memref<128x32xf32, #tpu.memory_space<vmem>>
      %dma_start3A_590 = tpu.memref_slice %arg5[%add3A_586] : memref<25600xi32, #tpu.memory_space<vmem>> -> memref<128xi32, #tpu.memory_space<vmem>>
      %dma_start3A_591 = arith.constant 0 : i32
      %dma_start3A_592 = arith.constant 0 : i32
      %dma_start3A_593 = tpu.memref_slice %arg2[%dma_start3A_591, %dma_start3A_592] : memref<4000004x32xf32, #tpu.memory_space<hbm>> -> memref<4000004x32xf32, #tpu.memory_space<hbm>>
      tpu.enqueue_indirect_dma source(%dma_start3A_593 : memref<4000004x32xf32, #tpu.memory_space<hbm>>) target(%dma_start3A_589 : memref<128x32xf32, #tpu.memory_space<vmem>>) offsets(%dma_start3A_590 : memref<128xi32, #tpu.memory_space<vmem>>) semaphore(%arg10 : memref<!tpu.dma_semaphore, #tpu.memory_space<semaphore_mem>>)
      %mul3A_594 = arith.constant 1024 : i32
      %mul3A_595 = arith.muli %add3A_538, %mul3A_594 : i32
      %add3A_596 = arith.constant 640 : i32
      %add3A_597 = arith.addi %mul3A_595, %add3A_596 : i32
      %dma_start3A_598 = arith.constant 640 : i32
      %dma_start3A_599 = arith.constant 0 : i32
      %dma_start3A_600 = tpu.memref_slice %arg7[%dma_start3A_598, %dma_start3A_599] : memref<1024x32xf32, #tpu.memory_space<vmem>> -> memref<128x32xf32, #tpu.memory_space<vmem>>
      %dma_start3A_601 = tpu.memref_slice %arg5[%add3A_597] : memref<25600xi32, #tpu.memory_space<vmem>> -> memref<128xi32, #tpu.memory_space<vmem>>
      %dma_start3A_602 = arith.constant 0 : i32
      %dma_start3A_603 = arith.constant 0 : i32
      %dma_start3A_604 = tpu.memref_slice %arg2[%dma_start3A_602, %dma_start3A_603] : memref<4000004x32xf32, #tpu.memory_space<hbm>> -> memref<4000004x32xf32, #tpu.memory_space<hbm>>
      tpu.enqueue_indirect_dma source(%dma_start3A_604 : memref<4000004x32xf32, #tpu.memory_space<hbm>>) target(%dma_start3A_600 : memref<128x32xf32, #tpu.memory_space<vmem>>) offsets(%dma_start3A_601 : memref<128xi32, #tpu.memory_space<vmem>>) semaphore(%arg10 : memref<!tpu.dma_semaphore, #tpu.memory_space<semaphore_mem>>)
      %mul3A_605 = arith.constant 1024 : i32
      %mul3A_606 = arith.muli %add3A_538, %mul3A_605 : i32
      %add3A_607 = arith.constant 768 : i32
      %add3A_608 = arith.addi %mul3A_606, %add3A_607 : i32
      %dma_start3A_609 = arith.constant 768 : i32
      %dma_start3A_610 = arith.constant 0 : i32
      %dma_start3A_611 = tpu.memref_slice %arg7[%dma_start3A_609, %dma_start3A_610] : memref<1024x32xf32, #tpu.memory_space<vmem>> -> memref<128x32xf32, #tpu.memory_space<vmem>>
      %dma_start3A_612 = tpu.memref_slice %arg5[%add3A_608] : memref<25600xi32, #tpu.memory_space<vmem>> -> memref<128xi32, #tpu.memory_space<vmem>>
      %dma_start3A_613 = arith.constant 0 : i32
      %dma_start3A_614 = arith.constant 0 : i32
      %dma_start3A_615 = tpu.memref_slice %arg2[%dma_start3A_613, %dma_start3A_614] : memref<4000004x32xf32, #tpu.memory_space<hbm>> -> memref<4000004x32xf32, #tpu.memory_space<hbm>>
      tpu.enqueue_indirect_dma source(%dma_start3A_615 : memref<4000004x32xf32, #tpu.memory_space<hbm>>) target(%dma_start3A_611 : memref<128x32xf32, #tpu.memory_space<vmem>>) offsets(%dma_start3A_612 : memref<128xi32, #tpu.memory_space<vmem>>) semaphore(%arg10 : memref<!tpu.dma_semaphore, #tpu.memory_space<semaphore_mem>>)
      %mul3A_616 = arith.constant 1024 : i32
      %mul3A_617 = arith.muli %add3A_538, %mul3A_616 : i32
      %add3A_618 = arith.constant 896 : i32
      %add3A_619 = arith.addi %mul3A_617, %add3A_618 : i32
      %dma_start3A_620 = arith.constant 896 : i32
      %dma_start3A_621 = arith.constant 0 : i32
      %dma_start3A_622 = tpu.memref_slice %arg7[%dma_start3A_620, %dma_start3A_621] : memref<1024x32xf32, #tpu.memory_space<vmem>> -> memref<128x32xf32, #tpu.memory_space<vmem>>
      %dma_start3A_623 = tpu.memref_slice %arg5[%add3A_619] : memref<25600xi32, #tpu.memory_space<vmem>> -> memref<128xi32, #tpu.memory_space<vmem>>
      %dma_start3A_624 = arith.constant 0 : i32
      %dma_start3A_625 = arith.constant 0 : i32
      %dma_start3A_626 = tpu.memref_slice %arg2[%dma_start3A_624, %dma_start3A_625] : memref<4000004x32xf32, #tpu.memory_space<hbm>> -> memref<4000004x32xf32, #tpu.memory_space<hbm>>
      tpu.enqueue_indirect_dma source(%dma_start3A_626 : memref<4000004x32xf32, #tpu.memory_space<hbm>>) target(%dma_start3A_622 : memref<128x32xf32, #tpu.memory_space<vmem>>) offsets(%dma_start3A_623 : memref<128xi32, #tpu.memory_space<vmem>>) semaphore(%arg10 : memref<!tpu.dma_semaphore, #tpu.memory_space<semaphore_mem>>)
      %dma_wait3A_627 = arith.constant 0 : i32
      %dma_wait3A_628 = arith.constant 0 : i32
      %dma_wait3A_629 = tpu.memref_slice %arg6[%dma_wait3A_627, %dma_wait3A_628] : memref<1024x32xf32, #tpu.memory_space<vmem>> -> memref<128x32xf32, #tpu.memory_space<vmem>>
      %dma_wait3A_630 = arith.constant 0 : i32
      %dma_wait3A_631 = tpu.memref_slice %arg5[%dma_wait3A_630] : memref<25600xi32, #tpu.memory_space<vmem>> -> memref<128xi32, #tpu.memory_space<vmem>>
      %dma_wait3A_632 = arith.constant 0 : i32
      %dma_wait3A_633 = arith.constant 0 : i32
      %dma_wait3A_634 = tpu.memref_slice %arg2[%dma_wait3A_632, %dma_wait3A_633] : memref<4000004x32xf32, #tpu.memory_space<hbm>> -> memref<4000004x32xf32, #tpu.memory_space<hbm>>
      tpu.wait_indirect_dma semaphore(%arg9 : memref<!tpu.dma_semaphore, #tpu.memory_space<semaphore_mem>>) src(%dma_wait3A_634 : memref<4000004x32xf32, #tpu.memory_space<hbm>>) dst(%dma_wait3A_629 : memref<128x32xf32, #tpu.memory_space<vmem>>)
      %dma_wait3A_635 = arith.constant 128 : i32
      %dma_wait3A_636 = arith.constant 0 : i32
      %dma_wait3A_637 = tpu.memref_slice %arg6[%dma_wait3A_635, %dma_wait3A_636] : memref<1024x32xf32, #tpu.memory_space<vmem>> -> memref<128x32xf32, #tpu.memory_space<vmem>>
      %dma_wait3A_638 = arith.constant 128 : i32
      %dma_wait3A_639 = tpu.memref_slice %arg5[%dma_wait3A_638] : memref<25600xi32, #tpu.memory_space<vmem>> -> memref<128xi32, #tpu.memory_space<vmem>>
      %dma_wait3A_640 = arith.constant 0 : i32
      %dma_wait3A_641 = arith.constant 0 : i32
      %dma_wait3A_642 = tpu.memref_slice %arg2[%dma_wait3A_640, %dma_wait3A_641] : memref<4000004x32xf32, #tpu.memory_space<hbm>> -> memref<4000004x32xf32, #tpu.memory_space<hbm>>
      tpu.wait_indirect_dma semaphore(%arg9 : memref<!tpu.dma_semaphore, #tpu.memory_space<semaphore_mem>>) src(%dma_wait3A_642 : memref<4000004x32xf32, #tpu.memory_space<hbm>>) dst(%dma_wait3A_637 : memref<128x32xf32, #tpu.memory_space<vmem>>)
      %dma_wait3A_643 = arith.constant 256 : i32
      %dma_wait3A_644 = arith.constant 0 : i32
      %dma_wait3A_645 = tpu.memref_slice %arg6[%dma_wait3A_643, %dma_wait3A_644] : memref<1024x32xf32, #tpu.memory_space<vmem>> -> memref<128x32xf32, #tpu.memory_space<vmem>>
      %dma_wait3A_646 = arith.constant 256 : i32
      %dma_wait3A_647 = tpu.memref_slice %arg5[%dma_wait3A_646] : memref<25600xi32, #tpu.memory_space<vmem>> -> memref<128xi32, #tpu.memory_space<vmem>>
      %dma_wait3A_648 = arith.constant 0 : i32
      %dma_wait3A_649 = arith.constant 0 : i32
      %dma_wait3A_650 = tpu.memref_slice %arg2[%dma_wait3A_648, %dma_wait3A_649] : memref<4000004x32xf32, #tpu.memory_space<hbm>> -> memref<4000004x32xf32, #tpu.memory_space<hbm>>
      tpu.wait_indirect_dma semaphore(%arg9 : memref<!tpu.dma_semaphore, #tpu.memory_space<semaphore_mem>>) src(%dma_wait3A_650 : memref<4000004x32xf32, #tpu.memory_space<hbm>>) dst(%dma_wait3A_645 : memref<128x32xf32, #tpu.memory_space<vmem>>)
      %dma_wait3A_651 = arith.constant 384 : i32
      %dma_wait3A_652 = arith.constant 0 : i32
      %dma_wait3A_653 = tpu.memref_slice %arg6[%dma_wait3A_651, %dma_wait3A_652] : memref<1024x32xf32, #tpu.memory_space<vmem>> -> memref<128x32xf32, #tpu.memory_space<vmem>>
      %dma_wait3A_654 = arith.constant 384 : i32
      %dma_wait3A_655 = tpu.memref_slice %arg5[%dma_wait3A_654] : memref<25600xi32, #tpu.memory_space<vmem>> -> memref<128xi32, #tpu.memory_space<vmem>>
      %dma_wait3A_656 = arith.constant 0 : i32
      %dma_wait3A_657 = arith.constant 0 : i32
      %dma_wait3A_658 = tpu.memref_slice %arg2[%dma_wait3A_656, %dma_wait3A_657] : memref<4000004x32xf32, #tpu.memory_space<hbm>> -> memref<4000004x32xf32, #tpu.memory_space<hbm>>
      tpu.wait_indirect_dma semaphore(%arg9 : memref<!tpu.dma_semaphore, #tpu.memory_space<semaphore_mem>>) src(%dma_wait3A_658 : memref<4000004x32xf32, #tpu.memory_space<hbm>>) dst(%dma_wait3A_653 : memref<128x32xf32, #tpu.memory_space<vmem>>)
      %dma_wait3A_659 = arith.constant 512 : i32
      %dma_wait3A_660 = arith.constant 0 : i32
      %dma_wait3A_661 = tpu.memref_slice %arg6[%dma_wait3A_659, %dma_wait3A_660] : memref<1024x32xf32, #tpu.memory_space<vmem>> -> memref<128x32xf32, #tpu.memory_space<vmem>>
      %dma_wait3A_662 = arith.constant 512 : i32
      %dma_wait3A_663 = tpu.memref_slice %arg5[%dma_wait3A_662] : memref<25600xi32, #tpu.memory_space<vmem>> -> memref<128xi32, #tpu.memory_space<vmem>>
      %dma_wait3A_664 = arith.constant 0 : i32
      %dma_wait3A_665 = arith.constant 0 : i32
      %dma_wait3A_666 = tpu.memref_slice %arg2[%dma_wait3A_664, %dma_wait3A_665] : memref<4000004x32xf32, #tpu.memory_space<hbm>> -> memref<4000004x32xf32, #tpu.memory_space<hbm>>
      tpu.wait_indirect_dma semaphore(%arg9 : memref<!tpu.dma_semaphore, #tpu.memory_space<semaphore_mem>>) src(%dma_wait3A_666 : memref<4000004x32xf32, #tpu.memory_space<hbm>>) dst(%dma_wait3A_661 : memref<128x32xf32, #tpu.memory_space<vmem>>)
      %dma_wait3A_667 = arith.constant 640 : i32
      %dma_wait3A_668 = arith.constant 0 : i32
      %dma_wait3A_669 = tpu.memref_slice %arg6[%dma_wait3A_667, %dma_wait3A_668] : memref<1024x32xf32, #tpu.memory_space<vmem>> -> memref<128x32xf32, #tpu.memory_space<vmem>>
      %dma_wait3A_670 = arith.constant 640 : i32
      %dma_wait3A_671 = tpu.memref_slice %arg5[%dma_wait3A_670] : memref<25600xi32, #tpu.memory_space<vmem>> -> memref<128xi32, #tpu.memory_space<vmem>>
      %dma_wait3A_672 = arith.constant 0 : i32
      %dma_wait3A_673 = arith.constant 0 : i32
      %dma_wait3A_674 = tpu.memref_slice %arg2[%dma_wait3A_672, %dma_wait3A_673] : memref<4000004x32xf32, #tpu.memory_space<hbm>> -> memref<4000004x32xf32, #tpu.memory_space<hbm>>
      tpu.wait_indirect_dma semaphore(%arg9 : memref<!tpu.dma_semaphore, #tpu.memory_space<semaphore_mem>>) src(%dma_wait3A_674 : memref<4000004x32xf32, #tpu.memory_space<hbm>>) dst(%dma_wait3A_669 : memref<128x32xf32, #tpu.memory_space<vmem>>)
      %dma_wait3A_675 = arith.constant 768 : i32
      %dma_wait3A_676 = arith.constant 0 : i32
      %dma_wait3A_677 = tpu.memref_slice %arg6[%dma_wait3A_675, %dma_wait3A_676] : memref<1024x32xf32, #tpu.memory_space<vmem>> -> memref<128x32xf32, #tpu.memory_space<vmem>>
      %dma_wait3A_678 = arith.constant 768 : i32
      %dma_wait3A_679 = tpu.memref_slice %arg5[%dma_wait3A_678] : memref<25600xi32, #tpu.memory_space<vmem>> -> memref<128xi32, #tpu.memory_space<vmem>>
      %dma_wait3A_680 = arith.constant 0 : i32
      %dma_wait3A_681 = arith.constant 0 : i32
      %dma_wait3A_682 = tpu.memref_slice %arg2[%dma_wait3A_680, %dma_wait3A_681] : memref<4000004x32xf32, #tpu.memory_space<hbm>> -> memref<4000004x32xf32, #tpu.memory_space<hbm>>
      tpu.wait_indirect_dma semaphore(%arg9 : memref<!tpu.dma_semaphore, #tpu.memory_space<semaphore_mem>>) src(%dma_wait3A_682 : memref<4000004x32xf32, #tpu.memory_space<hbm>>) dst(%dma_wait3A_677 : memref<128x32xf32, #tpu.memory_space<vmem>>)
      %dma_wait3A_683 = arith.constant 896 : i32
      %dma_wait3A_684 = arith.constant 0 : i32
      %dma_wait3A_685 = tpu.memref_slice %arg6[%dma_wait3A_683, %dma_wait3A_684] : memref<1024x32xf32, #tpu.memory_space<vmem>> -> memref<128x32xf32, #tpu.memory_space<vmem>>
      %dma_wait3A_686 = arith.constant 896 : i32
      %dma_wait3A_687 = tpu.memref_slice %arg5[%dma_wait3A_686] : memref<25600xi32, #tpu.memory_space<vmem>> -> memref<128xi32, #tpu.memory_space<vmem>>
      %dma_wait3A_688 = arith.constant 0 : i32
      %dma_wait3A_689 = arith.constant 0 : i32
      %dma_wait3A_690 = tpu.memref_slice %arg2[%dma_wait3A_688, %dma_wait3A_689] : memref<4000004x32xf32, #tpu.memory_space<hbm>> -> memref<4000004x32xf32, #tpu.memory_space<hbm>>
      tpu.wait_indirect_dma semaphore(%arg9 : memref<!tpu.dma_semaphore, #tpu.memory_space<semaphore_mem>>) src(%dma_wait3A_690 : memref<4000004x32xf32, #tpu.memory_space<hbm>>) dst(%dma_wait3A_685 : memref<128x32xf32, #tpu.memory_space<vmem>>)
      %add3A_691 = arith.constant 0 : i32
      %add3A_692 = arith.addi %mul3A_2, %add3A_691 : i32
      %jit3A_693 = arith.constant 4096 : i32
      %div3A_694 = arith.divsi %add3A_692, %jit3A_693 : i32
      %sign3A_695 = arith.constant 0 : i32
      %sign3A_696 = arith.cmpi sgt, %add3A_692, %sign3A_695 : i32
      %sign3A_697 = arith.extui %sign3A_696 : i1 to i32
      %sign3A_698 = arith.constant 0 : i32
      %sign3A_699 = arith.cmpi slt, %add3A_692, %sign3A_698 : i32
      %sign3A_700 = arith.extui %sign3A_699 : i1 to i32
      %sign3A_701 = arith.subi %sign3A_697, %sign3A_700 : i32
      %sign3A_702 = arith.constant 0 : i32
      %sign3A_703 = arith.cmpi sgt, %jit3A_693, %sign3A_702 : i32
      %sign3A_704 = arith.extui %sign3A_703 : i1 to i32
      %sign3A_705 = arith.constant 0 : i32
      %sign3A_706 = arith.cmpi slt, %jit3A_693, %sign3A_705 : i32
      %sign3A_707 = arith.extui %sign3A_706 : i1 to i32
      %sign3A_708 = arith.subi %sign3A_704, %sign3A_707 : i32
      %ne3A_709 = arith.cmpi ne, %sign3A_701, %sign3A_708 : i32
      %rem3A_710 = arith.remsi %add3A_692, %jit3A_693 : i32
      %ne3A_711 = arith.constant 0 : i32
      %ne3A_712 = arith.cmpi ne, %rem3A_710, %ne3A_711 : i32
      %and3A_713 = arith.andi %ne3A_709, %ne3A_712 : i1
      %sub3A_714 = arith.constant 1 : i32
      %sub3A_715 = arith.subi %div3A_694, %sub3A_714 : i32
      %select_n3A_716 = arith.select %and3A_713, %sub3A_715, %div3A_694 : i32
      %jit3A_717 = arith.constant 4096 : i32
      %eq3A_718 = arith.constant 0 : i32
      %eq3A_719 = arith.cmpi eq, %jit3A_717, %eq3A_718 : i32
      %jit3A_720 = arith.constant 1 : i32
      %select_n3A_721 = arith.select %eq3A_719, %jit3A_720, %jit3A_717 : i32
      %rem3A_722 = arith.remsi %add3A_692, %select_n3A_721 : i32
      %ne3A_723 = arith.constant 0 : i32
      %ne3A_724 = arith.cmpi ne, %rem3A_722, %ne3A_723 : i32
      %lt3A_725 = arith.constant 0 : i32
      %lt3A_726 = arith.cmpi slt, %rem3A_722, %lt3A_725 : i32
      %lt3A_727 = arith.constant 0 : i32
      %lt3A_728 = arith.cmpi slt, %select_n3A_721, %lt3A_727 : i32
      %ne3A_729 = arith.xori %lt3A_726, %lt3A_728 : i1
      %and3A_730 = arith.andi %ne3A_729, %ne3A_724 : i1
      %add3A_731 = arith.addi %rem3A_722, %select_n3A_721 : i32
      %select_n3A_732 = arith.select %and3A_730, %add3A_731, %rem3A_722 : i32
      %jit3A_733 = arith.constant 128 : i32
      %div3A_734 = arith.divsi %select_n3A_732, %jit3A_733 : i32
      %sign3A_735 = arith.constant 0 : i32
      %sign3A_736 = arith.cmpi sgt, %select_n3A_732, %sign3A_735 : i32
      %sign3A_737 = arith.extui %sign3A_736 : i1 to i32
      %sign3A_738 = arith.constant 0 : i32
      %sign3A_739 = arith.cmpi slt, %select_n3A_732, %sign3A_738 : i32
      %sign3A_740 = arith.extui %sign3A_739 : i1 to i32
      %sign3A_741 = arith.subi %sign3A_737, %sign3A_740 : i32
      %sign3A_742 = arith.constant 0 : i32
      %sign3A_743 = arith.cmpi sgt, %jit3A_733, %sign3A_742 : i32
      %sign3A_744 = arith.extui %sign3A_743 : i1 to i32
      %sign3A_745 = arith.constant 0 : i32
      %sign3A_746 = arith.cmpi slt, %jit3A_733, %sign3A_745 : i32
      %sign3A_747 = arith.extui %sign3A_746 : i1 to i32
      %sign3A_748 = arith.subi %sign3A_744, %sign3A_747 : i32
      %ne3A_749 = arith.cmpi ne, %sign3A_741, %sign3A_748 : i32
      %rem3A_750 = arith.remsi %select_n3A_732, %jit3A_733 : i32
      %ne3A_751 = arith.constant 0 : i32
      %ne3A_752 = arith.cmpi ne, %rem3A_750, %ne3A_751 : i32
      %and3A_753 = arith.andi %ne3A_749, %ne3A_752 : i1
      %sub3A_754 = arith.constant 1 : i32
      %sub3A_755 = arith.subi %div3A_734, %sub3A_754 : i32
      %select_n3A_756 = arith.select %and3A_753, %sub3A_755, %div3A_734 : i32
      %dma_wait3A_757 = arith.constant 0 : i32
      %dma_wait3A_758 = arith.constant 0 : i32
      %dma_wait3A_759 = arith.constant 0 : i32
      %dma_wait3A_760 = arith.constant 0 : i32
      %dma_wait3A_761 = tpu.memref_slice %arg8[%dma_wait3A_757, %dma_wait3A_758, %dma_wait3A_759, %dma_wait3A_760] : memref<4x8x8x129xf32, #tpu.memory_space<vmem>> -> memref<4x8x8x128xf32, #tpu.memory_space<vmem>>
      %dma_wait3A_762 = arith.constant 0 : i32
      %dma_wait3A_763 = arith.constant 0 : i32
      %dma_wait3A_764 = arith.constant 0 : i32
      %dma_wait3A_765 = tpu.memref_slice %arg4[%select_n3A_716, %dma_wait3A_762, %select_n3A_756, %dma_wait3A_763, %dma_wait3A_764] : memref<200x4x32x8x128xf32, #tpu.memory_space<hbm>> -> memref<1x4x8x8x128xf32, #tpu.memory_space<hbm>>
      %dma_wait3A_766 = tpu.memref_squeeze %dma_wait3A_765 : memref<1x4x8x8x128xf32, #tpu.memory_space<hbm>> -> memref<4x8x8x128xf32, #tpu.memory_space<hbm>>
      %dma_wait3A_767 = arith.constant 0 : i32
      %dma_wait3A_768 = arith.constant 0 : i32
      %dma_wait3A_769 = arith.constant 0 : i32
      %dma_wait3A_770 = tpu.memref_slice %arg4[%select_n3A_716, %dma_wait3A_767, %select_n3A_756, %dma_wait3A_768, %dma_wait3A_769] : memref<200x4x32x8x128xf32, #tpu.memory_space<hbm>> -> memref<1x4x8x8x128xf32, #tpu.memory_space<hbm>>
      %dma_wait3A_771 = tpu.memref_squeeze %dma_wait3A_770 : memref<1x4x8x8x128xf32, #tpu.memory_space<hbm>> -> memref<4x8x8x128xf32, #tpu.memory_space<hbm>>
      %dma_wait3A_772 = arith.constant 0 : i32
      %dma_wait3A_773 = arith.constant 0 : i32
      %dma_wait3A_774 = arith.constant 0 : i32
      %dma_wait3A_775 = arith.constant 0 : i32
      %dma_wait3A_776 = tpu.memref_slice %arg8[%dma_wait3A_772, %dma_wait3A_773, %dma_wait3A_774, %dma_wait3A_775] : memref<4x8x8x129xf32, #tpu.memory_space<vmem>> -> memref<4x8x8x128xf32, #tpu.memory_space<vmem>>
      tpu.wait_dma2 semaphore(%arg11 : memref<!tpu.dma_semaphore, #tpu.memory_space<semaphore_mem>>) src(%dma_wait3A_776 : memref<4x8x8x128xf32, #tpu.memory_space<vmem>>) dst(%dma_wait3A_771 : memref<4x8x8x128xf32, #tpu.memory_space<hbm>>)
      %broadcast_in_dim3A_777 = arith.constant 0 : i32
      %broadcast_in_dim3A_778 = vector.broadcast %broadcast_in_dim3A_777 : i32 to vector<16xi32>
      %scan3A_779 = arith.constant 0 : i32
      %scan3A_780 = arith.constant 128 : i32
      %scan3A_781 = arith.addi %scan3A_779, %scan3A_780 : i32
      %scan3A_782 = arith.constant 4 : i32
      scf.for %scan3A_1305 = %scan3A_779 to %scan3A_781 step %scan3A_782  : i32 {
        %mul3A_1306 = arith.constant 1 : i32
        %mul3A_1307 = arith.muli %scan3A_1305, %mul3A_1306 : i32
        %add3A_1308 = arith.constant 0 : i32
        %add3A_1309 = arith.addi %add3A_1308, %mul3A_1307 : i32
        %broadcast_in_dim3A_1310 = vector.broadcast %add3A_1309 : i32 to vector<16xi32>
        %add3A_1311 = arith.constant 0 : i32
        %add3A_1312 = arith.addi %add3A_1311, %add3A_1309 : i32
        %get3A = arith.index_cast %add3A_1312 : i32 to index
        %get3A_1313 = arith.constant 0 : index
        %get3A_1314 = tpu.vector_load %arg6[%get3A, %get3A_1313] {strides = array<i32>} : memref<1024x32xf32, #tpu.memory_space<vmem>>, vector<16xf32>,
        %get3A_1315 = arith.index_cast %add3A_1312 : i32 to index
        %get3A_1316 = arith.constant 16 : index
        %get3A_1317 = tpu.vector_load %arg6[%get3A_1315, %get3A_1316] {strides = array<i32>} : memref<1024x32xf32, #tpu.memory_space<vmem>>, vector<16xf32>,
        tpu.vector_store_idx %arg8[%shift_right_logical3A_4, %broadcast_in_dim3A_778, %and3A_9, %broadcast_in_dim3A_1310], %get3A_1314 : memref<4x8x8x129xf32, #tpu.memory_space<vmem>>[vector<16xi32>, vector<16xi32>, vector<16xi32>, vector<16xi32>], vector<16xf32>,
        tpu.vector_store_idx %arg8[%add3A_7, %broadcast_in_dim3A_778, %and3A_9, %broadcast_in_dim3A_1310], %get3A_1317 : memref<4x8x8x129xf32, #tpu.memory_space<vmem>>[vector<16xi32>, vector<16xi32>, vector<16xi32>, vector<16xi32>], vector<16xf32>,
        %scan3A_1318 = arith.constant 1 : i32
        %scan3A_1319 = arith.addi %scan3A_1305, %scan3A_1318 : i32
        %mul3A_1320 = arith.constant 1 : i32
        %mul3A_1321 = arith.muli %scan3A_1319, %mul3A_1320 : i32
        %add3A_1322 = arith.constant 0 : i32
        %add3A_1323 = arith.addi %add3A_1322, %mul3A_1321 : i32
        %broadcast_in_dim3A_1324 = vector.broadcast %add3A_1323 : i32 to vector<16xi32>
        %add3A_1325 = arith.constant 0 : i32
        %add3A_1326 = arith.addi %add3A_1325, %add3A_1323 : i32
        %get3A_1327 = arith.index_cast %add3A_1326 : i32 to index
        %get3A_1328 = arith.constant 0 : index
        %get3A_1329 = tpu.vector_load %arg6[%get3A_1327, %get3A_1328] {strides = array<i32>} : memref<1024x32xf32, #tpu.memory_space<vmem>>, vector<16xf32>,
        %get3A_1330 = arith.index_cast %add3A_1326 : i32 to index
        %get3A_1331 = arith.constant 16 : index
        %get3A_1332 = tpu.vector_load %arg6[%get3A_1330, %get3A_1331] {strides = array<i32>} : memref<1024x32xf32, #tpu.memory_space<vmem>>, vector<16xf32>,
        tpu.vector_store_idx %arg8[%shift_right_logical3A_4, %broadcast_in_dim3A_778, %and3A_9, %broadcast_in_dim3A_1324], %get3A_1329 : memref<4x8x8x129xf32, #tpu.memory_space<vmem>>[vector<16xi32>, vector<16xi32>, vector<16xi32>, vector<16xi32>], vector<16xf32>,
        tpu.vector_store_idx %arg8[%add3A_7, %broadcast_in_dim3A_778, %and3A_9, %broadcast_in_dim3A_1324], %get3A_1332 : memref<4x8x8x129xf32, #tpu.memory_space<vmem>>[vector<16xi32>, vector<16xi32>, vector<16xi32>, vector<16xi32>], vector<16xf32>,
        %scan3A_1333 = arith.constant 2 : i32
        %scan3A_1334 = arith.addi %scan3A_1305, %scan3A_1333 : i32
        %mul3A_1335 = arith.constant 1 : i32
        %mul3A_1336 = arith.muli %scan3A_1334, %mul3A_1335 : i32
        %add3A_1337 = arith.constant 0 : i32
        %add3A_1338 = arith.addi %add3A_1337, %mul3A_1336 : i32
        %broadcast_in_dim3A_1339 = vector.broadcast %add3A_1338 : i32 to vector<16xi32>
        %add3A_1340 = arith.constant 0 : i32
        %add3A_1341 = arith.addi %add3A_1340, %add3A_1338 : i32
        %get3A_1342 = arith.index_cast %add3A_1341 : i32 to index
        %get3A_1343 = arith.constant 0 : index
        %get3A_1344 = tpu.vector_load %arg6[%get3A_1342, %get3A_1343] {strides = array<i32>} : memref<1024x32xf32, #tpu.memory_space<vmem>>, vector<16xf32>,
        %get3A_1345 = arith.index_cast %add3A_1341 : i32 to index
        %get3A_1346 = arith.constant 16 : index
        %get3A_1347 = tpu.vector_load %arg6[%get3A_1345, %get3A_1346] {strides = array<i32>} : memref<1024x32xf32, #tpu.memory_space<vmem>>, vector<16xf32>,
        tpu.vector_store_idx %arg8[%shift_right_logical3A_4, %broadcast_in_dim3A_778, %and3A_9, %broadcast_in_dim3A_1339], %get3A_1344 : memref<4x8x8x129xf32, #tpu.memory_space<vmem>>[vector<16xi32>, vector<16xi32>, vector<16xi32>, vector<16xi32>], vector<16xf32>,
        tpu.vector_store_idx %arg8[%add3A_7, %broadcast_in_dim3A_778, %and3A_9, %broadcast_in_dim3A_1339], %get3A_1347 : memref<4x8x8x129xf32, #tpu.memory_space<vmem>>[vector<16xi32>, vector<16xi32>, vector<16xi32>, vector<16xi32>], vector<16xf32>,
        %scan3A_1348 = arith.constant 3 : i32
        %scan3A_1349 = arith.addi %scan3A_1305, %scan3A_1348 : i32
        %mul3A_1350 = arith.constant 1 : i32
        %mul3A_1351 = arith.muli %scan3A_1349, %mul3A_1350 : i32
        %add3A_1352 = arith.constant 0 : i32
        %add3A_1353 = arith.addi %add3A_1352, %mul3A_1351 : i32
        %broadcast_in_dim3A_1354 = vector.broadcast %add3A_1353 : i32 to vector<16xi32>
        %add3A_1355 = arith.constant 0 : i32
        %add3A_1356 = arith.addi %add3A_1355, %add3A_1353 : i32
        %get3A_1357 = arith.index_cast %add3A_1356 : i32 to index
        %get3A_1358 = arith.constant 0 : index
        %get3A_1359 = tpu.vector_load %arg6[%get3A_1357, %get3A_1358] {strides = array<i32>} : memref<1024x32xf32, #tpu.memory_space<vmem>>, vector<16xf32>,
        %get3A_1360 = arith.index_cast %add3A_1356 : i32 to index
        %get3A_1361 = arith.constant 16 : index
        %get3A_1362 = tpu.vector_load %arg6[%get3A_1360, %get3A_1361] {strides = array<i32>} : memref<1024x32xf32, #tpu.memory_space<vmem>>, vector<16xf32>,
        tpu.vector_store_idx %arg8[%shift_right_logical3A_4, %broadcast_in_dim3A_778, %and3A_9, %broadcast_in_dim3A_1354], %get3A_1359 : memref<4x8x8x129xf32, #tpu.memory_space<vmem>>[vector<16xi32>, vector<16xi32>, vector<16xi32>, vector<16xi32>], vector<16xf32>,
        tpu.vector_store_idx %arg8[%add3A_7, %broadcast_in_dim3A_778, %and3A_9, %broadcast_in_dim3A_1354], %get3A_1362 : memref<4x8x8x129xf32, #tpu.memory_space<vmem>>[vector<16xi32>, vector<16xi32>, vector<16xi32>, vector<16xi32>], vector<16xf32>,
      }
      %scan3A_783 = arith.constant 128 : i32
      %broadcast_in_dim3A_784 = arith.constant 1 : i32
      %broadcast_in_dim3A_785 = vector.broadcast %broadcast_in_dim3A_784 : i32 to vector<16xi32>
      %scan3A_786 = arith.constant 0 : i32
      %scan3A_787 = arith.constant 128 : i32
      %scan3A_788 = arith.addi %scan3A_786, %scan3A_787 : i32
      %scan3A_789 = arith.constant 4 : i32
      scf.for %scan3A_1305 = %scan3A_786 to %scan3A_788 step %scan3A_789  : i32 {
        %mul3A_1306 = arith.constant 1 : i32
        %mul3A_1307 = arith.muli %scan3A_1305, %mul3A_1306 : i32
        %add3A_1308 = arith.constant 0 : i32
        %add3A_1309 = arith.addi %add3A_1308, %mul3A_1307 : i32
        %broadcast_in_dim3A_1310 = vector.broadcast %add3A_1309 : i32 to vector<16xi32>
        %add3A_1311 = arith.constant 128 : i32
        %add3A_1312 = arith.addi %add3A_1311, %add3A_1309 : i32
        %get3A = arith.index_cast %add3A_1312 : i32 to index
        %get3A_1313 = arith.constant 0 : index
        %get3A_1314 = tpu.vector_load %arg6[%get3A, %get3A_1313] {strides = array<i32>} : memref<1024x32xf32, #tpu.memory_space<vmem>>, vector<16xf32>,
        %get3A_1315 = arith.index_cast %add3A_1312 : i32 to index
        %get3A_1316 = arith.constant 16 : index
        %get3A_1317 = tpu.vector_load %arg6[%get3A_1315, %get3A_1316] {strides = array<i32>} : memref<1024x32xf32, #tpu.memory_space<vmem>>, vector<16xf32>,
        tpu.vector_store_idx %arg8[%shift_right_logical3A_4, %broadcast_in_dim3A_785, %and3A_9, %broadcast_in_dim3A_1310], %get3A_1314 : memref<4x8x8x129xf32, #tpu.memory_space<vmem>>[vector<16xi32>, vector<16xi32>, vector<16xi32>, vector<16xi32>], vector<16xf32>,
        tpu.vector_store_idx %arg8[%add3A_7, %broadcast_in_dim3A_785, %and3A_9, %broadcast_in_dim3A_1310], %get3A_1317 : memref<4x8x8x129xf32, #tpu.memory_space<vmem>>[vector<16xi32>, vector<16xi32>, vector<16xi32>, vector<16xi32>], vector<16xf32>,
        %scan3A_1318 = arith.constant 1 : i32
        %scan3A_1319 = arith.addi %scan3A_1305, %scan3A_1318 : i32
        %mul3A_1320 = arith.constant 1 : i32
        %mul3A_1321 = arith.muli %scan3A_1319, %mul3A_1320 : i32
        %add3A_1322 = arith.constant 0 : i32
        %add3A_1323 = arith.addi %add3A_1322, %mul3A_1321 : i32
        %broadcast_in_dim3A_1324 = vector.broadcast %add3A_1323 : i32 to vector<16xi32>
        %add3A_1325 = arith.constant 128 : i32
        %add3A_1326 = arith.addi %add3A_1325, %add3A_1323 : i32
        %get3A_1327 = arith.index_cast %add3A_1326 : i32 to index
        %get3A_1328 = arith.constant 0 : index
        %get3A_1329 = tpu.vector_load %arg6[%get3A_1327, %get3A_1328] {strides = array<i32>} : memref<1024x32xf32, #tpu.memory_space<vmem>>, vector<16xf32>,
        %get3A_1330 = arith.index_cast %add3A_1326 : i32 to index
        %get3A_1331 = arith.constant 16 : index
        %get3A_1332 = tpu.vector_load %arg6[%get3A_1330, %get3A_1331] {strides = array<i32>} : memref<1024x32xf32, #tpu.memory_space<vmem>>, vector<16xf32>,
        tpu.vector_store_idx %arg8[%shift_right_logical3A_4, %broadcast_in_dim3A_785, %and3A_9, %broadcast_in_dim3A_1324], %get3A_1329 : memref<4x8x8x129xf32, #tpu.memory_space<vmem>>[vector<16xi32>, vector<16xi32>, vector<16xi32>, vector<16xi32>], vector<16xf32>,
        tpu.vector_store_idx %arg8[%add3A_7, %broadcast_in_dim3A_785, %and3A_9, %broadcast_in_dim3A_1324], %get3A_1332 : memref<4x8x8x129xf32, #tpu.memory_space<vmem>>[vector<16xi32>, vector<16xi32>, vector<16xi32>, vector<16xi32>], vector<16xf32>,
        %scan3A_1333 = arith.constant 2 : i32
        %scan3A_1334 = arith.addi %scan3A_1305, %scan3A_1333 : i32
        %mul3A_1335 = arith.constant 1 : i32
        %mul3A_1336 = arith.muli %scan3A_1334, %mul3A_1335 : i32
        %add3A_1337 = arith.constant 0 : i32
        %add3A_1338 = arith.addi %add3A_1337, %mul3A_1336 : i32
        %broadcast_in_dim3A_1339 = vector.broadcast %add3A_1338 : i32 to vector<16xi32>
        %add3A_1340 = arith.constant 128 : i32
        %add3A_1341 = arith.addi %add3A_1340, %add3A_1338 : i32
        %get3A_1342 = arith.index_cast %add3A_1341 : i32 to index
        %get3A_1343 = arith.constant 0 : index
        %get3A_1344 = tpu.vector_load %arg6[%get3A_1342, %get3A_1343] {strides = array<i32>} : memref<1024x32xf32, #tpu.memory_space<vmem>>, vector<16xf32>,
        %get3A_1345 = arith.index_cast %add3A_1341 : i32 to index
        %get3A_1346 = arith.constant 16 : index
        %get3A_1347 = tpu.vector_load %arg6[%get3A_1345, %get3A_1346] {strides = array<i32>} : memref<1024x32xf32, #tpu.memory_space<vmem>>, vector<16xf32>,
        tpu.vector_store_idx %arg8[%shift_right_logical3A_4, %broadcast_in_dim3A_785, %and3A_9, %broadcast_in_dim3A_1339], %get3A_1344 : memref<4x8x8x129xf32, #tpu.memory_space<vmem>>[vector<16xi32>, vector<16xi32>, vector<16xi32>, vector<16xi32>], vector<16xf32>,
        tpu.vector_store_idx %arg8[%add3A_7, %broadcast_in_dim3A_785, %and3A_9, %broadcast_in_dim3A_1339], %get3A_1347 : memref<4x8x8x129xf32, #tpu.memory_space<vmem>>[vector<16xi32>, vector<16xi32>, vector<16xi32>, vector<16xi32>], vector<16xf32>,
        %scan3A_1348 = arith.constant 3 : i32
        %scan3A_1349 = arith.addi %scan3A_1305, %scan3A_1348 : i32
        %mul3A_1350 = arith.constant 1 : i32
        %mul3A_1351 = arith.muli %scan3A_1349, %mul3A_1350 : i32
        %add3A_1352 = arith.constant 0 : i32
        %add3A_1353 = arith.addi %add3A_1352, %mul3A_1351 : i32
        %broadcast_in_dim3A_1354 = vector.broadcast %add3A_1353 : i32 to vector<16xi32>
        %add3A_1355 = arith.constant 128 : i32
        %add3A_1356 = arith.addi %add3A_1355, %add3A_1353 : i32
        %get3A_1357 = arith.index_cast %add3A_1356 : i32 to index
        %get3A_1358 = arith.constant 0 : index
        %get3A_1359 = tpu.vector_load %arg6[%get3A_1357, %get3A_1358] {strides = array<i32>} : memref<1024x32xf32, #tpu.memory_space<vmem>>, vector<16xf32>,
        %get3A_1360 = arith.index_cast %add3A_1356 : i32 to index
        %get3A_1361 = arith.constant 16 : index
        %get3A_1362 = tpu.vector_load %arg6[%get3A_1360, %get3A_1361] {strides = array<i32>} : memref<1024x32xf32, #tpu.memory_space<vmem>>, vector<16xf32>,
        tpu.vector_store_idx %arg8[%shift_right_logical3A_4, %broadcast_in_dim3A_785, %and3A_9, %broadcast_in_dim3A_1354], %get3A_1359 : memref<4x8x8x129xf32, #tpu.memory_space<vmem>>[vector<16xi32>, vector<16xi32>, vector<16xi32>, vector<16xi32>], vector<16xf32>,
        tpu.vector_store_idx %arg8[%add3A_7, %broadcast_in_dim3A_785, %and3A_9, %broadcast_in_dim3A_1354], %get3A_1362 : memref<4x8x8x129xf32, #tpu.memory_space<vmem>>[vector<16xi32>, vector<16xi32>, vector<16xi32>, vector<16xi32>], vector<16xf32>,
      }
      %scan3A_790 = arith.constant 128 : i32
      %broadcast_in_dim3A_791 = arith.constant 2 : i32
      %broadcast_in_dim3A_792 = vector.broadcast %broadcast_in_dim3A_791 : i32 to vector<16xi32>
      %scan3A_793 = arith.constant 0 : i32
      %scan3A_794 = arith.constant 128 : i32
      %scan3A_795 = arith.addi %scan3A_793, %scan3A_794 : i32
      %scan3A_796 = arith.constant 4 : i32
      scf.for %scan3A_1305 = %scan3A_793 to %scan3A_795 step %scan3A_796  : i32 {
        %mul3A_1306 = arith.constant 1 : i32
        %mul3A_1307 = arith.muli %scan3A_1305, %mul3A_1306 : i32
        %add3A_1308 = arith.constant 0 : i32
        %add3A_1309 = arith.addi %add3A_1308, %mul3A_1307 : i32
        %broadcast_in_dim3A_1310 = vector.broadcast %add3A_1309 : i32 to vector<16xi32>
        %add3A_1311 = arith.constant 256 : i32
        %add3A_1312 = arith.addi %add3A_1311, %add3A_1309 : i32
        %get3A = arith.index_cast %add3A_1312 : i32 to index
        %get3A_1313 = arith.constant 0 : index
        %get3A_1314 = tpu.vector_load %arg6[%get3A, %get3A_1313] {strides = array<i32>} : memref<1024x32xf32, #tpu.memory_space<vmem>>, vector<16xf32>,
        %get3A_1315 = arith.index_cast %add3A_1312 : i32 to index
        %get3A_1316 = arith.constant 16 : index
        %get3A_1317 = tpu.vector_load %arg6[%get3A_1315, %get3A_1316] {strides = array<i32>} : memref<1024x32xf32, #tpu.memory_space<vmem>>, vector<16xf32>,
        tpu.vector_store_idx %arg8[%shift_right_logical3A_4, %broadcast_in_dim3A_792, %and3A_9, %broadcast_in_dim3A_1310], %get3A_1314 : memref<4x8x8x129xf32, #tpu.memory_space<vmem>>[vector<16xi32>, vector<16xi32>, vector<16xi32>, vector<16xi32>], vector<16xf32>,
        tpu.vector_store_idx %arg8[%add3A_7, %broadcast_in_dim3A_792, %and3A_9, %broadcast_in_dim3A_1310], %get3A_1317 : memref<4x8x8x129xf32, #tpu.memory_space<vmem>>[vector<16xi32>, vector<16xi32>, vector<16xi32>, vector<16xi32>], vector<16xf32>,
        %scan3A_1318 = arith.constant 1 : i32
        %scan3A_1319 = arith.addi %scan3A_1305, %scan3A_1318 : i32
        %mul3A_1320 = arith.constant 1 : i32
        %mul3A_1321 = arith.muli %scan3A_1319, %mul3A_1320 : i32
        %add3A_1322 = arith.constant 0 : i32
        %add3A_1323 = arith.addi %add3A_1322, %mul3A_1321 : i32
        %broadcast_in_dim3A_1324 = vector.broadcast %add3A_1323 : i32 to vector<16xi32>
        %add3A_1325 = arith.constant 256 : i32
        %add3A_1326 = arith.addi %add3A_1325, %add3A_1323 : i32
        %get3A_1327 = arith.index_cast %add3A_1326 : i32 to index
        %get3A_1328 = arith.constant 0 : index
        %get3A_1329 = tpu.vector_load %arg6[%get3A_1327, %get3A_1328] {strides = array<i32>} : memref<1024x32xf32, #tpu.memory_space<vmem>>, vector<16xf32>,
        %get3A_1330 = arith.index_cast %add3A_1326 : i32 to index
        %get3A_1331 = arith.constant 16 : index
        %get3A_1332 = tpu.vector_load %arg6[%get3A_1330, %get3A_1331] {strides = array<i32>} : memref<1024x32xf32, #tpu.memory_space<vmem>>, vector<16xf32>,
        tpu.vector_store_idx %arg8[%shift_right_logical3A_4, %broadcast_in_dim3A_792, %and3A_9, %broadcast_in_dim3A_1324], %get3A_1329 : memref<4x8x8x129xf32, #tpu.memory_space<vmem>>[vector<16xi32>, vector<16xi32>, vector<16xi32>, vector<16xi32>], vector<16xf32>,
        tpu.vector_store_idx %arg8[%add3A_7, %broadcast_in_dim3A_792, %and3A_9, %broadcast_in_dim3A_1324], %get3A_1332 : memref<4x8x8x129xf32, #tpu.memory_space<vmem>>[vector<16xi32>, vector<16xi32>, vector<16xi32>, vector<16xi32>], vector<16xf32>,
        %scan3A_1333 = arith.constant 2 : i32
        %scan3A_1334 = arith.addi %scan3A_1305, %scan3A_1333 : i32
        %mul3A_1335 = arith.constant 1 : i32
        %mul3A_1336 = arith.muli %scan3A_1334, %mul3A_1335 : i32
        %add3A_1337 = arith.constant 0 : i32
        %add3A_1338 = arith.addi %add3A_1337, %mul3A_1336 : i32
        %broadcast_in_dim3A_1339 = vector.broadcast %add3A_1338 : i32 to vector<16xi32>
        %add3A_1340 = arith.constant 256 : i32
        %add3A_1341 = arith.addi %add3A_1340, %add3A_1338 : i32
        %get3A_1342 = arith.index_cast %add3A_1341 : i32 to index
        %get3A_1343 = arith.constant 0 : index
        %get3A_1344 = tpu.vector_load %arg6[%get3A_1342, %get3A_1343] {strides = array<i32>} : memref<1024x32xf32, #tpu.memory_space<vmem>>, vector<16xf32>,
        %get3A_1345 = arith.index_cast %add3A_1341 : i32 to index
        %get3A_1346 = arith.constant 16 : index
        %get3A_1347 = tpu.vector_load %arg6[%get3A_1345, %get3A_1346] {strides = array<i32>} : memref<1024x32xf32, #tpu.memory_space<vmem>>, vector<16xf32>,
        tpu.vector_store_idx %arg8[%shift_right_logical3A_4, %broadcast_in_dim3A_792, %and3A_9, %broadcast_in_dim3A_1339], %get3A_1344 : memref<4x8x8x129xf32, #tpu.memory_space<vmem>>[vector<16xi32>, vector<16xi32>, vector<16xi32>, vector<16xi32>], vector<16xf32>,
        tpu.vector_store_idx %arg8[%add3A_7, %broadcast_in_dim3A_792, %and3A_9, %broadcast_in_dim3A_1339], %get3A_1347 : memref<4x8x8x129xf32, #tpu.memory_space<vmem>>[vector<16xi32>, vector<16xi32>, vector<16xi32>, vector<16xi32>], vector<16xf32>,
        %scan3A_1348 = arith.constant 3 : i32
        %scan3A_1349 = arith.addi %scan3A_1305, %scan3A_1348 : i32
        %mul3A_1350 = arith.constant 1 : i32
        %mul3A_1351 = arith.muli %scan3A_1349, %mul3A_1350 : i32
        %add3A_1352 = arith.constant 0 : i32
        %add3A_1353 = arith.addi %add3A_1352, %mul3A_1351 : i32
        %broadcast_in_dim3A_1354 = vector.broadcast %add3A_1353 : i32 to vector<16xi32>
        %add3A_1355 = arith.constant 256 : i32
        %add3A_1356 = arith.addi %add3A_1355, %add3A_1353 : i32
        %get3A_1357 = arith.index_cast %add3A_1356 : i32 to index
        %get3A_1358 = arith.constant 0 : index
        %get3A_1359 = tpu.vector_load %arg6[%get3A_1357, %get3A_1358] {strides = array<i32>} : memref<1024x32xf32, #tpu.memory_space<vmem>>, vector<16xf32>,
        %get3A_1360 = arith.index_cast %add3A_1356 : i32 to index
        %get3A_1361 = arith.constant 16 : index
        %get3A_1362 = tpu.vector_load %arg6[%get3A_1360, %get3A_1361] {strides = array<i32>} : memref<1024x32xf32, #tpu.memory_space<vmem>>, vector<16xf32>,
        tpu.vector_store_idx %arg8[%shift_right_logical3A_4, %broadcast_in_dim3A_792, %and3A_9, %broadcast_in_dim3A_1354], %get3A_1359 : memref<4x8x8x129xf32, #tpu.memory_space<vmem>>[vector<16xi32>, vector<16xi32>, vector<16xi32>, vector<16xi32>], vector<16xf32>,
        tpu.vector_store_idx %arg8[%add3A_7, %broadcast_in_dim3A_792, %and3A_9, %broadcast_in_dim3A_1354], %get3A_1362 : memref<4x8x8x129xf32, #tpu.memory_space<vmem>>[vector<16xi32>, vector<16xi32>, vector<16xi32>, vector<16xi32>], vector<16xf32>,
      }
      %scan3A_797 = arith.constant 128 : i32
      %broadcast_in_dim3A_798 = arith.constant 3 : i32
      %broadcast_in_dim3A_799 = vector.broadcast %broadcast_in_dim3A_798 : i32 to vector<16xi32>
      %scan3A_800 = arith.constant 0 : i32
      %scan3A_801 = arith.constant 128 : i32
      %scan3A_802 = arith.addi %scan3A_800, %scan3A_801 : i32
      %scan3A_803 = arith.constant 4 : i32
      scf.for %scan3A_1305 = %scan3A_800 to %scan3A_802 step %scan3A_803  : i32 {
        %mul3A_1306 = arith.constant 1 : i32
        %mul3A_1307 = arith.muli %scan3A_1305, %mul3A_1306 : i32
        %add3A_1308 = arith.constant 0 : i32
        %add3A_1309 = arith.addi %add3A_1308, %mul3A_1307 : i32
        %broadcast_in_dim3A_1310 = vector.broadcast %add3A_1309 : i32 to vector<16xi32>
        %add3A_1311 = arith.constant 384 : i32
        %add3A_1312 = arith.addi %add3A_1311, %add3A_1309 : i32
        %get3A = arith.index_cast %add3A_1312 : i32 to index
        %get3A_1313 = arith.constant 0 : index
        %get3A_1314 = tpu.vector_load %arg6[%get3A, %get3A_1313] {strides = array<i32>} : memref<1024x32xf32, #tpu.memory_space<vmem>>, vector<16xf32>,
        %get3A_1315 = arith.index_cast %add3A_1312 : i32 to index
        %get3A_1316 = arith.constant 16 : index
        %get3A_1317 = tpu.vector_load %arg6[%get3A_1315, %get3A_1316] {strides = array<i32>} : memref<1024x32xf32, #tpu.memory_space<vmem>>, vector<16xf32>,
        tpu.vector_store_idx %arg8[%shift_right_logical3A_4, %broadcast_in_dim3A_799, %and3A_9, %broadcast_in_dim3A_1310], %get3A_1314 : memref<4x8x8x129xf32, #tpu.memory_space<vmem>>[vector<16xi32>, vector<16xi32>, vector<16xi32>, vector<16xi32>], vector<16xf32>,
        tpu.vector_store_idx %arg8[%add3A_7, %broadcast_in_dim3A_799, %and3A_9, %broadcast_in_dim3A_1310], %get3A_1317 : memref<4x8x8x129xf32, #tpu.memory_space<vmem>>[vector<16xi32>, vector<16xi32>, vector<16xi32>, vector<16xi32>], vector<16xf32>,
        %scan3A_1318 = arith.constant 1 : i32
        %scan3A_1319 = arith.addi %scan3A_1305, %scan3A_1318 : i32
        %mul3A_1320 = arith.constant 1 : i32
        %mul3A_1321 = arith.muli %scan3A_1319, %mul3A_1320 : i32
        %add3A_1322 = arith.constant 0 : i32
        %add3A_1323 = arith.addi %add3A_1322, %mul3A_1321 : i32
        %broadcast_in_dim3A_1324 = vector.broadcast %add3A_1323 : i32 to vector<16xi32>
        %add3A_1325 = arith.constant 384 : i32
        %add3A_1326 = arith.addi %add3A_1325, %add3A_1323 : i32
        %get3A_1327 = arith.index_cast %add3A_1326 : i32 to index
        %get3A_1328 = arith.constant 0 : index
        %get3A_1329 = tpu.vector_load %arg6[%get3A_1327, %get3A_1328] {strides = array<i32>} : memref<1024x32xf32, #tpu.memory_space<vmem>>, vector<16xf32>,
        %get3A_1330 = arith.index_cast %add3A_1326 : i32 to index
        %get3A_1331 = arith.constant 16 : index
        %get3A_1332 = tpu.vector_load %arg6[%get3A_1330, %get3A_1331] {strides = array<i32>} : memref<1024x32xf32, #tpu.memory_space<vmem>>, vector<16xf32>,
        tpu.vector_store_idx %arg8[%shift_right_logical3A_4, %broadcast_in_dim3A_799, %and3A_9, %broadcast_in_dim3A_1324], %get3A_1329 : memref<4x8x8x129xf32, #tpu.memory_space<vmem>>[vector<16xi32>, vector<16xi32>, vector<16xi32>, vector<16xi32>], vector<16xf32>,
        tpu.vector_store_idx %arg8[%add3A_7, %broadcast_in_dim3A_799, %and3A_9, %broadcast_in_dim3A_1324], %get3A_1332 : memref<4x8x8x129xf32, #tpu.memory_space<vmem>>[vector<16xi32>, vector<16xi32>, vector<16xi32>, vector<16xi32>], vector<16xf32>,
        %scan3A_1333 = arith.constant 2 : i32
        %scan3A_1334 = arith.addi %scan3A_1305, %scan3A_1333 : i32
        %mul3A_1335 = arith.constant 1 : i32
        %mul3A_1336 = arith.muli %scan3A_1334, %mul3A_1335 : i32
        %add3A_1337 = arith.constant 0 : i32
        %add3A_1338 = arith.addi %add3A_1337, %mul3A_1336 : i32
        %broadcast_in_dim3A_1339 = vector.broadcast %add3A_1338 : i32 to vector<16xi32>
        %add3A_1340 = arith.constant 384 : i32
        %add3A_1341 = arith.addi %add3A_1340, %add3A_1338 : i32
        %get3A_1342 = arith.index_cast %add3A_1341 : i32 to index
        %get3A_1343 = arith.constant 0 : index
        %get3A_1344 = tpu.vector_load %arg6[%get3A_1342, %get3A_1343] {strides = array<i32>} : memref<1024x32xf32, #tpu.memory_space<vmem>>, vector<16xf32>,
        %get3A_1345 = arith.index_cast %add3A_1341 : i32 to index
        %get3A_1346 = arith.constant 16 : index
        %get3A_1347 = tpu.vector_load %arg6[%get3A_1345, %get3A_1346] {strides = array<i32>} : memref<1024x32xf32, #tpu.memory_space<vmem>>, vector<16xf32>,
        tpu.vector_store_idx %arg8[%shift_right_logical3A_4, %broadcast_in_dim3A_799, %and3A_9, %broadcast_in_dim3A_1339], %get3A_1344 : memref<4x8x8x129xf32, #tpu.memory_space<vmem>>[vector<16xi32>, vector<16xi32>, vector<16xi32>, vector<16xi32>], vector<16xf32>,
        tpu.vector_store_idx %arg8[%add3A_7, %broadcast_in_dim3A_799, %and3A_9, %broadcast_in_dim3A_1339], %get3A_1347 : memref<4x8x8x129xf32, #tpu.memory_space<vmem>>[vector<16xi32>, vector<16xi32>, vector<16xi32>, vector<16xi32>], vector<16xf32>,
        %scan3A_1348 = arith.constant 3 : i32
        %scan3A_1349 = arith.addi %scan3A_1305, %scan3A_1348 : i32
        %mul3A_1350 = arith.constant 1 : i32
        %mul3A_1351 = arith.muli %scan3A_1349, %mul3A_1350 : i32
        %add3A_1352 = arith.constant 0 : i32
        %add3A_1353 = arith.addi %add3A_1352, %mul3A_1351 : i32
        %broadcast_in_dim3A_1354 = vector.broadcast %add3A_1353 : i32 to vector<16xi32>
        %add3A_1355 = arith.constant 384 : i32
        %add3A_1356 = arith.addi %add3A_1355, %add3A_1353 : i32
        %get3A_1357 = arith.index_cast %add3A_1356 : i32 to index
        %get3A_1358 = arith.constant 0 : index
        %get3A_1359 = tpu.vector_load %arg6[%get3A_1357, %get3A_1358] {strides = array<i32>} : memref<1024x32xf32, #tpu.memory_space<vmem>>, vector<16xf32>,
        %get3A_1360 = arith.index_cast %add3A_1356 : i32 to index
        %get3A_1361 = arith.constant 16 : index
        %get3A_1362 = tpu.vector_load %arg6[%get3A_1360, %get3A_1361] {strides = array<i32>} : memref<1024x32xf32, #tpu.memory_space<vmem>>, vector<16xf32>,
        tpu.vector_store_idx %arg8[%shift_right_logical3A_4, %broadcast_in_dim3A_799, %and3A_9, %broadcast_in_dim3A_1354], %get3A_1359 : memref<4x8x8x129xf32, #tpu.memory_space<vmem>>[vector<16xi32>, vector<16xi32>, vector<16xi32>, vector<16xi32>], vector<16xf32>,
        tpu.vector_store_idx %arg8[%add3A_7, %broadcast_in_dim3A_799, %and3A_9, %broadcast_in_dim3A_1354], %get3A_1362 : memref<4x8x8x129xf32, #tpu.memory_space<vmem>>[vector<16xi32>, vector<16xi32>, vector<16xi32>, vector<16xi32>], vector<16xf32>,
      }
      %scan3A_804 = arith.constant 128 : i32
      %broadcast_in_dim3A_805 = arith.constant 4 : i32
      %broadcast_in_dim3A_806 = vector.broadcast %broadcast_in_dim3A_805 : i32 to vector<16xi32>
      %scan3A_807 = arith.constant 0 : i32
      %scan3A_808 = arith.constant 128 : i32
      %scan3A_809 = arith.addi %scan3A_807, %scan3A_808 : i32
      %scan3A_810 = arith.constant 4 : i32
      scf.for %scan3A_1305 = %scan3A_807 to %scan3A_809 step %scan3A_810  : i32 {
        %mul3A_1306 = arith.constant 1 : i32
        %mul3A_1307 = arith.muli %scan3A_1305, %mul3A_1306 : i32
        %add3A_1308 = arith.constant 0 : i32
        %add3A_1309 = arith.addi %add3A_1308, %mul3A_1307 : i32
        %broadcast_in_dim3A_1310 = vector.broadcast %add3A_1309 : i32 to vector<16xi32>
        %add3A_1311 = arith.constant 512 : i32
        %add3A_1312 = arith.addi %add3A_1311, %add3A_1309 : i32
        %get3A = arith.index_cast %add3A_1312 : i32 to index
        %get3A_1313 = arith.constant 0 : index
        %get3A_1314 = tpu.vector_load %arg6[%get3A, %get3A_1313] {strides = array<i32>} : memref<1024x32xf32, #tpu.memory_space<vmem>>, vector<16xf32>,
        %get3A_1315 = arith.index_cast %add3A_1312 : i32 to index
        %get3A_1316 = arith.constant 16 : index
        %get3A_1317 = tpu.vector_load %arg6[%get3A_1315, %get3A_1316] {strides = array<i32>} : memref<1024x32xf32, #tpu.memory_space<vmem>>, vector<16xf32>,
        tpu.vector_store_idx %arg8[%shift_right_logical3A_4, %broadcast_in_dim3A_806, %and3A_9, %broadcast_in_dim3A_1310], %get3A_1314 : memref<4x8x8x129xf32, #tpu.memory_space<vmem>>[vector<16xi32>, vector<16xi32>, vector<16xi32>, vector<16xi32>], vector<16xf32>,
        tpu.vector_store_idx %arg8[%add3A_7, %broadcast_in_dim3A_806, %and3A_9, %broadcast_in_dim3A_1310], %get3A_1317 : memref<4x8x8x129xf32, #tpu.memory_space<vmem>>[vector<16xi32>, vector<16xi32>, vector<16xi32>, vector<16xi32>], vector<16xf32>,
        %scan3A_1318 = arith.constant 1 : i32
        %scan3A_1319 = arith.addi %scan3A_1305, %scan3A_1318 : i32
        %mul3A_1320 = arith.constant 1 : i32
        %mul3A_1321 = arith.muli %scan3A_1319, %mul3A_1320 : i32
        %add3A_1322 = arith.constant 0 : i32
        %add3A_1323 = arith.addi %add3A_1322, %mul3A_1321 : i32
        %broadcast_in_dim3A_1324 = vector.broadcast %add3A_1323 : i32 to vector<16xi32>
        %add3A_1325 = arith.constant 512 : i32
        %add3A_1326 = arith.addi %add3A_1325, %add3A_1323 : i32
        %get3A_1327 = arith.index_cast %add3A_1326 : i32 to index
        %get3A_1328 = arith.constant 0 : index
        %get3A_1329 = tpu.vector_load %arg6[%get3A_1327, %get3A_1328] {strides = array<i32>} : memref<1024x32xf32, #tpu.memory_space<vmem>>, vector<16xf32>,
        %get3A_1330 = arith.index_cast %add3A_1326 : i32 to index
        %get3A_1331 = arith.constant 16 : index
        %get3A_1332 = tpu.vector_load %arg6[%get3A_1330, %get3A_1331] {strides = array<i32>} : memref<1024x32xf32, #tpu.memory_space<vmem>>, vector<16xf32>,
        tpu.vector_store_idx %arg8[%shift_right_logical3A_4, %broadcast_in_dim3A_806, %and3A_9, %broadcast_in_dim3A_1324], %get3A_1329 : memref<4x8x8x129xf32, #tpu.memory_space<vmem>>[vector<16xi32>, vector<16xi32>, vector<16xi32>, vector<16xi32>], vector<16xf32>,
        tpu.vector_store_idx %arg8[%add3A_7, %broadcast_in_dim3A_806, %and3A_9, %broadcast_in_dim3A_1324], %get3A_1332 : memref<4x8x8x129xf32, #tpu.memory_space<vmem>>[vector<16xi32>, vector<16xi32>, vector<16xi32>, vector<16xi32>], vector<16xf32>,
        %scan3A_1333 = arith.constant 2 : i32
        %scan3A_1334 = arith.addi %scan3A_1305, %scan3A_1333 : i32
        %mul3A_1335 = arith.constant 1 : i32
        %mul3A_1336 = arith.muli %scan3A_1334, %mul3A_1335 : i32
        %add3A_1337 = arith.constant 0 : i32
        %add3A_1338 = arith.addi %add3A_1337, %mul3A_1336 : i32
        %broadcast_in_dim3A_1339 = vector.broadcast %add3A_1338 : i32 to vector<16xi32>
        %add3A_1340 = arith.constant 512 : i32
        %add3A_1341 = arith.addi %add3A_1340, %add3A_1338 : i32
        %get3A_1342 = arith.index_cast %add3A_1341 : i32 to index
        %get3A_1343 = arith.constant 0 : index
        %get3A_1344 = tpu.vector_load %arg6[%get3A_1342, %get3A_1343] {strides = array<i32>} : memref<1024x32xf32, #tpu.memory_space<vmem>>, vector<16xf32>,
        %get3A_1345 = arith.index_cast %add3A_1341 : i32 to index
        %get3A_1346 = arith.constant 16 : index
        %get3A_1347 = tpu.vector_load %arg6[%get3A_1345, %get3A_1346] {strides = array<i32>} : memref<1024x32xf32, #tpu.memory_space<vmem>>, vector<16xf32>,
        tpu.vector_store_idx %arg8[%shift_right_logical3A_4, %broadcast_in_dim3A_806, %and3A_9, %broadcast_in_dim3A_1339], %get3A_1344 : memref<4x8x8x129xf32, #tpu.memory_space<vmem>>[vector<16xi32>, vector<16xi32>, vector<16xi32>, vector<16xi32>], vector<16xf32>,
        tpu.vector_store_idx %arg8[%add3A_7, %broadcast_in_dim3A_806, %and3A_9, %broadcast_in_dim3A_1339], %get3A_1347 : memref<4x8x8x129xf32, #tpu.memory_space<vmem>>[vector<16xi32>, vector<16xi32>, vector<16xi32>, vector<16xi32>], vector<16xf32>,
        %scan3A_1348 = arith.constant 3 : i32
        %scan3A_1349 = arith.addi %scan3A_1305, %scan3A_1348 : i32
        %mul3A_1350 = arith.constant 1 : i32
        %mul3A_1351 = arith.muli %scan3A_1349, %mul3A_1350 : i32
        %add3A_1352 = arith.constant 0 : i32
        %add3A_1353 = arith.addi %add3A_1352, %mul3A_1351 : i32
        %broadcast_in_dim3A_1354 = vector.broadcast %add3A_1353 : i32 to vector<16xi32>
        %add3A_1355 = arith.constant 512 : i32
        %add3A_1356 = arith.addi %add3A_1355, %add3A_1353 : i32
        %get3A_1357 = arith.index_cast %add3A_1356 : i32 to index
        %get3A_1358 = arith.constant 0 : index
        %get3A_1359 = tpu.vector_load %arg6[%get3A_1357, %get3A_1358] {strides = array<i32>} : memref<1024x32xf32, #tpu.memory_space<vmem>>, vector<16xf32>,
        %get3A_1360 = arith.index_cast %add3A_1356 : i32 to index
        %get3A_1361 = arith.constant 16 : index
        %get3A_1362 = tpu.vector_load %arg6[%get3A_1360, %get3A_1361] {strides = array<i32>} : memref<1024x32xf32, #tpu.memory_space<vmem>>, vector<16xf32>,
        tpu.vector_store_idx %arg8[%shift_right_logical3A_4, %broadcast_in_dim3A_806, %and3A_9, %broadcast_in_dim3A_1354], %get3A_1359 : memref<4x8x8x129xf32, #tpu.memory_space<vmem>>[vector<16xi32>, vector<16xi32>, vector<16xi32>, vector<16xi32>], vector<16xf32>,
        tpu.vector_store_idx %arg8[%add3A_7, %broadcast_in_dim3A_806, %and3A_9, %broadcast_in_dim3A_1354], %get3A_1362 : memref<4x8x8x129xf32, #tpu.memory_space<vmem>>[vector<16xi32>, vector<16xi32>, vector<16xi32>, vector<16xi32>], vector<16xf32>,
      }
      %scan3A_811 = arith.constant 128 : i32
      %broadcast_in_dim3A_812 = arith.constant 5 : i32
      %broadcast_in_dim3A_813 = vector.broadcast %broadcast_in_dim3A_812 : i32 to vector<16xi32>
      %scan3A_814 = arith.constant 0 : i32
      %scan3A_815 = arith.constant 128 : i32
      %scan3A_816 = arith.addi %scan3A_814, %scan3A_815 : i32
      %scan3A_817 = arith.constant 4 : i32
      scf.for %scan3A_1305 = %scan3A_814 to %scan3A_816 step %scan3A_817  : i32 {
        %mul3A_1306 = arith.constant 1 : i32
        %mul3A_1307 = arith.muli %scan3A_1305, %mul3A_1306 : i32
        %add3A_1308 = arith.constant 0 : i32
        %add3A_1309 = arith.addi %add3A_1308, %mul3A_1307 : i32
        %broadcast_in_dim3A_1310 = vector.broadcast %add3A_1309 : i32 to vector<16xi32>
        %add3A_1311 = arith.constant 640 : i32
        %add3A_1312 = arith.addi %add3A_1311, %add3A_1309 : i32
        %get3A = arith.index_cast %add3A_1312 : i32 to index
        %get3A_1313 = arith.constant 0 : index
        %get3A_1314 = tpu.vector_load %arg6[%get3A, %get3A_1313] {strides = array<i32>} : memref<1024x32xf32, #tpu.memory_space<vmem>>, vector<16xf32>,
        %get3A_1315 = arith.index_cast %add3A_1312 : i32 to index
        %get3A_1316 = arith.constant 16 : index
        %get3A_1317 = tpu.vector_load %arg6[%get3A_1315, %get3A_1316] {strides = array<i32>} : memref<1024x32xf32, #tpu.memory_space<vmem>>, vector<16xf32>,
        tpu.vector_store_idx %arg8[%shift_right_logical3A_4, %broadcast_in_dim3A_813, %and3A_9, %broadcast_in_dim3A_1310], %get3A_1314 : memref<4x8x8x129xf32, #tpu.memory_space<vmem>>[vector<16xi32>, vector<16xi32>, vector<16xi32>, vector<16xi32>], vector<16xf32>,
        tpu.vector_store_idx %arg8[%add3A_7, %broadcast_in_dim3A_813, %and3A_9, %broadcast_in_dim3A_1310], %get3A_1317 : memref<4x8x8x129xf32, #tpu.memory_space<vmem>>[vector<16xi32>, vector<16xi32>, vector<16xi32>, vector<16xi32>], vector<16xf32>,
        %scan3A_1318 = arith.constant 1 : i32
        %scan3A_1319 = arith.addi %scan3A_1305, %scan3A_1318 : i32
        %mul3A_1320 = arith.constant 1 : i32
        %mul3A_1321 = arith.muli %scan3A_1319, %mul3A_1320 : i32
        %add3A_1322 = arith.constant 0 : i32
        %add3A_1323 = arith.addi %add3A_1322, %mul3A_1321 : i32
        %broadcast_in_dim3A_1324 = vector.broadcast %add3A_1323 : i32 to vector<16xi32>
        %add3A_1325 = arith.constant 640 : i32
        %add3A_1326 = arith.addi %add3A_1325, %add3A_1323 : i32
        %get3A_1327 = arith.index_cast %add3A_1326 : i32 to index
        %get3A_1328 = arith.constant 0 : index
        %get3A_1329 = tpu.vector_load %arg6[%get3A_1327, %get3A_1328] {strides = array<i32>} : memref<1024x32xf32, #tpu.memory_space<vmem>>, vector<16xf32>,
        %get3A_1330 = arith.index_cast %add3A_1326 : i32 to index
        %get3A_1331 = arith.constant 16 : index
        %get3A_1332 = tpu.vector_load %arg6[%get3A_1330, %get3A_1331] {strides = array<i32>} : memref<1024x32xf32, #tpu.memory_space<vmem>>, vector<16xf32>,
        tpu.vector_store_idx %arg8[%shift_right_logical3A_4, %broadcast_in_dim3A_813, %and3A_9, %broadcast_in_dim3A_1324], %get3A_1329 : memref<4x8x8x129xf32, #tpu.memory_space<vmem>>[vector<16xi32>, vector<16xi32>, vector<16xi32>, vector<16xi32>], vector<16xf32>,
        tpu.vector_store_idx %arg8[%add3A_7, %broadcast_in_dim3A_813, %and3A_9, %broadcast_in_dim3A_1324], %get3A_1332 : memref<4x8x8x129xf32, #tpu.memory_space<vmem>>[vector<16xi32>, vector<16xi32>, vector<16xi32>, vector<16xi32>], vector<16xf32>,
        %scan3A_1333 = arith.constant 2 : i32
        %scan3A_1334 = arith.addi %scan3A_1305, %scan3A_1333 : i32
        %mul3A_1335 = arith.constant 1 : i32
        %mul3A_1336 = arith.muli %scan3A_1334, %mul3A_1335 : i32
        %add3A_1337 = arith.constant 0 : i32
        %add3A_1338 = arith.addi %add3A_1337, %mul3A_1336 : i32
        %broadcast_in_dim3A_1339 = vector.broadcast %add3A_1338 : i32 to vector<16xi32>
        %add3A_1340 = arith.constant 640 : i32
        %add3A_1341 = arith.addi %add3A_1340, %add3A_1338 : i32
        %get3A_1342 = arith.index_cast %add3A_1341 : i32 to index
        %get3A_1343 = arith.constant 0 : index
        %get3A_1344 = tpu.vector_load %arg6[%get3A_1342, %get3A_1343] {strides = array<i32>} : memref<1024x32xf32, #tpu.memory_space<vmem>>, vector<16xf32>,
        %get3A_1345 = arith.index_cast %add3A_1341 : i32 to index
        %get3A_1346 = arith.constant 16 : index
        %get3A_1347 = tpu.vector_load %arg6[%get3A_1345, %get3A_1346] {strides = array<i32>} : memref<1024x32xf32, #tpu.memory_space<vmem>>, vector<16xf32>,
        tpu.vector_store_idx %arg8[%shift_right_logical3A_4, %broadcast_in_dim3A_813, %and3A_9, %broadcast_in_dim3A_1339], %get3A_1344 : memref<4x8x8x129xf32, #tpu.memory_space<vmem>>[vector<16xi32>, vector<16xi32>, vector<16xi32>, vector<16xi32>], vector<16xf32>,
        tpu.vector_store_idx %arg8[%add3A_7, %broadcast_in_dim3A_813, %and3A_9, %broadcast_in_dim3A_1339], %get3A_1347 : memref<4x8x8x129xf32, #tpu.memory_space<vmem>>[vector<16xi32>, vector<16xi32>, vector<16xi32>, vector<16xi32>], vector<16xf32>,
        %scan3A_1348 = arith.constant 3 : i32
        %scan3A_1349 = arith.addi %scan3A_1305, %scan3A_1348 : i32
        %mul3A_1350 = arith.constant 1 : i32
        %mul3A_1351 = arith.muli %scan3A_1349, %mul3A_1350 : i32
        %add3A_1352 = arith.constant 0 : i32
        %add3A_1353 = arith.addi %add3A_1352, %mul3A_1351 : i32
        %broadcast_in_dim3A_1354 = vector.broadcast %add3A_1353 : i32 to vector<16xi32>
        %add3A_1355 = arith.constant 640 : i32
        %add3A_1356 = arith.addi %add3A_1355, %add3A_1353 : i32
        %get3A_1357 = arith.index_cast %add3A_1356 : i32 to index
        %get3A_1358 = arith.constant 0 : index
        %get3A_1359 = tpu.vector_load %arg6[%get3A_1357, %get3A_1358] {strides = array<i32>} : memref<1024x32xf32, #tpu.memory_space<vmem>>, vector<16xf32>,
        %get3A_1360 = arith.index_cast %add3A_1356 : i32 to index
        %get3A_1361 = arith.constant 16 : index
        %get3A_1362 = tpu.vector_load %arg6[%get3A_1360, %get3A_1361] {strides = array<i32>} : memref<1024x32xf32, #tpu.memory_space<vmem>>, vector<16xf32>,
        tpu.vector_store_idx %arg8[%shift_right_logical3A_4, %broadcast_in_dim3A_813, %and3A_9, %broadcast_in_dim3A_1354], %get3A_1359 : memref<4x8x8x129xf32, #tpu.memory_space<vmem>>[vector<16xi32>, vector<16xi32>, vector<16xi32>, vector<16xi32>], vector<16xf32>,
        tpu.vector_store_idx %arg8[%add3A_7, %broadcast_in_dim3A_813, %and3A_9, %broadcast_in_dim3A_1354], %get3A_1362 : memref<4x8x8x129xf32, #tpu.memory_space<vmem>>[vector<16xi32>, vector<16xi32>, vector<16xi32>, vector<16xi32>], vector<16xf32>,
      }
      %scan3A_818 = arith.constant 128 : i32
      %broadcast_in_dim3A_819 = arith.constant 6 : i32
      %broadcast_in_dim3A_820 = vector.broadcast %broadcast_in_dim3A_819 : i32 to vector<16xi32>
      %scan3A_821 = arith.constant 0 : i32
      %scan3A_822 = arith.constant 128 : i32
      %scan3A_823 = arith.addi %scan3A_821, %scan3A_822 : i32
      %scan3A_824 = arith.constant 4 : i32
      scf.for %scan3A_1305 = %scan3A_821 to %scan3A_823 step %scan3A_824  : i32 {
        %mul3A_1306 = arith.constant 1 : i32
        %mul3A_1307 = arith.muli %scan3A_1305, %mul3A_1306 : i32
        %add3A_1308 = arith.constant 0 : i32
        %add3A_1309 = arith.addi %add3A_1308, %mul3A_1307 : i32
        %broadcast_in_dim3A_1310 = vector.broadcast %add3A_1309 : i32 to vector<16xi32>
        %add3A_1311 = arith.constant 768 : i32
        %add3A_1312 = arith.addi %add3A_1311, %add3A_1309 : i32
        %get3A = arith.index_cast %add3A_1312 : i32 to index
        %get3A_1313 = arith.constant 0 : index
        %get3A_1314 = tpu.vector_load %arg6[%get3A, %get3A_1313] {strides = array<i32>} : memref<1024x32xf32, #tpu.memory_space<vmem>>, vector<16xf32>,
        %get3A_1315 = arith.index_cast %add3A_1312 : i32 to index
        %get3A_1316 = arith.constant 16 : index
        %get3A_1317 = tpu.vector_load %arg6[%get3A_1315, %get3A_1316] {strides = array<i32>} : memref<1024x32xf32, #tpu.memory_space<vmem>>, vector<16xf32>,
        tpu.vector_store_idx %arg8[%shift_right_logical3A_4, %broadcast_in_dim3A_820, %and3A_9, %broadcast_in_dim3A_1310], %get3A_1314 : memref<4x8x8x129xf32, #tpu.memory_space<vmem>>[vector<16xi32>, vector<16xi32>, vector<16xi32>, vector<16xi32>], vector<16xf32>,
        tpu.vector_store_idx %arg8[%add3A_7, %broadcast_in_dim3A_820, %and3A_9, %broadcast_in_dim3A_1310], %get3A_1317 : memref<4x8x8x129xf32, #tpu.memory_space<vmem>>[vector<16xi32>, vector<16xi32>, vector<16xi32>, vector<16xi32>], vector<16xf32>,
        %scan3A_1318 = arith.constant 1 : i32
        %scan3A_1319 = arith.addi %scan3A_1305, %scan3A_1318 : i32
        %mul3A_1320 = arith.constant 1 : i32
        %mul3A_1321 = arith.muli %scan3A_1319, %mul3A_1320 : i32
        %add3A_1322 = arith.constant 0 : i32
        %add3A_1323 = arith.addi %add3A_1322, %mul3A_1321 : i32
        %broadcast_in_dim3A_1324 = vector.broadcast %add3A_1323 : i32 to vector<16xi32>
        %add3A_1325 = arith.constant 768 : i32
        %add3A_1326 = arith.addi %add3A_1325, %add3A_1323 : i32
        %get3A_1327 = arith.index_cast %add3A_1326 : i32 to index
        %get3A_1328 = arith.constant 0 : index
        %get3A_1329 = tpu.vector_load %arg6[%get3A_1327, %get3A_1328] {strides = array<i32>} : memref<1024x32xf32, #tpu.memory_space<vmem>>, vector<16xf32>,
        %get3A_1330 = arith.index_cast %add3A_1326 : i32 to index
        %get3A_1331 = arith.constant 16 : index
        %get3A_1332 = tpu.vector_load %arg6[%get3A_1330, %get3A_1331] {strides = array<i32>} : memref<1024x32xf32, #tpu.memory_space<vmem>>, vector<16xf32>,
        tpu.vector_store_idx %arg8[%shift_right_logical3A_4, %broadcast_in_dim3A_820, %and3A_9, %broadcast_in_dim3A_1324], %get3A_1329 : memref<4x8x8x129xf32, #tpu.memory_space<vmem>>[vector<16xi32>, vector<16xi32>, vector<16xi32>, vector<16xi32>], vector<16xf32>,
        tpu.vector_store_idx %arg8[%add3A_7, %broadcast_in_dim3A_820, %and3A_9, %broadcast_in_dim3A_1324], %get3A_1332 : memref<4x8x8x129xf32, #tpu.memory_space<vmem>>[vector<16xi32>, vector<16xi32>, vector<16xi32>, vector<16xi32>], vector<16xf32>,
        %scan3A_1333 = arith.constant 2 : i32
        %scan3A_1334 = arith.addi %scan3A_1305, %scan3A_1333 : i32
        %mul3A_1335 = arith.constant 1 : i32
        %mul3A_1336 = arith.muli %scan3A_1334, %mul3A_1335 : i32
        %add3A_1337 = arith.constant 0 : i32
        %add3A_1338 = arith.addi %add3A_1337, %mul3A_1336 : i32
        %broadcast_in_dim3A_1339 = vector.broadcast %add3A_1338 : i32 to vector<16xi32>
        %add3A_1340 = arith.constant 768 : i32
        %add3A_1341 = arith.addi %add3A_1340, %add3A_1338 : i32
        %get3A_1342 = arith.index_cast %add3A_1341 : i32 to index
        %get3A_1343 = arith.constant 0 : index
        %get3A_1344 = tpu.vector_load %arg6[%get3A_1342, %get3A_1343] {strides = array<i32>} : memref<1024x32xf32, #tpu.memory_space<vmem>>, vector<16xf32>,
        %get3A_1345 = arith.index_cast %add3A_1341 : i32 to index
        %get3A_1346 = arith.constant 16 : index
        %get3A_1347 = tpu.vector_load %arg6[%get3A_1345, %get3A_1346] {strides = array<i32>} : memref<1024x32xf32, #tpu.memory_space<vmem>>, vector<16xf32>,
        tpu.vector_store_idx %arg8[%shift_right_logical3A_4, %broadcast_in_dim3A_820, %and3A_9, %broadcast_in_dim3A_1339], %get3A_1344 : memref<4x8x8x129xf32, #tpu.memory_space<vmem>>[vector<16xi32>, vector<16xi32>, vector<16xi32>, vector<16xi32>], vector<16xf32>,
        tpu.vector_store_idx %arg8[%add3A_7, %broadcast_in_dim3A_820, %and3A_9, %broadcast_in_dim3A_1339], %get3A_1347 : memref<4x8x8x129xf32, #tpu.memory_space<vmem>>[vector<16xi32>, vector<16xi32>, vector<16xi32>, vector<16xi32>], vector<16xf32>,
        %scan3A_1348 = arith.constant 3 : i32
        %scan3A_1349 = arith.addi %scan3A_1305, %scan3A_1348 : i32
        %mul3A_1350 = arith.constant 1 : i32
        %mul3A_1351 = arith.muli %scan3A_1349, %mul3A_1350 : i32
        %add3A_1352 = arith.constant 0 : i32
        %add3A_1353 = arith.addi %add3A_1352, %mul3A_1351 : i32
        %broadcast_in_dim3A_1354 = vector.broadcast %add3A_1353 : i32 to vector<16xi32>
        %add3A_1355 = arith.constant 768 : i32
        %add3A_1356 = arith.addi %add3A_1355, %add3A_1353 : i32
        %get3A_1357 = arith.index_cast %add3A_1356 : i32 to index
        %get3A_1358 = arith.constant 0 : index
        %get3A_1359 = tpu.vector_load %arg6[%get3A_1357, %get3A_1358] {strides = array<i32>} : memref<1024x32xf32, #tpu.memory_space<vmem>>, vector<16xf32>,
        %get3A_1360 = arith.index_cast %add3A_1356 : i32 to index
        %get3A_1361 = arith.constant 16 : index
        %get3A_1362 = tpu.vector_load %arg6[%get3A_1360, %get3A_1361] {strides = array<i32>} : memref<1024x32xf32, #tpu.memory_space<vmem>>, vector<16xf32>,
        tpu.vector_store_idx %arg8[%shift_right_logical3A_4, %broadcast_in_dim3A_820, %and3A_9, %broadcast_in_dim3A_1354], %get3A_1359 : memref<4x8x8x129xf32, #tpu.memory_space<vmem>>[vector<16xi32>, vector<16xi32>, vector<16xi32>, vector<16xi32>], vector<16xf32>,
        tpu.vector_store_idx %arg8[%add3A_7, %broadcast_in_dim3A_820, %and3A_9, %broadcast_in_dim3A_1354], %get3A_1362 : memref<4x8x8x129xf32, #tpu.memory_space<vmem>>[vector<16xi32>, vector<16xi32>, vector<16xi32>, vector<16xi32>], vector<16xf32>,
      }
      %scan3A_825 = arith.constant 128 : i32
      %broadcast_in_dim3A_826 = arith.constant 7 : i32
      %broadcast_in_dim3A_827 = vector.broadcast %broadcast_in_dim3A_826 : i32 to vector<16xi32>
      %scan3A_828 = arith.constant 0 : i32
      %scan3A_829 = arith.constant 128 : i32
      %scan3A_830 = arith.addi %scan3A_828, %scan3A_829 : i32
      %scan3A_831 = arith.constant 4 : i32
      scf.for %scan3A_1305 = %scan3A_828 to %scan3A_830 step %scan3A_831  : i32 {
        %mul3A_1306 = arith.constant 1 : i32
        %mul3A_1307 = arith.muli %scan3A_1305, %mul3A_1306 : i32
        %add3A_1308 = arith.constant 0 : i32
        %add3A_1309 = arith.addi %add3A_1308, %mul3A_1307 : i32
        %broadcast_in_dim3A_1310 = vector.broadcast %add3A_1309 : i32 to vector<16xi32>
        %add3A_1311 = arith.constant 896 : i32
        %add3A_1312 = arith.addi %add3A_1311, %add3A_1309 : i32
        %get3A = arith.index_cast %add3A_1312 : i32 to index
        %get3A_1313 = arith.constant 0 : index
        %get3A_1314 = tpu.vector_load %arg6[%get3A, %get3A_1313] {strides = array<i32>} : memref<1024x32xf32, #tpu.memory_space<vmem>>, vector<16xf32>,
        %get3A_1315 = arith.index_cast %add3A_1312 : i32 to index
        %get3A_1316 = arith.constant 16 : index
        %get3A_1317 = tpu.vector_load %arg6[%get3A_1315, %get3A_1316] {strides = array<i32>} : memref<1024x32xf32, #tpu.memory_space<vmem>>, vector<16xf32>,
        tpu.vector_store_idx %arg8[%shift_right_logical3A_4, %broadcast_in_dim3A_827, %and3A_9, %broadcast_in_dim3A_1310], %get3A_1314 : memref<4x8x8x129xf32, #tpu.memory_space<vmem>>[vector<16xi32>, vector<16xi32>, vector<16xi32>, vector<16xi32>], vector<16xf32>,
        tpu.vector_store_idx %arg8[%add3A_7, %broadcast_in_dim3A_827, %and3A_9, %broadcast_in_dim3A_1310], %get3A_1317 : memref<4x8x8x129xf32, #tpu.memory_space<vmem>>[vector<16xi32>, vector<16xi32>, vector<16xi32>, vector<16xi32>], vector<16xf32>,
        %scan3A_1318 = arith.constant 1 : i32
        %scan3A_1319 = arith.addi %scan3A_1305, %scan3A_1318 : i32
        %mul3A_1320 = arith.constant 1 : i32
        %mul3A_1321 = arith.muli %scan3A_1319, %mul3A_1320 : i32
        %add3A_1322 = arith.constant 0 : i32
        %add3A_1323 = arith.addi %add3A_1322, %mul3A_1321 : i32
        %broadcast_in_dim3A_1324 = vector.broadcast %add3A_1323 : i32 to vector<16xi32>
        %add3A_1325 = arith.constant 896 : i32
        %add3A_1326 = arith.addi %add3A_1325, %add3A_1323 : i32
        %get3A_1327 = arith.index_cast %add3A_1326 : i32 to index
        %get3A_1328 = arith.constant 0 : index
        %get3A_1329 = tpu.vector_load %arg6[%get3A_1327, %get3A_1328] {strides = array<i32>} : memref<1024x32xf32, #tpu.memory_space<vmem>>, vector<16xf32>,
        %get3A_1330 = arith.index_cast %add3A_1326 : i32 to index
        %get3A_1331 = arith.constant 16 : index
        %get3A_1332 = tpu.vector_load %arg6[%get3A_1330, %get3A_1331] {strides = array<i32>} : memref<1024x32xf32, #tpu.memory_space<vmem>>, vector<16xf32>,
        tpu.vector_store_idx %arg8[%shift_right_logical3A_4, %broadcast_in_dim3A_827, %and3A_9, %broadcast_in_dim3A_1324], %get3A_1329 : memref<4x8x8x129xf32, #tpu.memory_space<vmem>>[vector<16xi32>, vector<16xi32>, vector<16xi32>, vector<16xi32>], vector<16xf32>,
        tpu.vector_store_idx %arg8[%add3A_7, %broadcast_in_dim3A_827, %and3A_9, %broadcast_in_dim3A_1324], %get3A_1332 : memref<4x8x8x129xf32, #tpu.memory_space<vmem>>[vector<16xi32>, vector<16xi32>, vector<16xi32>, vector<16xi32>], vector<16xf32>,
        %scan3A_1333 = arith.constant 2 : i32
        %scan3A_1334 = arith.addi %scan3A_1305, %scan3A_1333 : i32
        %mul3A_1335 = arith.constant 1 : i32
        %mul3A_1336 = arith.muli %scan3A_1334, %mul3A_1335 : i32
        %add3A_1337 = arith.constant 0 : i32
        %add3A_1338 = arith.addi %add3A_1337, %mul3A_1336 : i32
        %broadcast_in_dim3A_1339 = vector.broadcast %add3A_1338 : i32 to vector<16xi32>
        %add3A_1340 = arith.constant 896 : i32
        %add3A_1341 = arith.addi %add3A_1340, %add3A_1338 : i32
        %get3A_1342 = arith.index_cast %add3A_1341 : i32 to index
        %get3A_1343 = arith.constant 0 : index
        %get3A_1344 = tpu.vector_load %arg6[%get3A_1342, %get3A_1343] {strides = array<i32>} : memref<1024x32xf32, #tpu.memory_space<vmem>>, vector<16xf32>,
        %get3A_1345 = arith.index_cast %add3A_1341 : i32 to index
        %get3A_1346 = arith.constant 16 : index
        %get3A_1347 = tpu.vector_load %arg6[%get3A_1345, %get3A_1346] {strides = array<i32>} : memref<1024x32xf32, #tpu.memory_space<vmem>>, vector<16xf32>,
        tpu.vector_store_idx %arg8[%shift_right_logical3A_4, %broadcast_in_dim3A_827, %and3A_9, %broadcast_in_dim3A_1339], %get3A_1344 : memref<4x8x8x129xf32, #tpu.memory_space<vmem>>[vector<16xi32>, vector<16xi32>, vector<16xi32>, vector<16xi32>], vector<16xf32>,
        tpu.vector_store_idx %arg8[%add3A_7, %broadcast_in_dim3A_827, %and3A_9, %broadcast_in_dim3A_1339], %get3A_1347 : memref<4x8x8x129xf32, #tpu.memory_space<vmem>>[vector<16xi32>, vector<16xi32>, vector<16xi32>, vector<16xi32>], vector<16xf32>,
        %scan3A_1348 = arith.constant 3 : i32
        %scan3A_1349 = arith.addi %scan3A_1305, %scan3A_1348 : i32
        %mul3A_1350 = arith.constant 1 : i32
        %mul3A_1351 = arith.muli %scan3A_1349, %mul3A_1350 : i32
        %add3A_1352 = arith.constant 0 : i32
        %add3A_1353 = arith.addi %add3A_1352, %mul3A_1351 : i32
        %broadcast_in_dim3A_1354 = vector.broadcast %add3A_1353 : i32 to vector<16xi32>
        %add3A_1355 = arith.constant 896 : i32
        %add3A_1356 = arith.addi %add3A_1355, %add3A_1353 : i32
        %get3A_1357 = arith.index_cast %add3A_1356 : i32 to index
        %get3A_1358 = arith.constant 0 : index
        %get3A_1359 = tpu.vector_load %arg6[%get3A_1357, %get3A_1358] {strides = array<i32>} : memref<1024x32xf32, #tpu.memory_space<vmem>>, vector<16xf32>,
        %get3A_1360 = arith.index_cast %add3A_1356 : i32 to index
        %get3A_1361 = arith.constant 16 : index
        %get3A_1362 = tpu.vector_load %arg6[%get3A_1360, %get3A_1361] {strides = array<i32>} : memref<1024x32xf32, #tpu.memory_space<vmem>>, vector<16xf32>,
        tpu.vector_store_idx %arg8[%shift_right_logical3A_4, %broadcast_in_dim3A_827, %and3A_9, %broadcast_in_dim3A_1354], %get3A_1359 : memref<4x8x8x129xf32, #tpu.memory_space<vmem>>[vector<16xi32>, vector<16xi32>, vector<16xi32>, vector<16xi32>], vector<16xf32>,
        tpu.vector_store_idx %arg8[%add3A_7, %broadcast_in_dim3A_827, %and3A_9, %broadcast_in_dim3A_1354], %get3A_1362 : memref<4x8x8x129xf32, #tpu.memory_space<vmem>>[vector<16xi32>, vector<16xi32>, vector<16xi32>, vector<16xi32>], vector<16xf32>,
      }
      %scan3A_832 = arith.constant 128 : i32
      %mul3A_833 = arith.constant 1024 : i32
      %mul3A_834 = arith.muli %mul3A_536, %mul3A_833 : i32
      %add3A_835 = arith.addi %mul3A_2, %mul3A_834 : i32
      %jit3A_836 = arith.constant 4096 : i32
      %div3A_837 = arith.divsi %add3A_835, %jit3A_836 : i32
      %sign3A_838 = arith.constant 0 : i32
      %sign3A_839 = arith.cmpi sgt, %add3A_835, %sign3A_838 : i32
      %sign3A_840 = arith.extui %sign3A_839 : i1 to i32
      %sign3A_841 = arith.constant 0 : i32
      %sign3A_842 = arith.cmpi slt, %add3A_835, %sign3A_841 : i32
      %sign3A_843 = arith.extui %sign3A_842 : i1 to i32
      %sign3A_844 = arith.subi %sign3A_840, %sign3A_843 : i32
      %sign3A_845 = arith.constant 0 : i32
      %sign3A_846 = arith.cmpi sgt, %jit3A_836, %sign3A_845 : i32
      %sign3A_847 = arith.extui %sign3A_846 : i1 to i32
      %sign3A_848 = arith.constant 0 : i32
      %sign3A_849 = arith.cmpi slt, %jit3A_836, %sign3A_848 : i32
      %sign3A_850 = arith.extui %sign3A_849 : i1 to i32
      %sign3A_851 = arith.subi %sign3A_847, %sign3A_850 : i32
      %ne3A_852 = arith.cmpi ne, %sign3A_844, %sign3A_851 : i32
      %rem3A_853 = arith.remsi %add3A_835, %jit3A_836 : i32
      %ne3A_854 = arith.constant 0 : i32
      %ne3A_855 = arith.cmpi ne, %rem3A_853, %ne3A_854 : i32
      %and3A_856 = arith.andi %ne3A_852, %ne3A_855 : i1
      %sub3A_857 = arith.constant 1 : i32
      %sub3A_858 = arith.subi %div3A_837, %sub3A_857 : i32
      %select_n3A_859 = arith.select %and3A_856, %sub3A_858, %div3A_837 : i32
      %jit3A_860 = arith.constant 4096 : i32
      %eq3A_861 = arith.constant 0 : i32
      %eq3A_862 = arith.cmpi eq, %jit3A_860, %eq3A_861 : i32
      %jit3A_863 = arith.constant 1 : i32
      %select_n3A_864 = arith.select %eq3A_862, %jit3A_863, %jit3A_860 : i32
      %rem3A_865 = arith.remsi %add3A_835, %select_n3A_864 : i32
      %ne3A_866 = arith.constant 0 : i32
      %ne3A_867 = arith.cmpi ne, %rem3A_865, %ne3A_866 : i32
      %lt3A_868 = arith.constant 0 : i32
      %lt3A_869 = arith.cmpi slt, %rem3A_865, %lt3A_868 : i32
      %lt3A_870 = arith.constant 0 : i32
      %lt3A_871 = arith.cmpi slt, %select_n3A_864, %lt3A_870 : i32
      %ne3A_872 = arith.xori %lt3A_869, %lt3A_871 : i1
      %and3A_873 = arith.andi %ne3A_872, %ne3A_867 : i1
      %add3A_874 = arith.addi %rem3A_865, %select_n3A_864 : i32
      %select_n3A_875 = arith.select %and3A_873, %add3A_874, %rem3A_865 : i32
      %jit3A_876 = arith.constant 128 : i32
      %div3A_877 = arith.divsi %select_n3A_875, %jit3A_876 : i32
      %sign3A_878 = arith.constant 0 : i32
      %sign3A_879 = arith.cmpi sgt, %select_n3A_875, %sign3A_878 : i32
      %sign3A_880 = arith.extui %sign3A_879 : i1 to i32
      %sign3A_881 = arith.constant 0 : i32
      %sign3A_882 = arith.cmpi slt, %select_n3A_875, %sign3A_881 : i32
      %sign3A_883 = arith.extui %sign3A_882 : i1 to i32
      %sign3A_884 = arith.subi %sign3A_880, %sign3A_883 : i32
      %sign3A_885 = arith.constant 0 : i32
      %sign3A_886 = arith.cmpi sgt, %jit3A_876, %sign3A_885 : i32
      %sign3A_887 = arith.extui %sign3A_886 : i1 to i32
      %sign3A_888 = arith.constant 0 : i32
      %sign3A_889 = arith.cmpi slt, %jit3A_876, %sign3A_888 : i32
      %sign3A_890 = arith.extui %sign3A_889 : i1 to i32
      %sign3A_891 = arith.subi %sign3A_887, %sign3A_890 : i32
      %ne3A_892 = arith.cmpi ne, %sign3A_884, %sign3A_891 : i32
      %rem3A_893 = arith.remsi %select_n3A_875, %jit3A_876 : i32
      %ne3A_894 = arith.constant 0 : i32
      %ne3A_895 = arith.cmpi ne, %rem3A_893, %ne3A_894 : i32
      %and3A_896 = arith.andi %ne3A_892, %ne3A_895 : i1
      %sub3A_897 = arith.constant 1 : i32
      %sub3A_898 = arith.subi %div3A_877, %sub3A_897 : i32
      %select_n3A_899 = arith.select %and3A_896, %sub3A_898, %div3A_877 : i32
      %dma_start3A_900 = arith.constant 0 : i32
      %dma_start3A_901 = arith.constant 0 : i32
      %dma_start3A_902 = arith.constant 0 : i32
      %dma_start3A_903 = arith.constant 0 : i32
      %dma_start3A_904 = tpu.memref_slice %arg8[%dma_start3A_900, %dma_start3A_901, %dma_start3A_902, %dma_start3A_903] : memref<4x8x8x129xf32, #tpu.memory_space<vmem>> -> memref<4x8x8x128xf32, #tpu.memory_space<vmem>>
      %dma_start3A_905 = arith.constant 0 : i32
      %dma_start3A_906 = arith.constant 0 : i32
      %dma_start3A_907 = arith.constant 0 : i32
      %dma_start3A_908 = tpu.memref_slice %arg4[%select_n3A_859, %dma_start3A_905, %select_n3A_899, %dma_start3A_906, %dma_start3A_907] : memref<200x4x32x8x128xf32, #tpu.memory_space<hbm>> -> memref<1x4x8x8x128xf32, #tpu.memory_space<hbm>>
      %dma_start3A_909 = tpu.memref_squeeze %dma_start3A_908 : memref<1x4x8x8x128xf32, #tpu.memory_space<hbm>> -> memref<4x8x8x128xf32, #tpu.memory_space<hbm>>
      %dma_start3A_910 = arith.constant 0 : i32
      %dma_start3A_911 = arith.constant 0 : i32
      %dma_start3A_912 = arith.constant 0 : i32
      %dma_start3A_913 = tpu.memref_slice %arg4[%select_n3A_859, %dma_start3A_910, %select_n3A_899, %dma_start3A_911, %dma_start3A_912] : memref<200x4x32x8x128xf32, #tpu.memory_space<hbm>> -> memref<1x4x8x8x128xf32, #tpu.memory_space<hbm>>
      %dma_start3A_914 = tpu.memref_squeeze %dma_start3A_913 : memref<1x4x8x8x128xf32, #tpu.memory_space<hbm>> -> memref<4x8x8x128xf32, #tpu.memory_space<hbm>>
      %dma_start3A_915 = arith.constant 0 : i32
      %dma_start3A_916 = arith.constant 0 : i32
      %dma_start3A_917 = arith.constant 0 : i32
      %dma_start3A_918 = arith.constant 0 : i32
      %dma_start3A_919 = tpu.memref_slice %arg8[%dma_start3A_915, %dma_start3A_916, %dma_start3A_917, %dma_start3A_918] : memref<4x8x8x129xf32, #tpu.memory_space<vmem>> -> memref<4x8x8x128xf32, #tpu.memory_space<vmem>>
      tpu.enqueue_dma source(%dma_start3A_919 : memref<4x8x8x128xf32, #tpu.memory_space<vmem>>) target(%dma_start3A_914 : memref<4x8x8x128xf32, #tpu.memory_space<hbm>>) target_semaphore(%arg11 : memref<!tpu.dma_semaphore, #tpu.memory_space<semaphore_mem>>)
      %add3A_920 = arith.constant 2 : i32
      %add3A_921 = arith.addi %mul3A_536, %add3A_920 : i32
      %mul3A_922 = arith.constant 1024 : i32
      %mul3A_923 = arith.muli %add3A_921, %mul3A_922 : i32
      %add3A_924 = arith.constant 0 : i32
      %add3A_925 = arith.addi %mul3A_923, %add3A_924 : i32
      %dma_start3A_926 = arith.constant 0 : i32
      %dma_start3A_927 = arith.constant 0 : i32
      %dma_start3A_928 = tpu.memref_slice %arg6[%dma_start3A_926, %dma_start3A_927] : memref<1024x32xf32, #tpu.memory_space<vmem>> -> memref<128x32xf32, #tpu.memory_space<vmem>>
      %dma_start3A_929 = tpu.memref_slice %arg5[%add3A_925] : memref<25600xi32, #tpu.memory_space<vmem>> -> memref<128xi32, #tpu.memory_space<vmem>>
      %dma_start3A_930 = arith.constant 0 : i32
      %dma_start3A_931 = arith.constant 0 : i32
      %dma_start3A_932 = tpu.memref_slice %arg2[%dma_start3A_930, %dma_start3A_931] : memref<4000004x32xf32, #tpu.memory_space<hbm>> -> memref<4000004x32xf32, #tpu.memory_space<hbm>>
      tpu.enqueue_indirect_dma source(%dma_start3A_932 : memref<4000004x32xf32, #tpu.memory_space<hbm>>) target(%dma_start3A_928 : memref<128x32xf32, #tpu.memory_space<vmem>>) offsets(%dma_start3A_929 : memref<128xi32, #tpu.memory_space<vmem>>) semaphore(%arg9 : memref<!tpu.dma_semaphore, #tpu.memory_space<semaphore_mem>>)
      %mul3A_933 = arith.constant 1024 : i32
      %mul3A_934 = arith.muli %add3A_921, %mul3A_933 : i32
      %add3A_935 = arith.constant 128 : i32
      %add3A_936 = arith.addi %mul3A_934, %add3A_935 : i32
      %dma_start3A_937 = arith.constant 128 : i32
      %dma_start3A_938 = arith.constant 0 : i32
      %dma_start3A_939 = tpu.memref_slice %arg6[%dma_start3A_937, %dma_start3A_938] : memref<1024x32xf32, #tpu.memory_space<vmem>> -> memref<128x32xf32, #tpu.memory_space<vmem>>
      %dma_start3A_940 = tpu.memref_slice %arg5[%add3A_936] : memref<25600xi32, #tpu.memory_space<vmem>> -> memref<128xi32, #tpu.memory_space<vmem>>
      %dma_start3A_941 = arith.constant 0 : i32
      %dma_start3A_942 = arith.constant 0 : i32
      %dma_start3A_943 = tpu.memref_slice %arg2[%dma_start3A_941, %dma_start3A_942] : memref<4000004x32xf32, #tpu.memory_space<hbm>> -> memref<4000004x32xf32, #tpu.memory_space<hbm>>
      tpu.enqueue_indirect_dma source(%dma_start3A_943 : memref<4000004x32xf32, #tpu.memory_space<hbm>>) target(%dma_start3A_939 : memref<128x32xf32, #tpu.memory_space<vmem>>) offsets(%dma_start3A_940 : memref<128xi32, #tpu.memory_space<vmem>>) semaphore(%arg9 : memref<!tpu.dma_semaphore, #tpu.memory_space<semaphore_mem>>)
      %mul3A_944 = arith.constant 1024 : i32
      %mul3A_945 = arith.muli %add3A_921, %mul3A_944 : i32
      %add3A_946 = arith.constant 256 : i32
      %add3A_947 = arith.addi %mul3A_945, %add3A_946 : i32
      %dma_start3A_948 = arith.constant 256 : i32
      %dma_start3A_949 = arith.constant 0 : i32
      %dma_start3A_950 = tpu.memref_slice %arg6[%dma_start3A_948, %dma_start3A_949] : memref<1024x32xf32, #tpu.memory_space<vmem>> -> memref<128x32xf32, #tpu.memory_space<vmem>>
      %dma_start3A_951 = tpu.memref_slice %arg5[%add3A_947] : memref<25600xi32, #tpu.memory_space<vmem>> -> memref<128xi32, #tpu.memory_space<vmem>>
      %dma_start3A_952 = arith.constant 0 : i32
      %dma_start3A_953 = arith.constant 0 : i32
      %dma_start3A_954 = tpu.memref_slice %arg2[%dma_start3A_952, %dma_start3A_953] : memref<4000004x32xf32, #tpu.memory_space<hbm>> -> memref<4000004x32xf32, #tpu.memory_space<hbm>>
      tpu.enqueue_indirect_dma source(%dma_start3A_954 : memref<4000004x32xf32, #tpu.memory_space<hbm>>) target(%dma_start3A_950 : memref<128x32xf32, #tpu.memory_space<vmem>>) offsets(%dma_start3A_951 : memref<128xi32, #tpu.memory_space<vmem>>) semaphore(%arg9 : memref<!tpu.dma_semaphore, #tpu.memory_space<semaphore_mem>>)
      %mul3A_955 = arith.constant 1024 : i32
      %mul3A_956 = arith.muli %add3A_921, %mul3A_955 : i32
      %add3A_957 = arith.constant 384 : i32
      %add3A_958 = arith.addi %mul3A_956, %add3A_957 : i32
      %dma_start3A_959 = arith.constant 384 : i32
      %dma_start3A_960 = arith.constant 0 : i32
      %dma_start3A_961 = tpu.memref_slice %arg6[%dma_start3A_959, %dma_start3A_960] : memref<1024x32xf32, #tpu.memory_space<vmem>> -> memref<128x32xf32, #tpu.memory_space<vmem>>
      %dma_start3A_962 = tpu.memref_slice %arg5[%add3A_958] : memref<25600xi32, #tpu.memory_space<vmem>> -> memref<128xi32, #tpu.memory_space<vmem>>
      %dma_start3A_963 = arith.constant 0 : i32
      %dma_start3A_964 = arith.constant 0 : i32
      %dma_start3A_965 = tpu.memref_slice %arg2[%dma_start3A_963, %dma_start3A_964] : memref<4000004x32xf32, #tpu.memory_space<hbm>> -> memref<4000004x32xf32, #tpu.memory_space<hbm>>
      tpu.enqueue_indirect_dma source(%dma_start3A_965 : memref<4000004x32xf32, #tpu.memory_space<hbm>>) target(%dma_start3A_961 : memref<128x32xf32, #tpu.memory_space<vmem>>) offsets(%dma_start3A_962 : memref<128xi32, #tpu.memory_space<vmem>>) semaphore(%arg9 : memref<!tpu.dma_semaphore, #tpu.memory_space<semaphore_mem>>)
      %mul3A_966 = arith.constant 1024 : i32
      %mul3A_967 = arith.muli %add3A_921, %mul3A_966 : i32
      %add3A_968 = arith.constant 512 : i32
      %add3A_969 = arith.addi %mul3A_967, %add3A_968 : i32
      %dma_start3A_970 = arith.constant 512 : i32
      %dma_start3A_971 = arith.constant 0 : i32
      %dma_start3A_972 = tpu.memref_slice %arg6[%dma_start3A_970, %dma_start3A_971] : memref<1024x32xf32, #tpu.memory_space<vmem>> -> memref<128x32xf32, #tpu.memory_space<vmem>>
      %dma_start3A_973 = tpu.memref_slice %arg5[%add3A_969] : memref<25600xi32, #tpu.memory_space<vmem>> -> memref<128xi32, #tpu.memory_space<vmem>>
      %dma_start3A_974 = arith.constant 0 : i32
      %dma_start3A_975 = arith.constant 0 : i32
      %dma_start3A_976 = tpu.memref_slice %arg2[%dma_start3A_974, %dma_start3A_975] : memref<4000004x32xf32, #tpu.memory_space<hbm>> -> memref<4000004x32xf32, #tpu.memory_space<hbm>>
      tpu.enqueue_indirect_dma source(%dma_start3A_976 : memref<4000004x32xf32, #tpu.memory_space<hbm>>) target(%dma_start3A_972 : memref<128x32xf32, #tpu.memory_space<vmem>>) offsets(%dma_start3A_973 : memref<128xi32, #tpu.memory_space<vmem>>) semaphore(%arg9 : memref<!tpu.dma_semaphore, #tpu.memory_space<semaphore_mem>>)
      %mul3A_977 = arith.constant 1024 : i32
      %mul3A_978 = arith.muli %add3A_921, %mul3A_977 : i32
      %add3A_979 = arith.constant 640 : i32
      %add3A_980 = arith.addi %mul3A_978, %add3A_979 : i32
      %dma_start3A_981 = arith.constant 640 : i32
      %dma_start3A_982 = arith.constant 0 : i32
      %dma_start3A_983 = tpu.memref_slice %arg6[%dma_start3A_981, %dma_start3A_982] : memref<1024x32xf32, #tpu.memory_space<vmem>> -> memref<128x32xf32, #tpu.memory_space<vmem>>
      %dma_start3A_984 = tpu.memref_slice %arg5[%add3A_980] : memref<25600xi32, #tpu.memory_space<vmem>> -> memref<128xi32, #tpu.memory_space<vmem>>
      %dma_start3A_985 = arith.constant 0 : i32
      %dma_start3A_986 = arith.constant 0 : i32
      %dma_start3A_987 = tpu.memref_slice %arg2[%dma_start3A_985, %dma_start3A_986] : memref<4000004x32xf32, #tpu.memory_space<hbm>> -> memref<4000004x32xf32, #tpu.memory_space<hbm>>
      tpu.enqueue_indirect_dma source(%dma_start3A_987 : memref<4000004x32xf32, #tpu.memory_space<hbm>>) target(%dma_start3A_983 : memref<128x32xf32, #tpu.memory_space<vmem>>) offsets(%dma_start3A_984 : memref<128xi32, #tpu.memory_space<vmem>>) semaphore(%arg9 : memref<!tpu.dma_semaphore, #tpu.memory_space<semaphore_mem>>)
      %mul3A_988 = arith.constant 1024 : i32
      %mul3A_989 = arith.muli %add3A_921, %mul3A_988 : i32
      %add3A_990 = arith.constant 768 : i32
      %add3A_991 = arith.addi %mul3A_989, %add3A_990 : i32
      %dma_start3A_992 = arith.constant 768 : i32
      %dma_start3A_993 = arith.constant 0 : i32
      %dma_start3A_994 = tpu.memref_slice %arg6[%dma_start3A_992, %dma_start3A_993] : memref<1024x32xf32, #tpu.memory_space<vmem>> -> memref<128x32xf32, #tpu.memory_space<vmem>>
      %dma_start3A_995 = tpu.memref_slice %arg5[%add3A_991] : memref<25600xi32, #tpu.memory_space<vmem>> -> memref<128xi32, #tpu.memory_space<vmem>>
      %dma_start3A_996 = arith.constant 0 : i32
      %dma_start3A_997 = arith.constant 0 : i32
      %dma_start3A_998 = tpu.memref_slice %arg2[%dma_start3A_996, %dma_start3A_997] : memref<4000004x32xf32, #tpu.memory_space<hbm>> -> memref<4000004x32xf32, #tpu.memory_space<hbm>>
      tpu.enqueue_indirect_dma source(%dma_start3A_998 : memref<4000004x32xf32, #tpu.memory_space<hbm>>) target(%dma_start3A_994 : memref<128x32xf32, #tpu.memory_space<vmem>>) offsets(%dma_start3A_995 : memref<128xi32, #tpu.memory_space<vmem>>) semaphore(%arg9 : memref<!tpu.dma_semaphore, #tpu.memory_space<semaphore_mem>>)
      %mul3A_999 = arith.constant 1024 : i32
      %mul3A_1000 = arith.muli %add3A_921, %mul3A_999 : i32
      %add3A_1001 = arith.constant 896 : i32
      %add3A_1002 = arith.addi %mul3A_1000, %add3A_1001 : i32
      %dma_start3A_1003 = arith.constant 896 : i32
      %dma_start3A_1004 = arith.constant 0 : i32
      %dma_start3A_1005 = tpu.memref_slice %arg6[%dma_start3A_1003, %dma_start3A_1004] : memref<1024x32xf32, #tpu.memory_space<vmem>> -> memref<128x32xf32, #tpu.memory_space<vmem>>
      %dma_start3A_1006 = tpu.memref_slice %arg5[%add3A_1002] : memref<25600xi32, #tpu.memory_space<vmem>> -> memref<128xi32, #tpu.memory_space<vmem>>
      %dma_start3A_1007 = arith.constant 0 : i32
      %dma_start3A_1008 = arith.constant 0 : i32
      %dma_start3A_1009 = tpu.memref_slice %arg2[%dma_start3A_1007, %dma_start3A_1008] : memref<4000004x32xf32, #tpu.memory_space<hbm>> -> memref<4000004x32xf32, #tpu.memory_space<hbm>>
      tpu.enqueue_indirect_dma source(%dma_start3A_1009 : memref<4000004x32xf32, #tpu.memory_space<hbm>>) target(%dma_start3A_1005 : memref<128x32xf32, #tpu.memory_space<vmem>>) offsets(%dma_start3A_1006 : memref<128xi32, #tpu.memory_space<vmem>>) semaphore(%arg9 : memref<!tpu.dma_semaphore, #tpu.memory_space<semaphore_mem>>)
      %dma_wait3A_1010 = arith.constant 0 : i32
      %dma_wait3A_1011 = arith.constant 0 : i32
      %dma_wait3A_1012 = tpu.memref_slice %arg7[%dma_wait3A_1010, %dma_wait3A_1011] : memref<1024x32xf32, #tpu.memory_space<vmem>> -> memref<128x32xf32, #tpu.memory_space<vmem>>
      %dma_wait3A_1013 = arith.constant 0 : i32
      %dma_wait3A_1014 = tpu.memref_slice %arg5[%dma_wait3A_1013] : memref<25600xi32, #tpu.memory_space<vmem>> -> memref<128xi32, #tpu.memory_space<vmem>>
      %dma_wait3A_1015 = arith.constant 0 : i32
      %dma_wait3A_1016 = arith.constant 0 : i32
      %dma_wait3A_1017 = tpu.memref_slice %arg2[%dma_wait3A_1015, %dma_wait3A_1016] : memref<4000004x32xf32, #tpu.memory_space<hbm>> -> memref<4000004x32xf32, #tpu.memory_space<hbm>>
      tpu.wait_indirect_dma semaphore(%arg10 : memref<!tpu.dma_semaphore, #tpu.memory_space<semaphore_mem>>) src(%dma_wait3A_1017 : memref<4000004x32xf32, #tpu.memory_space<hbm>>) dst(%dma_wait3A_1012 : memref<128x32xf32, #tpu.memory_space<vmem>>)
      %dma_wait3A_1018 = arith.constant 128 : i32
      %dma_wait3A_1019 = arith.constant 0 : i32
      %dma_wait3A_1020 = tpu.memref_slice %arg7[%dma_wait3A_1018, %dma_wait3A_1019] : memref<1024x32xf32, #tpu.memory_space<vmem>> -> memref<128x32xf32, #tpu.memory_space<vmem>>
      %dma_wait3A_1021 = arith.constant 128 : i32
      %dma_wait3A_1022 = tpu.memref_slice %arg5[%dma_wait3A_1021] : memref<25600xi32, #tpu.memory_space<vmem>> -> memref<128xi32, #tpu.memory_space<vmem>>
      %dma_wait3A_1023 = arith.constant 0 : i32
      %dma_wait3A_1024 = arith.constant 0 : i32
      %dma_wait3A_1025 = tpu.memref_slice %arg2[%dma_wait3A_1023, %dma_wait3A_1024] : memref<4000004x32xf32, #tpu.memory_space<hbm>> -> memref<4000004x32xf32, #tpu.memory_space<hbm>>
      tpu.wait_indirect_dma semaphore(%arg10 : memref<!tpu.dma_semaphore, #tpu.memory_space<semaphore_mem>>) src(%dma_wait3A_1025 : memref<4000004x32xf32, #tpu.memory_space<hbm>>) dst(%dma_wait3A_1020 : memref<128x32xf32, #tpu.memory_space<vmem>>)
      %dma_wait3A_1026 = arith.constant 256 : i32
      %dma_wait3A_1027 = arith.constant 0 : i32
      %dma_wait3A_1028 = tpu.memref_slice %arg7[%dma_wait3A_1026, %dma_wait3A_1027] : memref<1024x32xf32, #tpu.memory_space<vmem>> -> memref<128x32xf32, #tpu.memory_space<vmem>>
      %dma_wait3A_1029 = arith.constant 256 : i32
      %dma_wait3A_1030 = tpu.memref_slice %arg5[%dma_wait3A_1029] : memref<25600xi32, #tpu.memory_space<vmem>> -> memref<128xi32, #tpu.memory_space<vmem>>
      %dma_wait3A_1031 = arith.constant 0 : i32
      %dma_wait3A_1032 = arith.constant 0 : i32
      %dma_wait3A_1033 = tpu.memref_slice %arg2[%dma_wait3A_1031, %dma_wait3A_1032] : memref<4000004x32xf32, #tpu.memory_space<hbm>> -> memref<4000004x32xf32, #tpu.memory_space<hbm>>
      tpu.wait_indirect_dma semaphore(%arg10 : memref<!tpu.dma_semaphore, #tpu.memory_space<semaphore_mem>>) src(%dma_wait3A_1033 : memref<4000004x32xf32, #tpu.memory_space<hbm>>) dst(%dma_wait3A_1028 : memref<128x32xf32, #tpu.memory_space<vmem>>)
      %dma_wait3A_1034 = arith.constant 384 : i32
      %dma_wait3A_1035 = arith.constant 0 : i32
      %dma_wait3A_1036 = tpu.memref_slice %arg7[%dma_wait3A_1034, %dma_wait3A_1035] : memref<1024x32xf32, #tpu.memory_space<vmem>> -> memref<128x32xf32, #tpu.memory_space<vmem>>
      %dma_wait3A_1037 = arith.constant 384 : i32
      %dma_wait3A_1038 = tpu.memref_slice %arg5[%dma_wait3A_1037] : memref<25600xi32, #tpu.memory_space<vmem>> -> memref<128xi32, #tpu.memory_space<vmem>>
      %dma_wait3A_1039 = arith.constant 0 : i32
      %dma_wait3A_1040 = arith.constant 0 : i32
      %dma_wait3A_1041 = tpu.memref_slice %arg2[%dma_wait3A_1039, %dma_wait3A_1040] : memref<4000004x32xf32, #tpu.memory_space<hbm>> -> memref<4000004x32xf32, #tpu.memory_space<hbm>>
      tpu.wait_indirect_dma semaphore(%arg10 : memref<!tpu.dma_semaphore, #tpu.memory_space<semaphore_mem>>) src(%dma_wait3A_1041 : memref<4000004x32xf32, #tpu.memory_space<hbm>>) dst(%dma_wait3A_1036 : memref<128x32xf32, #tpu.memory_space<vmem>>)
      %dma_wait3A_1042 = arith.constant 512 : i32
      %dma_wait3A_1043 = arith.constant 0 : i32
      %dma_wait3A_1044 = tpu.memref_slice %arg7[%dma_wait3A_1042, %dma_wait3A_1043] : memref<1024x32xf32, #tpu.memory_space<vmem>> -> memref<128x32xf32, #tpu.memory_space<vmem>>
      %dma_wait3A_1045 = arith.constant 512 : i32
      %dma_wait3A_1046 = tpu.memref_slice %arg5[%dma_wait3A_1045] : memref<25600xi32, #tpu.memory_space<vmem>> -> memref<128xi32, #tpu.memory_space<vmem>>
      %dma_wait3A_1047 = arith.constant 0 : i32
      %dma_wait3A_1048 = arith.constant 0 : i32
      %dma_wait3A_1049 = tpu.memref_slice %arg2[%dma_wait3A_1047, %dma_wait3A_1048] : memref<4000004x32xf32, #tpu.memory_space<hbm>> -> memref<4000004x32xf32, #tpu.memory_space<hbm>>
      tpu.wait_indirect_dma semaphore(%arg10 : memref<!tpu.dma_semaphore, #tpu.memory_space<semaphore_mem>>) src(%dma_wait3A_1049 : memref<4000004x32xf32, #tpu.memory_space<hbm>>) dst(%dma_wait3A_1044 : memref<128x32xf32, #tpu.memory_space<vmem>>)
      %dma_wait3A_1050 = arith.constant 640 : i32
      %dma_wait3A_1051 = arith.constant 0 : i32
      %dma_wait3A_1052 = tpu.memref_slice %arg7[%dma_wait3A_1050, %dma_wait3A_1051] : memref<1024x32xf32, #tpu.memory_space<vmem>> -> memref<128x32xf32, #tpu.memory_space<vmem>>
      %dma_wait3A_1053 = arith.constant 640 : i32
      %dma_wait3A_1054 = tpu.memref_slice %arg5[%dma_wait3A_1053] : memref<25600xi32, #tpu.memory_space<vmem>> -> memref<128xi32, #tpu.memory_space<vmem>>
      %dma_wait3A_1055 = arith.constant 0 : i32
      %dma_wait3A_1056 = arith.constant 0 : i32
      %dma_wait3A_1057 = tpu.memref_slice %arg2[%dma_wait3A_1055, %dma_wait3A_1056] : memref<4000004x32xf32, #tpu.memory_space<hbm>> -> memref<4000004x32xf32, #tpu.memory_space<hbm>>
      tpu.wait_indirect_dma semaphore(%arg10 : memref<!tpu.dma_semaphore, #tpu.memory_space<semaphore_mem>>) src(%dma_wait3A_1057 : memref<4000004x32xf32, #tpu.memory_space<hbm>>) dst(%dma_wait3A_1052 : memref<128x32xf32, #tpu.memory_space<vmem>>)
      %dma_wait3A_1058 = arith.constant 768 : i32
      %dma_wait3A_1059 = arith.constant 0 : i32
      %dma_wait3A_1060 = tpu.memref_slice %arg7[%dma_wait3A_1058, %dma_wait3A_1059] : memref<1024x32xf32, #tpu.memory_space<vmem>> -> memref<128x32xf32, #tpu.memory_space<vmem>>
      %dma_wait3A_1061 = arith.constant 768 : i32
      %dma_wait3A_1062 = tpu.memref_slice %arg5[%dma_wait3A_1061] : memref<25600xi32, #tpu.memory_space<vmem>> -> memref<128xi32, #tpu.memory_space<vmem>>
      %dma_wait3A_1063 = arith.constant 0 : i32
      %dma_wait3A_1064 = arith.constant 0 : i32
      %dma_wait3A_1065 = tpu.memref_slice %arg2[%dma_wait3A_1063, %dma_wait3A_1064] : memref<4000004x32xf32, #tpu.memory_space<hbm>> -> memref<4000004x32xf32, #tpu.memory_space<hbm>>
      tpu.wait_indirect_dma semaphore(%arg10 : memref<!tpu.dma_semaphore, #tpu.memory_space<semaphore_mem>>) src(%dma_wait3A_1065 : memref<4000004x32xf32, #tpu.memory_space<hbm>>) dst(%dma_wait3A_1060 : memref<128x32xf32, #tpu.memory_space<vmem>>)
      %dma_wait3A_1066 = arith.constant 896 : i32
      %dma_wait3A_1067 = arith.constant 0 : i32
      %dma_wait3A_1068 = tpu.memref_slice %arg7[%dma_wait3A_1066, %dma_wait3A_1067] : memref<1024x32xf32, #tpu.memory_space<vmem>> -> memref<128x32xf32, #tpu.memory_space<vmem>>
      %dma_wait3A_1069 = arith.constant 896 : i32
      %dma_wait3A_1070 = tpu.memref_slice %arg5[%dma_wait3A_1069] : memref<25600xi32, #tpu.memory_space<vmem>> -> memref<128xi32, #tpu.memory_space<vmem>>
      %dma_wait3A_1071 = arith.constant 0 : i32
      %dma_wait3A_1072 = arith.constant 0 : i32
      %dma_wait3A_1073 = tpu.memref_slice %arg2[%dma_wait3A_1071, %dma_wait3A_1072] : memref<4000004x32xf32, #tpu.memory_space<hbm>> -> memref<4000004x32xf32, #tpu.memory_space<hbm>>
      tpu.wait_indirect_dma semaphore(%arg10 : memref<!tpu.dma_semaphore, #tpu.memory_space<semaphore_mem>>) src(%dma_wait3A_1073 : memref<4000004x32xf32, #tpu.memory_space<hbm>>) dst(%dma_wait3A_1068 : memref<128x32xf32, #tpu.memory_space<vmem>>)
      %add3A_1074 = arith.constant 0 : i32
      %add3A_1075 = arith.addi %mul3A_2, %add3A_1074 : i32
      %jit3A_1076 = arith.constant 4096 : i32
      %div3A_1077 = arith.divsi %add3A_1075, %jit3A_1076 : i32
      %sign3A_1078 = arith.constant 0 : i32
      %sign3A_1079 = arith.cmpi sgt, %add3A_1075, %sign3A_1078 : i32
      %sign3A_1080 = arith.extui %sign3A_1079 : i1 to i32
      %sign3A_1081 = arith.constant 0 : i32
      %sign3A_1082 = arith.cmpi slt, %add3A_1075, %sign3A_1081 : i32
      %sign3A_1083 = arith.extui %sign3A_1082 : i1 to i32
      %sign3A_1084 = arith.subi %sign3A_1080, %sign3A_1083 : i32
      %sign3A_1085 = arith.constant 0 : i32
      %sign3A_1086 = arith.cmpi sgt, %jit3A_1076, %sign3A_1085 : i32
      %sign3A_1087 = arith.extui %sign3A_1086 : i1 to i32
      %sign3A_1088 = arith.constant 0 : i32
      %sign3A_1089 = arith.cmpi slt, %jit3A_1076, %sign3A_1088 : i32
      %sign3A_1090 = arith.extui %sign3A_1089 : i1 to i32
      %sign3A_1091 = arith.subi %sign3A_1087, %sign3A_1090 : i32
      %ne3A_1092 = arith.cmpi ne, %sign3A_1084, %sign3A_1091 : i32
      %rem3A_1093 = arith.remsi %add3A_1075, %jit3A_1076 : i32
      %ne3A_1094 = arith.constant 0 : i32
      %ne3A_1095 = arith.cmpi ne, %rem3A_1093, %ne3A_1094 : i32
      %and3A_1096 = arith.andi %ne3A_1092, %ne3A_1095 : i1
      %sub3A_1097 = arith.constant 1 : i32
      %sub3A_1098 = arith.subi %div3A_1077, %sub3A_1097 : i32
      %select_n3A_1099 = arith.select %and3A_1096, %sub3A_1098, %div3A_1077 : i32
      %jit3A_1100 = arith.constant 4096 : i32
      %eq3A_1101 = arith.constant 0 : i32
      %eq3A_1102 = arith.cmpi eq, %jit3A_1100, %eq3A_1101 : i32
      %jit3A_1103 = arith.constant 1 : i32
      %select_n3A_1104 = arith.select %eq3A_1102, %jit3A_1103, %jit3A_1100 : i32
      %rem3A_1105 = arith.remsi %add3A_1075, %select_n3A_1104 : i32
      %ne3A_1106 = arith.constant 0 : i32
      %ne3A_1107 = arith.cmpi ne, %rem3A_1105, %ne3A_1106 : i32
      %lt3A_1108 = arith.constant 0 : i32
      %lt3A_1109 = arith.cmpi slt, %rem3A_1105, %lt3A_1108 : i32
      %lt3A_1110 = arith.constant 0 : i32
      %lt3A_1111 = arith.cmpi slt, %select_n3A_1104, %lt3A_1110 : i32
      %ne3A_1112 = arith.xori %lt3A_1109, %lt3A_1111 : i1
      %and3A_1113 = arith.andi %ne3A_1112, %ne3A_1107 : i1
      %add3A_1114 = arith.addi %rem3A_1105, %select_n3A_1104 : i32
      %select_n3A_1115 = arith.select %and3A_1113, %add3A_1114, %rem3A_1105 : i32
      %jit3A_1116 = arith.constant 128 : i32
      %div3A_1117 = arith.divsi %select_n3A_1115, %jit3A_1116 : i32
      %sign3A_1118 = arith.constant 0 : i32
      %sign3A_1119 = arith.cmpi sgt, %select_n3A_1115, %sign3A_1118 : i32
      %sign3A_1120 = arith.extui %sign3A_1119 : i1 to i32
      %sign3A_1121 = arith.constant 0 : i32
      %sign3A_1122 = arith.cmpi slt, %select_n3A_1115, %sign3A_1121 : i32
      %sign3A_1123 = arith.extui %sign3A_1122 : i1 to i32
      %sign3A_1124 = arith.subi %sign3A_1120, %sign3A_1123 : i32
      %sign3A_1125 = arith.constant 0 : i32
      %sign3A_1126 = arith.cmpi sgt, %jit3A_1116, %sign3A_1125 : i32
      %sign3A_1127 = arith.extui %sign3A_1126 : i1 to i32
      %sign3A_1128 = arith.constant 0 : i32
      %sign3A_1129 = arith.cmpi slt, %jit3A_1116, %sign3A_1128 : i32
      %sign3A_1130 = arith.extui %sign3A_1129 : i1 to i32
      %sign3A_1131 = arith.subi %sign3A_1127, %sign3A_1130 : i32
      %ne3A_1132 = arith.cmpi ne, %sign3A_1124, %sign3A_1131 : i32
      %rem3A_1133 = arith.remsi %select_n3A_1115, %jit3A_1116 : i32
      %ne3A_1134 = arith.constant 0 : i32
      %ne3A_1135 = arith.cmpi ne, %rem3A_1133, %ne3A_1134 : i32
      %and3A_1136 = arith.andi %ne3A_1132, %ne3A_1135 : i1
      %sub3A_1137 = arith.constant 1 : i32
      %sub3A_1138 = arith.subi %div3A_1117, %sub3A_1137 : i32
      %select_n3A_1139 = arith.select %and3A_1136, %sub3A_1138, %div3A_1117 : i32
      %dma_wait3A_1140 = arith.constant 0 : i32
      %dma_wait3A_1141 = arith.constant 0 : i32
      %dma_wait3A_1142 = arith.constant 0 : i32
      %dma_wait3A_1143 = arith.constant 0 : i32
      %dma_wait3A_1144 = tpu.memref_slice %arg8[%dma_wait3A_1140, %dma_wait3A_1141, %dma_wait3A_1142, %dma_wait3A_1143] : memref<4x8x8x129xf32, #tpu.memory_space<vmem>> -> memref<4x8x8x128xf32, #tpu.memory_space<vmem>>
      %dma_wait3A_1145 = arith.constant 0 : i32
      %dma_wait3A_1146 = arith.constant 0 : i32
      %dma_wait3A_1147 = arith.constant 0 : i32
      %dma_wait3A_1148 = tpu.memref_slice %arg4[%select_n3A_1099, %dma_wait3A_1145, %select_n3A_1139, %dma_wait3A_1146, %dma_wait3A_1147] : memref<200x4x32x8x128xf32, #tpu.memory_space<hbm>> -> memref<1x4x8x8x128xf32, #tpu.memory_space<hbm>>
      %dma_wait3A_1149 = tpu.memref_squeeze %dma_wait3A_1148 : memref<1x4x8x8x128xf32, #tpu.memory_space<hbm>> -> memref<4x8x8x128xf32, #tpu.memory_space<hbm>>
      %dma_wait3A_1150 = arith.constant 0 : i32
      %dma_wait3A_1151 = arith.constant 0 : i32
      %dma_wait3A_1152 = arith.constant 0 : i32
      %dma_wait3A_1153 = tpu.memref_slice %arg4[%select_n3A_1099, %dma_wait3A_1150, %select_n3A_1139, %dma_wait3A_1151, %dma_wait3A_1152] : memref<200x4x32x8x128xf32, #tpu.memory_space<hbm>> -> memref<1x4x8x8x128xf32, #tpu.memory_space<hbm>>
      %dma_wait3A_1154 = tpu.memref_squeeze %dma_wait3A_1153 : memref<1x4x8x8x128xf32, #tpu.memory_space<hbm>> -> memref<4x8x8x128xf32, #tpu.memory_space<hbm>>
      %dma_wait3A_1155 = arith.constant 0 : i32
      %dma_wait3A_1156 = arith.constant 0 : i32
      %dma_wait3A_1157 = arith.constant 0 : i32
      %dma_wait3A_1158 = arith.constant 0 : i32
      %dma_wait3A_1159 = tpu.memref_slice %arg8[%dma_wait3A_1155, %dma_wait3A_1156, %dma_wait3A_1157, %dma_wait3A_1158] : memref<4x8x8x129xf32, #tpu.memory_space<vmem>> -> memref<4x8x8x128xf32, #tpu.memory_space<vmem>>
      tpu.wait_dma2 semaphore(%arg11 : memref<!tpu.dma_semaphore, #tpu.memory_space<semaphore_mem>>) src(%dma_wait3A_1159 : memref<4x8x8x128xf32, #tpu.memory_space<vmem>>) dst(%dma_wait3A_1154 : memref<4x8x8x128xf32, #tpu.memory_space<hbm>>)
      %add3A_1160 = arith.constant 1 : i32
      %add3A_1161 = arith.addi %mul3A_536, %add3A_1160 : i32
      %broadcast_in_dim3A_1162 = arith.constant 0 : i32
      %broadcast_in_dim3A_1163 = vector.broadcast %broadcast_in_dim3A_1162 : i32 to vector<16xi32>
      %scan3A_1164 = arith.constant 0 : i32
      %scan3A_1165 = arith.constant 128 : i32
      %scan3A_1166 = arith.addi %scan3A_1164, %scan3A_1165 : i32
      %scan3A_1167 = arith.constant 4 : i32
      scf.for %scan3A_1305 = %scan3A_1164 to %scan3A_1166 step %scan3A_1167  : i32 {
        %mul3A_1306 = arith.constant 1 : i32
        %mul3A_1307 = arith.muli %scan3A_1305, %mul3A_1306 : i32
        %add3A_1308 = arith.constant 0 : i32
        %add3A_1309 = arith.addi %add3A_1308, %mul3A_1307 : i32
        %broadcast_in_dim3A_1310 = vector.broadcast %add3A_1309 : i32 to vector<16xi32>
        %add3A_1311 = arith.constant 0 : i32
        %add3A_1312 = arith.addi %add3A_1311, %add3A_1309 : i32
        %get3A = arith.index_cast %add3A_1312 : i32 to index
        %get3A_1313 = arith.constant 0 : index
        %get3A_1314 = tpu.vector_load %arg7[%get3A, %get3A_1313] {strides = array<i32>} : memref<1024x32xf32, #tpu.memory_space<vmem>>, vector<16xf32>,
        %get3A_1315 = arith.index_cast %add3A_1312 : i32 to index
        %get3A_1316 = arith.constant 16 : index
        %get3A_1317 = tpu.vector_load %arg7[%get3A_1315, %get3A_1316] {strides = array<i32>} : memref<1024x32xf32, #tpu.memory_space<vmem>>, vector<16xf32>,
        tpu.vector_store_idx %arg8[%shift_right_logical3A_4, %broadcast_in_dim3A_1163, %and3A_9, %broadcast_in_dim3A_1310], %get3A_1314 : memref<4x8x8x129xf32, #tpu.memory_space<vmem>>[vector<16xi32>, vector<16xi32>, vector<16xi32>, vector<16xi32>], vector<16xf32>,
        tpu.vector_store_idx %arg8[%add3A_7, %broadcast_in_dim3A_1163, %and3A_9, %broadcast_in_dim3A_1310], %get3A_1317 : memref<4x8x8x129xf32, #tpu.memory_space<vmem>>[vector<16xi32>, vector<16xi32>, vector<16xi32>, vector<16xi32>], vector<16xf32>,
        %scan3A_1318 = arith.constant 1 : i32
        %scan3A_1319 = arith.addi %scan3A_1305, %scan3A_1318 : i32
        %mul3A_1320 = arith.constant 1 : i32
        %mul3A_1321 = arith.muli %scan3A_1319, %mul3A_1320 : i32
        %add3A_1322 = arith.constant 0 : i32
        %add3A_1323 = arith.addi %add3A_1322, %mul3A_1321 : i32
        %broadcast_in_dim3A_1324 = vector.broadcast %add3A_1323 : i32 to vector<16xi32>
        %add3A_1325 = arith.constant 0 : i32
        %add3A_1326 = arith.addi %add3A_1325, %add3A_1323 : i32
        %get3A_1327 = arith.index_cast %add3A_1326 : i32 to index
        %get3A_1328 = arith.constant 0 : index
        %get3A_1329 = tpu.vector_load %arg7[%get3A_1327, %get3A_1328] {strides = array<i32>} : memref<1024x32xf32, #tpu.memory_space<vmem>>, vector<16xf32>,
        %get3A_1330 = arith.index_cast %add3A_1326 : i32 to index
        %get3A_1331 = arith.constant 16 : index
        %get3A_1332 = tpu.vector_load %arg7[%get3A_1330, %get3A_1331] {strides = array<i32>} : memref<1024x32xf32, #tpu.memory_space<vmem>>, vector<16xf32>,
        tpu.vector_store_idx %arg8[%shift_right_logical3A_4, %broadcast_in_dim3A_1163, %and3A_9, %broadcast_in_dim3A_1324], %get3A_1329 : memref<4x8x8x129xf32, #tpu.memory_space<vmem>>[vector<16xi32>, vector<16xi32>, vector<16xi32>, vector<16xi32>], vector<16xf32>,
        tpu.vector_store_idx %arg8[%add3A_7, %broadcast_in_dim3A_1163, %and3A_9, %broadcast_in_dim3A_1324], %get3A_1332 : memref<4x8x8x129xf32, #tpu.memory_space<vmem>>[vector<16xi32>, vector<16xi32>, vector<16xi32>, vector<16xi32>], vector<16xf32>,
        %scan3A_1333 = arith.constant 2 : i32
        %scan3A_1334 = arith.addi %scan3A_1305, %scan3A_1333 : i32
        %mul3A_1335 = arith.constant 1 : i32
        %mul3A_1336 = arith.muli %scan3A_1334, %mul3A_1335 : i32
        %add3A_1337 = arith.constant 0 : i32
        %add3A_1338 = arith.addi %add3A_1337, %mul3A_1336 : i32
        %broadcast_in_dim3A_1339 = vector.broadcast %add3A_1338 : i32 to vector<16xi32>
        %add3A_1340 = arith.constant 0 : i32
        %add3A_1341 = arith.addi %add3A_1340, %add3A_1338 : i32
        %get3A_1342 = arith.index_cast %add3A_1341 : i32 to index
        %get3A_1343 = arith.constant 0 : index
        %get3A_1344 = tpu.vector_load %arg7[%get3A_1342, %get3A_1343] {strides = array<i32>} : memref<1024x32xf32, #tpu.memory_space<vmem>>, vector<16xf32>,
        %get3A_1345 = arith.index_cast %add3A_1341 : i32 to index
        %get3A_1346 = arith.constant 16 : index
        %get3A_1347 = tpu.vector_load %arg7[%get3A_1345, %get3A_1346] {strides = array<i32>} : memref<1024x32xf32, #tpu.memory_space<vmem>>, vector<16xf32>,
        tpu.vector_store_idx %arg8[%shift_right_logical3A_4, %broadcast_in_dim3A_1163, %and3A_9, %broadcast_in_dim3A_1339], %get3A_1344 : memref<4x8x8x129xf32, #tpu.memory_space<vmem>>[vector<16xi32>, vector<16xi32>, vector<16xi32>, vector<16xi32>], vector<16xf32>,
        tpu.vector_store_idx %arg8[%add3A_7, %broadcast_in_dim3A_1163, %and3A_9, %broadcast_in_dim3A_1339], %get3A_1347 : memref<4x8x8x129xf32, #tpu.memory_space<vmem>>[vector<16xi32>, vector<16xi32>, vector<16xi32>, vector<16xi32>], vector<16xf32>,
        %scan3A_1348 = arith.constant 3 : i32
        %scan3A_1349 = arith.addi %scan3A_1305, %scan3A_1348 : i32
        %mul3A_1350 = arith.constant 1 : i32
        %mul3A_1351 = arith.muli %scan3A_1349, %mul3A_1350 : i32
        %add3A_1352 = arith.constant 0 : i32
        %add3A_1353 = arith.addi %add3A_1352, %mul3A_1351 : i32
        %broadcast_in_dim3A_1354 = vector.broadcast %add3A_1353 : i32 to vector<16xi32>
        %add3A_1355 = arith.constant 0 : i32
        %add3A_1356 = arith.addi %add3A_1355, %add3A_1353 : i32
        %get3A_1357 = arith.index_cast %add3A_1356 : i32 to index
        %get3A_1358 = arith.constant 0 : index
        %get3A_1359 = tpu.vector_load %arg7[%get3A_1357, %get3A_1358] {strides = array<i32>} : memref<1024x32xf32, #tpu.memory_space<vmem>>, vector<16xf32>,
        %get3A_1360 = arith.index_cast %add3A_1356 : i32 to index
        %get3A_1361 = arith.constant 16 : index
        %get3A_1362 = tpu.vector_load %arg7[%get3A_1360, %get3A_1361] {strides = array<i32>} : memref<1024x32xf32, #tpu.memory_space<vmem>>, vector<16xf32>,
        tpu.vector_store_idx %arg8[%shift_right_logical3A_4, %broadcast_in_dim3A_1163, %and3A_9, %broadcast_in_dim3A_1354], %get3A_1359 : memref<4x8x8x129xf32, #tpu.memory_space<vmem>>[vector<16xi32>, vector<16xi32>, vector<16xi32>, vector<16xi32>], vector<16xf32>,
        tpu.vector_store_idx %arg8[%add3A_7, %broadcast_in_dim3A_1163, %and3A_9, %broadcast_in_dim3A_1354], %get3A_1362 : memref<4x8x8x129xf32, #tpu.memory_space<vmem>>[vector<16xi32>, vector<16xi32>, vector<16xi32>, vector<16xi32>], vector<16xf32>,
      }
      %scan3A_1168 = arith.constant 128 : i32
      %broadcast_in_dim3A_1169 = arith.constant 1 : i32
      %broadcast_in_dim3A_1170 = vector.broadcast %broadcast_in_dim3A_1169 : i32 to vector<16xi32>
      %scan3A_1171 = arith.constant 0 : i32
      %scan3A_1172 = arith.constant 128 : i32
      %scan3A_1173 = arith.addi %scan3A_1171, %scan3A_1172 : i32
      %scan3A_1174 = arith.constant 4 : i32
      scf.for %scan3A_1305 = %scan3A_1171 to %scan3A_1173 step %scan3A_1174  : i32 {
        %mul3A_1306 = arith.constant 1 : i32
        %mul3A_1307 = arith.muli %scan3A_1305, %mul3A_1306 : i32
        %add3A_1308 = arith.constant 0 : i32
        %add3A_1309 = arith.addi %add3A_1308, %mul3A_1307 : i32
        %broadcast_in_dim3A_1310 = vector.broadcast %add3A_1309 : i32 to vector<16xi32>
        %add3A_1311 = arith.constant 128 : i32
        %add3A_1312 = arith.addi %add3A_1311, %add3A_1309 : i32
        %get3A = arith.index_cast %add3A_1312 : i32 to index
        %get3A_1313 = arith.constant 0 : index
        %get3A_1314 = tpu.vector_load %arg7[%get3A, %get3A_1313] {strides = array<i32>} : memref<1024x32xf32, #tpu.memory_space<vmem>>, vector<16xf32>,
        %get3A_1315 = arith.index_cast %add3A_1312 : i32 to index
        %get3A_1316 = arith.constant 16 : index
        %get3A_1317 = tpu.vector_load %arg7[%get3A_1315, %get3A_1316] {strides = array<i32>} : memref<1024x32xf32, #tpu.memory_space<vmem>>, vector<16xf32>,
        tpu.vector_store_idx %arg8[%shift_right_logical3A_4, %broadcast_in_dim3A_1170, %and3A_9, %broadcast_in_dim3A_1310], %get3A_1314 : memref<4x8x8x129xf32, #tpu.memory_space<vmem>>[vector<16xi32>, vector<16xi32>, vector<16xi32>, vector<16xi32>], vector<16xf32>,
        tpu.vector_store_idx %arg8[%add3A_7, %broadcast_in_dim3A_1170, %and3A_9, %broadcast_in_dim3A_1310], %get3A_1317 : memref<4x8x8x129xf32, #tpu.memory_space<vmem>>[vector<16xi32>, vector<16xi32>, vector<16xi32>, vector<16xi32>], vector<16xf32>,
        %scan3A_1318 = arith.constant 1 : i32
        %scan3A_1319 = arith.addi %scan3A_1305, %scan3A_1318 : i32
        %mul3A_1320 = arith.constant 1 : i32
        %mul3A_1321 = arith.muli %scan3A_1319, %mul3A_1320 : i32
        %add3A_1322 = arith.constant 0 : i32
        %add3A_1323 = arith.addi %add3A_1322, %mul3A_1321 : i32
        %broadcast_in_dim3A_1324 = vector.broadcast %add3A_1323 : i32 to vector<16xi32>
        %add3A_1325 = arith.constant 128 : i32
        %add3A_1326 = arith.addi %add3A_1325, %add3A_1323 : i32
        %get3A_1327 = arith.index_cast %add3A_1326 : i32 to index
        %get3A_1328 = arith.constant 0 : index
        %get3A_1329 = tpu.vector_load %arg7[%get3A_1327, %get3A_1328] {strides = array<i32>} : memref<1024x32xf32, #tpu.memory_space<vmem>>, vector<16xf32>,
        %get3A_1330 = arith.index_cast %add3A_1326 : i32 to index
        %get3A_1331 = arith.constant 16 : index
        %get3A_1332 = tpu.vector_load %arg7[%get3A_1330, %get3A_1331] {strides = array<i32>} : memref<1024x32xf32, #tpu.memory_space<vmem>>, vector<16xf32>,
        tpu.vector_store_idx %arg8[%shift_right_logical3A_4, %broadcast_in_dim3A_1170, %and3A_9, %broadcast_in_dim3A_1324], %get3A_1329 : memref<4x8x8x129xf32, #tpu.memory_space<vmem>>[vector<16xi32>, vector<16xi32>, vector<16xi32>, vector<16xi32>], vector<16xf32>,
        tpu.vector_store_idx %arg8[%add3A_7, %broadcast_in_dim3A_1170, %and3A_9, %broadcast_in_dim3A_1324], %get3A_1332 : memref<4x8x8x129xf32, #tpu.memory_space<vmem>>[vector<16xi32>, vector<16xi32>, vector<16xi32>, vector<16xi32>], vector<16xf32>,
        %scan3A_1333 = arith.constant 2 : i32
        %scan3A_1334 = arith.addi %scan3A_1305, %scan3A_1333 : i32
        %mul3A_1335 = arith.constant 1 : i32
        %mul3A_1336 = arith.muli %scan3A_1334, %mul3A_1335 : i32
        %add3A_1337 = arith.constant 0 : i32
        %add3A_1338 = arith.addi %add3A_1337, %mul3A_1336 : i32
        %broadcast_in_dim3A_1339 = vector.broadcast %add3A_1338 : i32 to vector<16xi32>
        %add3A_1340 = arith.constant 128 : i32
        %add3A_1341 = arith.addi %add3A_1340, %add3A_1338 : i32
        %get3A_1342 = arith.index_cast %add3A_1341 : i32 to index
        %get3A_1343 = arith.constant 0 : index
        %get3A_1344 = tpu.vector_load %arg7[%get3A_1342, %get3A_1343] {strides = array<i32>} : memref<1024x32xf32, #tpu.memory_space<vmem>>, vector<16xf32>,
        %get3A_1345 = arith.index_cast %add3A_1341 : i32 to index
        %get3A_1346 = arith.constant 16 : index
        %get3A_1347 = tpu.vector_load %arg7[%get3A_1345, %get3A_1346] {strides = array<i32>} : memref<1024x32xf32, #tpu.memory_space<vmem>>, vector<16xf32>,
        tpu.vector_store_idx %arg8[%shift_right_logical3A_4, %broadcast_in_dim3A_1170, %and3A_9, %broadcast_in_dim3A_1339], %get3A_1344 : memref<4x8x8x129xf32, #tpu.memory_space<vmem>>[vector<16xi32>, vector<16xi32>, vector<16xi32>, vector<16xi32>], vector<16xf32>,
        tpu.vector_store_idx %arg8[%add3A_7, %broadcast_in_dim3A_1170, %and3A_9, %broadcast_in_dim3A_1339], %get3A_1347 : memref<4x8x8x129xf32, #tpu.memory_space<vmem>>[vector<16xi32>, vector<16xi32>, vector<16xi32>, vector<16xi32>], vector<16xf32>,
        %scan3A_1348 = arith.constant 3 : i32
        %scan3A_1349 = arith.addi %scan3A_1305, %scan3A_1348 : i32
        %mul3A_1350 = arith.constant 1 : i32
        %mul3A_1351 = arith.muli %scan3A_1349, %mul3A_1350 : i32
        %add3A_1352 = arith.constant 0 : i32
        %add3A_1353 = arith.addi %add3A_1352, %mul3A_1351 : i32
        %broadcast_in_dim3A_1354 = vector.broadcast %add3A_1353 : i32 to vector<16xi32>
        %add3A_1355 = arith.constant 128 : i32
        %add3A_1356 = arith.addi %add3A_1355, %add3A_1353 : i32
        %get3A_1357 = arith.index_cast %add3A_1356 : i32 to index
        %get3A_1358 = arith.constant 0 : index
        %get3A_1359 = tpu.vector_load %arg7[%get3A_1357, %get3A_1358] {strides = array<i32>} : memref<1024x32xf32, #tpu.memory_space<vmem>>, vector<16xf32>,
        %get3A_1360 = arith.index_cast %add3A_1356 : i32 to index
        %get3A_1361 = arith.constant 16 : index
        %get3A_1362 = tpu.vector_load %arg7[%get3A_1360, %get3A_1361] {strides = array<i32>} : memref<1024x32xf32, #tpu.memory_space<vmem>>, vector<16xf32>,
        tpu.vector_store_idx %arg8[%shift_right_logical3A_4, %broadcast_in_dim3A_1170, %and3A_9, %broadcast_in_dim3A_1354], %get3A_1359 : memref<4x8x8x129xf32, #tpu.memory_space<vmem>>[vector<16xi32>, vector<16xi32>, vector<16xi32>, vector<16xi32>], vector<16xf32>,
        tpu.vector_store_idx %arg8[%add3A_7, %broadcast_in_dim3A_1170, %and3A_9, %broadcast_in_dim3A_1354], %get3A_1362 : memref<4x8x8x129xf32, #tpu.memory_space<vmem>>[vector<16xi32>, vector<16xi32>, vector<16xi32>, vector<16xi32>], vector<16xf32>,
      }
      %scan3A_1175 = arith.constant 128 : i32
      %broadcast_in_dim3A_1176 = arith.constant 2 : i32
      %broadcast_in_dim3A_1177 = vector.broadcast %broadcast_in_dim3A_1176 : i32 to vector<16xi32>
      %scan3A_1178 = arith.constant 0 : i32
      %scan3A_1179 = arith.constant 128 : i32
      %scan3A_1180 = arith.addi %scan3A_1178, %scan3A_1179 : i32
      %scan3A_1181 = arith.constant 4 : i32
      scf.for %scan3A_1305 = %scan3A_1178 to %scan3A_1180 step %scan3A_1181  : i32 {
        %mul3A_1306 = arith.constant 1 : i32
        %mul3A_1307 = arith.muli %scan3A_1305, %mul3A_1306 : i32
        %add3A_1308 = arith.constant 0 : i32
        %add3A_1309 = arith.addi %add3A_1308, %mul3A_1307 : i32
        %broadcast_in_dim3A_1310 = vector.broadcast %add3A_1309 : i32 to vector<16xi32>
        %add3A_1311 = arith.constant 256 : i32
        %add3A_1312 = arith.addi %add3A_1311, %add3A_1309 : i32
        %get3A = arith.index_cast %add3A_1312 : i32 to index
        %get3A_1313 = arith.constant 0 : index
        %get3A_1314 = tpu.vector_load %arg7[%get3A, %get3A_1313] {strides = array<i32>} : memref<1024x32xf32, #tpu.memory_space<vmem>>, vector<16xf32>,
        %get3A_1315 = arith.index_cast %add3A_1312 : i32 to index
        %get3A_1316 = arith.constant 16 : index
        %get3A_1317 = tpu.vector_load %arg7[%get3A_1315, %get3A_1316] {strides = array<i32>} : memref<1024x32xf32, #tpu.memory_space<vmem>>, vector<16xf32>,
        tpu.vector_store_idx %arg8[%shift_right_logical3A_4, %broadcast_in_dim3A_1177, %and3A_9, %broadcast_in_dim3A_1310], %get3A_1314 : memref<4x8x8x129xf32, #tpu.memory_space<vmem>>[vector<16xi32>, vector<16xi32>, vector<16xi32>, vector<16xi32>], vector<16xf32>,
        tpu.vector_store_idx %arg8[%add3A_7, %broadcast_in_dim3A_1177, %and3A_9, %broadcast_in_dim3A_1310], %get3A_1317 : memref<4x8x8x129xf32, #tpu.memory_space<vmem>>[vector<16xi32>, vector<16xi32>, vector<16xi32>, vector<16xi32>], vector<16xf32>,
        %scan3A_1318 = arith.constant 1 : i32
        %scan3A_1319 = arith.addi %scan3A_1305, %scan3A_1318 : i32
        %mul3A_1320 = arith.constant 1 : i32
        %mul3A_1321 = arith.muli %scan3A_1319, %mul3A_1320 : i32
        %add3A_1322 = arith.constant 0 : i32
        %add3A_1323 = arith.addi %add3A_1322, %mul3A_1321 : i32
        %broadcast_in_dim3A_1324 = vector.broadcast %add3A_1323 : i32 to vector<16xi32>
        %add3A_1325 = arith.constant 256 : i32
        %add3A_1326 = arith.addi %add3A_1325, %add3A_1323 : i32
        %get3A_1327 = arith.index_cast %add3A_1326 : i32 to index
        %get3A_1328 = arith.constant 0 : index
        %get3A_1329 = tpu.vector_load %arg7[%get3A_1327, %get3A_1328] {strides = array<i32>} : memref<1024x32xf32, #tpu.memory_space<vmem>>, vector<16xf32>,
        %get3A_1330 = arith.index_cast %add3A_1326 : i32 to index
        %get3A_1331 = arith.constant 16 : index
        %get3A_1332 = tpu.vector_load %arg7[%get3A_1330, %get3A_1331] {strides = array<i32>} : memref<1024x32xf32, #tpu.memory_space<vmem>>, vector<16xf32>,
        tpu.vector_store_idx %arg8[%shift_right_logical3A_4, %broadcast_in_dim3A_1177, %and3A_9, %broadcast_in_dim3A_1324], %get3A_1329 : memref<4x8x8x129xf32, #tpu.memory_space<vmem>>[vector<16xi32>, vector<16xi32>, vector<16xi32>, vector<16xi32>], vector<16xf32>,
        tpu.vector_store_idx %arg8[%add3A_7, %broadcast_in_dim3A_1177, %and3A_9, %broadcast_in_dim3A_1324], %get3A_1332 : memref<4x8x8x129xf32, #tpu.memory_space<vmem>>[vector<16xi32>, vector<16xi32>, vector<16xi32>, vector<16xi32>], vector<16xf32>,
        %scan3A_1333 = arith.constant 2 : i32
        %scan3A_1334 = arith.addi %scan3A_1305, %scan3A_1333 : i32
        %mul3A_1335 = arith.constant 1 : i32
        %mul3A_1336 = arith.muli %scan3A_1334, %mul3A_1335 : i32
        %add3A_1337 = arith.constant 0 : i32
        %add3A_1338 = arith.addi %add3A_1337, %mul3A_1336 : i32
        %broadcast_in_dim3A_1339 = vector.broadcast %add3A_1338 : i32 to vector<16xi32>
        %add3A_1340 = arith.constant 256 : i32
        %add3A_1341 = arith.addi %add3A_1340, %add3A_1338 : i32
        %get3A_1342 = arith.index_cast %add3A_1341 : i32 to index
        %get3A_1343 = arith.constant 0 : index
        %get3A_1344 = tpu.vector_load %arg7[%get3A_1342, %get3A_1343] {strides = array<i32>} : memref<1024x32xf32, #tpu.memory_space<vmem>>, vector<16xf32>,
        %get3A_1345 = arith.index_cast %add3A_1341 : i32 to index
        %get3A_1346 = arith.constant 16 : index
        %get3A_1347 = tpu.vector_load %arg7[%get3A_1345, %get3A_1346] {strides = array<i32>} : memref<1024x32xf32, #tpu.memory_space<vmem>>, vector<16xf32>,
        tpu.vector_store_idx %arg8[%shift_right_logical3A_4, %broadcast_in_dim3A_1177, %and3A_9, %broadcast_in_dim3A_1339], %get3A_1344 : memref<4x8x8x129xf32, #tpu.memory_space<vmem>>[vector<16xi32>, vector<16xi32>, vector<16xi32>, vector<16xi32>], vector<16xf32>,
        tpu.vector_store_idx %arg8[%add3A_7, %broadcast_in_dim3A_1177, %and3A_9, %broadcast_in_dim3A_1339], %get3A_1347 : memref<4x8x8x129xf32, #tpu.memory_space<vmem>>[vector<16xi32>, vector<16xi32>, vector<16xi32>, vector<16xi32>], vector<16xf32>,
        %scan3A_1348 = arith.constant 3 : i32
        %scan3A_1349 = arith.addi %scan3A_1305, %scan3A_1348 : i32
        %mul3A_1350 = arith.constant 1 : i32
        %mul3A_1351 = arith.muli %scan3A_1349, %mul3A_1350 : i32
        %add3A_1352 = arith.constant 0 : i32
        %add3A_1353 = arith.addi %add3A_1352, %mul3A_1351 : i32
        %broadcast_in_dim3A_1354 = vector.broadcast %add3A_1353 : i32 to vector<16xi32>
        %add3A_1355 = arith.constant 256 : i32
        %add3A_1356 = arith.addi %add3A_1355, %add3A_1353 : i32
        %get3A_1357 = arith.index_cast %add3A_1356 : i32 to index
        %get3A_1358 = arith.constant 0 : index
        %get3A_1359 = tpu.vector_load %arg7[%get3A_1357, %get3A_1358] {strides = array<i32>} : memref<1024x32xf32, #tpu.memory_space<vmem>>, vector<16xf32>,
        %get3A_1360 = arith.index_cast %add3A_1356 : i32 to index
        %get3A_1361 = arith.constant 16 : index
        %get3A_1362 = tpu.vector_load %arg7[%get3A_1360, %get3A_1361] {strides = array<i32>} : memref<1024x32xf32, #tpu.memory_space<vmem>>, vector<16xf32>,
        tpu.vector_store_idx %arg8[%shift_right_logical3A_4, %broadcast_in_dim3A_1177, %and3A_9, %broadcast_in_dim3A_1354], %get3A_1359 : memref<4x8x8x129xf32, #tpu.memory_space<vmem>>[vector<16xi32>, vector<16xi32>, vector<16xi32>, vector<16xi32>], vector<16xf32>,
        tpu.vector_store_idx %arg8[%add3A_7, %broadcast_in_dim3A_1177, %and3A_9, %broadcast_in_dim3A_1354], %get3A_1362 : memref<4x8x8x129xf32, #tpu.memory_space<vmem>>[vector<16xi32>, vector<16xi32>, vector<16xi32>, vector<16xi32>], vector<16xf32>,
      }
      %scan3A_1182 = arith.constant 128 : i32
      %broadcast_in_dim3A_1183 = arith.constant 3 : i32
      %broadcast_in_dim3A_1184 = vector.broadcast %broadcast_in_dim3A_1183 : i32 to vector<16xi32>
      %scan3A_1185 = arith.constant 0 : i32
      %scan3A_1186 = arith.constant 128 : i32
      %scan3A_1187 = arith.addi %scan3A_1185, %scan3A_1186 : i32
      %scan3A_1188 = arith.constant 4 : i32
      scf.for %scan3A_1305 = %scan3A_1185 to %scan3A_1187 step %scan3A_1188  : i32 {
        %mul3A_1306 = arith.constant 1 : i32
        %mul3A_1307 = arith.muli %scan3A_1305, %mul3A_1306 : i32
        %add3A_1308 = arith.constant 0 : i32
        %add3A_1309 = arith.addi %add3A_1308, %mul3A_1307 : i32
        %broadcast_in_dim3A_1310 = vector.broadcast %add3A_1309 : i32 to vector<16xi32>
        %add3A_1311 = arith.constant 384 : i32
        %add3A_1312 = arith.addi %add3A_1311, %add3A_1309 : i32
        %get3A = arith.index_cast %add3A_1312 : i32 to index
        %get3A_1313 = arith.constant 0 : index
        %get3A_1314 = tpu.vector_load %arg7[%get3A, %get3A_1313] {strides = array<i32>} : memref<1024x32xf32, #tpu.memory_space<vmem>>, vector<16xf32>,
        %get3A_1315 = arith.index_cast %add3A_1312 : i32 to index
        %get3A_1316 = arith.constant 16 : index
        %get3A_1317 = tpu.vector_load %arg7[%get3A_1315, %get3A_1316] {strides = array<i32>} : memref<1024x32xf32, #tpu.memory_space<vmem>>, vector<16xf32>,
        tpu.vector_store_idx %arg8[%shift_right_logical3A_4, %broadcast_in_dim3A_1184, %and3A_9, %broadcast_in_dim3A_1310], %get3A_1314 : memref<4x8x8x129xf32, #tpu.memory_space<vmem>>[vector<16xi32>, vector<16xi32>, vector<16xi32>, vector<16xi32>], vector<16xf32>,
        tpu.vector_store_idx %arg8[%add3A_7, %broadcast_in_dim3A_1184, %and3A_9, %broadcast_in_dim3A_1310], %get3A_1317 : memref<4x8x8x129xf32, #tpu.memory_space<vmem>>[vector<16xi32>, vector<16xi32>, vector<16xi32>, vector<16xi32>], vector<16xf32>,
        %scan3A_1318 = arith.constant 1 : i32
        %scan3A_1319 = arith.addi %scan3A_1305, %scan3A_1318 : i32
        %mul3A_1320 = arith.constant 1 : i32
        %mul3A_1321 = arith.muli %scan3A_1319, %mul3A_1320 : i32
        %add3A_1322 = arith.constant 0 : i32
        %add3A_1323 = arith.addi %add3A_1322, %mul3A_1321 : i32
        %broadcast_in_dim3A_1324 = vector.broadcast %add3A_1323 : i32 to vector<16xi32>
        %add3A_1325 = arith.constant 384 : i32
        %add3A_1326 = arith.addi %add3A_1325, %add3A_1323 : i32
        %get3A_1327 = arith.index_cast %add3A_1326 : i32 to index
        %get3A_1328 = arith.constant 0 : index
        %get3A_1329 = tpu.vector_load %arg7[%get3A_1327, %get3A_1328] {strides = array<i32>} : memref<1024x32xf32, #tpu.memory_space<vmem>>, vector<16xf32>,
        %get3A_1330 = arith.index_cast %add3A_1326 : i32 to index
        %get3A_1331 = arith.constant 16 : index
        %get3A_1332 = tpu.vector_load %arg7[%get3A_1330, %get3A_1331] {strides = array<i32>} : memref<1024x32xf32, #tpu.memory_space<vmem>>, vector<16xf32>,
        tpu.vector_store_idx %arg8[%shift_right_logical3A_4, %broadcast_in_dim3A_1184, %and3A_9, %broadcast_in_dim3A_1324], %get3A_1329 : memref<4x8x8x129xf32, #tpu.memory_space<vmem>>[vector<16xi32>, vector<16xi32>, vector<16xi32>, vector<16xi32>], vector<16xf32>,
        tpu.vector_store_idx %arg8[%add3A_7, %broadcast_in_dim3A_1184, %and3A_9, %broadcast_in_dim3A_1324], %get3A_1332 : memref<4x8x8x129xf32, #tpu.memory_space<vmem>>[vector<16xi32>, vector<16xi32>, vector<16xi32>, vector<16xi32>], vector<16xf32>,
        %scan3A_1333 = arith.constant 2 : i32
        %scan3A_1334 = arith.addi %scan3A_1305, %scan3A_1333 : i32
        %mul3A_1335 = arith.constant 1 : i32
        %mul3A_1336 = arith.muli %scan3A_1334, %mul3A_1335 : i32
        %add3A_1337 = arith.constant 0 : i32
        %add3A_1338 = arith.addi %add3A_1337, %mul3A_1336 : i32
        %broadcast_in_dim3A_1339 = vector.broadcast %add3A_1338 : i32 to vector<16xi32>
        %add3A_1340 = arith.constant 384 : i32
        %add3A_1341 = arith.addi %add3A_1340, %add3A_1338 : i32
        %get3A_1342 = arith.index_cast %add3A_1341 : i32 to index
        %get3A_1343 = arith.constant 0 : index
        %get3A_1344 = tpu.vector_load %arg7[%get3A_1342, %get3A_1343] {strides = array<i32>} : memref<1024x32xf32, #tpu.memory_space<vmem>>, vector<16xf32>,
        %get3A_1345 = arith.index_cast %add3A_1341 : i32 to index
        %get3A_1346 = arith.constant 16 : index
        %get3A_1347 = tpu.vector_load %arg7[%get3A_1345, %get3A_1346] {strides = array<i32>} : memref<1024x32xf32, #tpu.memory_space<vmem>>, vector<16xf32>,
        tpu.vector_store_idx %arg8[%shift_right_logical3A_4, %broadcast_in_dim3A_1184, %and3A_9, %broadcast_in_dim3A_1339], %get3A_1344 : memref<4x8x8x129xf32, #tpu.memory_space<vmem>>[vector<16xi32>, vector<16xi32>, vector<16xi32>, vector<16xi32>], vector<16xf32>,
        tpu.vector_store_idx %arg8[%add3A_7, %broadcast_in_dim3A_1184, %and3A_9, %broadcast_in_dim3A_1339], %get3A_1347 : memref<4x8x8x129xf32, #tpu.memory_space<vmem>>[vector<16xi32>, vector<16xi32>, vector<16xi32>, vector<16xi32>], vector<16xf32>,
        %scan3A_1348 = arith.constant 3 : i32
        %scan3A_1349 = arith.addi %scan3A_1305, %scan3A_1348 : i32
        %mul3A_1350 = arith.constant 1 : i32
        %mul3A_1351 = arith.muli %scan3A_1349, %mul3A_1350 : i32
        %add3A_1352 = arith.constant 0 : i32
        %add3A_1353 = arith.addi %add3A_1352, %mul3A_1351 : i32
        %broadcast_in_dim3A_1354 = vector.broadcast %add3A_1353 : i32 to vector<16xi32>
        %add3A_1355 = arith.constant 384 : i32
        %add3A_1356 = arith.addi %add3A_1355, %add3A_1353 : i32
        %get3A_1357 = arith.index_cast %add3A_1356 : i32 to index
        %get3A_1358 = arith.constant 0 : index
        %get3A_1359 = tpu.vector_load %arg7[%get3A_1357, %get3A_1358] {strides = array<i32>} : memref<1024x32xf32, #tpu.memory_space<vmem>>, vector<16xf32>,
        %get3A_1360 = arith.index_cast %add3A_1356 : i32 to index
        %get3A_1361 = arith.constant 16 : index
        %get3A_1362 = tpu.vector_load %arg7[%get3A_1360, %get3A_1361] {strides = array<i32>} : memref<1024x32xf32, #tpu.memory_space<vmem>>, vector<16xf32>,
        tpu.vector_store_idx %arg8[%shift_right_logical3A_4, %broadcast_in_dim3A_1184, %and3A_9, %broadcast_in_dim3A_1354], %get3A_1359 : memref<4x8x8x129xf32, #tpu.memory_space<vmem>>[vector<16xi32>, vector<16xi32>, vector<16xi32>, vector<16xi32>], vector<16xf32>,
        tpu.vector_store_idx %arg8[%add3A_7, %broadcast_in_dim3A_1184, %and3A_9, %broadcast_in_dim3A_1354], %get3A_1362 : memref<4x8x8x129xf32, #tpu.memory_space<vmem>>[vector<16xi32>, vector<16xi32>, vector<16xi32>, vector<16xi32>], vector<16xf32>,
      }
      %scan3A_1189 = arith.constant 128 : i32
      %broadcast_in_dim3A_1190 = arith.constant 4 : i32
      %broadcast_in_dim3A_1191 = vector.broadcast %broadcast_in_dim3A_1190 : i32 to vector<16xi32>
      %scan3A_1192 = arith.constant 0 : i32
      %scan3A_1193 = arith.constant 128 : i32
      %scan3A_1194 = arith.addi %scan3A_1192, %scan3A_1193 : i32
      %scan3A_1195 = arith.constant 4 : i32
      scf.for %scan3A_1305 = %scan3A_1192 to %scan3A_1194 step %scan3A_1195  : i32 {
        %mul3A_1306 = arith.constant 1 : i32
        %mul3A_1307 = arith.muli %scan3A_1305, %mul3A_1306 : i32
        %add3A_1308 = arith.constant 0 : i32
        %add3A_1309 = arith.addi %add3A_1308, %mul3A_1307 : i32
        %broadcast_in_dim3A_1310 = vector.broadcast %add3A_1309 : i32 to vector<16xi32>
        %add3A_1311 = arith.constant 512 : i32
        %add3A_1312 = arith.addi %add3A_1311, %add3A_1309 : i32
        %get3A = arith.index_cast %add3A_1312 : i32 to index
        %get3A_1313 = arith.constant 0 : index
        %get3A_1314 = tpu.vector_load %arg7[%get3A, %get3A_1313] {strides = array<i32>} : memref<1024x32xf32, #tpu.memory_space<vmem>>, vector<16xf32>,
        %get3A_1315 = arith.index_cast %add3A_1312 : i32 to index
        %get3A_1316 = arith.constant 16 : index
        %get3A_1317 = tpu.vector_load %arg7[%get3A_1315, %get3A_1316] {strides = array<i32>} : memref<1024x32xf32, #tpu.memory_space<vmem>>, vector<16xf32>,
        tpu.vector_store_idx %arg8[%shift_right_logical3A_4, %broadcast_in_dim3A_1191, %and3A_9, %broadcast_in_dim3A_1310], %get3A_1314 : memref<4x8x8x129xf32, #tpu.memory_space<vmem>>[vector<16xi32>, vector<16xi32>, vector<16xi32>, vector<16xi32>], vector<16xf32>,
        tpu.vector_store_idx %arg8[%add3A_7, %broadcast_in_dim3A_1191, %and3A_9, %broadcast_in_dim3A_1310], %get3A_1317 : memref<4x8x8x129xf32, #tpu.memory_space<vmem>>[vector<16xi32>, vector<16xi32>, vector<16xi32>, vector<16xi32>], vector<16xf32>,
        %scan3A_1318 = arith.constant 1 : i32
        %scan3A_1319 = arith.addi %scan3A_1305, %scan3A_1318 : i32
        %mul3A_1320 = arith.constant 1 : i32
        %mul3A_1321 = arith.muli %scan3A_1319, %mul3A_1320 : i32
        %add3A_1322 = arith.constant 0 : i32
        %add3A_1323 = arith.addi %add3A_1322, %mul3A_1321 : i32
        %broadcast_in_dim3A_1324 = vector.broadcast %add3A_1323 : i32 to vector<16xi32>
        %add3A_1325 = arith.constant 512 : i32
        %add3A_1326 = arith.addi %add3A_1325, %add3A_1323 : i32
        %get3A_1327 = arith.index_cast %add3A_1326 : i32 to index
        %get3A_1328 = arith.constant 0 : index
        %get3A_1329 = tpu.vector_load %arg7[%get3A_1327, %get3A_1328] {strides = array<i32>} : memref<1024x32xf32, #tpu.memory_space<vmem>>, vector<16xf32>,
        %get3A_1330 = arith.index_cast %add3A_1326 : i32 to index
        %get3A_1331 = arith.constant 16 : index
        %get3A_1332 = tpu.vector_load %arg7[%get3A_1330, %get3A_1331] {strides = array<i32>} : memref<1024x32xf32, #tpu.memory_space<vmem>>, vector<16xf32>,
        tpu.vector_store_idx %arg8[%shift_right_logical3A_4, %broadcast_in_dim3A_1191, %and3A_9, %broadcast_in_dim3A_1324], %get3A_1329 : memref<4x8x8x129xf32, #tpu.memory_space<vmem>>[vector<16xi32>, vector<16xi32>, vector<16xi32>, vector<16xi32>], vector<16xf32>,
        tpu.vector_store_idx %arg8[%add3A_7, %broadcast_in_dim3A_1191, %and3A_9, %broadcast_in_dim3A_1324], %get3A_1332 : memref<4x8x8x129xf32, #tpu.memory_space<vmem>>[vector<16xi32>, vector<16xi32>, vector<16xi32>, vector<16xi32>], vector<16xf32>,
        %scan3A_1333 = arith.constant 2 : i32
        %scan3A_1334 = arith.addi %scan3A_1305, %scan3A_1333 : i32
        %mul3A_1335 = arith.constant 1 : i32
        %mul3A_1336 = arith.muli %scan3A_1334, %mul3A_1335 : i32
        %add3A_1337 = arith.constant 0 : i32
        %add3A_1338 = arith.addi %add3A_1337, %mul3A_1336 : i32
        %broadcast_in_dim3A_1339 = vector.broadcast %add3A_1338 : i32 to vector<16xi32>
        %add3A_1340 = arith.constant 512 : i32
        %add3A_1341 = arith.addi %add3A_1340, %add3A_1338 : i32
        %get3A_1342 = arith.index_cast %add3A_1341 : i32 to index
        %get3A_1343 = arith.constant 0 : index
        %get3A_1344 = tpu.vector_load %arg7[%get3A_1342, %get3A_1343] {strides = array<i32>} : memref<1024x32xf32, #tpu.memory_space<vmem>>, vector<16xf32>,
        %get3A_1345 = arith.index_cast %add3A_1341 : i32 to index
        %get3A_1346 = arith.constant 16 : index
        %get3A_1347 = tpu.vector_load %arg7[%get3A_1345, %get3A_1346] {strides = array<i32>} : memref<1024x32xf32, #tpu.memory_space<vmem>>, vector<16xf32>,
        tpu.vector_store_idx %arg8[%shift_right_logical3A_4, %broadcast_in_dim3A_1191, %and3A_9, %broadcast_in_dim3A_1339], %get3A_1344 : memref<4x8x8x129xf32, #tpu.memory_space<vmem>>[vector<16xi32>, vector<16xi32>, vector<16xi32>, vector<16xi32>], vector<16xf32>,
        tpu.vector_store_idx %arg8[%add3A_7, %broadcast_in_dim3A_1191, %and3A_9, %broadcast_in_dim3A_1339], %get3A_1347 : memref<4x8x8x129xf32, #tpu.memory_space<vmem>>[vector<16xi32>, vector<16xi32>, vector<16xi32>, vector<16xi32>], vector<16xf32>,
        %scan3A_1348 = arith.constant 3 : i32
        %scan3A_1349 = arith.addi %scan3A_1305, %scan3A_1348 : i32
        %mul3A_1350 = arith.constant 1 : i32
        %mul3A_1351 = arith.muli %scan3A_1349, %mul3A_1350 : i32
        %add3A_1352 = arith.constant 0 : i32
        %add3A_1353 = arith.addi %add3A_1352, %mul3A_1351 : i32
        %broadcast_in_dim3A_1354 = vector.broadcast %add3A_1353 : i32 to vector<16xi32>
        %add3A_1355 = arith.constant 512 : i32
        %add3A_1356 = arith.addi %add3A_1355, %add3A_1353 : i32
        %get3A_1357 = arith.index_cast %add3A_1356 : i32 to index
        %get3A_1358 = arith.constant 0 : index
        %get3A_1359 = tpu.vector_load %arg7[%get3A_1357, %get3A_1358] {strides = array<i32>} : memref<1024x32xf32, #tpu.memory_space<vmem>>, vector<16xf32>,
        %get3A_1360 = arith.index_cast %add3A_1356 : i32 to index
        %get3A_1361 = arith.constant 16 : index
        %get3A_1362 = tpu.vector_load %arg7[%get3A_1360, %get3A_1361] {strides = array<i32>} : memref<1024x32xf32, #tpu.memory_space<vmem>>, vector<16xf32>,
        tpu.vector_store_idx %arg8[%shift_right_logical3A_4, %broadcast_in_dim3A_1191, %and3A_9, %broadcast_in_dim3A_1354], %get3A_1359 : memref<4x8x8x129xf32, #tpu.memory_space<vmem>>[vector<16xi32>, vector<16xi32>, vector<16xi32>, vector<16xi32>], vector<16xf32>,
        tpu.vector_store_idx %arg8[%add3A_7, %broadcast_in_dim3A_1191, %and3A_9, %broadcast_in_dim3A_1354], %get3A_1362 : memref<4x8x8x129xf32, #tpu.memory_space<vmem>>[vector<16xi32>, vector<16xi32>, vector<16xi32>, vector<16xi32>], vector<16xf32>,
      }
      %scan3A_1196 = arith.constant 128 : i32
      %broadcast_in_dim3A_1197 = arith.constant 5 : i32
      %broadcast_in_dim3A_1198 = vector.broadcast %broadcast_in_dim3A_1197 : i32 to vector<16xi32>
      %scan3A_1199 = arith.constant 0 : i32
      %scan3A_1200 = arith.constant 128 : i32
      %scan3A_1201 = arith.addi %scan3A_1199, %scan3A_1200 : i32
      %scan3A_1202 = arith.constant 4 : i32
      scf.for %scan3A_1305 = %scan3A_1199 to %scan3A_1201 step %scan3A_1202  : i32 {
        %mul3A_1306 = arith.constant 1 : i32
        %mul3A_1307 = arith.muli %scan3A_1305, %mul3A_1306 : i32
        %add3A_1308 = arith.constant 0 : i32
        %add3A_1309 = arith.addi %add3A_1308, %mul3A_1307 : i32
        %broadcast_in_dim3A_1310 = vector.broadcast %add3A_1309 : i32 to vector<16xi32>
        %add3A_1311 = arith.constant 640 : i32
        %add3A_1312 = arith.addi %add3A_1311, %add3A_1309 : i32
        %get3A = arith.index_cast %add3A_1312 : i32 to index
        %get3A_1313 = arith.constant 0 : index
        %get3A_1314 = tpu.vector_load %arg7[%get3A, %get3A_1313] {strides = array<i32>} : memref<1024x32xf32, #tpu.memory_space<vmem>>, vector<16xf32>,
        %get3A_1315 = arith.index_cast %add3A_1312 : i32 to index
        %get3A_1316 = arith.constant 16 : index
        %get3A_1317 = tpu.vector_load %arg7[%get3A_1315, %get3A_1316] {strides = array<i32>} : memref<1024x32xf32, #tpu.memory_space<vmem>>, vector<16xf32>,
        tpu.vector_store_idx %arg8[%shift_right_logical3A_4, %broadcast_in_dim3A_1198, %and3A_9, %broadcast_in_dim3A_1310], %get3A_1314 : memref<4x8x8x129xf32, #tpu.memory_space<vmem>>[vector<16xi32>, vector<16xi32>, vector<16xi32>, vector<16xi32>], vector<16xf32>,
        tpu.vector_store_idx %arg8[%add3A_7, %broadcast_in_dim3A_1198, %and3A_9, %broadcast_in_dim3A_1310], %get3A_1317 : memref<4x8x8x129xf32, #tpu.memory_space<vmem>>[vector<16xi32>, vector<16xi32>, vector<16xi32>, vector<16xi32>], vector<16xf32>,
        %scan3A_1318 = arith.constant 1 : i32
        %scan3A_1319 = arith.addi %scan3A_1305, %scan3A_1318 : i32
        %mul3A_1320 = arith.constant 1 : i32
        %mul3A_1321 = arith.muli %scan3A_1319, %mul3A_1320 : i32
        %add3A_1322 = arith.constant 0 : i32
        %add3A_1323 = arith.addi %add3A_1322, %mul3A_1321 : i32
        %broadcast_in_dim3A_1324 = vector.broadcast %add3A_1323 : i32 to vector<16xi32>
        %add3A_1325 = arith.constant 640 : i32
        %add3A_1326 = arith.addi %add3A_1325, %add3A_1323 : i32
        %get3A_1327 = arith.index_cast %add3A_1326 : i32 to index
        %get3A_1328 = arith.constant 0 : index
        %get3A_1329 = tpu.vector_load %arg7[%get3A_1327, %get3A_1328] {strides = array<i32>} : memref<1024x32xf32, #tpu.memory_space<vmem>>, vector<16xf32>,
        %get3A_1330 = arith.index_cast %add3A_1326 : i32 to index
        %get3A_1331 = arith.constant 16 : index
        %get3A_1332 = tpu.vector_load %arg7[%get3A_1330, %get3A_1331] {strides = array<i32>} : memref<1024x32xf32, #tpu.memory_space<vmem>>, vector<16xf32>,
        tpu.vector_store_idx %arg8[%shift_right_logical3A_4, %broadcast_in_dim3A_1198, %and3A_9, %broadcast_in_dim3A_1324], %get3A_1329 : memref<4x8x8x129xf32, #tpu.memory_space<vmem>>[vector<16xi32>, vector<16xi32>, vector<16xi32>, vector<16xi32>], vector<16xf32>,
        tpu.vector_store_idx %arg8[%add3A_7, %broadcast_in_dim3A_1198, %and3A_9, %broadcast_in_dim3A_1324], %get3A_1332 : memref<4x8x8x129xf32, #tpu.memory_space<vmem>>[vector<16xi32>, vector<16xi32>, vector<16xi32>, vector<16xi32>], vector<16xf32>,
        %scan3A_1333 = arith.constant 2 : i32
        %scan3A_1334 = arith.addi %scan3A_1305, %scan3A_1333 : i32
        %mul3A_1335 = arith.constant 1 : i32
        %mul3A_1336 = arith.muli %scan3A_1334, %mul3A_1335 : i32
        %add3A_1337 = arith.constant 0 : i32
        %add3A_1338 = arith.addi %add3A_1337, %mul3A_1336 : i32
        %broadcast_in_dim3A_1339 = vector.broadcast %add3A_1338 : i32 to vector<16xi32>
        %add3A_1340 = arith.constant 640 : i32
        %add3A_1341 = arith.addi %add3A_1340, %add3A_1338 : i32
        %get3A_1342 = arith.index_cast %add3A_1341 : i32 to index
        %get3A_1343 = arith.constant 0 : index
        %get3A_1344 = tpu.vector_load %arg7[%get3A_1342, %get3A_1343] {strides = array<i32>} : memref<1024x32xf32, #tpu.memory_space<vmem>>, vector<16xf32>,
        %get3A_1345 = arith.index_cast %add3A_1341 : i32 to index
        %get3A_1346 = arith.constant 16 : index
        %get3A_1347 = tpu.vector_load %arg7[%get3A_1345, %get3A_1346] {strides = array<i32>} : memref<1024x32xf32, #tpu.memory_space<vmem>>, vector<16xf32>,
        tpu.vector_store_idx %arg8[%shift_right_logical3A_4, %broadcast_in_dim3A_1198, %and3A_9, %broadcast_in_dim3A_1339], %get3A_1344 : memref<4x8x8x129xf32, #tpu.memory_space<vmem>>[vector<16xi32>, vector<16xi32>, vector<16xi32>, vector<16xi32>], vector<16xf32>,
        tpu.vector_store_idx %arg8[%add3A_7, %broadcast_in_dim3A_1198, %and3A_9, %broadcast_in_dim3A_1339], %get3A_1347 : memref<4x8x8x129xf32, #tpu.memory_space<vmem>>[vector<16xi32>, vector<16xi32>, vector<16xi32>, vector<16xi32>], vector<16xf32>,
        %scan3A_1348 = arith.constant 3 : i32
        %scan3A_1349 = arith.addi %scan3A_1305, %scan3A_1348 : i32
        %mul3A_1350 = arith.constant 1 : i32
        %mul3A_1351 = arith.muli %scan3A_1349, %mul3A_1350 : i32
        %add3A_1352 = arith.constant 0 : i32
        %add3A_1353 = arith.addi %add3A_1352, %mul3A_1351 : i32
        %broadcast_in_dim3A_1354 = vector.broadcast %add3A_1353 : i32 to vector<16xi32>
        %add3A_1355 = arith.constant 640 : i32
        %add3A_1356 = arith.addi %add3A_1355, %add3A_1353 : i32
        %get3A_1357 = arith.index_cast %add3A_1356 : i32 to index
        %get3A_1358 = arith.constant 0 : index
        %get3A_1359 = tpu.vector_load %arg7[%get3A_1357, %get3A_1358] {strides = array<i32>} : memref<1024x32xf32, #tpu.memory_space<vmem>>, vector<16xf32>,
        %get3A_1360 = arith.index_cast %add3A_1356 : i32 to index
        %get3A_1361 = arith.constant 16 : index
        %get3A_1362 = tpu.vector_load %arg7[%get3A_1360, %get3A_1361] {strides = array<i32>} : memref<1024x32xf32, #tpu.memory_space<vmem>>, vector<16xf32>,
        tpu.vector_store_idx %arg8[%shift_right_logical3A_4, %broadcast_in_dim3A_1198, %and3A_9, %broadcast_in_dim3A_1354], %get3A_1359 : memref<4x8x8x129xf32, #tpu.memory_space<vmem>>[vector<16xi32>, vector<16xi32>, vector<16xi32>, vector<16xi32>], vector<16xf32>,
        tpu.vector_store_idx %arg8[%add3A_7, %broadcast_in_dim3A_1198, %and3A_9, %broadcast_in_dim3A_1354], %get3A_1362 : memref<4x8x8x129xf32, #tpu.memory_space<vmem>>[vector<16xi32>, vector<16xi32>, vector<16xi32>, vector<16xi32>], vector<16xf32>,
      }
      %scan3A_1203 = arith.constant 128 : i32
      %broadcast_in_dim3A_1204 = arith.constant 6 : i32
      %broadcast_in_dim3A_1205 = vector.broadcast %broadcast_in_dim3A_1204 : i32 to vector<16xi32>
      %scan3A_1206 = arith.constant 0 : i32
      %scan3A_1207 = arith.constant 128 : i32
      %scan3A_1208 = arith.addi %scan3A_1206, %scan3A_1207 : i32
      %scan3A_1209 = arith.constant 4 : i32
      scf.for %scan3A_1305 = %scan3A_1206 to %scan3A_1208 step %scan3A_1209  : i32 {
        %mul3A_1306 = arith.constant 1 : i32
        %mul3A_1307 = arith.muli %scan3A_1305, %mul3A_1306 : i32
        %add3A_1308 = arith.constant 0 : i32
        %add3A_1309 = arith.addi %add3A_1308, %mul3A_1307 : i32
        %broadcast_in_dim3A_1310 = vector.broadcast %add3A_1309 : i32 to vector<16xi32>
        %add3A_1311 = arith.constant 768 : i32
        %add3A_1312 = arith.addi %add3A_1311, %add3A_1309 : i32
        %get3A = arith.index_cast %add3A_1312 : i32 to index
        %get3A_1313 = arith.constant 0 : index
        %get3A_1314 = tpu.vector_load %arg7[%get3A, %get3A_1313] {strides = array<i32>} : memref<1024x32xf32, #tpu.memory_space<vmem>>, vector<16xf32>,
        %get3A_1315 = arith.index_cast %add3A_1312 : i32 to index
        %get3A_1316 = arith.constant 16 : index
        %get3A_1317 = tpu.vector_load %arg7[%get3A_1315, %get3A_1316] {strides = array<i32>} : memref<1024x32xf32, #tpu.memory_space<vmem>>, vector<16xf32>,
        tpu.vector_store_idx %arg8[%shift_right_logical3A_4, %broadcast_in_dim3A_1205, %and3A_9, %broadcast_in_dim3A_1310], %get3A_1314 : memref<4x8x8x129xf32, #tpu.memory_space<vmem>>[vector<16xi32>, vector<16xi32>, vector<16xi32>, vector<16xi32>], vector<16xf32>,
        tpu.vector_store_idx %arg8[%add3A_7, %broadcast_in_dim3A_1205, %and3A_9, %broadcast_in_dim3A_1310], %get3A_1317 : memref<4x8x8x129xf32, #tpu.memory_space<vmem>>[vector<16xi32>, vector<16xi32>, vector<16xi32>, vector<16xi32>], vector<16xf32>,
        %scan3A_1318 = arith.constant 1 : i32
        %scan3A_1319 = arith.addi %scan3A_1305, %scan3A_1318 : i32
        %mul3A_1320 = arith.constant 1 : i32
        %mul3A_1321 = arith.muli %scan3A_1319, %mul3A_1320 : i32
        %add3A_1322 = arith.constant 0 : i32
        %add3A_1323 = arith.addi %add3A_1322, %mul3A_1321 : i32
        %broadcast_in_dim3A_1324 = vector.broadcast %add3A_1323 : i32 to vector<16xi32>
        %add3A_1325 = arith.constant 768 : i32
        %add3A_1326 = arith.addi %add3A_1325, %add3A_1323 : i32
        %get3A_1327 = arith.index_cast %add3A_1326 : i32 to index
        %get3A_1328 = arith.constant 0 : index
        %get3A_1329 = tpu.vector_load %arg7[%get3A_1327, %get3A_1328] {strides = array<i32>} : memref<1024x32xf32, #tpu.memory_space<vmem>>, vector<16xf32>,
        %get3A_1330 = arith.index_cast %add3A_1326 : i32 to index
        %get3A_1331 = arith.constant 16 : index
        %get3A_1332 = tpu.vector_load %arg7[%get3A_1330, %get3A_1331] {strides = array<i32>} : memref<1024x32xf32, #tpu.memory_space<vmem>>, vector<16xf32>,
        tpu.vector_store_idx %arg8[%shift_right_logical3A_4, %broadcast_in_dim3A_1205, %and3A_9, %broadcast_in_dim3A_1324], %get3A_1329 : memref<4x8x8x129xf32, #tpu.memory_space<vmem>>[vector<16xi32>, vector<16xi32>, vector<16xi32>, vector<16xi32>], vector<16xf32>,
        tpu.vector_store_idx %arg8[%add3A_7, %broadcast_in_dim3A_1205, %and3A_9, %broadcast_in_dim3A_1324], %get3A_1332 : memref<4x8x8x129xf32, #tpu.memory_space<vmem>>[vector<16xi32>, vector<16xi32>, vector<16xi32>, vector<16xi32>], vector<16xf32>,
        %scan3A_1333 = arith.constant 2 : i32
        %scan3A_1334 = arith.addi %scan3A_1305, %scan3A_1333 : i32
        %mul3A_1335 = arith.constant 1 : i32
        %mul3A_1336 = arith.muli %scan3A_1334, %mul3A_1335 : i32
        %add3A_1337 = arith.constant 0 : i32
        %add3A_1338 = arith.addi %add3A_1337, %mul3A_1336 : i32
        %broadcast_in_dim3A_1339 = vector.broadcast %add3A_1338 : i32 to vector<16xi32>
        %add3A_1340 = arith.constant 768 : i32
        %add3A_1341 = arith.addi %add3A_1340, %add3A_1338 : i32
        %get3A_1342 = arith.index_cast %add3A_1341 : i32 to index
        %get3A_1343 = arith.constant 0 : index
        %get3A_1344 = tpu.vector_load %arg7[%get3A_1342, %get3A_1343] {strides = array<i32>} : memref<1024x32xf32, #tpu.memory_space<vmem>>, vector<16xf32>,
        %get3A_1345 = arith.index_cast %add3A_1341 : i32 to index
        %get3A_1346 = arith.constant 16 : index
        %get3A_1347 = tpu.vector_load %arg7[%get3A_1345, %get3A_1346] {strides = array<i32>} : memref<1024x32xf32, #tpu.memory_space<vmem>>, vector<16xf32>,
        tpu.vector_store_idx %arg8[%shift_right_logical3A_4, %broadcast_in_dim3A_1205, %and3A_9, %broadcast_in_dim3A_1339], %get3A_1344 : memref<4x8x8x129xf32, #tpu.memory_space<vmem>>[vector<16xi32>, vector<16xi32>, vector<16xi32>, vector<16xi32>], vector<16xf32>,
        tpu.vector_store_idx %arg8[%add3A_7, %broadcast_in_dim3A_1205, %and3A_9, %broadcast_in_dim3A_1339], %get3A_1347 : memref<4x8x8x129xf32, #tpu.memory_space<vmem>>[vector<16xi32>, vector<16xi32>, vector<16xi32>, vector<16xi32>], vector<16xf32>,
        %scan3A_1348 = arith.constant 3 : i32
        %scan3A_1349 = arith.addi %scan3A_1305, %scan3A_1348 : i32
        %mul3A_1350 = arith.constant 1 : i32
        %mul3A_1351 = arith.muli %scan3A_1349, %mul3A_1350 : i32
        %add3A_1352 = arith.constant 0 : i32
        %add3A_1353 = arith.addi %add3A_1352, %mul3A_1351 : i32
        %broadcast_in_dim3A_1354 = vector.broadcast %add3A_1353 : i32 to vector<16xi32>
        %add3A_1355 = arith.constant 768 : i32
        %add3A_1356 = arith.addi %add3A_1355, %add3A_1353 : i32
        %get3A_1357 = arith.index_cast %add3A_1356 : i32 to index
        %get3A_1358 = arith.constant 0 : index
        %get3A_1359 = tpu.vector_load %arg7[%get3A_1357, %get3A_1358] {strides = array<i32>} : memref<1024x32xf32, #tpu.memory_space<vmem>>, vector<16xf32>,
        %get3A_1360 = arith.index_cast %add3A_1356 : i32 to index
        %get3A_1361 = arith.constant 16 : index
        %get3A_1362 = tpu.vector_load %arg7[%get3A_1360, %get3A_1361] {strides = array<i32>} : memref<1024x32xf32, #tpu.memory_space<vmem>>, vector<16xf32>,
        tpu.vector_store_idx %arg8[%shift_right_logical3A_4, %broadcast_in_dim3A_1205, %and3A_9, %broadcast_in_dim3A_1354], %get3A_1359 : memref<4x8x8x129xf32, #tpu.memory_space<vmem>>[vector<16xi32>, vector<16xi32>, vector<16xi32>, vector<16xi32>], vector<16xf32>,
        tpu.vector_store_idx %arg8[%add3A_7, %broadcast_in_dim3A_1205, %and3A_9, %broadcast_in_dim3A_1354], %get3A_1362 : memref<4x8x8x129xf32, #tpu.memory_space<vmem>>[vector<16xi32>, vector<16xi32>, vector<16xi32>, vector<16xi32>], vector<16xf32>,
      }
      %scan3A_1210 = arith.constant 128 : i32
      %broadcast_in_dim3A_1211 = arith.constant 7 : i32
      %broadcast_in_dim3A_1212 = vector.broadcast %broadcast_in_dim3A_1211 : i32 to vector<16xi32>
      %scan3A_1213 = arith.constant 0 : i32
      %scan3A_1214 = arith.constant 128 : i32
      %scan3A_1215 = arith.addi %scan3A_1213, %scan3A_1214 : i32
      %scan3A_1216 = arith.constant 4 : i32
      scf.for %scan3A_1305 = %scan3A_1213 to %scan3A_1215 step %scan3A_1216  : i32 {
        %mul3A_1306 = arith.constant 1 : i32
        %mul3A_1307 = arith.muli %scan3A_1305, %mul3A_1306 : i32
        %add3A_1308 = arith.constant 0 : i32
        %add3A_1309 = arith.addi %add3A_1308, %mul3A_1307 : i32
        %broadcast_in_dim3A_1310 = vector.broadcast %add3A_1309 : i32 to vector<16xi32>
        %add3A_1311 = arith.constant 896 : i32
        %add3A_1312 = arith.addi %add3A_1311, %add3A_1309 : i32
        %get3A = arith.index_cast %add3A_1312 : i32 to index
        %get3A_1313 = arith.constant 0 : index
        %get3A_1314 = tpu.vector_load %arg7[%get3A, %get3A_1313] {strides = array<i32>} : memref<1024x32xf32, #tpu.memory_space<vmem>>, vector<16xf32>,
        %get3A_1315 = arith.index_cast %add3A_1312 : i32 to index
        %get3A_1316 = arith.constant 16 : index
        %get3A_1317 = tpu.vector_load %arg7[%get3A_1315, %get3A_1316] {strides = array<i32>} : memref<1024x32xf32, #tpu.memory_space<vmem>>, vector<16xf32>,
        tpu.vector_store_idx %arg8[%shift_right_logical3A_4, %broadcast_in_dim3A_1212, %and3A_9, %broadcast_in_dim3A_1310], %get3A_1314 : memref<4x8x8x129xf32, #tpu.memory_space<vmem>>[vector<16xi32>, vector<16xi32>, vector<16xi32>, vector<16xi32>], vector<16xf32>,
        tpu.vector_store_idx %arg8[%add3A_7, %broadcast_in_dim3A_1212, %and3A_9, %broadcast_in_dim3A_1310], %get3A_1317 : memref<4x8x8x129xf32, #tpu.memory_space<vmem>>[vector<16xi32>, vector<16xi32>, vector<16xi32>, vector<16xi32>], vector<16xf32>,
        %scan3A_1318 = arith.constant 1 : i32
        %scan3A_1319 = arith.addi %scan3A_1305, %scan3A_1318 : i32
        %mul3A_1320 = arith.constant 1 : i32
        %mul3A_1321 = arith.muli %scan3A_1319, %mul3A_1320 : i32
        %add3A_1322 = arith.constant 0 : i32
        %add3A_1323 = arith.addi %add3A_1322, %mul3A_1321 : i32
        %broadcast_in_dim3A_1324 = vector.broadcast %add3A_1323 : i32 to vector<16xi32>
        %add3A_1325 = arith.constant 896 : i32
        %add3A_1326 = arith.addi %add3A_1325, %add3A_1323 : i32
        %get3A_1327 = arith.index_cast %add3A_1326 : i32 to index
        %get3A_1328 = arith.constant 0 : index
        %get3A_1329 = tpu.vector_load %arg7[%get3A_1327, %get3A_1328] {strides = array<i32>} : memref<1024x32xf32, #tpu.memory_space<vmem>>, vector<16xf32>,
        %get3A_1330 = arith.index_cast %add3A_1326 : i32 to index
        %get3A_1331 = arith.constant 16 : index
        %get3A_1332 = tpu.vector_load %arg7[%get3A_1330, %get3A_1331] {strides = array<i32>} : memref<1024x32xf32, #tpu.memory_space<vmem>>, vector<16xf32>,
        tpu.vector_store_idx %arg8[%shift_right_logical3A_4, %broadcast_in_dim3A_1212, %and3A_9, %broadcast_in_dim3A_1324], %get3A_1329 : memref<4x8x8x129xf32, #tpu.memory_space<vmem>>[vector<16xi32>, vector<16xi32>, vector<16xi32>, vector<16xi32>], vector<16xf32>,
        tpu.vector_store_idx %arg8[%add3A_7, %broadcast_in_dim3A_1212, %and3A_9, %broadcast_in_dim3A_1324], %get3A_1332 : memref<4x8x8x129xf32, #tpu.memory_space<vmem>>[vector<16xi32>, vector<16xi32>, vector<16xi32>, vector<16xi32>], vector<16xf32>,
        %scan3A_1333 = arith.constant 2 : i32
        %scan3A_1334 = arith.addi %scan3A_1305, %scan3A_1333 : i32
        %mul3A_1335 = arith.constant 1 : i32
        %mul3A_1336 = arith.muli %scan3A_1334, %mul3A_1335 : i32
        %add3A_1337 = arith.constant 0 : i32
        %add3A_1338 = arith.addi %add3A_1337, %mul3A_1336 : i32
        %broadcast_in_dim3A_1339 = vector.broadcast %add3A_1338 : i32 to vector<16xi32>
        %add3A_1340 = arith.constant 896 : i32
        %add3A_1341 = arith.addi %add3A_1340, %add3A_1338 : i32
        %get3A_1342 = arith.index_cast %add3A_1341 : i32 to index
        %get3A_1343 = arith.constant 0 : index
        %get3A_1344 = tpu.vector_load %arg7[%get3A_1342, %get3A_1343] {strides = array<i32>} : memref<1024x32xf32, #tpu.memory_space<vmem>>, vector<16xf32>,
        %get3A_1345 = arith.index_cast %add3A_1341 : i32 to index
        %get3A_1346 = arith.constant 16 : index
        %get3A_1347 = tpu.vector_load %arg7[%get3A_1345, %get3A_1346] {strides = array<i32>} : memref<1024x32xf32, #tpu.memory_space<vmem>>, vector<16xf32>,
        tpu.vector_store_idx %arg8[%shift_right_logical3A_4, %broadcast_in_dim3A_1212, %and3A_9, %broadcast_in_dim3A_1339], %get3A_1344 : memref<4x8x8x129xf32, #tpu.memory_space<vmem>>[vector<16xi32>, vector<16xi32>, vector<16xi32>, vector<16xi32>], vector<16xf32>,
        tpu.vector_store_idx %arg8[%add3A_7, %broadcast_in_dim3A_1212, %and3A_9, %broadcast_in_dim3A_1339], %get3A_1347 : memref<4x8x8x129xf32, #tpu.memory_space<vmem>>[vector<16xi32>, vector<16xi32>, vector<16xi32>, vector<16xi32>], vector<16xf32>,
        %scan3A_1348 = arith.constant 3 : i32
        %scan3A_1349 = arith.addi %scan3A_1305, %scan3A_1348 : i32
        %mul3A_1350 = arith.constant 1 : i32
        %mul3A_1351 = arith.muli %scan3A_1349, %mul3A_1350 : i32
        %add3A_1352 = arith.constant 0 : i32
        %add3A_1353 = arith.addi %add3A_1352, %mul3A_1351 : i32
        %broadcast_in_dim3A_1354 = vector.broadcast %add3A_1353 : i32 to vector<16xi32>
        %add3A_1355 = arith.constant 896 : i32
        %add3A_1356 = arith.addi %add3A_1355, %add3A_1353 : i32
        %get3A_1357 = arith.index_cast %add3A_1356 : i32 to index
        %get3A_1358 = arith.constant 0 : index
        %get3A_1359 = tpu.vector_load %arg7[%get3A_1357, %get3A_1358] {strides = array<i32>} : memref<1024x32xf32, #tpu.memory_space<vmem>>, vector<16xf32>,
        %get3A_1360 = arith.index_cast %add3A_1356 : i32 to index
        %get3A_1361 = arith.constant 16 : index
        %get3A_1362 = tpu.vector_load %arg7[%get3A_1360, %get3A_1361] {strides = array<i32>} : memref<1024x32xf32, #tpu.memory_space<vmem>>, vector<16xf32>,
        tpu.vector_store_idx %arg8[%shift_right_logical3A_4, %broadcast_in_dim3A_1212, %and3A_9, %broadcast_in_dim3A_1354], %get3A_1359 : memref<4x8x8x129xf32, #tpu.memory_space<vmem>>[vector<16xi32>, vector<16xi32>, vector<16xi32>, vector<16xi32>], vector<16xf32>,
        tpu.vector_store_idx %arg8[%add3A_7, %broadcast_in_dim3A_1212, %and3A_9, %broadcast_in_dim3A_1354], %get3A_1362 : memref<4x8x8x129xf32, #tpu.memory_space<vmem>>[vector<16xi32>, vector<16xi32>, vector<16xi32>, vector<16xi32>], vector<16xf32>,
      }
      %scan3A_1217 = arith.constant 128 : i32
      %mul3A_1218 = arith.constant 1024 : i32
      %mul3A_1219 = arith.muli %add3A_1161, %mul3A_1218 : i32
      %add3A_1220 = arith.addi %mul3A_2, %mul3A_1219 : i32
      %jit3A_1221 = arith.constant 4096 : i32
      %div3A_1222 = arith.divsi %add3A_1220, %jit3A_1221 : i32
      %sign3A_1223 = arith.constant 0 : i32
      %sign3A_1224 = arith.cmpi sgt, %add3A_1220, %sign3A_1223 : i32
      %sign3A_1225 = arith.extui %sign3A_1224 : i1 to i32
      %sign3A_1226 = arith.constant 0 : i32
      %sign3A_1227 = arith.cmpi slt, %add3A_1220, %sign3A_1226 : i32
      %sign3A_1228 = arith.extui %sign3A_1227 : i1 to i32
      %sign3A_1229 = arith.subi %sign3A_1225, %sign3A_1228 : i32
      %sign3A_1230 = arith.constant 0 : i32
      %sign3A_1231 = arith.cmpi sgt, %jit3A_1221, %sign3A_1230 : i32
      %sign3A_1232 = arith.extui %sign3A_1231 : i1 to i32
      %sign3A_1233 = arith.constant 0 : i32
      %sign3A_1234 = arith.cmpi slt, %jit3A_1221, %sign3A_1233 : i32
      %sign3A_1235 = arith.extui %sign3A_1234 : i1 to i32
      %sign3A_1236 = arith.subi %sign3A_1232, %sign3A_1235 : i32
      %ne3A_1237 = arith.cmpi ne, %sign3A_1229, %sign3A_1236 : i32
      %rem3A_1238 = arith.remsi %add3A_1220, %jit3A_1221 : i32
      %ne3A_1239 = arith.constant 0 : i32
      %ne3A_1240 = arith.cmpi ne, %rem3A_1238, %ne3A_1239 : i32
      %and3A_1241 = arith.andi %ne3A_1237, %ne3A_1240 : i1
      %sub3A_1242 = arith.constant 1 : i32
      %sub3A_1243 = arith.subi %div3A_1222, %sub3A_1242 : i32
      %select_n3A_1244 = arith.select %and3A_1241, %sub3A_1243, %div3A_1222 : i32
      %jit3A_1245 = arith.constant 4096 : i32
      %eq3A_1246 = arith.constant 0 : i32
      %eq3A_1247 = arith.cmpi eq, %jit3A_1245, %eq3A_1246 : i32
      %jit3A_1248 = arith.constant 1 : i32
      %select_n3A_1249 = arith.select %eq3A_1247, %jit3A_1248, %jit3A_1245 : i32
      %rem3A_1250 = arith.remsi %add3A_1220, %select_n3A_1249 : i32
      %ne3A_1251 = arith.constant 0 : i32
      %ne3A_1252 = arith.cmpi ne, %rem3A_1250, %ne3A_1251 : i32
      %lt3A_1253 = arith.constant 0 : i32
      %lt3A_1254 = arith.cmpi slt, %rem3A_1250, %lt3A_1253 : i32
      %lt3A_1255 = arith.constant 0 : i32
      %lt3A_1256 = arith.cmpi slt, %select_n3A_1249, %lt3A_1255 : i32
      %ne3A_1257 = arith.xori %lt3A_1254, %lt3A_1256 : i1
      %and3A_1258 = arith.andi %ne3A_1257, %ne3A_1252 : i1
      %add3A_1259 = arith.addi %rem3A_1250, %select_n3A_1249 : i32
      %select_n3A_1260 = arith.select %and3A_1258, %add3A_1259, %rem3A_1250 : i32
      %jit3A_1261 = arith.constant 128 : i32
      %div3A_1262 = arith.divsi %select_n3A_1260, %jit3A_1261 : i32
      %sign3A_1263 = arith.constant 0 : i32
      %sign3A_1264 = arith.cmpi sgt, %select_n3A_1260, %sign3A_1263 : i32
      %sign3A_1265 = arith.extui %sign3A_1264 : i1 to i32
      %sign3A_1266 = arith.constant 0 : i32
      %sign3A_1267 = arith.cmpi slt, %select_n3A_1260, %sign3A_1266 : i32
      %sign3A_1268 = arith.extui %sign3A_1267 : i1 to i32
      %sign3A_1269 = arith.subi %sign3A_1265, %sign3A_1268 : i32
      %sign3A_1270 = arith.constant 0 : i32
      %sign3A_1271 = arith.cmpi sgt, %jit3A_1261, %sign3A_1270 : i32
      %sign3A_1272 = arith.extui %sign3A_1271 : i1 to i32
      %sign3A_1273 = arith.constant 0 : i32
      %sign3A_1274 = arith.cmpi slt, %jit3A_1261, %sign3A_1273 : i32
      %sign3A_1275 = arith.extui %sign3A_1274 : i1 to i32
      %sign3A_1276 = arith.subi %sign3A_1272, %sign3A_1275 : i32
      %ne3A_1277 = arith.cmpi ne, %sign3A_1269, %sign3A_1276 : i32
      %rem3A_1278 = arith.remsi %select_n3A_1260, %jit3A_1261 : i32
      %ne3A_1279 = arith.constant 0 : i32
      %ne3A_1280 = arith.cmpi ne, %rem3A_1278, %ne3A_1279 : i32
      %and3A_1281 = arith.andi %ne3A_1277, %ne3A_1280 : i1
      %sub3A_1282 = arith.constant 1 : i32
      %sub3A_1283 = arith.subi %div3A_1262, %sub3A_1282 : i32
      %select_n3A_1284 = arith.select %and3A_1281, %sub3A_1283, %div3A_1262 : i32
      %dma_start3A_1285 = arith.constant 0 : i32
      %dma_start3A_1286 = arith.constant 0 : i32
      %dma_start3A_1287 = arith.constant 0 : i32
      %dma_start3A_1288 = arith.constant 0 : i32
      %dma_start3A_1289 = tpu.memref_slice %arg8[%dma_start3A_1285, %dma_start3A_1286, %dma_start3A_1287, %dma_start3A_1288] : memref<4x8x8x129xf32, #tpu.memory_space<vmem>> -> memref<4x8x8x128xf32, #tpu.memory_space<vmem>>
      %dma_start3A_1290 = arith.constant 0 : i32
      %dma_start3A_1291 = arith.constant 0 : i32
      %dma_start3A_1292 = arith.constant 0 : i32
      %dma_start3A_1293 = tpu.memref_slice %arg4[%select_n3A_1244, %dma_start3A_1290, %select_n3A_1284, %dma_start3A_1291, %dma_start3A_1292] : memref<200x4x32x8x128xf32, #tpu.memory_space<hbm>> -> memref<1x4x8x8x128xf32, #tpu.memory_space<hbm>>
      %dma_start3A_1294 = tpu.memref_squeeze %dma_start3A_1293 : memref<1x4x8x8x128xf32, #tpu.memory_space<hbm>> -> memref<4x8x8x128xf32, #tpu.memory_space<hbm>>
      %dma_start3A_1295 = arith.constant 0 : i32
      %dma_start3A_1296 = arith.constant 0 : i32
      %dma_start3A_1297 = arith.constant 0 : i32
      %dma_start3A_1298 = tpu.memref_slice %arg4[%select_n3A_1244, %dma_start3A_1295, %select_n3A_1284, %dma_start3A_1296, %dma_start3A_1297] : memref<200x4x32x8x128xf32, #tpu.memory_space<hbm>> -> memref<1x4x8x8x128xf32, #tpu.memory_space<hbm>>
      %dma_start3A_1299 = tpu.memref_squeeze %dma_start3A_1298 : memref<1x4x8x8x128xf32, #tpu.memory_space<hbm>> -> memref<4x8x8x128xf32, #tpu.memory_space<hbm>>
      %dma_start3A_1300 = arith.constant 0 : i32
      %dma_start3A_1301 = arith.constant 0 : i32
      %dma_start3A_1302 = arith.constant 0 : i32
      %dma_start3A_1303 = arith.constant 0 : i32
      %dma_start3A_1304 = tpu.memref_slice %arg8[%dma_start3A_1300, %dma_start3A_1301, %dma_start3A_1302, %dma_start3A_1303] : memref<4x8x8x129xf32, #tpu.memory_space<vmem>> -> memref<4x8x8x128xf32, #tpu.memory_space<vmem>>
      tpu.enqueue_dma source(%dma_start3A_1304 : memref<4x8x8x128xf32, #tpu.memory_space<vmem>>) target(%dma_start3A_1299 : memref<4x8x8x128xf32, #tpu.memory_space<hbm>>) target_semaphore(%arg11 : memref<!tpu.dma_semaphore, #tpu.memory_space<semaphore_mem>>)
    }
    %scan3A_153 = arith.constant 12 : i32
    %dma_wait3A = arith.constant 0 : i32
    %dma_wait3A_154 = arith.constant 0 : i32
    %dma_wait3A_155 = tpu.memref_slice %arg6[%dma_wait3A, %dma_wait3A_154] : memref<1024x32xf32, #tpu.memory_space<vmem>> -> memref<128x32xf32, #tpu.memory_space<vmem>>
    %dma_wait3A_156 = arith.constant 0 : i32
    %dma_wait3A_157 = tpu.memref_slice %arg5[%dma_wait3A_156] : memref<25600xi32, #tpu.memory_space<vmem>> -> memref<128xi32, #tpu.memory_space<vmem>>
    %dma_wait3A_158 = arith.constant 0 : i32
    %dma_wait3A_159 = arith.constant 0 : i32
    %dma_wait3A_160 = tpu.memref_slice %arg2[%dma_wait3A_158, %dma_wait3A_159] : memref<4000004x32xf32, #tpu.memory_space<hbm>> -> memref<4000004x32xf32, #tpu.memory_space<hbm>>
    tpu.wait_indirect_dma semaphore(%arg9 : memref<!tpu.dma_semaphore, #tpu.memory_space<semaphore_mem>>) src(%dma_wait3A_160 : memref<4000004x32xf32, #tpu.memory_space<hbm>>) dst(%dma_wait3A_155 : memref<128x32xf32, #tpu.memory_space<vmem>>)
    %dma_wait3A_161 = arith.constant 128 : i32
    %dma_wait3A_162 = arith.constant 0 : i32
    %dma_wait3A_163 = tpu.memref_slice %arg6[%dma_wait3A_161, %dma_wait3A_162] : memref<1024x32xf32, #tpu.memory_space<vmem>> -> memref<128x32xf32, #tpu.memory_space<vmem>>
    %dma_wait3A_164 = arith.constant 128 : i32
    %dma_wait3A_165 = tpu.memref_slice %arg5[%dma_wait3A_164] : memref<25600xi32, #tpu.memory_space<vmem>> -> memref<128xi32, #tpu.memory_space<vmem>>
    %dma_wait3A_166 = arith.constant 0 : i32
    %dma_wait3A_167 = arith.constant 0 : i32
    %dma_wait3A_168 = tpu.memref_slice %arg2[%dma_wait3A_166, %dma_wait3A_167] : memref<4000004x32xf32, #tpu.memory_space<hbm>> -> memref<4000004x32xf32, #tpu.memory_space<hbm>>
    tpu.wait_indirect_dma semaphore(%arg9 : memref<!tpu.dma_semaphore, #tpu.memory_space<semaphore_mem>>) src(%dma_wait3A_168 : memref<4000004x32xf32, #tpu.memory_space<hbm>>) dst(%dma_wait3A_163 : memref<128x32xf32, #tpu.memory_space<vmem>>)
    %dma_wait3A_169 = arith.constant 256 : i32
    %dma_wait3A_170 = arith.constant 0 : i32
    %dma_wait3A_171 = tpu.memref_slice %arg6[%dma_wait3A_169, %dma_wait3A_170] : memref<1024x32xf32, #tpu.memory_space<vmem>> -> memref<128x32xf32, #tpu.memory_space<vmem>>
    %dma_wait3A_172 = arith.constant 256 : i32
    %dma_wait3A_173 = tpu.memref_slice %arg5[%dma_wait3A_172] : memref<25600xi32, #tpu.memory_space<vmem>> -> memref<128xi32, #tpu.memory_space<vmem>>
    %dma_wait3A_174 = arith.constant 0 : i32
    %dma_wait3A_175 = arith.constant 0 : i32
    %dma_wait3A_176 = tpu.memref_slice %arg2[%dma_wait3A_174, %dma_wait3A_175] : memref<4000004x32xf32, #tpu.memory_space<hbm>> -> memref<4000004x32xf32, #tpu.memory_space<hbm>>
    tpu.wait_indirect_dma semaphore(%arg9 : memref<!tpu.dma_semaphore, #tpu.memory_space<semaphore_mem>>) src(%dma_wait3A_176 : memref<4000004x32xf32, #tpu.memory_space<hbm>>) dst(%dma_wait3A_171 : memref<128x32xf32, #tpu.memory_space<vmem>>)
    %dma_wait3A_177 = arith.constant 384 : i32
    %dma_wait3A_178 = arith.constant 0 : i32
    %dma_wait3A_179 = tpu.memref_slice %arg6[%dma_wait3A_177, %dma_wait3A_178] : memref<1024x32xf32, #tpu.memory_space<vmem>> -> memref<128x32xf32, #tpu.memory_space<vmem>>
    %dma_wait3A_180 = arith.constant 384 : i32
    %dma_wait3A_181 = tpu.memref_slice %arg5[%dma_wait3A_180] : memref<25600xi32, #tpu.memory_space<vmem>> -> memref<128xi32, #tpu.memory_space<vmem>>
    %dma_wait3A_182 = arith.constant 0 : i32
    %dma_wait3A_183 = arith.constant 0 : i32
    %dma_wait3A_184 = tpu.memref_slice %arg2[%dma_wait3A_182, %dma_wait3A_183] : memref<4000004x32xf32, #tpu.memory_space<hbm>> -> memref<4000004x32xf32, #tpu.memory_space<hbm>>
    tpu.wait_indirect_dma semaphore(%arg9 : memref<!tpu.dma_semaphore, #tpu.memory_space<semaphore_mem>>) src(%dma_wait3A_184 : memref<4000004x32xf32, #tpu.memory_space<hbm>>) dst(%dma_wait3A_179 : memref<128x32xf32, #tpu.memory_space<vmem>>)
    %dma_wait3A_185 = arith.constant 512 : i32
    %dma_wait3A_186 = arith.constant 0 : i32
    %dma_wait3A_187 = tpu.memref_slice %arg6[%dma_wait3A_185, %dma_wait3A_186] : memref<1024x32xf32, #tpu.memory_space<vmem>> -> memref<128x32xf32, #tpu.memory_space<vmem>>
    %dma_wait3A_188 = arith.constant 512 : i32
    %dma_wait3A_189 = tpu.memref_slice %arg5[%dma_wait3A_188] : memref<25600xi32, #tpu.memory_space<vmem>> -> memref<128xi32, #tpu.memory_space<vmem>>
    %dma_wait3A_190 = arith.constant 0 : i32
    %dma_wait3A_191 = arith.constant 0 : i32
    %dma_wait3A_192 = tpu.memref_slice %arg2[%dma_wait3A_190, %dma_wait3A_191] : memref<4000004x32xf32, #tpu.memory_space<hbm>> -> memref<4000004x32xf32, #tpu.memory_space<hbm>>
    tpu.wait_indirect_dma semaphore(%arg9 : memref<!tpu.dma_semaphore, #tpu.memory_space<semaphore_mem>>) src(%dma_wait3A_192 : memref<4000004x32xf32, #tpu.memory_space<hbm>>) dst(%dma_wait3A_187 : memref<128x32xf32, #tpu.memory_space<vmem>>)
    %dma_wait3A_193 = arith.constant 640 : i32
    %dma_wait3A_194 = arith.constant 0 : i32
    %dma_wait3A_195 = tpu.memref_slice %arg6[%dma_wait3A_193, %dma_wait3A_194] : memref<1024x32xf32, #tpu.memory_space<vmem>> -> memref<128x32xf32, #tpu.memory_space<vmem>>
    %dma_wait3A_196 = arith.constant 640 : i32
    %dma_wait3A_197 = tpu.memref_slice %arg5[%dma_wait3A_196] : memref<25600xi32, #tpu.memory_space<vmem>> -> memref<128xi32, #tpu.memory_space<vmem>>
    %dma_wait3A_198 = arith.constant 0 : i32
    %dma_wait3A_199 = arith.constant 0 : i32
    %dma_wait3A_200 = tpu.memref_slice %arg2[%dma_wait3A_198, %dma_wait3A_199] : memref<4000004x32xf32, #tpu.memory_space<hbm>> -> memref<4000004x32xf32, #tpu.memory_space<hbm>>
    tpu.wait_indirect_dma semaphore(%arg9 : memref<!tpu.dma_semaphore, #tpu.memory_space<semaphore_mem>>) src(%dma_wait3A_200 : memref<4000004x32xf32, #tpu.memory_space<hbm>>) dst(%dma_wait3A_195 : memref<128x32xf32, #tpu.memory_space<vmem>>)
    %dma_wait3A_201 = arith.constant 768 : i32
    %dma_wait3A_202 = arith.constant 0 : i32
    %dma_wait3A_203 = tpu.memref_slice %arg6[%dma_wait3A_201, %dma_wait3A_202] : memref<1024x32xf32, #tpu.memory_space<vmem>> -> memref<128x32xf32, #tpu.memory_space<vmem>>
    %dma_wait3A_204 = arith.constant 768 : i32
    %dma_wait3A_205 = tpu.memref_slice %arg5[%dma_wait3A_204] : memref<25600xi32, #tpu.memory_space<vmem>> -> memref<128xi32, #tpu.memory_space<vmem>>
    %dma_wait3A_206 = arith.constant 0 : i32
    %dma_wait3A_207 = arith.constant 0 : i32
    %dma_wait3A_208 = tpu.memref_slice %arg2[%dma_wait3A_206, %dma_wait3A_207] : memref<4000004x32xf32, #tpu.memory_space<hbm>> -> memref<4000004x32xf32, #tpu.memory_space<hbm>>
    tpu.wait_indirect_dma semaphore(%arg9 : memref<!tpu.dma_semaphore, #tpu.memory_space<semaphore_mem>>) src(%dma_wait3A_208 : memref<4000004x32xf32, #tpu.memory_space<hbm>>) dst(%dma_wait3A_203 : memref<128x32xf32, #tpu.memory_space<vmem>>)
    %dma_wait3A_209 = arith.constant 896 : i32
    %dma_wait3A_210 = arith.constant 0 : i32
    %dma_wait3A_211 = tpu.memref_slice %arg6[%dma_wait3A_209, %dma_wait3A_210] : memref<1024x32xf32, #tpu.memory_space<vmem>> -> memref<128x32xf32, #tpu.memory_space<vmem>>
    %dma_wait3A_212 = arith.constant 896 : i32
    %dma_wait3A_213 = tpu.memref_slice %arg5[%dma_wait3A_212] : memref<25600xi32, #tpu.memory_space<vmem>> -> memref<128xi32, #tpu.memory_space<vmem>>
    %dma_wait3A_214 = arith.constant 0 : i32
    %dma_wait3A_215 = arith.constant 0 : i32
    %dma_wait3A_216 = tpu.memref_slice %arg2[%dma_wait3A_214, %dma_wait3A_215] : memref<4000004x32xf32, #tpu.memory_space<hbm>> -> memref<4000004x32xf32, #tpu.memory_space<hbm>>
    tpu.wait_indirect_dma semaphore(%arg9 : memref<!tpu.dma_semaphore, #tpu.memory_space<semaphore_mem>>) src(%dma_wait3A_216 : memref<4000004x32xf32, #tpu.memory_space<hbm>>) dst(%dma_wait3A_211 : memref<128x32xf32, #tpu.memory_space<vmem>>)
    %add3A_217 = arith.constant 0 : i32
    %add3A_218 = arith.addi %mul3A_2, %add3A_217 : i32
    %jit3A_219 = arith.constant 4096 : i32
    %div3A_220 = arith.divsi %add3A_218, %jit3A_219 : i32
    %sign3A_221 = arith.constant 0 : i32
    %sign3A_222 = arith.cmpi sgt, %add3A_218, %sign3A_221 : i32
    %sign3A_223 = arith.extui %sign3A_222 : i1 to i32
    %sign3A_224 = arith.constant 0 : i32
    %sign3A_225 = arith.cmpi slt, %add3A_218, %sign3A_224 : i32
    %sign3A_226 = arith.extui %sign3A_225 : i1 to i32
    %sign3A_227 = arith.subi %sign3A_223, %sign3A_226 : i32
    %sign3A_228 = arith.constant 0 : i32
    %sign3A_229 = arith.cmpi sgt, %jit3A_219, %sign3A_228 : i32
    %sign3A_230 = arith.extui %sign3A_229 : i1 to i32
    %sign3A_231 = arith.constant 0 : i32
    %sign3A_232 = arith.cmpi slt, %jit3A_219, %sign3A_231 : i32
    %sign3A_233 = arith.extui %sign3A_232 : i1 to i32
    %sign3A_234 = arith.subi %sign3A_230, %sign3A_233 : i32
    %ne3A_235 = arith.cmpi ne, %sign3A_227, %sign3A_234 : i32
    %rem3A_236 = arith.remsi %add3A_218, %jit3A_219 : i32
    %ne3A_237 = arith.constant 0 : i32
    %ne3A_238 = arith.cmpi ne, %rem3A_236, %ne3A_237 : i32
    %and3A_239 = arith.andi %ne3A_235, %ne3A_238 : i1
    %sub3A_240 = arith.constant 1 : i32
    %sub3A_241 = arith.subi %div3A_220, %sub3A_240 : i32
    %select_n3A_242 = arith.select %and3A_239, %sub3A_241, %div3A_220 : i32
    %jit3A_243 = arith.constant 4096 : i32
    %eq3A_244 = arith.constant 0 : i32
    %eq3A_245 = arith.cmpi eq, %jit3A_243, %eq3A_244 : i32
    %jit3A_246 = arith.constant 1 : i32
    %select_n3A_247 = arith.select %eq3A_245, %jit3A_246, %jit3A_243 : i32
    %rem3A_248 = arith.remsi %add3A_218, %select_n3A_247 : i32
    %ne3A_249 = arith.constant 0 : i32
    %ne3A_250 = arith.cmpi ne, %rem3A_248, %ne3A_249 : i32
    %lt3A_251 = arith.constant 0 : i32
    %lt3A_252 = arith.cmpi slt, %rem3A_248, %lt3A_251 : i32
    %lt3A_253 = arith.constant 0 : i32
    %lt3A_254 = arith.cmpi slt, %select_n3A_247, %lt3A_253 : i32
    %ne3A_255 = arith.xori %lt3A_252, %lt3A_254 : i1
    %and3A_256 = arith.andi %ne3A_255, %ne3A_250 : i1
    %add3A_257 = arith.addi %rem3A_248, %select_n3A_247 : i32
    %select_n3A_258 = arith.select %and3A_256, %add3A_257, %rem3A_248 : i32
    %jit3A_259 = arith.constant 128 : i32
    %div3A_260 = arith.divsi %select_n3A_258, %jit3A_259 : i32
    %sign3A_261 = arith.constant 0 : i32
    %sign3A_262 = arith.cmpi sgt, %select_n3A_258, %sign3A_261 : i32
    %sign3A_263 = arith.extui %sign3A_262 : i1 to i32
    %sign3A_264 = arith.constant 0 : i32
    %sign3A_265 = arith.cmpi slt, %select_n3A_258, %sign3A_264 : i32
    %sign3A_266 = arith.extui %sign3A_265 : i1 to i32
    %sign3A_267 = arith.subi %sign3A_263, %sign3A_266 : i32
    %sign3A_268 = arith.constant 0 : i32
    %sign3A_269 = arith.cmpi sgt, %jit3A_259, %sign3A_268 : i32
    %sign3A_270 = arith.extui %sign3A_269 : i1 to i32
    %sign3A_271 = arith.constant 0 : i32
    %sign3A_272 = arith.cmpi slt, %jit3A_259, %sign3A_271 : i32
    %sign3A_273 = arith.extui %sign3A_272 : i1 to i32
    %sign3A_274 = arith.subi %sign3A_270, %sign3A_273 : i32
    %ne3A_275 = arith.cmpi ne, %sign3A_267, %sign3A_274 : i32
    %rem3A_276 = arith.remsi %select_n3A_258, %jit3A_259 : i32
    %ne3A_277 = arith.constant 0 : i32
    %ne3A_278 = arith.cmpi ne, %rem3A_276, %ne3A_277 : i32
    %and3A_279 = arith.andi %ne3A_275, %ne3A_278 : i1
    %sub3A_280 = arith.constant 1 : i32
    %sub3A_281 = arith.subi %div3A_260, %sub3A_280 : i32
    %select_n3A_282 = arith.select %and3A_279, %sub3A_281, %div3A_260 : i32
    %dma_wait3A_283 = arith.constant 0 : i32
    %dma_wait3A_284 = arith.constant 0 : i32
    %dma_wait3A_285 = arith.constant 0 : i32
    %dma_wait3A_286 = arith.constant 0 : i32
    %dma_wait3A_287 = tpu.memref_slice %arg8[%dma_wait3A_283, %dma_wait3A_284, %dma_wait3A_285, %dma_wait3A_286] : memref<4x8x8x129xf32, #tpu.memory_space<vmem>> -> memref<4x8x8x128xf32, #tpu.memory_space<vmem>>
    %dma_wait3A_288 = arith.constant 0 : i32
    %dma_wait3A_289 = arith.constant 0 : i32
    %dma_wait3A_290 = arith.constant 0 : i32
    %dma_wait3A_291 = tpu.memref_slice %arg4[%select_n3A_242, %dma_wait3A_288, %select_n3A_282, %dma_wait3A_289, %dma_wait3A_290] : memref<200x4x32x8x128xf32, #tpu.memory_space<hbm>> -> memref<1x4x8x8x128xf32, #tpu.memory_space<hbm>>
    %dma_wait3A_292 = tpu.memref_squeeze %dma_wait3A_291 : memref<1x4x8x8x128xf32, #tpu.memory_space<hbm>> -> memref<4x8x8x128xf32, #tpu.memory_space<hbm>>
    %dma_wait3A_293 = arith.constant 0 : i32
    %dma_wait3A_294 = arith.constant 0 : i32
    %dma_wait3A_295 = arith.constant 0 : i32
    %dma_wait3A_296 = tpu.memref_slice %arg4[%select_n3A_242, %dma_wait3A_293, %select_n3A_282, %dma_wait3A_294, %dma_wait3A_295] : memref<200x4x32x8x128xf32, #tpu.memory_space<hbm>> -> memref<1x4x8x8x128xf32, #tpu.memory_space<hbm>>
    %dma_wait3A_297 = tpu.memref_squeeze %dma_wait3A_296 : memref<1x4x8x8x128xf32, #tpu.memory_space<hbm>> -> memref<4x8x8x128xf32, #tpu.memory_space<hbm>>
    %dma_wait3A_298 = arith.constant 0 : i32
    %dma_wait3A_299 = arith.constant 0 : i32
    %dma_wait3A_300 = arith.constant 0 : i32
    %dma_wait3A_301 = arith.constant 0 : i32
    %dma_wait3A_302 = tpu.memref_slice %arg8[%dma_wait3A_298, %dma_wait3A_299, %dma_wait3A_300, %dma_wait3A_301] : memref<4x8x8x129xf32, #tpu.memory_space<vmem>> -> memref<4x8x8x128xf32, #tpu.memory_space<vmem>>
    tpu.wait_dma2 semaphore(%arg11 : memref<!tpu.dma_semaphore, #tpu.memory_space<semaphore_mem>>) src(%dma_wait3A_302 : memref<4x8x8x128xf32, #tpu.memory_space<vmem>>) dst(%dma_wait3A_297 : memref<4x8x8x128xf32, #tpu.memory_space<hbm>>)
    %broadcast_in_dim3A = arith.constant 0 : i32
    %broadcast_in_dim3A_303 = vector.broadcast %broadcast_in_dim3A : i32 to vector<16xi32>
    %scan3A_304 = arith.constant 0 : i32
    %scan3A_305 = arith.constant 128 : i32
    %scan3A_306 = arith.addi %scan3A_304, %scan3A_305 : i32
    %scan3A_307 = arith.constant 4 : i32
    scf.for %scan3A_530 = %scan3A_304 to %scan3A_306 step %scan3A_307  : i32 {
      %mul3A_531 = arith.constant 1 : i32
      %mul3A_532 = arith.muli %scan3A_530, %mul3A_531 : i32
      %add3A_533 = arith.constant 0 : i32
      %add3A_534 = arith.addi %add3A_533, %mul3A_532 : i32
      %broadcast_in_dim3A_535 = vector.broadcast %add3A_534 : i32 to vector<16xi32>
      %add3A_536 = arith.constant 0 : i32
      %add3A_537 = arith.addi %add3A_536, %add3A_534 : i32
      %get3A = arith.index_cast %add3A_537 : i32 to index
      %get3A_538 = arith.constant 0 : index
      %get3A_539 = tpu.vector_load %arg6[%get3A, %get3A_538] {strides = array<i32>} : memref<1024x32xf32, #tpu.memory_space<vmem>>, vector<16xf32>,
      %get3A_540 = arith.index_cast %add3A_537 : i32 to index
      %get3A_541 = arith.constant 16 : index
      %get3A_542 = tpu.vector_load %arg6[%get3A_540, %get3A_541] {strides = array<i32>} : memref<1024x32xf32, #tpu.memory_space<vmem>>, vector<16xf32>,
      tpu.vector_store_idx %arg8[%shift_right_logical3A_4, %broadcast_in_dim3A_303, %and3A_9, %broadcast_in_dim3A_535], %get3A_539 : memref<4x8x8x129xf32, #tpu.memory_space<vmem>>[vector<16xi32>, vector<16xi32>, vector<16xi32>, vector<16xi32>], vector<16xf32>,
      tpu.vector_store_idx %arg8[%add3A_7, %broadcast_in_dim3A_303, %and3A_9, %broadcast_in_dim3A_535], %get3A_542 : memref<4x8x8x129xf32, #tpu.memory_space<vmem>>[vector<16xi32>, vector<16xi32>, vector<16xi32>, vector<16xi32>], vector<16xf32>,
      %scan3A_543 = arith.constant 1 : i32
      %scan3A_544 = arith.addi %scan3A_530, %scan3A_543 : i32
      %mul3A_545 = arith.constant 1 : i32
      %mul3A_546 = arith.muli %scan3A_544, %mul3A_545 : i32
      %add3A_547 = arith.constant 0 : i32
      %add3A_548 = arith.addi %add3A_547, %mul3A_546 : i32
      %broadcast_in_dim3A_549 = vector.broadcast %add3A_548 : i32 to vector<16xi32>
      %add3A_550 = arith.constant 0 : i32
      %add3A_551 = arith.addi %add3A_550, %add3A_548 : i32
      %get3A_552 = arith.index_cast %add3A_551 : i32 to index
      %get3A_553 = arith.constant 0 : index
      %get3A_554 = tpu.vector_load %arg6[%get3A_552, %get3A_553] {strides = array<i32>} : memref<1024x32xf32, #tpu.memory_space<vmem>>, vector<16xf32>,
      %get3A_555 = arith.index_cast %add3A_551 : i32 to index
      %get3A_556 = arith.constant 16 : index
      %get3A_557 = tpu.vector_load %arg6[%get3A_555, %get3A_556] {strides = array<i32>} : memref<1024x32xf32, #tpu.memory_space<vmem>>, vector<16xf32>,
      tpu.vector_store_idx %arg8[%shift_right_logical3A_4, %broadcast_in_dim3A_303, %and3A_9, %broadcast_in_dim3A_549], %get3A_554 : memref<4x8x8x129xf32, #tpu.memory_space<vmem>>[vector<16xi32>, vector<16xi32>, vector<16xi32>, vector<16xi32>], vector<16xf32>,
      tpu.vector_store_idx %arg8[%add3A_7, %broadcast_in_dim3A_303, %and3A_9, %broadcast_in_dim3A_549], %get3A_557 : memref<4x8x8x129xf32, #tpu.memory_space<vmem>>[vector<16xi32>, vector<16xi32>, vector<16xi32>, vector<16xi32>], vector<16xf32>,
      %scan3A_558 = arith.constant 2 : i32
      %scan3A_559 = arith.addi %scan3A_530, %scan3A_558 : i32
      %mul3A_560 = arith.constant 1 : i32
      %mul3A_561 = arith.muli %scan3A_559, %mul3A_560 : i32
      %add3A_562 = arith.constant 0 : i32
      %add3A_563 = arith.addi %add3A_562, %mul3A_561 : i32
      %broadcast_in_dim3A_564 = vector.broadcast %add3A_563 : i32 to vector<16xi32>
      %add3A_565 = arith.constant 0 : i32
      %add3A_566 = arith.addi %add3A_565, %add3A_563 : i32
      %get3A_567 = arith.index_cast %add3A_566 : i32 to index
      %get3A_568 = arith.constant 0 : index
      %get3A_569 = tpu.vector_load %arg6[%get3A_567, %get3A_568] {strides = array<i32>} : memref<1024x32xf32, #tpu.memory_space<vmem>>, vector<16xf32>,
      %get3A_570 = arith.index_cast %add3A_566 : i32 to index
      %get3A_571 = arith.constant 16 : index
      %get3A_572 = tpu.vector_load %arg6[%get3A_570, %get3A_571] {strides = array<i32>} : memref<1024x32xf32, #tpu.memory_space<vmem>>, vector<16xf32>,
      tpu.vector_store_idx %arg8[%shift_right_logical3A_4, %broadcast_in_dim3A_303, %and3A_9, %broadcast_in_dim3A_564], %get3A_569 : memref<4x8x8x129xf32, #tpu.memory_space<vmem>>[vector<16xi32>, vector<16xi32>, vector<16xi32>, vector<16xi32>], vector<16xf32>,
      tpu.vector_store_idx %arg8[%add3A_7, %broadcast_in_dim3A_303, %and3A_9, %broadcast_in_dim3A_564], %get3A_572 : memref<4x8x8x129xf32, #tpu.memory_space<vmem>>[vector<16xi32>, vector<16xi32>, vector<16xi32>, vector<16xi32>], vector<16xf32>,
      %scan3A_573 = arith.constant 3 : i32
      %scan3A_574 = arith.addi %scan3A_530, %scan3A_573 : i32
      %mul3A_575 = arith.constant 1 : i32
      %mul3A_576 = arith.muli %scan3A_574, %mul3A_575 : i32
      %add3A_577 = arith.constant 0 : i32
      %add3A_578 = arith.addi %add3A_577, %mul3A_576 : i32
      %broadcast_in_dim3A_579 = vector.broadcast %add3A_578 : i32 to vector<16xi32>
      %add3A_580 = arith.constant 0 : i32
      %add3A_581 = arith.addi %add3A_580, %add3A_578 : i32
      %get3A_582 = arith.index_cast %add3A_581 : i32 to index
      %get3A_583 = arith.constant 0 : index
      %get3A_584 = tpu.vector_load %arg6[%get3A_582, %get3A_583] {strides = array<i32>} : memref<1024x32xf32, #tpu.memory_space<vmem>>, vector<16xf32>,
      %get3A_585 = arith.index_cast %add3A_581 : i32 to index
      %get3A_586 = arith.constant 16 : index
      %get3A_587 = tpu.vector_load %arg6[%get3A_585, %get3A_586] {strides = array<i32>} : memref<1024x32xf32, #tpu.memory_space<vmem>>, vector<16xf32>,
      tpu.vector_store_idx %arg8[%shift_right_logical3A_4, %broadcast_in_dim3A_303, %and3A_9, %broadcast_in_dim3A_579], %get3A_584 : memref<4x8x8x129xf32, #tpu.memory_space<vmem>>[vector<16xi32>, vector<16xi32>, vector<16xi32>, vector<16xi32>], vector<16xf32>,
      tpu.vector_store_idx %arg8[%add3A_7, %broadcast_in_dim3A_303, %and3A_9, %broadcast_in_dim3A_579], %get3A_587 : memref<4x8x8x129xf32, #tpu.memory_space<vmem>>[vector<16xi32>, vector<16xi32>, vector<16xi32>, vector<16xi32>], vector<16xf32>,
    }
    %scan3A_308 = arith.constant 128 : i32
    %broadcast_in_dim3A_309 = arith.constant 1 : i32
    %broadcast_in_dim3A_310 = vector.broadcast %broadcast_in_dim3A_309 : i32 to vector<16xi32>
    %scan3A_311 = arith.constant 0 : i32
    %scan3A_312 = arith.constant 128 : i32
    %scan3A_313 = arith.addi %scan3A_311, %scan3A_312 : i32
    %scan3A_314 = arith.constant 4 : i32
    scf.for %scan3A_530 = %scan3A_311 to %scan3A_313 step %scan3A_314  : i32 {
      %mul3A_531 = arith.constant 1 : i32
      %mul3A_532 = arith.muli %scan3A_530, %mul3A_531 : i32
      %add3A_533 = arith.constant 0 : i32
      %add3A_534 = arith.addi %add3A_533, %mul3A_532 : i32
      %broadcast_in_dim3A_535 = vector.broadcast %add3A_534 : i32 to vector<16xi32>
      %add3A_536 = arith.constant 128 : i32
      %add3A_537 = arith.addi %add3A_536, %add3A_534 : i32
      %get3A = arith.index_cast %add3A_537 : i32 to index
      %get3A_538 = arith.constant 0 : index
      %get3A_539 = tpu.vector_load %arg6[%get3A, %get3A_538] {strides = array<i32>} : memref<1024x32xf32, #tpu.memory_space<vmem>>, vector<16xf32>,
      %get3A_540 = arith.index_cast %add3A_537 : i32 to index
      %get3A_541 = arith.constant 16 : index
      %get3A_542 = tpu.vector_load %arg6[%get3A_540, %get3A_541] {strides = array<i32>} : memref<1024x32xf32, #tpu.memory_space<vmem>>, vector<16xf32>,
      tpu.vector_store_idx %arg8[%shift_right_logical3A_4, %broadcast_in_dim3A_310, %and3A_9, %broadcast_in_dim3A_535], %get3A_539 : memref<4x8x8x129xf32, #tpu.memory_space<vmem>>[vector<16xi32>, vector<16xi32>, vector<16xi32>, vector<16xi32>], vector<16xf32>,
      tpu.vector_store_idx %arg8[%add3A_7, %broadcast_in_dim3A_310, %and3A_9, %broadcast_in_dim3A_535], %get3A_542 : memref<4x8x8x129xf32, #tpu.memory_space<vmem>>[vector<16xi32>, vector<16xi32>, vector<16xi32>, vector<16xi32>], vector<16xf32>,
      %scan3A_543 = arith.constant 1 : i32
      %scan3A_544 = arith.addi %scan3A_530, %scan3A_543 : i32
      %mul3A_545 = arith.constant 1 : i32
      %mul3A_546 = arith.muli %scan3A_544, %mul3A_545 : i32
      %add3A_547 = arith.constant 0 : i32
      %add3A_548 = arith.addi %add3A_547, %mul3A_546 : i32
      %broadcast_in_dim3A_549 = vector.broadcast %add3A_548 : i32 to vector<16xi32>
      %add3A_550 = arith.constant 128 : i32
      %add3A_551 = arith.addi %add3A_550, %add3A_548 : i32
      %get3A_552 = arith.index_cast %add3A_551 : i32 to index
      %get3A_553 = arith.constant 0 : index
      %get3A_554 = tpu.vector_load %arg6[%get3A_552, %get3A_553] {strides = array<i32>} : memref<1024x32xf32, #tpu.memory_space<vmem>>, vector<16xf32>,
      %get3A_555 = arith.index_cast %add3A_551 : i32 to index
      %get3A_556 = arith.constant 16 : index
      %get3A_557 = tpu.vector_load %arg6[%get3A_555, %get3A_556] {strides = array<i32>} : memref<1024x32xf32, #tpu.memory_space<vmem>>, vector<16xf32>,
      tpu.vector_store_idx %arg8[%shift_right_logical3A_4, %broadcast_in_dim3A_310, %and3A_9, %broadcast_in_dim3A_549], %get3A_554 : memref<4x8x8x129xf32, #tpu.memory_space<vmem>>[vector<16xi32>, vector<16xi32>, vector<16xi32>, vector<16xi32>], vector<16xf32>,
      tpu.vector_store_idx %arg8[%add3A_7, %broadcast_in_dim3A_310, %and3A_9, %broadcast_in_dim3A_549], %get3A_557 : memref<4x8x8x129xf32, #tpu.memory_space<vmem>>[vector<16xi32>, vector<16xi32>, vector<16xi32>, vector<16xi32>], vector<16xf32>,
      %scan3A_558 = arith.constant 2 : i32
      %scan3A_559 = arith.addi %scan3A_530, %scan3A_558 : i32
      %mul3A_560 = arith.constant 1 : i32
      %mul3A_561 = arith.muli %scan3A_559, %mul3A_560 : i32
      %add3A_562 = arith.constant 0 : i32
      %add3A_563 = arith.addi %add3A_562, %mul3A_561 : i32
      %broadcast_in_dim3A_564 = vector.broadcast %add3A_563 : i32 to vector<16xi32>
      %add3A_565 = arith.constant 128 : i32
      %add3A_566 = arith.addi %add3A_565, %add3A_563 : i32
      %get3A_567 = arith.index_cast %add3A_566 : i32 to index
      %get3A_568 = arith.constant 0 : index
      %get3A_569 = tpu.vector_load %arg6[%get3A_567, %get3A_568] {strides = array<i32>} : memref<1024x32xf32, #tpu.memory_space<vmem>>, vector<16xf32>,
      %get3A_570 = arith.index_cast %add3A_566 : i32 to index
      %get3A_571 = arith.constant 16 : index
      %get3A_572 = tpu.vector_load %arg6[%get3A_570, %get3A_571] {strides = array<i32>} : memref<1024x32xf32, #tpu.memory_space<vmem>>, vector<16xf32>,
      tpu.vector_store_idx %arg8[%shift_right_logical3A_4, %broadcast_in_dim3A_310, %and3A_9, %broadcast_in_dim3A_564], %get3A_569 : memref<4x8x8x129xf32, #tpu.memory_space<vmem>>[vector<16xi32>, vector<16xi32>, vector<16xi32>, vector<16xi32>], vector<16xf32>,
      tpu.vector_store_idx %arg8[%add3A_7, %broadcast_in_dim3A_310, %and3A_9, %broadcast_in_dim3A_564], %get3A_572 : memref<4x8x8x129xf32, #tpu.memory_space<vmem>>[vector<16xi32>, vector<16xi32>, vector<16xi32>, vector<16xi32>], vector<16xf32>,
      %scan3A_573 = arith.constant 3 : i32
      %scan3A_574 = arith.addi %scan3A_530, %scan3A_573 : i32
      %mul3A_575 = arith.constant 1 : i32
      %mul3A_576 = arith.muli %scan3A_574, %mul3A_575 : i32
      %add3A_577 = arith.constant 0 : i32
      %add3A_578 = arith.addi %add3A_577, %mul3A_576 : i32
      %broadcast_in_dim3A_579 = vector.broadcast %add3A_578 : i32 to vector<16xi32>
      %add3A_580 = arith.constant 128 : i32
      %add3A_581 = arith.addi %add3A_580, %add3A_578 : i32
      %get3A_582 = arith.index_cast %add3A_581 : i32 to index
      %get3A_583 = arith.constant 0 : index
      %get3A_584 = tpu.vector_load %arg6[%get3A_582, %get3A_583] {strides = array<i32>} : memref<1024x32xf32, #tpu.memory_space<vmem>>, vector<16xf32>,
      %get3A_585 = arith.index_cast %add3A_581 : i32 to index
      %get3A_586 = arith.constant 16 : index
      %get3A_587 = tpu.vector_load %arg6[%get3A_585, %get3A_586] {strides = array<i32>} : memref<1024x32xf32, #tpu.memory_space<vmem>>, vector<16xf32>,
      tpu.vector_store_idx %arg8[%shift_right_logical3A_4, %broadcast_in_dim3A_310, %and3A_9, %broadcast_in_dim3A_579], %get3A_584 : memref<4x8x8x129xf32, #tpu.memory_space<vmem>>[vector<16xi32>, vector<16xi32>, vector<16xi32>, vector<16xi32>], vector<16xf32>,
      tpu.vector_store_idx %arg8[%add3A_7, %broadcast_in_dim3A_310, %and3A_9, %broadcast_in_dim3A_579], %get3A_587 : memref<4x8x8x129xf32, #tpu.memory_space<vmem>>[vector<16xi32>, vector<16xi32>, vector<16xi32>, vector<16xi32>], vector<16xf32>,
    }
    %scan3A_315 = arith.constant 128 : i32
    %broadcast_in_dim3A_316 = arith.constant 2 : i32
    %broadcast_in_dim3A_317 = vector.broadcast %broadcast_in_dim3A_316 : i32 to vector<16xi32>
    %scan3A_318 = arith.constant 0 : i32
    %scan3A_319 = arith.constant 128 : i32
    %scan3A_320 = arith.addi %scan3A_318, %scan3A_319 : i32
    %scan3A_321 = arith.constant 4 : i32
    scf.for %scan3A_530 = %scan3A_318 to %scan3A_320 step %scan3A_321  : i32 {
      %mul3A_531 = arith.constant 1 : i32
      %mul3A_532 = arith.muli %scan3A_530, %mul3A_531 : i32
      %add3A_533 = arith.constant 0 : i32
      %add3A_534 = arith.addi %add3A_533, %mul3A_532 : i32
      %broadcast_in_dim3A_535 = vector.broadcast %add3A_534 : i32 to vector<16xi32>
      %add3A_536 = arith.constant 256 : i32
      %add3A_537 = arith.addi %add3A_536, %add3A_534 : i32
      %get3A = arith.index_cast %add3A_537 : i32 to index
      %get3A_538 = arith.constant 0 : index
      %get3A_539 = tpu.vector_load %arg6[%get3A, %get3A_538] {strides = array<i32>} : memref<1024x32xf32, #tpu.memory_space<vmem>>, vector<16xf32>,
      %get3A_540 = arith.index_cast %add3A_537 : i32 to index
      %get3A_541 = arith.constant 16 : index
      %get3A_542 = tpu.vector_load %arg6[%get3A_540, %get3A_541] {strides = array<i32>} : memref<1024x32xf32, #tpu.memory_space<vmem>>, vector<16xf32>,
      tpu.vector_store_idx %arg8[%shift_right_logical3A_4, %broadcast_in_dim3A_317, %and3A_9, %broadcast_in_dim3A_535], %get3A_539 : memref<4x8x8x129xf32, #tpu.memory_space<vmem>>[vector<16xi32>, vector<16xi32>, vector<16xi32>, vector<16xi32>], vector<16xf32>,
      tpu.vector_store_idx %arg8[%add3A_7, %broadcast_in_dim3A_317, %and3A_9, %broadcast_in_dim3A_535], %get3A_542 : memref<4x8x8x129xf32, #tpu.memory_space<vmem>>[vector<16xi32>, vector<16xi32>, vector<16xi32>, vector<16xi32>], vector<16xf32>,
      %scan3A_543 = arith.constant 1 : i32
      %scan3A_544 = arith.addi %scan3A_530, %scan3A_543 : i32
      %mul3A_545 = arith.constant 1 : i32
      %mul3A_546 = arith.muli %scan3A_544, %mul3A_545 : i32
      %add3A_547 = arith.constant 0 : i32
      %add3A_548 = arith.addi %add3A_547, %mul3A_546 : i32
      %broadcast_in_dim3A_549 = vector.broadcast %add3A_548 : i32 to vector<16xi32>
      %add3A_550 = arith.constant 256 : i32
      %add3A_551 = arith.addi %add3A_550, %add3A_548 : i32
      %get3A_552 = arith.index_cast %add3A_551 : i32 to index
      %get3A_553 = arith.constant 0 : index
      %get3A_554 = tpu.vector_load %arg6[%get3A_552, %get3A_553] {strides = array<i32>} : memref<1024x32xf32, #tpu.memory_space<vmem>>, vector<16xf32>,
      %get3A_555 = arith.index_cast %add3A_551 : i32 to index
      %get3A_556 = arith.constant 16 : index
      %get3A_557 = tpu.vector_load %arg6[%get3A_555, %get3A_556] {strides = array<i32>} : memref<1024x32xf32, #tpu.memory_space<vmem>>, vector<16xf32>,
      tpu.vector_store_idx %arg8[%shift_right_logical3A_4, %broadcast_in_dim3A_317, %and3A_9, %broadcast_in_dim3A_549], %get3A_554 : memref<4x8x8x129xf32, #tpu.memory_space<vmem>>[vector<16xi32>, vector<16xi32>, vector<16xi32>, vector<16xi32>], vector<16xf32>,
      tpu.vector_store_idx %arg8[%add3A_7, %broadcast_in_dim3A_317, %and3A_9, %broadcast_in_dim3A_549], %get3A_557 : memref<4x8x8x129xf32, #tpu.memory_space<vmem>>[vector<16xi32>, vector<16xi32>, vector<16xi32>, vector<16xi32>], vector<16xf32>,
      %scan3A_558 = arith.constant 2 : i32
      %scan3A_559 = arith.addi %scan3A_530, %scan3A_558 : i32
      %mul3A_560 = arith.constant 1 : i32
      %mul3A_561 = arith.muli %scan3A_559, %mul3A_560 : i32
      %add3A_562 = arith.constant 0 : i32
      %add3A_563 = arith.addi %add3A_562, %mul3A_561 : i32
      %broadcast_in_dim3A_564 = vector.broadcast %add3A_563 : i32 to vector<16xi32>
      %add3A_565 = arith.constant 256 : i32
      %add3A_566 = arith.addi %add3A_565, %add3A_563 : i32
      %get3A_567 = arith.index_cast %add3A_566 : i32 to index
      %get3A_568 = arith.constant 0 : index
      %get3A_569 = tpu.vector_load %arg6[%get3A_567, %get3A_568] {strides = array<i32>} : memref<1024x32xf32, #tpu.memory_space<vmem>>, vector<16xf32>,
      %get3A_570 = arith.index_cast %add3A_566 : i32 to index
      %get3A_571 = arith.constant 16 : index
      %get3A_572 = tpu.vector_load %arg6[%get3A_570, %get3A_571] {strides = array<i32>} : memref<1024x32xf32, #tpu.memory_space<vmem>>, vector<16xf32>,
      tpu.vector_store_idx %arg8[%shift_right_logical3A_4, %broadcast_in_dim3A_317, %and3A_9, %broadcast_in_dim3A_564], %get3A_569 : memref<4x8x8x129xf32, #tpu.memory_space<vmem>>[vector<16xi32>, vector<16xi32>, vector<16xi32>, vector<16xi32>], vector<16xf32>,
      tpu.vector_store_idx %arg8[%add3A_7, %broadcast_in_dim3A_317, %and3A_9, %broadcast_in_dim3A_564], %get3A_572 : memref<4x8x8x129xf32, #tpu.memory_space<vmem>>[vector<16xi32>, vector<16xi32>, vector<16xi32>, vector<16xi32>], vector<16xf32>,
      %scan3A_573 = arith.constant 3 : i32
      %scan3A_574 = arith.addi %scan3A_530, %scan3A_573 : i32
      %mul3A_575 = arith.constant 1 : i32
      %mul3A_576 = arith.muli %scan3A_574, %mul3A_575 : i32
      %add3A_577 = arith.constant 0 : i32
      %add3A_578 = arith.addi %add3A_577, %mul3A_576 : i32
      %broadcast_in_dim3A_579 = vector.broadcast %add3A_578 : i32 to vector<16xi32>
      %add3A_580 = arith.constant 256 : i32
      %add3A_581 = arith.addi %add3A_580, %add3A_578 : i32
      %get3A_582 = arith.index_cast %add3A_581 : i32 to index
      %get3A_583 = arith.constant 0 : index
      %get3A_584 = tpu.vector_load %arg6[%get3A_582, %get3A_583] {strides = array<i32>} : memref<1024x32xf32, #tpu.memory_space<vmem>>, vector<16xf32>,
      %get3A_585 = arith.index_cast %add3A_581 : i32 to index
      %get3A_586 = arith.constant 16 : index
      %get3A_587 = tpu.vector_load %arg6[%get3A_585, %get3A_586] {strides = array<i32>} : memref<1024x32xf32, #tpu.memory_space<vmem>>, vector<16xf32>,
      tpu.vector_store_idx %arg8[%shift_right_logical3A_4, %broadcast_in_dim3A_317, %and3A_9, %broadcast_in_dim3A_579], %get3A_584 : memref<4x8x8x129xf32, #tpu.memory_space<vmem>>[vector<16xi32>, vector<16xi32>, vector<16xi32>, vector<16xi32>], vector<16xf32>,
      tpu.vector_store_idx %arg8[%add3A_7, %broadcast_in_dim3A_317, %and3A_9, %broadcast_in_dim3A_579], %get3A_587 : memref<4x8x8x129xf32, #tpu.memory_space<vmem>>[vector<16xi32>, vector<16xi32>, vector<16xi32>, vector<16xi32>], vector<16xf32>,
    }
    %scan3A_322 = arith.constant 128 : i32
    %broadcast_in_dim3A_323 = arith.constant 3 : i32
    %broadcast_in_dim3A_324 = vector.broadcast %broadcast_in_dim3A_323 : i32 to vector<16xi32>
    %scan3A_325 = arith.constant 0 : i32
    %scan3A_326 = arith.constant 128 : i32
    %scan3A_327 = arith.addi %scan3A_325, %scan3A_326 : i32
    %scan3A_328 = arith.constant 4 : i32
    scf.for %scan3A_530 = %scan3A_325 to %scan3A_327 step %scan3A_328  : i32 {
      %mul3A_531 = arith.constant 1 : i32
      %mul3A_532 = arith.muli %scan3A_530, %mul3A_531 : i32
      %add3A_533 = arith.constant 0 : i32
      %add3A_534 = arith.addi %add3A_533, %mul3A_532 : i32
      %broadcast_in_dim3A_535 = vector.broadcast %add3A_534 : i32 to vector<16xi32>
      %add3A_536 = arith.constant 384 : i32
      %add3A_537 = arith.addi %add3A_536, %add3A_534 : i32
      %get3A = arith.index_cast %add3A_537 : i32 to index
      %get3A_538 = arith.constant 0 : index
      %get3A_539 = tpu.vector_load %arg6[%get3A, %get3A_538] {strides = array<i32>} : memref<1024x32xf32, #tpu.memory_space<vmem>>, vector<16xf32>,
      %get3A_540 = arith.index_cast %add3A_537 : i32 to index
      %get3A_541 = arith.constant 16 : index
      %get3A_542 = tpu.vector_load %arg6[%get3A_540, %get3A_541] {strides = array<i32>} : memref<1024x32xf32, #tpu.memory_space<vmem>>, vector<16xf32>,
      tpu.vector_store_idx %arg8[%shift_right_logical3A_4, %broadcast_in_dim3A_324, %and3A_9, %broadcast_in_dim3A_535], %get3A_539 : memref<4x8x8x129xf32, #tpu.memory_space<vmem>>[vector<16xi32>, vector<16xi32>, vector<16xi32>, vector<16xi32>], vector<16xf32>,
      tpu.vector_store_idx %arg8[%add3A_7, %broadcast_in_dim3A_324, %and3A_9, %broadcast_in_dim3A_535], %get3A_542 : memref<4x8x8x129xf32, #tpu.memory_space<vmem>>[vector<16xi32>, vector<16xi32>, vector<16xi32>, vector<16xi32>], vector<16xf32>,
      %scan3A_543 = arith.constant 1 : i32
      %scan3A_544 = arith.addi %scan3A_530, %scan3A_543 : i32
      %mul3A_545 = arith.constant 1 : i32
      %mul3A_546 = arith.muli %scan3A_544, %mul3A_545 : i32
      %add3A_547 = arith.constant 0 : i32
      %add3A_548 = arith.addi %add3A_547, %mul3A_546 : i32
      %broadcast_in_dim3A_549 = vector.broadcast %add3A_548 : i32 to vector<16xi32>
      %add3A_550 = arith.constant 384 : i32
      %add3A_551 = arith.addi %add3A_550, %add3A_548 : i32
      %get3A_552 = arith.index_cast %add3A_551 : i32 to index
      %get3A_553 = arith.constant 0 : index
      %get3A_554 = tpu.vector_load %arg6[%get3A_552, %get3A_553] {strides = array<i32>} : memref<1024x32xf32, #tpu.memory_space<vmem>>, vector<16xf32>,
      %get3A_555 = arith.index_cast %add3A_551 : i32 to index
      %get3A_556 = arith.constant 16 : index
      %get3A_557 = tpu.vector_load %arg6[%get3A_555, %get3A_556] {strides = array<i32>} : memref<1024x32xf32, #tpu.memory_space<vmem>>, vector<16xf32>,
      tpu.vector_store_idx %arg8[%shift_right_logical3A_4, %broadcast_in_dim3A_324, %and3A_9, %broadcast_in_dim3A_549], %get3A_554 : memref<4x8x8x129xf32, #tpu.memory_space<vmem>>[vector<16xi32>, vector<16xi32>, vector<16xi32>, vector<16xi32>], vector<16xf32>,
      tpu.vector_store_idx %arg8[%add3A_7, %broadcast_in_dim3A_324, %and3A_9, %broadcast_in_dim3A_549], %get3A_557 : memref<4x8x8x129xf32, #tpu.memory_space<vmem>>[vector<16xi32>, vector<16xi32>, vector<16xi32>, vector<16xi32>], vector<16xf32>,
      %scan3A_558 = arith.constant 2 : i32
      %scan3A_559 = arith.addi %scan3A_530, %scan3A_558 : i32
      %mul3A_560 = arith.constant 1 : i32
      %mul3A_561 = arith.muli %scan3A_559, %mul3A_560 : i32
      %add3A_562 = arith.constant 0 : i32
      %add3A_563 = arith.addi %add3A_562, %mul3A_561 : i32
      %broadcast_in_dim3A_564 = vector.broadcast %add3A_563 : i32 to vector<16xi32>
      %add3A_565 = arith.constant 384 : i32
      %add3A_566 = arith.addi %add3A_565, %add3A_563 : i32
      %get3A_567 = arith.index_cast %add3A_566 : i32 to index
      %get3A_568 = arith.constant 0 : index
      %get3A_569 = tpu.vector_load %arg6[%get3A_567, %get3A_568] {strides = array<i32>} : memref<1024x32xf32, #tpu.memory_space<vmem>>, vector<16xf32>,
      %get3A_570 = arith.index_cast %add3A_566 : i32 to index
      %get3A_571 = arith.constant 16 : index
      %get3A_572 = tpu.vector_load %arg6[%get3A_570, %get3A_571] {strides = array<i32>} : memref<1024x32xf32, #tpu.memory_space<vmem>>, vector<16xf32>,
      tpu.vector_store_idx %arg8[%shift_right_logical3A_4, %broadcast_in_dim3A_324, %and3A_9, %broadcast_in_dim3A_564], %get3A_569 : memref<4x8x8x129xf32, #tpu.memory_space<vmem>>[vector<16xi32>, vector<16xi32>, vector<16xi32>, vector<16xi32>], vector<16xf32>,
      tpu.vector_store_idx %arg8[%add3A_7, %broadcast_in_dim3A_324, %and3A_9, %broadcast_in_dim3A_564], %get3A_572 : memref<4x8x8x129xf32, #tpu.memory_space<vmem>>[vector<16xi32>, vector<16xi32>, vector<16xi32>, vector<16xi32>], vector<16xf32>,
      %scan3A_573 = arith.constant 3 : i32
      %scan3A_574 = arith.addi %scan3A_530, %scan3A_573 : i32
      %mul3A_575 = arith.constant 1 : i32
      %mul3A_576 = arith.muli %scan3A_574, %mul3A_575 : i32
      %add3A_577 = arith.constant 0 : i32
      %add3A_578 = arith.addi %add3A_577, %mul3A_576 : i32
      %broadcast_in_dim3A_579 = vector.broadcast %add3A_578 : i32 to vector<16xi32>
      %add3A_580 = arith.constant 384 : i32
      %add3A_581 = arith.addi %add3A_580, %add3A_578 : i32
      %get3A_582 = arith.index_cast %add3A_581 : i32 to index
      %get3A_583 = arith.constant 0 : index
      %get3A_584 = tpu.vector_load %arg6[%get3A_582, %get3A_583] {strides = array<i32>} : memref<1024x32xf32, #tpu.memory_space<vmem>>, vector<16xf32>,
      %get3A_585 = arith.index_cast %add3A_581 : i32 to index
      %get3A_586 = arith.constant 16 : index
      %get3A_587 = tpu.vector_load %arg6[%get3A_585, %get3A_586] {strides = array<i32>} : memref<1024x32xf32, #tpu.memory_space<vmem>>, vector<16xf32>,
      tpu.vector_store_idx %arg8[%shift_right_logical3A_4, %broadcast_in_dim3A_324, %and3A_9, %broadcast_in_dim3A_579], %get3A_584 : memref<4x8x8x129xf32, #tpu.memory_space<vmem>>[vector<16xi32>, vector<16xi32>, vector<16xi32>, vector<16xi32>], vector<16xf32>,
      tpu.vector_store_idx %arg8[%add3A_7, %broadcast_in_dim3A_324, %and3A_9, %broadcast_in_dim3A_579], %get3A_587 : memref<4x8x8x129xf32, #tpu.memory_space<vmem>>[vector<16xi32>, vector<16xi32>, vector<16xi32>, vector<16xi32>], vector<16xf32>,
    }
    %scan3A_329 = arith.constant 128 : i32
    %broadcast_in_dim3A_330 = arith.constant 4 : i32
    %broadcast_in_dim3A_331 = vector.broadcast %broadcast_in_dim3A_330 : i32 to vector<16xi32>
    %scan3A_332 = arith.constant 0 : i32
    %scan3A_333 = arith.constant 128 : i32
    %scan3A_334 = arith.addi %scan3A_332, %scan3A_333 : i32
    %scan3A_335 = arith.constant 4 : i32
    scf.for %scan3A_530 = %scan3A_332 to %scan3A_334 step %scan3A_335  : i32 {
      %mul3A_531 = arith.constant 1 : i32
      %mul3A_532 = arith.muli %scan3A_530, %mul3A_531 : i32
      %add3A_533 = arith.constant 0 : i32
      %add3A_534 = arith.addi %add3A_533, %mul3A_532 : i32
      %broadcast_in_dim3A_535 = vector.broadcast %add3A_534 : i32 to vector<16xi32>
      %add3A_536 = arith.constant 512 : i32
      %add3A_537 = arith.addi %add3A_536, %add3A_534 : i32
      %get3A = arith.index_cast %add3A_537 : i32 to index
      %get3A_538 = arith.constant 0 : index
      %get3A_539 = tpu.vector_load %arg6[%get3A, %get3A_538] {strides = array<i32>} : memref<1024x32xf32, #tpu.memory_space<vmem>>, vector<16xf32>,
      %get3A_540 = arith.index_cast %add3A_537 : i32 to index
      %get3A_541 = arith.constant 16 : index
      %get3A_542 = tpu.vector_load %arg6[%get3A_540, %get3A_541] {strides = array<i32>} : memref<1024x32xf32, #tpu.memory_space<vmem>>, vector<16xf32>,
      tpu.vector_store_idx %arg8[%shift_right_logical3A_4, %broadcast_in_dim3A_331, %and3A_9, %broadcast_in_dim3A_535], %get3A_539 : memref<4x8x8x129xf32, #tpu.memory_space<vmem>>[vector<16xi32>, vector<16xi32>, vector<16xi32>, vector<16xi32>], vector<16xf32>,
      tpu.vector_store_idx %arg8[%add3A_7, %broadcast_in_dim3A_331, %and3A_9, %broadcast_in_dim3A_535], %get3A_542 : memref<4x8x8x129xf32, #tpu.memory_space<vmem>>[vector<16xi32>, vector<16xi32>, vector<16xi32>, vector<16xi32>], vector<16xf32>,
      %scan3A_543 = arith.constant 1 : i32
      %scan3A_544 = arith.addi %scan3A_530, %scan3A_543 : i32
      %mul3A_545 = arith.constant 1 : i32
      %mul3A_546 = arith.muli %scan3A_544, %mul3A_545 : i32
      %add3A_547 = arith.constant 0 : i32
      %add3A_548 = arith.addi %add3A_547, %mul3A_546 : i32
      %broadcast_in_dim3A_549 = vector.broadcast %add3A_548 : i32 to vector<16xi32>
      %add3A_550 = arith.constant 512 : i32
      %add3A_551 = arith.addi %add3A_550, %add3A_548 : i32
      %get3A_552 = arith.index_cast %add3A_551 : i32 to index
      %get3A_553 = arith.constant 0 : index
      %get3A_554 = tpu.vector_load %arg6[%get3A_552, %get3A_553] {strides = array<i32>} : memref<1024x32xf32, #tpu.memory_space<vmem>>, vector<16xf32>,
      %get3A_555 = arith.index_cast %add3A_551 : i32 to index
      %get3A_556 = arith.constant 16 : index
      %get3A_557 = tpu.vector_load %arg6[%get3A_555, %get3A_556] {strides = array<i32>} : memref<1024x32xf32, #tpu.memory_space<vmem>>, vector<16xf32>,
      tpu.vector_store_idx %arg8[%shift_right_logical3A_4, %broadcast_in_dim3A_331, %and3A_9, %broadcast_in_dim3A_549], %get3A_554 : memref<4x8x8x129xf32, #tpu.memory_space<vmem>>[vector<16xi32>, vector<16xi32>, vector<16xi32>, vector<16xi32>], vector<16xf32>,
      tpu.vector_store_idx %arg8[%add3A_7, %broadcast_in_dim3A_331, %and3A_9, %broadcast_in_dim3A_549], %get3A_557 : memref<4x8x8x129xf32, #tpu.memory_space<vmem>>[vector<16xi32>, vector<16xi32>, vector<16xi32>, vector<16xi32>], vector<16xf32>,
      %scan3A_558 = arith.constant 2 : i32
      %scan3A_559 = arith.addi %scan3A_530, %scan3A_558 : i32
      %mul3A_560 = arith.constant 1 : i32
      %mul3A_561 = arith.muli %scan3A_559, %mul3A_560 : i32
      %add3A_562 = arith.constant 0 : i32
      %add3A_563 = arith.addi %add3A_562, %mul3A_561 : i32
      %broadcast_in_dim3A_564 = vector.broadcast %add3A_563 : i32 to vector<16xi32>
      %add3A_565 = arith.constant 512 : i32
      %add3A_566 = arith.addi %add3A_565, %add3A_563 : i32
      %get3A_567 = arith.index_cast %add3A_566 : i32 to index
      %get3A_568 = arith.constant 0 : index
      %get3A_569 = tpu.vector_load %arg6[%get3A_567, %get3A_568] {strides = array<i32>} : memref<1024x32xf32, #tpu.memory_space<vmem>>, vector<16xf32>,
      %get3A_570 = arith.index_cast %add3A_566 : i32 to index
      %get3A_571 = arith.constant 16 : index
      %get3A_572 = tpu.vector_load %arg6[%get3A_570, %get3A_571] {strides = array<i32>} : memref<1024x32xf32, #tpu.memory_space<vmem>>, vector<16xf32>,
      tpu.vector_store_idx %arg8[%shift_right_logical3A_4, %broadcast_in_dim3A_331, %and3A_9, %broadcast_in_dim3A_564], %get3A_569 : memref<4x8x8x129xf32, #tpu.memory_space<vmem>>[vector<16xi32>, vector<16xi32>, vector<16xi32>, vector<16xi32>], vector<16xf32>,
      tpu.vector_store_idx %arg8[%add3A_7, %broadcast_in_dim3A_331, %and3A_9, %broadcast_in_dim3A_564], %get3A_572 : memref<4x8x8x129xf32, #tpu.memory_space<vmem>>[vector<16xi32>, vector<16xi32>, vector<16xi32>, vector<16xi32>], vector<16xf32>,
      %scan3A_573 = arith.constant 3 : i32
      %scan3A_574 = arith.addi %scan3A_530, %scan3A_573 : i32
      %mul3A_575 = arith.constant 1 : i32
      %mul3A_576 = arith.muli %scan3A_574, %mul3A_575 : i32
      %add3A_577 = arith.constant 0 : i32
      %add3A_578 = arith.addi %add3A_577, %mul3A_576 : i32
      %broadcast_in_dim3A_579 = vector.broadcast %add3A_578 : i32 to vector<16xi32>
      %add3A_580 = arith.constant 512 : i32
      %add3A_581 = arith.addi %add3A_580, %add3A_578 : i32
      %get3A_582 = arith.index_cast %add3A_581 : i32 to index
      %get3A_583 = arith.constant 0 : index
      %get3A_584 = tpu.vector_load %arg6[%get3A_582, %get3A_583] {strides = array<i32>} : memref<1024x32xf32, #tpu.memory_space<vmem>>, vector<16xf32>,
      %get3A_585 = arith.index_cast %add3A_581 : i32 to index
      %get3A_586 = arith.constant 16 : index
      %get3A_587 = tpu.vector_load %arg6[%get3A_585, %get3A_586] {strides = array<i32>} : memref<1024x32xf32, #tpu.memory_space<vmem>>, vector<16xf32>,
      tpu.vector_store_idx %arg8[%shift_right_logical3A_4, %broadcast_in_dim3A_331, %and3A_9, %broadcast_in_dim3A_579], %get3A_584 : memref<4x8x8x129xf32, #tpu.memory_space<vmem>>[vector<16xi32>, vector<16xi32>, vector<16xi32>, vector<16xi32>], vector<16xf32>,
      tpu.vector_store_idx %arg8[%add3A_7, %broadcast_in_dim3A_331, %and3A_9, %broadcast_in_dim3A_579], %get3A_587 : memref<4x8x8x129xf32, #tpu.memory_space<vmem>>[vector<16xi32>, vector<16xi32>, vector<16xi32>, vector<16xi32>], vector<16xf32>,
    }
    %scan3A_336 = arith.constant 128 : i32
    %broadcast_in_dim3A_337 = arith.constant 5 : i32
    %broadcast_in_dim3A_338 = vector.broadcast %broadcast_in_dim3A_337 : i32 to vector<16xi32>
    %scan3A_339 = arith.constant 0 : i32
    %scan3A_340 = arith.constant 128 : i32
    %scan3A_341 = arith.addi %scan3A_339, %scan3A_340 : i32
    %scan3A_342 = arith.constant 4 : i32
    scf.for %scan3A_530 = %scan3A_339 to %scan3A_341 step %scan3A_342  : i32 {
      %mul3A_531 = arith.constant 1 : i32
      %mul3A_532 = arith.muli %scan3A_530, %mul3A_531 : i32
      %add3A_533 = arith.constant 0 : i32
      %add3A_534 = arith.addi %add3A_533, %mul3A_532 : i32
      %broadcast_in_dim3A_535 = vector.broadcast %add3A_534 : i32 to vector<16xi32>
      %add3A_536 = arith.constant 640 : i32
      %add3A_537 = arith.addi %add3A_536, %add3A_534 : i32
      %get3A = arith.index_cast %add3A_537 : i32 to index
      %get3A_538 = arith.constant 0 : index
      %get3A_539 = tpu.vector_load %arg6[%get3A, %get3A_538] {strides = array<i32>} : memref<1024x32xf32, #tpu.memory_space<vmem>>, vector<16xf32>,
      %get3A_540 = arith.index_cast %add3A_537 : i32 to index
      %get3A_541 = arith.constant 16 : index
      %get3A_542 = tpu.vector_load %arg6[%get3A_540, %get3A_541] {strides = array<i32>} : memref<1024x32xf32, #tpu.memory_space<vmem>>, vector<16xf32>,
      tpu.vector_store_idx %arg8[%shift_right_logical3A_4, %broadcast_in_dim3A_338, %and3A_9, %broadcast_in_dim3A_535], %get3A_539 : memref<4x8x8x129xf32, #tpu.memory_space<vmem>>[vector<16xi32>, vector<16xi32>, vector<16xi32>, vector<16xi32>], vector<16xf32>,
      tpu.vector_store_idx %arg8[%add3A_7, %broadcast_in_dim3A_338, %and3A_9, %broadcast_in_dim3A_535], %get3A_542 : memref<4x8x8x129xf32, #tpu.memory_space<vmem>>[vector<16xi32>, vector<16xi32>, vector<16xi32>, vector<16xi32>], vector<16xf32>,
      %scan3A_543 = arith.constant 1 : i32
      %scan3A_544 = arith.addi %scan3A_530, %scan3A_543 : i32
      %mul3A_545 = arith.constant 1 : i32
      %mul3A_546 = arith.muli %scan3A_544, %mul3A_545 : i32
      %add3A_547 = arith.constant 0 : i32
      %add3A_548 = arith.addi %add3A_547, %mul3A_546 : i32
      %broadcast_in_dim3A_549 = vector.broadcast %add3A_548 : i32 to vector<16xi32>
      %add3A_550 = arith.constant 640 : i32
      %add3A_551 = arith.addi %add3A_550, %add3A_548 : i32
      %get3A_552 = arith.index_cast %add3A_551 : i32 to index
      %get3A_553 = arith.constant 0 : index
      %get3A_554 = tpu.vector_load %arg6[%get3A_552, %get3A_553] {strides = array<i32>} : memref<1024x32xf32, #tpu.memory_space<vmem>>, vector<16xf32>,
      %get3A_555 = arith.index_cast %add3A_551 : i32 to index
      %get3A_556 = arith.constant 16 : index
      %get3A_557 = tpu.vector_load %arg6[%get3A_555, %get3A_556] {strides = array<i32>} : memref<1024x32xf32, #tpu.memory_space<vmem>>, vector<16xf32>,
      tpu.vector_store_idx %arg8[%shift_right_logical3A_4, %broadcast_in_dim3A_338, %and3A_9, %broadcast_in_dim3A_549], %get3A_554 : memref<4x8x8x129xf32, #tpu.memory_space<vmem>>[vector<16xi32>, vector<16xi32>, vector<16xi32>, vector<16xi32>], vector<16xf32>,
      tpu.vector_store_idx %arg8[%add3A_7, %broadcast_in_dim3A_338, %and3A_9, %broadcast_in_dim3A_549], %get3A_557 : memref<4x8x8x129xf32, #tpu.memory_space<vmem>>[vector<16xi32>, vector<16xi32>, vector<16xi32>, vector<16xi32>], vector<16xf32>,
      %scan3A_558 = arith.constant 2 : i32
      %scan3A_559 = arith.addi %scan3A_530, %scan3A_558 : i32
      %mul3A_560 = arith.constant 1 : i32
      %mul3A_561 = arith.muli %scan3A_559, %mul3A_560 : i32
      %add3A_562 = arith.constant 0 : i32
      %add3A_563 = arith.addi %add3A_562, %mul3A_561 : i32
      %broadcast_in_dim3A_564 = vector.broadcast %add3A_563 : i32 to vector<16xi32>
      %add3A_565 = arith.constant 640 : i32
      %add3A_566 = arith.addi %add3A_565, %add3A_563 : i32
      %get3A_567 = arith.index_cast %add3A_566 : i32 to index
      %get3A_568 = arith.constant 0 : index
      %get3A_569 = tpu.vector_load %arg6[%get3A_567, %get3A_568] {strides = array<i32>} : memref<1024x32xf32, #tpu.memory_space<vmem>>, vector<16xf32>,
      %get3A_570 = arith.index_cast %add3A_566 : i32 to index
      %get3A_571 = arith.constant 16 : index
      %get3A_572 = tpu.vector_load %arg6[%get3A_570, %get3A_571] {strides = array<i32>} : memref<1024x32xf32, #tpu.memory_space<vmem>>, vector<16xf32>,
      tpu.vector_store_idx %arg8[%shift_right_logical3A_4, %broadcast_in_dim3A_338, %and3A_9, %broadcast_in_dim3A_564], %get3A_569 : memref<4x8x8x129xf32, #tpu.memory_space<vmem>>[vector<16xi32>, vector<16xi32>, vector<16xi32>, vector<16xi32>], vector<16xf32>,
      tpu.vector_store_idx %arg8[%add3A_7, %broadcast_in_dim3A_338, %and3A_9, %broadcast_in_dim3A_564], %get3A_572 : memref<4x8x8x129xf32, #tpu.memory_space<vmem>>[vector<16xi32>, vector<16xi32>, vector<16xi32>, vector<16xi32>], vector<16xf32>,
      %scan3A_573 = arith.constant 3 : i32
      %scan3A_574 = arith.addi %scan3A_530, %scan3A_573 : i32
      %mul3A_575 = arith.constant 1 : i32
      %mul3A_576 = arith.muli %scan3A_574, %mul3A_575 : i32
      %add3A_577 = arith.constant 0 : i32
      %add3A_578 = arith.addi %add3A_577, %mul3A_576 : i32
      %broadcast_in_dim3A_579 = vector.broadcast %add3A_578 : i32 to vector<16xi32>
      %add3A_580 = arith.constant 640 : i32
      %add3A_581 = arith.addi %add3A_580, %add3A_578 : i32
      %get3A_582 = arith.index_cast %add3A_581 : i32 to index
      %get3A_583 = arith.constant 0 : index
      %get3A_584 = tpu.vector_load %arg6[%get3A_582, %get3A_583] {strides = array<i32>} : memref<1024x32xf32, #tpu.memory_space<vmem>>, vector<16xf32>,
      %get3A_585 = arith.index_cast %add3A_581 : i32 to index
      %get3A_586 = arith.constant 16 : index
      %get3A_587 = tpu.vector_load %arg6[%get3A_585, %get3A_586] {strides = array<i32>} : memref<1024x32xf32, #tpu.memory_space<vmem>>, vector<16xf32>,
      tpu.vector_store_idx %arg8[%shift_right_logical3A_4, %broadcast_in_dim3A_338, %and3A_9, %broadcast_in_dim3A_579], %get3A_584 : memref<4x8x8x129xf32, #tpu.memory_space<vmem>>[vector<16xi32>, vector<16xi32>, vector<16xi32>, vector<16xi32>], vector<16xf32>,
      tpu.vector_store_idx %arg8[%add3A_7, %broadcast_in_dim3A_338, %and3A_9, %broadcast_in_dim3A_579], %get3A_587 : memref<4x8x8x129xf32, #tpu.memory_space<vmem>>[vector<16xi32>, vector<16xi32>, vector<16xi32>, vector<16xi32>], vector<16xf32>,
    }
    %scan3A_343 = arith.constant 128 : i32
    %broadcast_in_dim3A_344 = arith.constant 6 : i32
    %broadcast_in_dim3A_345 = vector.broadcast %broadcast_in_dim3A_344 : i32 to vector<16xi32>
    %scan3A_346 = arith.constant 0 : i32
    %scan3A_347 = arith.constant 128 : i32
    %scan3A_348 = arith.addi %scan3A_346, %scan3A_347 : i32
    %scan3A_349 = arith.constant 4 : i32
    scf.for %scan3A_530 = %scan3A_346 to %scan3A_348 step %scan3A_349  : i32 {
      %mul3A_531 = arith.constant 1 : i32
      %mul3A_532 = arith.muli %scan3A_530, %mul3A_531 : i32
      %add3A_533 = arith.constant 0 : i32
      %add3A_534 = arith.addi %add3A_533, %mul3A_532 : i32
      %broadcast_in_dim3A_535 = vector.broadcast %add3A_534 : i32 to vector<16xi32>
      %add3A_536 = arith.constant 768 : i32
      %add3A_537 = arith.addi %add3A_536, %add3A_534 : i32
      %get3A = arith.index_cast %add3A_537 : i32 to index
      %get3A_538 = arith.constant 0 : index
      %get3A_539 = tpu.vector_load %arg6[%get3A, %get3A_538] {strides = array<i32>} : memref<1024x32xf32, #tpu.memory_space<vmem>>, vector<16xf32>,
      %get3A_540 = arith.index_cast %add3A_537 : i32 to index
      %get3A_541 = arith.constant 16 : index
      %get3A_542 = tpu.vector_load %arg6[%get3A_540, %get3A_541] {strides = array<i32>} : memref<1024x32xf32, #tpu.memory_space<vmem>>, vector<16xf32>,
      tpu.vector_store_idx %arg8[%shift_right_logical3A_4, %broadcast_in_dim3A_345, %and3A_9, %broadcast_in_dim3A_535], %get3A_539 : memref<4x8x8x129xf32, #tpu.memory_space<vmem>>[vector<16xi32>, vector<16xi32>, vector<16xi32>, vector<16xi32>], vector<16xf32>,
      tpu.vector_store_idx %arg8[%add3A_7, %broadcast_in_dim3A_345, %and3A_9, %broadcast_in_dim3A_535], %get3A_542 : memref<4x8x8x129xf32, #tpu.memory_space<vmem>>[vector<16xi32>, vector<16xi32>, vector<16xi32>, vector<16xi32>], vector<16xf32>,
      %scan3A_543 = arith.constant 1 : i32
      %scan3A_544 = arith.addi %scan3A_530, %scan3A_543 : i32
      %mul3A_545 = arith.constant 1 : i32
      %mul3A_546 = arith.muli %scan3A_544, %mul3A_545 : i32
      %add3A_547 = arith.constant 0 : i32
      %add3A_548 = arith.addi %add3A_547, %mul3A_546 : i32
      %broadcast_in_dim3A_549 = vector.broadcast %add3A_548 : i32 to vector<16xi32>
      %add3A_550 = arith.constant 768 : i32
      %add3A_551 = arith.addi %add3A_550, %add3A_548 : i32
      %get3A_552 = arith.index_cast %add3A_551 : i32 to index
      %get3A_553 = arith.constant 0 : index
      %get3A_554 = tpu.vector_load %arg6[%get3A_552, %get3A_553] {strides = array<i32>} : memref<1024x32xf32, #tpu.memory_space<vmem>>, vector<16xf32>,
      %get3A_555 = arith.index_cast %add3A_551 : i32 to index
      %get3A_556 = arith.constant 16 : index
      %get3A_557 = tpu.vector_load %arg6[%get3A_555, %get3A_556] {strides = array<i32>} : memref<1024x32xf32, #tpu.memory_space<vmem>>, vector<16xf32>,
      tpu.vector_store_idx %arg8[%shift_right_logical3A_4, %broadcast_in_dim3A_345, %and3A_9, %broadcast_in_dim3A_549], %get3A_554 : memref<4x8x8x129xf32, #tpu.memory_space<vmem>>[vector<16xi32>, vector<16xi32>, vector<16xi32>, vector<16xi32>], vector<16xf32>,
      tpu.vector_store_idx %arg8[%add3A_7, %broadcast_in_dim3A_345, %and3A_9, %broadcast_in_dim3A_549], %get3A_557 : memref<4x8x8x129xf32, #tpu.memory_space<vmem>>[vector<16xi32>, vector<16xi32>, vector<16xi32>, vector<16xi32>], vector<16xf32>,
      %scan3A_558 = arith.constant 2 : i32
      %scan3A_559 = arith.addi %scan3A_530, %scan3A_558 : i32
      %mul3A_560 = arith.constant 1 : i32
      %mul3A_561 = arith.muli %scan3A_559, %mul3A_560 : i32
      %add3A_562 = arith.constant 0 : i32
      %add3A_563 = arith.addi %add3A_562, %mul3A_561 : i32
      %broadcast_in_dim3A_564 = vector.broadcast %add3A_563 : i32 to vector<16xi32>
      %add3A_565 = arith.constant 768 : i32
      %add3A_566 = arith.addi %add3A_565, %add3A_563 : i32
      %get3A_567 = arith.index_cast %add3A_566 : i32 to index
      %get3A_568 = arith.constant 0 : index
      %get3A_569 = tpu.vector_load %arg6[%get3A_567, %get3A_568] {strides = array<i32>} : memref<1024x32xf32, #tpu.memory_space<vmem>>, vector<16xf32>,
      %get3A_570 = arith.index_cast %add3A_566 : i32 to index
      %get3A_571 = arith.constant 16 : index
      %get3A_572 = tpu.vector_load %arg6[%get3A_570, %get3A_571] {strides = array<i32>} : memref<1024x32xf32, #tpu.memory_space<vmem>>, vector<16xf32>,
      tpu.vector_store_idx %arg8[%shift_right_logical3A_4, %broadcast_in_dim3A_345, %and3A_9, %broadcast_in_dim3A_564], %get3A_569 : memref<4x8x8x129xf32, #tpu.memory_space<vmem>>[vector<16xi32>, vector<16xi32>, vector<16xi32>, vector<16xi32>], vector<16xf32>,
      tpu.vector_store_idx %arg8[%add3A_7, %broadcast_in_dim3A_345, %and3A_9, %broadcast_in_dim3A_564], %get3A_572 : memref<4x8x8x129xf32, #tpu.memory_space<vmem>>[vector<16xi32>, vector<16xi32>, vector<16xi32>, vector<16xi32>], vector<16xf32>,
      %scan3A_573 = arith.constant 3 : i32
      %scan3A_574 = arith.addi %scan3A_530, %scan3A_573 : i32
      %mul3A_575 = arith.constant 1 : i32
      %mul3A_576 = arith.muli %scan3A_574, %mul3A_575 : i32
      %add3A_577 = arith.constant 0 : i32
      %add3A_578 = arith.addi %add3A_577, %mul3A_576 : i32
      %broadcast_in_dim3A_579 = vector.broadcast %add3A_578 : i32 to vector<16xi32>
      %add3A_580 = arith.constant 768 : i32
      %add3A_581 = arith.addi %add3A_580, %add3A_578 : i32
      %get3A_582 = arith.index_cast %add3A_581 : i32 to index
      %get3A_583 = arith.constant 0 : index
      %get3A_584 = tpu.vector_load %arg6[%get3A_582, %get3A_583] {strides = array<i32>} : memref<1024x32xf32, #tpu.memory_space<vmem>>, vector<16xf32>,
      %get3A_585 = arith.index_cast %add3A_581 : i32 to index
      %get3A_586 = arith.constant 16 : index
      %get3A_587 = tpu.vector_load %arg6[%get3A_585, %get3A_586] {strides = array<i32>} : memref<1024x32xf32, #tpu.memory_space<vmem>>, vector<16xf32>,
      tpu.vector_store_idx %arg8[%shift_right_logical3A_4, %broadcast_in_dim3A_345, %and3A_9, %broadcast_in_dim3A_579], %get3A_584 : memref<4x8x8x129xf32, #tpu.memory_space<vmem>>[vector<16xi32>, vector<16xi32>, vector<16xi32>, vector<16xi32>], vector<16xf32>,
      tpu.vector_store_idx %arg8[%add3A_7, %broadcast_in_dim3A_345, %and3A_9, %broadcast_in_dim3A_579], %get3A_587 : memref<4x8x8x129xf32, #tpu.memory_space<vmem>>[vector<16xi32>, vector<16xi32>, vector<16xi32>, vector<16xi32>], vector<16xf32>,
    }
    %scan3A_350 = arith.constant 128 : i32
    %broadcast_in_dim3A_351 = arith.constant 7 : i32
    %broadcast_in_dim3A_352 = vector.broadcast %broadcast_in_dim3A_351 : i32 to vector<16xi32>
    %scan3A_353 = arith.constant 0 : i32
    %scan3A_354 = arith.constant 128 : i32
    %scan3A_355 = arith.addi %scan3A_353, %scan3A_354 : i32
    %scan3A_356 = arith.constant 4 : i32
    scf.for %scan3A_530 = %scan3A_353 to %scan3A_355 step %scan3A_356  : i32 {
      %mul3A_531 = arith.constant 1 : i32
      %mul3A_532 = arith.muli %scan3A_530, %mul3A_531 : i32
      %add3A_533 = arith.constant 0 : i32
      %add3A_534 = arith.addi %add3A_533, %mul3A_532 : i32
      %broadcast_in_dim3A_535 = vector.broadcast %add3A_534 : i32 to vector<16xi32>
      %add3A_536 = arith.constant 896 : i32
      %add3A_537 = arith.addi %add3A_536, %add3A_534 : i32
      %get3A = arith.index_cast %add3A_537 : i32 to index
      %get3A_538 = arith.constant 0 : index
      %get3A_539 = tpu.vector_load %arg6[%get3A, %get3A_538] {strides = array<i32>} : memref<1024x32xf32, #tpu.memory_space<vmem>>, vector<16xf32>,
      %get3A_540 = arith.index_cast %add3A_537 : i32 to index
      %get3A_541 = arith.constant 16 : index
      %get3A_542 = tpu.vector_load %arg6[%get3A_540, %get3A_541] {strides = array<i32>} : memref<1024x32xf32, #tpu.memory_space<vmem>>, vector<16xf32>,
      tpu.vector_store_idx %arg8[%shift_right_logical3A_4, %broadcast_in_dim3A_352, %and3A_9, %broadcast_in_dim3A_535], %get3A_539 : memref<4x8x8x129xf32, #tpu.memory_space<vmem>>[vector<16xi32>, vector<16xi32>, vector<16xi32>, vector<16xi32>], vector<16xf32>,
      tpu.vector_store_idx %arg8[%add3A_7, %broadcast_in_dim3A_352, %and3A_9, %broadcast_in_dim3A_535], %get3A_542 : memref<4x8x8x129xf32, #tpu.memory_space<vmem>>[vector<16xi32>, vector<16xi32>, vector<16xi32>, vector<16xi32>], vector<16xf32>,
      %scan3A_543 = arith.constant 1 : i32
      %scan3A_544 = arith.addi %scan3A_530, %scan3A_543 : i32
      %mul3A_545 = arith.constant 1 : i32
      %mul3A_546 = arith.muli %scan3A_544, %mul3A_545 : i32
      %add3A_547 = arith.constant 0 : i32
      %add3A_548 = arith.addi %add3A_547, %mul3A_546 : i32
      %broadcast_in_dim3A_549 = vector.broadcast %add3A_548 : i32 to vector<16xi32>
      %add3A_550 = arith.constant 896 : i32
      %add3A_551 = arith.addi %add3A_550, %add3A_548 : i32
      %get3A_552 = arith.index_cast %add3A_551 : i32 to index
      %get3A_553 = arith.constant 0 : index
      %get3A_554 = tpu.vector_load %arg6[%get3A_552, %get3A_553] {strides = array<i32>} : memref<1024x32xf32, #tpu.memory_space<vmem>>, vector<16xf32>,
      %get3A_555 = arith.index_cast %add3A_551 : i32 to index
      %get3A_556 = arith.constant 16 : index
      %get3A_557 = tpu.vector_load %arg6[%get3A_555, %get3A_556] {strides = array<i32>} : memref<1024x32xf32, #tpu.memory_space<vmem>>, vector<16xf32>,
      tpu.vector_store_idx %arg8[%shift_right_logical3A_4, %broadcast_in_dim3A_352, %and3A_9, %broadcast_in_dim3A_549], %get3A_554 : memref<4x8x8x129xf32, #tpu.memory_space<vmem>>[vector<16xi32>, vector<16xi32>, vector<16xi32>, vector<16xi32>], vector<16xf32>,
      tpu.vector_store_idx %arg8[%add3A_7, %broadcast_in_dim3A_352, %and3A_9, %broadcast_in_dim3A_549], %get3A_557 : memref<4x8x8x129xf32, #tpu.memory_space<vmem>>[vector<16xi32>, vector<16xi32>, vector<16xi32>, vector<16xi32>], vector<16xf32>,
      %scan3A_558 = arith.constant 2 : i32
      %scan3A_559 = arith.addi %scan3A_530, %scan3A_558 : i32
      %mul3A_560 = arith.constant 1 : i32
      %mul3A_561 = arith.muli %scan3A_559, %mul3A_560 : i32
      %add3A_562 = arith.constant 0 : i32
      %add3A_563 = arith.addi %add3A_562, %mul3A_561 : i32
      %broadcast_in_dim3A_564 = vector.broadcast %add3A_563 : i32 to vector<16xi32>
      %add3A_565 = arith.constant 896 : i32
      %add3A_566 = arith.addi %add3A_565, %add3A_563 : i32
      %get3A_567 = arith.index_cast %add3A_566 : i32 to index
      %get3A_568 = arith.constant 0 : index
      %get3A_569 = tpu.vector_load %arg6[%get3A_567, %get3A_568] {strides = array<i32>} : memref<1024x32xf32, #tpu.memory_space<vmem>>, vector<16xf32>,
      %get3A_570 = arith.index_cast %add3A_566 : i32 to index
      %get3A_571 = arith.constant 16 : index
      %get3A_572 = tpu.vector_load %arg6[%get3A_570, %get3A_571] {strides = array<i32>} : memref<1024x32xf32, #tpu.memory_space<vmem>>, vector<16xf32>,
      tpu.vector_store_idx %arg8[%shift_right_logical3A_4, %broadcast_in_dim3A_352, %and3A_9, %broadcast_in_dim3A_564], %get3A_569 : memref<4x8x8x129xf32, #tpu.memory_space<vmem>>[vector<16xi32>, vector<16xi32>, vector<16xi32>, vector<16xi32>], vector<16xf32>,
      tpu.vector_store_idx %arg8[%add3A_7, %broadcast_in_dim3A_352, %and3A_9, %broadcast_in_dim3A_564], %get3A_572 : memref<4x8x8x129xf32, #tpu.memory_space<vmem>>[vector<16xi32>, vector<16xi32>, vector<16xi32>, vector<16xi32>], vector<16xf32>,
      %scan3A_573 = arith.constant 3 : i32
      %scan3A_574 = arith.addi %scan3A_530, %scan3A_573 : i32
      %mul3A_575 = arith.constant 1 : i32
      %mul3A_576 = arith.muli %scan3A_574, %mul3A_575 : i32
      %add3A_577 = arith.constant 0 : i32
      %add3A_578 = arith.addi %add3A_577, %mul3A_576 : i32
      %broadcast_in_dim3A_579 = vector.broadcast %add3A_578 : i32 to vector<16xi32>
      %add3A_580 = arith.constant 896 : i32
      %add3A_581 = arith.addi %add3A_580, %add3A_578 : i32
      %get3A_582 = arith.index_cast %add3A_581 : i32 to index
      %get3A_583 = arith.constant 0 : index
      %get3A_584 = tpu.vector_load %arg6[%get3A_582, %get3A_583] {strides = array<i32>} : memref<1024x32xf32, #tpu.memory_space<vmem>>, vector<16xf32>,
      %get3A_585 = arith.index_cast %add3A_581 : i32 to index
      %get3A_586 = arith.constant 16 : index
      %get3A_587 = tpu.vector_load %arg6[%get3A_585, %get3A_586] {strides = array<i32>} : memref<1024x32xf32, #tpu.memory_space<vmem>>, vector<16xf32>,
      tpu.vector_store_idx %arg8[%shift_right_logical3A_4, %broadcast_in_dim3A_352, %and3A_9, %broadcast_in_dim3A_579], %get3A_584 : memref<4x8x8x129xf32, #tpu.memory_space<vmem>>[vector<16xi32>, vector<16xi32>, vector<16xi32>, vector<16xi32>], vector<16xf32>,
      tpu.vector_store_idx %arg8[%add3A_7, %broadcast_in_dim3A_352, %and3A_9, %broadcast_in_dim3A_579], %get3A_587 : memref<4x8x8x129xf32, #tpu.memory_space<vmem>>[vector<16xi32>, vector<16xi32>, vector<16xi32>, vector<16xi32>], vector<16xf32>,
    }
    %scan3A_357 = arith.constant 128 : i32
    %add3A_358 = arith.constant 24576 : i32
    %add3A_359 = arith.addi %mul3A_2, %add3A_358 : i32
    %jit3A_360 = arith.constant 4096 : i32
    %div3A_361 = arith.divsi %add3A_359, %jit3A_360 : i32
    %sign3A_362 = arith.constant 0 : i32
    %sign3A_363 = arith.cmpi sgt, %add3A_359, %sign3A_362 : i32
    %sign3A_364 = arith.extui %sign3A_363 : i1 to i32
    %sign3A_365 = arith.constant 0 : i32
    %sign3A_366 = arith.cmpi slt, %add3A_359, %sign3A_365 : i32
    %sign3A_367 = arith.extui %sign3A_366 : i1 to i32
    %sign3A_368 = arith.subi %sign3A_364, %sign3A_367 : i32
    %sign3A_369 = arith.constant 0 : i32
    %sign3A_370 = arith.cmpi sgt, %jit3A_360, %sign3A_369 : i32
    %sign3A_371 = arith.extui %sign3A_370 : i1 to i32
    %sign3A_372 = arith.constant 0 : i32
    %sign3A_373 = arith.cmpi slt, %jit3A_360, %sign3A_372 : i32
    %sign3A_374 = arith.extui %sign3A_373 : i1 to i32
    %sign3A_375 = arith.subi %sign3A_371, %sign3A_374 : i32
    %ne3A_376 = arith.cmpi ne, %sign3A_368, %sign3A_375 : i32
    %rem3A_377 = arith.remsi %add3A_359, %jit3A_360 : i32
    %ne3A_378 = arith.constant 0 : i32
    %ne3A_379 = arith.cmpi ne, %rem3A_377, %ne3A_378 : i32
    %and3A_380 = arith.andi %ne3A_376, %ne3A_379 : i1
    %sub3A_381 = arith.constant 1 : i32
    %sub3A_382 = arith.subi %div3A_361, %sub3A_381 : i32
    %select_n3A_383 = arith.select %and3A_380, %sub3A_382, %div3A_361 : i32
    %jit3A_384 = arith.constant 4096 : i32
    %eq3A_385 = arith.constant 0 : i32
    %eq3A_386 = arith.cmpi eq, %jit3A_384, %eq3A_385 : i32
    %jit3A_387 = arith.constant 1 : i32
    %select_n3A_388 = arith.select %eq3A_386, %jit3A_387, %jit3A_384 : i32
    %rem3A_389 = arith.remsi %add3A_359, %select_n3A_388 : i32
    %ne3A_390 = arith.constant 0 : i32
    %ne3A_391 = arith.cmpi ne, %rem3A_389, %ne3A_390 : i32
    %lt3A_392 = arith.constant 0 : i32
    %lt3A_393 = arith.cmpi slt, %rem3A_389, %lt3A_392 : i32
    %lt3A_394 = arith.constant 0 : i32
    %lt3A_395 = arith.cmpi slt, %select_n3A_388, %lt3A_394 : i32
    %ne3A_396 = arith.xori %lt3A_393, %lt3A_395 : i1
    %and3A_397 = arith.andi %ne3A_396, %ne3A_391 : i1
    %add3A_398 = arith.addi %rem3A_389, %select_n3A_388 : i32
    %select_n3A_399 = arith.select %and3A_397, %add3A_398, %rem3A_389 : i32
    %jit3A_400 = arith.constant 128 : i32
    %div3A_401 = arith.divsi %select_n3A_399, %jit3A_400 : i32
    %sign3A_402 = arith.constant 0 : i32
    %sign3A_403 = arith.cmpi sgt, %select_n3A_399, %sign3A_402 : i32
    %sign3A_404 = arith.extui %sign3A_403 : i1 to i32
    %sign3A_405 = arith.constant 0 : i32
    %sign3A_406 = arith.cmpi slt, %select_n3A_399, %sign3A_405 : i32
    %sign3A_407 = arith.extui %sign3A_406 : i1 to i32
    %sign3A_408 = arith.subi %sign3A_404, %sign3A_407 : i32
    %sign3A_409 = arith.constant 0 : i32
    %sign3A_410 = arith.cmpi sgt, %jit3A_400, %sign3A_409 : i32
    %sign3A_411 = arith.extui %sign3A_410 : i1 to i32
    %sign3A_412 = arith.constant 0 : i32
    %sign3A_413 = arith.cmpi slt, %jit3A_400, %sign3A_412 : i32
    %sign3A_414 = arith.extui %sign3A_413 : i1 to i32
    %sign3A_415 = arith.subi %sign3A_411, %sign3A_414 : i32
    %ne3A_416 = arith.cmpi ne, %sign3A_408, %sign3A_415 : i32
    %rem3A_417 = arith.remsi %select_n3A_399, %jit3A_400 : i32
    %ne3A_418 = arith.constant 0 : i32
    %ne3A_419 = arith.cmpi ne, %rem3A_417, %ne3A_418 : i32
    %and3A_420 = arith.andi %ne3A_416, %ne3A_419 : i1
    %sub3A_421 = arith.constant 1 : i32
    %sub3A_422 = arith.subi %div3A_401, %sub3A_421 : i32
    %select_n3A_423 = arith.select %and3A_420, %sub3A_422, %div3A_401 : i32
    %dma_start3A_424 = arith.constant 0 : i32
    %dma_start3A_425 = arith.constant 0 : i32
    %dma_start3A_426 = arith.constant 0 : i32
    %dma_start3A_427 = arith.constant 0 : i32
    %dma_start3A_428 = tpu.memref_slice %arg8[%dma_start3A_424, %dma_start3A_425, %dma_start3A_426, %dma_start3A_427] : memref<4x8x8x129xf32, #tpu.memory_space<vmem>> -> memref<4x8x8x128xf32, #tpu.memory_space<vmem>>
    %dma_start3A_429 = arith.constant 0 : i32
    %dma_start3A_430 = arith.constant 0 : i32
    %dma_start3A_431 = arith.constant 0 : i32
    %dma_start3A_432 = tpu.memref_slice %arg4[%select_n3A_383, %dma_start3A_429, %select_n3A_423, %dma_start3A_430, %dma_start3A_431] : memref<200x4x32x8x128xf32, #tpu.memory_space<hbm>> -> memref<1x4x8x8x128xf32, #tpu.memory_space<hbm>>
    %dma_start3A_433 = tpu.memref_squeeze %dma_start3A_432 : memref<1x4x8x8x128xf32, #tpu.memory_space<hbm>> -> memref<4x8x8x128xf32, #tpu.memory_space<hbm>>
    %dma_start3A_434 = arith.constant 0 : i32
    %dma_start3A_435 = arith.constant 0 : i32
    %dma_start3A_436 = arith.constant 0 : i32
    %dma_start3A_437 = tpu.memref_slice %arg4[%select_n3A_383, %dma_start3A_434, %select_n3A_423, %dma_start3A_435, %dma_start3A_436] : memref<200x4x32x8x128xf32, #tpu.memory_space<hbm>> -> memref<1x4x8x8x128xf32, #tpu.memory_space<hbm>>
    %dma_start3A_438 = tpu.memref_squeeze %dma_start3A_437 : memref<1x4x8x8x128xf32, #tpu.memory_space<hbm>> -> memref<4x8x8x128xf32, #tpu.memory_space<hbm>>
    %dma_start3A_439 = arith.constant 0 : i32
    %dma_start3A_440 = arith.constant 0 : i32
    %dma_start3A_441 = arith.constant 0 : i32
    %dma_start3A_442 = arith.constant 0 : i32
    %dma_start3A_443 = tpu.memref_slice %arg8[%dma_start3A_439, %dma_start3A_440, %dma_start3A_441, %dma_start3A_442] : memref<4x8x8x129xf32, #tpu.memory_space<vmem>> -> memref<4x8x8x128xf32, #tpu.memory_space<vmem>>
    tpu.enqueue_dma source(%dma_start3A_443 : memref<4x8x8x128xf32, #tpu.memory_space<vmem>>) target(%dma_start3A_438 : memref<4x8x8x128xf32, #tpu.memory_space<hbm>>) target_semaphore(%arg11 : memref<!tpu.dma_semaphore, #tpu.memory_space<semaphore_mem>>)
    %add3A_444 = arith.constant 0 : i32
    %add3A_445 = arith.addi %mul3A_2, %add3A_444 : i32
    %jit3A_446 = arith.constant 4096 : i32
    %div3A_447 = arith.divsi %add3A_445, %jit3A_446 : i32
    %sign3A_448 = arith.constant 0 : i32
    %sign3A_449 = arith.cmpi sgt, %add3A_445, %sign3A_448 : i32
    %sign3A_450 = arith.extui %sign3A_449 : i1 to i32
    %sign3A_451 = arith.constant 0 : i32
    %sign3A_452 = arith.cmpi slt, %add3A_445, %sign3A_451 : i32
    %sign3A_453 = arith.extui %sign3A_452 : i1 to i32
    %sign3A_454 = arith.subi %sign3A_450, %sign3A_453 : i32
    %sign3A_455 = arith.constant 0 : i32
    %sign3A_456 = arith.cmpi sgt, %jit3A_446, %sign3A_455 : i32
    %sign3A_457 = arith.extui %sign3A_456 : i1 to i32
    %sign3A_458 = arith.constant 0 : i32
    %sign3A_459 = arith.cmpi slt, %jit3A_446, %sign3A_458 : i32
    %sign3A_460 = arith.extui %sign3A_459 : i1 to i32
    %sign3A_461 = arith.subi %sign3A_457, %sign3A_460 : i32
    %ne3A_462 = arith.cmpi ne, %sign3A_454, %sign3A_461 : i32
    %rem3A_463 = arith.remsi %add3A_445, %jit3A_446 : i32
    %ne3A_464 = arith.constant 0 : i32
    %ne3A_465 = arith.cmpi ne, %rem3A_463, %ne3A_464 : i32
    %and3A_466 = arith.andi %ne3A_462, %ne3A_465 : i1
    %sub3A_467 = arith.constant 1 : i32
    %sub3A_468 = arith.subi %div3A_447, %sub3A_467 : i32
    %select_n3A_469 = arith.select %and3A_466, %sub3A_468, %div3A_447 : i32
    %jit3A_470 = arith.constant 4096 : i32
    %eq3A_471 = arith.constant 0 : i32
    %eq3A_472 = arith.cmpi eq, %jit3A_470, %eq3A_471 : i32
    %jit3A_473 = arith.constant 1 : i32
    %select_n3A_474 = arith.select %eq3A_472, %jit3A_473, %jit3A_470 : i32
    %rem3A_475 = arith.remsi %add3A_445, %select_n3A_474 : i32
    %ne3A_476 = arith.constant 0 : i32
    %ne3A_477 = arith.cmpi ne, %rem3A_475, %ne3A_476 : i32
    %lt3A_478 = arith.constant 0 : i32
    %lt3A_479 = arith.cmpi slt, %rem3A_475, %lt3A_478 : i32
    %lt3A_480 = arith.constant 0 : i32
    %lt3A_481 = arith.cmpi slt, %select_n3A_474, %lt3A_480 : i32
    %ne3A_482 = arith.xori %lt3A_479, %lt3A_481 : i1
    %and3A_483 = arith.andi %ne3A_482, %ne3A_477 : i1
    %add3A_484 = arith.addi %rem3A_475, %select_n3A_474 : i32
    %select_n3A_485 = arith.select %and3A_483, %add3A_484, %rem3A_475 : i32
    %jit3A_486 = arith.constant 128 : i32
    %div3A_487 = arith.divsi %select_n3A_485, %jit3A_486 : i32
    %sign3A_488 = arith.constant 0 : i32
    %sign3A_489 = arith.cmpi sgt, %select_n3A_485, %sign3A_488 : i32
    %sign3A_490 = arith.extui %sign3A_489 : i1 to i32
    %sign3A_491 = arith.constant 0 : i32
    %sign3A_492 = arith.cmpi slt, %select_n3A_485, %sign3A_491 : i32
    %sign3A_493 = arith.extui %sign3A_492 : i1 to i32
    %sign3A_494 = arith.subi %sign3A_490, %sign3A_493 : i32
    %sign3A_495 = arith.constant 0 : i32
    %sign3A_496 = arith.cmpi sgt, %jit3A_486, %sign3A_495 : i32
    %sign3A_497 = arith.extui %sign3A_496 : i1 to i32
    %sign3A_498 = arith.constant 0 : i32
    %sign3A_499 = arith.cmpi slt, %jit3A_486, %sign3A_498 : i32
    %sign3A_500 = arith.extui %sign3A_499 : i1 to i32
    %sign3A_501 = arith.subi %sign3A_497, %sign3A_500 : i32
    %ne3A_502 = arith.cmpi ne, %sign3A_494, %sign3A_501 : i32
    %rem3A_503 = arith.remsi %select_n3A_485, %jit3A_486 : i32
    %ne3A_504 = arith.constant 0 : i32
    %ne3A_505 = arith.cmpi ne, %rem3A_503, %ne3A_504 : i32
    %and3A_506 = arith.andi %ne3A_502, %ne3A_505 : i1
    %sub3A_507 = arith.constant 1 : i32
    %sub3A_508 = arith.subi %div3A_487, %sub3A_507 : i32
    %select_n3A_509 = arith.select %and3A_506, %sub3A_508, %div3A_487 : i32
    %dma_wait3A_510 = arith.constant 0 : i32
    %dma_wait3A_511 = arith.constant 0 : i32
    %dma_wait3A_512 = arith.constant 0 : i32
    %dma_wait3A_513 = arith.constant 0 : i32
    %dma_wait3A_514 = tpu.memref_slice %arg8[%dma_wait3A_510, %dma_wait3A_511, %dma_wait3A_512, %dma_wait3A_513] : memref<4x8x8x129xf32, #tpu.memory_space<vmem>> -> memref<4x8x8x128xf32, #tpu.memory_space<vmem>>
    %dma_wait3A_515 = arith.constant 0 : i32
    %dma_wait3A_516 = arith.constant 0 : i32
    %dma_wait3A_517 = arith.constant 0 : i32
    %dma_wait3A_518 = tpu.memref_slice %arg4[%select_n3A_469, %dma_wait3A_515, %select_n3A_509, %dma_wait3A_516, %dma_wait3A_517] : memref<200x4x32x8x128xf32, #tpu.memory_space<hbm>> -> memref<1x4x8x8x128xf32, #tpu.memory_space<hbm>>
    %dma_wait3A_519 = tpu.memref_squeeze %dma_wait3A_518 : memref<1x4x8x8x128xf32, #tpu.memory_space<hbm>> -> memref<4x8x8x128xf32, #tpu.memory_space<hbm>>
    %dma_wait3A_520 = arith.constant 0 : i32
    %dma_wait3A_521 = arith.constant 0 : i32
    %dma_wait3A_522 = arith.constant 0 : i32
    %dma_wait3A_523 = tpu.memref_slice %arg4[%select_n3A_469, %dma_wait3A_520, %select_n3A_509, %dma_wait3A_521, %dma_wait3A_522] : memref<200x4x32x8x128xf32, #tpu.memory_space<hbm>> -> memref<1x4x8x8x128xf32, #tpu.memory_space<hbm>>
    %dma_wait3A_524 = tpu.memref_squeeze %dma_wait3A_523 : memref<1x4x8x8x128xf32, #tpu.memory_space<hbm>> -> memref<4x8x8x128xf32, #tpu.memory_space<hbm>>
    %dma_wait3A_525 = arith.constant 0 : i32
    %dma_wait3A_526 = arith.constant 0 : i32
    %dma_wait3A_527 = arith.constant 0 : i32
    %dma_wait3A_528 = arith.constant 0 : i32
    %dma_wait3A_529 = tpu.memref_slice %arg8[%dma_wait3A_525, %dma_wait3A_526, %dma_wait3A_527, %dma_wait3A_528] : memref<4x8x8x129xf32, #tpu.memory_space<vmem>> -> memref<4x8x8x128xf32, #tpu.memory_space<vmem>>
    tpu.wait_dma2 semaphore(%arg11 : memref<!tpu.dma_semaphore, #tpu.memory_space<semaphore_mem>>) src(%dma_wait3A_529 : memref<4x8x8x128xf32, #tpu.memory_space<vmem>>) dst(%dma_wait3A_524 : memref<4x8x8x128xf32, #tpu.memory_space<hbm>>)
    return
  }
}

</mosaic_0001>

<sc_bundles>
// kernel: kernel.3.cloned.1.call-start
scs
__scs_entry_jumppad:
0x0: {  	(pc) =	sbr.rel $0x88, $3  }
0x1: {  	(tag) =	ssettag $0x0;
	lr =	simm.s32 $0x1  }
0x2: {  	[smem:$0x3F9F] =	sst lr;
	_ =	strace $0xD0000000  }
0x3: {  	_ = 	snop  }
0x4: {  	_ = 	snop  }
0x5: {  	_ = 	snop  }
0x6: {  	_ = 	snop  }
0x7: {  	_ = 	snop  }
__scs_overlays_trampoline_lowered:
0x8: {  	[smem:$0x3FAE] =	sst s0  }
0x9: {  	[smem:$0x3FAF] =	sst s1  }
0xa: {  	[smem:$0x3FB0] =	sst s2  }
0xb: {  	[smem:$0x3FB1] =	sst s3  }
0xc: {  	[smem:$0x3FB2] =	sst s4  }
0xd: {  	[smem:$0x3FB3] =	sst s5  }
0xe: {  	[smem:$0x3FB4] =	sst s6  }
0xf: {  	[smem:$0x3FB5] =	sst s7  }
0x10: {  	[smem:$0x3FB6] =	sst s8  }
0x11: {  	[smem:$0x3FB7] =	sst s9;
	s0 =	simm.s32 @!p0 $0x0  }
0x12: {  	s1 =	sld [smem:$0x3F9D];
	s0 =	simm.s32 @p0 $0x1  }
0x13: {  	[smem:$0x3FB8] =	sst s0;
	s0 =	simm.s32 @!p1 $0x0  }
0x14: {  	s2 =	sld [smem:$0x3F9C];
	s0 =	simm.s32 @p1 $0x1  }
0x15: {  	[smem:$0x3FB9] =	sst s0;
	s0 =	simm.s32 @!p2 $0x0  }
0x16: {  	s3 =	sld [smem:$0x3FDB];
	s0 =	simm.s32 @p2 $0x1  }
0x17: {  	s4 =	simm.s32 $0x1BF5;
	[smem:$0x3FBB] =	sst s0  }
0x18: {  	s0 =	sld [smem:$0x3F9E];
	_ =	swait.ge [sflag:s4], $0x0  }
0x19: {  	s7 =	sld [smem:$0x3F9F]  }
0x1a: {  	s8 =	sadd.s32 $0xFFFFE003, lr  }
0x1b: {  	s9 =	sadd.s32 $0xFFFFFEF7, lr;
	s5 =	simm.s32 $0xFFFFFFFF;
	p2 =	slt.u32 s8, $0xFFFFF086  }
0x1c: {  	p1 =	slt.u32 s9, $0xF7A;
	s5 =	simm.s32 @!p2 $0x0  }
0x1d: {  	s5 =	simm.s32 @p1 $0x1;
	p0 =	seq.s32 s7, s2  }
0x1e: {  	s7 =	smul.u32 @!p0 $0xF7A, s2;
	p2 =	seq.s32 @!p0 s5, $0x0  }
0x1f: {  	s9 =	smul.u32 $0xF7A, s1;
	s8 =	simm.s32 @!p0 $0x1BF5;
	p2 =	por !p2, p0  }
0x20: {  	[sflag:s8] =	ssyncset.s32 @!p0 $0xFFFFF086;
	s6 =	sadd.s32 @!p0 s3, s7;
	s7 =	simm.s32 @!p0 $0x108  }
0x21: {  	s3 =	sadd.s32 s3, s9;
	s6 =	sadd.s32 @!p0 $0x88, s6;
	s7 =	simm.s32 @p2 $0x1082  }
0x22: {  	[simem:s7], [sflag:s8] =	dma.local @!p0 [hbm:s6], $0xF7A  }
0x23: {  	s9 =	sor.u32 $0xD0000000, s2;
	s6 =	simm.s32 $0x108;
	_ =	swait.ge @!p0 [sflag:s8], $0x0  }
0x24: {  	s3 =	sadd.s32 $0x88, s3;
	s6 =	simm.s32 @!p1 $0x1082;
	[sflag:s4] =	ssyncset.s32 $0xFFFFF086  }
0x25: {  	[simem:s6], [sflag:s4] =	dma.local [hbm:s3], $0xF7A  }
0x26: {  	[smem:$0x3F9F] =	sst s1;
	(tag) =	ssettag s2;
	_ =	strace s9  }
0x27: {  	s1 =	sld [smem:$0x3FAF]  }
0x28: {  	s2 =	sld [smem:$0x3FB0]  }
0x29: {  	s4 =	sld [smem:$0x3FB2]  }
0x2a: {  	p0 =	seq.s32 s5, $0x0;
	s5 =	sld [smem:$0x3FB3]  }
0x2b: {  	s6 =	sld [smem:$0x3FB4]  }
0x2c: {  	s7 =	sld [smem:$0x3FB5]  }
0x2d: {  	s3 =	simm.s32 $0x108;
	s8 =	sld [smem:$0x3FB6]  }
0x2e: {  	s3 =	simm.s32 @!p0 $0x1082;
	s9 =	sld [smem:$0x3FB7]  }
0x2f: {  	lr =	sadd.s32 s0, s3;
	s0 =	sld [smem:$0x3FAE]  }
0x30: {  	s3 =	sld [smem:$0x3FB1]  }
0x31: {  	[smem:$0x3FBA] =	sst s10  }
0x32: {  	s10 =	sld [smem:$0x3FB8];
	_ =	sdelay $0x3  }
0x33: {  	p0 =	seq.s32 s10, $0x1;
	s10 =	sld [smem:$0x3FBA];
	_ =	sdelay $0x3  }
0x34: {  	[smem:$0x3FBA] =	sst s10  }
0x35: {  	s10 =	sld [smem:$0x3FB9];
	_ =	sdelay $0x3  }
0x36: {  	p1 =	seq.s32 s10, $0x1;
	s10 =	sld [smem:$0x3FBA];
	_ =	sdelay $0x3  }
0x37: {  	[smem:$0x3FBA] =	sst s10  }
0x38: {  	s10 =	sld [smem:$0x3FBB]  }
0x39: {  	_ = 	snop;
	(pc) =	sbr.ind lr, $3  }
0x3a: {  	_ = 	snop  }
0x3b: {  	_ = 	snop  }
0x3c: {  	p2 =	seq.s32 s10, $0x1;
	s10 =	sld [smem:$0x3FBA]  }
0x3d: {  	_ =	shalt  }
0x3e: {  	_ =	shalt  }
0x3f: {  	_ =	shalt  }
0x40: {  	_ =	shalt  }
0x41: {  	_ =	shalt  }
0x42: {  	_ =	shalt  }
0x43: {  	_ =	shalt  }
0x44: {  	_ =	shalt  }
0x45: {  	_ =	shalt  }
0x46: {  	_ =	shalt  }
0x47: {  	_ =	shalt  }
0x48: {  	_ =	shalt  }
0x49: {  	_ =	shalt  }
0x4a: {  	_ =	shalt  }
0x4b: {  	_ =	shalt  }
0x4c: {  	_ =	shalt  }
0x4d: {  	_ =	shalt  }
0x4e: {  	_ =	shalt  }
0x4f: {  	_ =	shalt  }
0x50: {  	_ =	shalt  }
0x51: {  	_ =	shalt  }
0x52: {  	_ =	shalt  }
0x53: {  	_ =	shalt  }
0x54: {  	_ =	shalt  }
0x55: {  	_ =	shalt  }
0x56: {  	_ =	shalt  }
0x57: {  	_ =	shalt  }
0x58: {  	_ =	shalt  }
0x59: {  	_ =	shalt  }
0x5a: {  	_ =	shalt  }
0x5b: {  	_ =	shalt  }
0x5c: {  	_ =	shalt  }
0x5d: {  	_ =	shalt  }
0x5e: {  	_ =	shalt  }
0x5f: {  	_ =	shalt  }
0x60: {  	_ =	shalt  }
0x61: {  	_ =	shalt  }
0x62: {  	_ =	shalt  }
0x63: {  	_ =	shalt  }
0x64: {  	_ =	shalt  }
0x65: {  	_ =	shalt  }
0x66: {  	_ =	shalt  }
0x67: {  	_ =	shalt  }
0x68: {  	_ =	shalt  }
0x69: {  	_ =	shalt  }
0x6a: {  	_ =	shalt  }
0x6b: {  	_ =	shalt  }
0x6c: {  	_ =	shalt  }
0x6d: {  	_ =	shalt  }
0x6e: {  	_ =	shalt  }
0x6f: {  	_ =	shalt  }
0x70: {  	_ =	shalt  }
0x71: {  	_ =	shalt  }
0x72: {  	_ =	shalt  }
0x73: {  	_ =	shalt  }
0x74: {  	_ =	shalt  }
0x75: {  	_ =	shalt  }
0x76: {  	_ =	shalt  }
0x77: {  	_ =	shalt  }
0x78: {  	_ =	shalt  }
0x79: {  	_ =	shalt  }
0x7a: {  	_ =	shalt  }
0x7b: {  	_ =	shalt  }
0x7c: {  	_ =	shalt  }
0x7d: {  	_ =	shalt  }
0x7e: {  	_ =	shalt  }
0x7f: {  	_ =	shalt  }
0x80: {  	_ =	shalt  }
0x81: {  	_ =	shalt  }
0x82: {  	_ =	shalt  }
0x83: {  	_ =	shalt  }
0x84: {  	_ =	shalt  }
0x85: {  	_ =	shalt  }
0x86: {  	_ =	shalt  }
0x87: {  	_ =	shalt  }
.Lfunc_end0:
.L_simem_size_0:
called_computation.1_lowered:
.L_overlay_start_0:
0x88: {  	s2 =	sld [smem:$0x3FD9]  }
0x89: {  	s3 =	sld [smem:$0x3FFE];
	_ =	sdelay $0x1  }
0x8a: {  	s1 =	srdreg.scid  }
0x8b: {  	s0 =	sand.u32 $0x1, s1  }
0x8c: {  	s17 =	sshll.u32 s0, $0xA;
	s2 =	sadd.s32 s3, s2  }
0x8d: {  	s2 =	sadd.s32 s2, s17  }
0x8e: {  	[smem:$0x3FC6] =	sst s2  }
0x8f: {  	_ = 	snop  }
0x90: {  	s2 =	sld [smem:$0x3FD0];
	(tm) =	ssettm $0x1  }
0x91: {  	s18 =	sld [smem:$0x3FFB];
	_ =	sdelay $0x3  }
0x92: {  	_ =	strace s18  }
0x93: {  	s3 =	sld [smem:$0x3FFC];
	_ =	sdelay $0x3  }
0x94: {  	_ =	strace s3  }
0x95: {  	s3 =	sld [smem:$0x3FFD];
	_ =	sdelay $0x3  }
0x96: {  	_ =	strace s3  }
0x97: {  	_ =	strace $0x8FFFFFFF  }
0x98: {  	s19 =	sld [smem:$0x3FDB];
	_ =	sdelay $0x1  }
0x99: {  	s4 =	simm.s32 $_scs_section_size  }
0x9a: {  	s5 =	simm.s32 $_size__tile_overlayer_lowered;
	s6 =	simm.s32 $_tile_overlayer_lowered  }
0x9b: {  	s22 =	simm.s32 $0x1BFF;
	s21 =	sshll.u32 s6, $0x1;
	s3 =	sadd.s32 s4, s19  }
0x9c: {  	s7 =	simm.s32 $0x0;
	s20 =	sshll.u32 s5, $0x1;
	s5 =	sadd.s32 s21, s3  }
0x9d: {  	[timem:s7], [sflag:s22] =	dma.local [hbm:s5], s20  }
0x9e: {  	_ =	swait.ge [sflag:s22], s20  }
0x9f: {  	s4 =	ssub.s32 $0x0, s20;
	[sflag:s22] =	ssyncset.done $0x0  }
0xa0: {  	[sflag:s22] =	ssyncadd.s32 s4;
	_ =	sdelay $0x1  }
0xa1: {  	s23 =	simm.s32 $0x1B8B  }
0xa2: {  	_ =	swait.ge [sflag:s23], $0x1  }
0xa3: {  	[sflag:s23] =	ssyncset.done $0x0  }
0xa4: {  	s25 =	simm.s32 $0x1B8E;
	s24 =	sld [smem:$0x3FFE];
	[sflag:s23] =	ssyncadd.s32 $0xFFFFFFFF  }
0xa5: {  	s26 =	simm.s32 $execute0_lowered;
	[smem:$0x3FD2] =	sst s25  }
0xa6: {  	s5 =	sshll.u32 s26, $0x1;
	_ =	strace $0x80000049;
	[dreg:$0x1] =	wrdreg $0xFFFFFFFF  }
0xa7: {  	s28 =	simm.s32 $_size_execute0_lowered;
	s3 =	sadd.s32 s3, s5;
	[dreg:$0x0] =	wrdreg $0x0  }
0xa8: {  	s5 =	sshll.u32 s28, $0x1;
	[dreg:$0x2] =	wrdreg s3  }
0xa9: {  	[dreg:$0x3] =	wrdreg s5  }
0xaa: {  	[dreg:$0x4] =	wrdreg $0xC0  }
0xab: {  	_ =	task [dreg:s7], $0x5FFFF  }
0xac: {  	[dreg:$0x1] =	wrdreg $0xFFFFFFFF  }
0xad: {  	[dreg:$0x0] =	wrdreg $0x60  }
0xae: {  	[dreg:$0x2] =	wrdreg s24  }
0xaf: {  	[dreg:$0x3] =	wrdreg s2  }
0xb0: {  	[dreg:$0x4] =	wrdreg $0x9  }
0xb1: {  	_ =	task.clear_ibuf [dreg:s7], $0x5FFFF;
	_ =	strace $0x90000049  }
0xb2: {  	s29 =	simm.s32 $0x9;
	_ =	strace $0x8000004B  }
0xb3: {  	_ =	swait.ge [sflag:s29], $0x1  }
0xb4: {  	[sflag:s29] =	ssyncadd.s32 $0xFFFFFFFF  }
0xb5: {  	_ =	strace $0x9000004B  }
0xb6: {  	_ =	sfence  }
0xb7: {  	s30 =	sld [smem:$0x0];
	_ =	sdelay $0x2  }
0xb8: {  	s31 =	sshll.u32 s1, $0xD;
	s1 =	sshrl.u32 s1, $0x2  }
0xb9: {  	s3 =	sand.u32 $0x4000, s31;
	s1 =	sadd.s32 s1, s30  }
0xba: {  	s0 =	sor.u32 s3, s0;
	s1 =	sshll.u32 s1, $0x11  }
0xbb: {  	s0 =	sor.u32 s1, s0  }
0xbc: {  	s0 =	sadd.s32 $0x8F2B, s0  }
0xbd: {  	[sflag:s0] =	ssyncadd.remote.s32 $0x1  }
0xbe: {  	_ =	sfence.sel $0xFFFF  }
0xbf: {  	[dreg:$0x0] =	wrdreg $0xFFFFFFFF;
	(pc) =	sbr.abs _section_cstart, $3  }
0xc0: {  	[dreg:$0x1] =	wrdreg $0xFFFFFFFF  }
0xc1: {  	_ =	task.clear_ibuf [dreg:s7], $0x2FFFF;
	_ =	strace $0x9FFFFFFF  }
0xc2: {  	(tm) =	ssettm $0x7FFFFFFF  }
0xc3: {  	_ =	shalt  }
tec
execute0_lowered:
.L_overlay_start_1:
0x0: {  	(tag) =	ssettag $0x1  }
0x1: {  	v0 =	vimm.s32 $0x25B8  }
0x2: {  	vm14 =	vcmask $0x300;
	vm13 =	vcmask $0x704;
	vm12 =	vcmask $0xB08  }
0x3: {  	vm11 =	vcmask $0xF0C;
	vm10 =	vcmask $0x1310;
	vm9 =	vcmask $0x1714  }
0x4: {  	vm8 =	vcmask $0x1B18;
	vm7 =	vcmask $0x1F1C;
	vm6 =	vcmask $0x2320  }
0x5: {  	vm5 =	vcmask $0x2724;
	vm4 =	vcmask $0x2B28;
	vm3 =	vcmask $0x2F2C  }
0x6: {  	vm2 =	vcmask $0x3330;
	vm1 =	vcmask $0x3734;
	vm0 =	vcmask $0x3B38  }
0x7: {  	v1 =	vimm.s32 $0x69B8;
	v2 =	vimm.s32 $0x29F8;
	v3 =	vimm.s32 $0x6DF8  }
0x8: {  	v4 =	vimm.s32 $0x2E38;
	v5 =	vimm.s32 $0x7238;
	v6 =	vimm.s32 $0x3278  }
0x9: {  	v7 =	vimm.s32 $0x7678;
	v8 =	vimm.s32 $0x36B8;
	v9 =	vimm.s32 $0x7AB8  }
0xa: {  	v10 =	vimm.s32 $0x3AF8;
	v11 =	vimm.s32 $0x7EF8;
	v12 =	vimm.s32 $0x3F38  }
0xb: {  	v13 =	vimm.s32 $0x8338;
	v14 =	vimm.s32 $0x4378;
	v15 =	vimm.s32 $0x8778  }
0xc: {  	v0 =	vsel vm14, $0x0, v0;
	v1 =	vsel vm14, $0x4400, v1;
	v2 =	vsel vm14, $0x440, v2  }
0xd: {  	v3 =	vsel vm14, $0x4840, v3;
	v4 =	vsel vm14, $0x880, v4;
	v5 =	vsel vm14, $0x4C80, v5  }
0xe: {  	v6 =	vsel vm14, $0xCC0, v6;
	v7 =	vsel vm14, $0x50C0, v7;
	v8 =	vsel vm14, $0x1100, v8  }
0xf: {  	v9 =	vsel vm14, $0x5500, v9;
	v10 =	vsel vm14, $0x1540, v10;
	v11 =	vsel vm14, $0x5940, v11  }
0x10: {  	v12 =	vsel vm14, $0x1980, v12;
	v13 =	vsel vm14, $0x5D80, v13;
	v14 =	vsel vm14, $0x1DC0, v14  }
0x11: {  	v15 =	vsel vm14, $0x61C0, v15;
	v0 =	vsel vm13, $0x88, v0;
	v1 =	vsel vm13, $0x4488, v1  }
0x12: {  	v2 =	vsel vm13, $0x4C8, v2;
	v3 =	vsel vm13, $0x48C8, v3;
	v4 =	vsel vm13, $0x908, v4  }
0x13: {  	v5 =	vsel vm13, $0x4D08, v5;
	v6 =	vsel vm13, $0xD48, v6;
	v7 =	vsel vm13, $0x5148, v7  }
0x14: {  	v8 =	vsel vm13, $0x1188, v8;
	v9 =	vsel vm13, $0x5588, v9;
	v10 =	vsel vm13, $0x15C8, v10  }
0x15: {  	v11 =	vsel vm13, $0x59C8, v11;
	v12 =	vsel vm13, $0x1A08, v12;
	v13 =	vsel vm13, $0x5E08, v13  }
0x16: {  	v14 =	vsel vm13, $0x1E48, v14;
	v15 =	vsel vm13, $0x6248, v15;
	v0 =	vsel vm12, $0x110, v0  }
0x17: {  	v1 =	vsel vm12, $0x4510, v1;
	v2 =	vsel vm12, $0x550, v2;
	v3 =	vsel vm12, $0x4950, v3  }
0x18: {  	v4 =	vsel vm12, $0x990, v4;
	v5 =	vsel vm12, $0x4D90, v5;
	v6 =	vsel vm12, $0xDD0, v6  }
0x19: {  	v7 =	vsel vm12, $0x51D0, v7;
	v8 =	vsel vm12, $0x1210, v8;
	v9 =	vsel vm12, $0x5610, v9  }
0x1a: {  	v10 =	vsel vm12, $0x1650, v10;
	v11 =	vsel vm12, $0x5A50, v11;
	v12 =	vsel vm12, $0x1A90, v12  }
0x1b: {  	v13 =	vsel vm12, $0x5E90, v13;
	v14 =	vsel vm12, $0x1ED0, v14;
	v15 =	vsel vm12, $0x62D0, v15  }
0x1c: {  	v0 =	vsel vm11, $0x198, v0;
	v1 =	vsel vm11, $0x4598, v1;
	v2 =	vsel vm11, $0x5D8, v2  }
0x1d: {  	v3 =	vsel vm11, $0x49D8, v3;
	v4 =	vsel vm11, $0xA18, v4;
	v5 =	vsel vm11, $0x4E18, v5  }
0x1e: {  	v6 =	vsel vm11, $0xE58, v6;
	v7 =	vsel vm11, $0x5258, v7;
	v8 =	vsel vm11, $0x1298, v8  }
0x1f: {  	v9 =	vsel vm11, $0x5698, v9;
	v10 =	vsel vm11, $0x16D8, v10;
	v11 =	vsel vm11, $0x5AD8, v11  }
0x20: {  	v12 =	vsel vm11, $0x1B18, v12;
	v13 =	vsel vm11, $0x5F18, v13;
	v14 =	vsel vm11, $0x1F58, v14  }
0x21: {  	v15 =	vsel vm11, $0x6358, v15;
	v0 =	vsel vm10, $0x220, v0;
	v1 =	vsel vm10, $0x4620, v1  }
0x22: {  	v2 =	vsel vm10, $0x660, v2;
	v3 =	vsel vm10, $0x4A60, v3;
	v4 =	vsel vm10, $0xAA0, v4  }
0x23: {  	v5 =	vsel vm10, $0x4EA0, v5;
	v6 =	vsel vm10, $0xEE0, v6;
	v7 =	vsel vm10, $0x52E0, v7  }
0x24: {  	v8 =	vsel vm10, $0x1320, v8;
	v9 =	vsel vm10, $0x5720, v9;
	v10 =	vsel vm10, $0x1760, v10  }
0x25: {  	v11 =	vsel vm10, $0x5B60, v11;
	v12 =	vsel vm10, $0x1BA0, v12;
	v13 =	vsel vm10, $0x5FA0, v13  }
0x26: {  	v14 =	vsel vm10, $0x1FE0, v14;
	v15 =	vsel vm10, $0x63E0, v15;
	v0 =	vsel vm9, $0x2A8, v0  }
0x27: {  	v1 =	vsel vm9, $0x46A8, v1;
	v2 =	vsel vm9, $0x6E8, v2;
	v3 =	vsel vm9, $0x4AE8, v3  }
0x28: {  	v4 =	vsel vm9, $0xB28, v4;
	v5 =	vsel vm9, $0x4F28, v5;
	v6 =	vsel vm9, $0xF68, v6  }
0x29: {  	v7 =	vsel vm9, $0x5368, v7;
	v8 =	vsel vm9, $0x13A8, v8;
	v9 =	vsel vm9, $0x57A8, v9  }
0x2a: {  	v10 =	vsel vm9, $0x17E8, v10;
	v11 =	vsel vm9, $0x5BE8, v11;
	v12 =	vsel vm9, $0x1C28, v12  }
0x2b: {  	v13 =	vsel vm9, $0x6028, v13;
	v14 =	vsel vm9, $0x2068, v14;
	v15 =	vsel vm9, $0x6468, v15  }
0x2c: {  	v0 =	vsel vm8, $0x330, v0;
	v1 =	vsel vm8, $0x4730, v1;
	v2 =	vsel vm8, $0x770, v2  }
0x2d: {  	v3 =	vsel vm8, $0x4B70, v3;
	v4 =	vsel vm8, $0xBB0, v4;
	v5 =	vsel vm8, $0x4FB0, v5  }
0x2e: {  	v6 =	vsel vm8, $0xFF0, v6;
	v7 =	vsel vm8, $0x53F0, v7;
	v8 =	vsel vm8, $0x1430, v8  }
0x2f: {  	v9 =	vsel vm8, $0x5830, v9;
	v10 =	vsel vm8, $0x1870, v10;
	v11 =	vsel vm8, $0x5C70, v11  }
0x30: {  	v12 =	vsel vm8, $0x1CB0, v12;
	v13 =	vsel vm8, $0x60B0, v13;
	v14 =	vsel vm8, $0x20F0, v14  }
0x31: {  	v15 =	vsel vm8, $0x64F0, v15;
	v0 =	vsel vm7, $0x3B8, v0;
	v1 =	vsel vm7, $0x47B8, v1  }
0x32: {  	v2 =	vsel vm7, $0x7F8, v2;
	v3 =	vsel vm7, $0x4BF8, v3;
	v4 =	vsel vm7, $0xC38, v4  }
0x33: {  	v5 =	vsel vm7, $0x5038, v5;
	v6 =	vsel vm7, $0x1078, v6;
	v7 =	vsel vm7, $0x5478, v7  }
0x34: {  	v8 =	vsel vm7, $0x14B8, v8;
	v9 =	vsel vm7, $0x58B8, v9;
	v10 =	vsel vm7, $0x18F8, v10  }
0x35: {  	v11 =	vsel vm7, $0x5CF8, v11;
	v12 =	vsel vm7, $0x1D38, v12;
	v13 =	vsel vm7, $0x6138, v13  }
0x36: {  	v14 =	vsel vm7, $0x2178, v14;
	v15 =	vsel vm7, $0x6578, v15;
	v0 =	vsel vm6, $0x2200, v0  }
0x37: {  	v1 =	vsel vm6, $0x6600, v1;
	v2 =	vsel vm6, $0x2640, v2;
	v3 =	vsel vm6, $0x6A40, v3  }
0x38: {  	v4 =	vsel vm6, $0x2A80, v4;
	v5 =	vsel vm6, $0x6E80, v5;
	v6 =	vsel vm6, $0x2EC0, v6  }
0x39: {  	v7 =	vsel vm6, $0x72C0, v7;
	v8 =	vsel vm6, $0x3300, v8;
	v9 =	vsel vm6, $0x7700, v9  }
0x3a: {  	v10 =	vsel vm6, $0x3740, v10;
	v11 =	vsel vm6, $0x7B40, v11;
	v12 =	vsel vm6, $0x3B80, v12  }
0x3b: {  	v13 =	vsel vm6, $0x7F80, v13;
	v14 =	vsel vm6, $0x3FC0, v14;
	v15 =	vsel vm6, $0x83C0, v15  }
0x3c: {  	v0 =	vsel vm5, $0x2288, v0;
	v1 =	vsel vm5, $0x6688, v1;
	v2 =	vsel vm5, $0x26C8, v2  }
0x3d: {  	v3 =	vsel vm5, $0x6AC8, v3;
	v4 =	vsel vm5, $0x2B08, v4;
	v5 =	vsel vm5, $0x6F08, v5  }
0x3e: {  	v6 =	vsel vm5, $0x2F48, v6;
	v7 =	vsel vm5, $0x7348, v7;
	v8 =	vsel vm5, $0x3388, v8  }
0x3f: {  	v9 =	vsel vm5, $0x7788, v9;
	v10 =	vsel vm5, $0x37C8, v10;
	v11 =	vsel vm5, $0x7BC8, v11  }
0x40: {  	v12 =	vsel vm5, $0x3C08, v12;
	v13 =	vsel vm5, $0x8008, v13;
	v14 =	vsel vm5, $0x4048, v14  }
0x41: {  	v15 =	vsel vm5, $0x8448, v15;
	v0 =	vsel vm4, $0x2310, v0;
	v1 =	vsel vm4, $0x6710, v1  }
0x42: {  	v2 =	vsel vm4, $0x2750, v2;
	v3 =	vsel vm4, $0x6B50, v3;
	v4 =	vsel vm4, $0x2B90, v4  }
0x43: {  	v5 =	vsel vm4, $0x6F90, v5;
	v6 =	vsel vm4, $0x2FD0, v6;
	v7 =	vsel vm4, $0x73D0, v7  }
0x44: {  	v8 =	vsel vm4, $0x3410, v8;
	v9 =	vsel vm4, $0x7810, v9;
	v10 =	vsel vm4, $0x3850, v10  }
0x45: {  	v11 =	vsel vm4, $0x7C50, v11;
	v12 =	vsel vm4, $0x3C90, v12;
	v13 =	vsel vm4, $0x8090, v13  }
0x46: {  	v14 =	vsel vm4, $0x40D0, v14;
	v15 =	vsel vm4, $0x84D0, v15;
	v0 =	vsel vm3, $0x2398, v0  }
0x47: {  	v1 =	vsel vm3, $0x6798, v1;
	v2 =	vsel vm3, $0x27D8, v2;
	v3 =	vsel vm3, $0x6BD8, v3  }
0x48: {  	v4 =	vsel vm3, $0x2C18, v4;
	v5 =	vsel vm3, $0x7018, v5;
	v6 =	vsel vm3, $0x3058, v6  }
0x49: {  	v7 =	vsel vm3, $0x7458, v7;
	v8 =	vsel vm3, $0x3498, v8;
	v9 =	vsel vm3, $0x7898, v9  }
0x4a: {  	v10 =	vsel vm3, $0x38D8, v10;
	v11 =	vsel vm3, $0x7CD8, v11;
	v12 =	vsel vm3, $0x3D18, v12  }
0x4b: {  	v13 =	vsel vm3, $0x8118, v13;
	v14 =	vsel vm3, $0x4158, v14;
	v15 =	vsel vm3, $0x8558, v15  }
0x4c: {  	s0 =	rddreg [dreg:$0x0];
	v0 =	vsel vm2, $0x2420, v0;
	v1 =	vsel vm2, $0x6820, v1;
	v2 =	vsel vm2, $0x2860, v2  }
0x4d: {  	s1 =	srdreg.scid;
	s3 =	stileid.u32;
	v3 =	vsel vm2, $0x6C60, v3;
	v4 =	vsel vm2, $0x2CA0, v4;
	v5 =	vsel vm2, $0x70A0, v5  }
0x4e: {  	s2 =	rddreg [dreg:$0x1];
	s13 =	simm.s32 $0x80;
	s17 =	simm.s32 $0x8400;
	v6 =	vsel vm2, $0x30E0, v6;
	v7 =	vsel vm2, $0x74E0, v7;
	v8 =	vsel vm2, $0x3520, v8  }
0x4f: {  	s19 =	simm.s32 $0x9400;
	s21 =	simm.s32 $0xA400;
	s23 =	simm.s32 $0xB400;
	v9 =	vsel vm2, $0x7920, v9;
	v10 =	vsel vm2, $0x3960, v10;
	v11 =	vsel vm2, $0x7D60, v11  }
0x50: {  	s25 =	simm.s32 $0xC400;
	s28 =	simm.s32 $0xD400;
	s22 =	simm.s32 $0x1;
	v12 =	vsel vm2, $0x3DA0, v12;
	v13 =	vsel vm2, $0x81A0, v13;
	v14 =	vsel vm2, $0x41E0, v14  }
0x51: {  	s24 =	simm.s32 $0x3;
	s1 =	sand.u32 $0x1, s1;
	s4 =	sshll.u32 s3, $0x1;
	v15 =	vsel vm2, $0x85E0, v15;
	v0 =	vsel vm1, $0x24A8, v0;
	v1 =	vsel vm1, $0x68A8, v1  }
0x52: {  	s26 =	simm.s32 $0x16400;
	s3 =	simm.s32 $0x0;
	s6 =	sor.u32 s1, s4;
	v2 =	vsel vm1, $0x28E8, v2;
	v3 =	vsel vm1, $0x6CE8, v3;
	v4 =	vsel vm1, $0x2D28, v4  }
0x53: {  	s5 =	sadd.s32 $0xF5C000, s0;
	[smem:$0x7FF] =	sst s3;
	s4 =	smul.u32 $0x6400, s6;
	v5 =	vsel vm1, $0x7128, v5;
	v6 =	vsel vm1, $0x3168, v6;
	v7 =	vsel vm1, $0x7568, v7  }
0x54: {  	s1 =	ssub.s32 $0x2, s1;
	s7 =	smul.u32 $0xC8000, s6;
	s6 =	sshll.u32 s6, $0xD;
	v8 =	vsel vm1, $0x35A8, v8;
	v9 =	vsel vm1, $0x79A8, v9;
	v10 =	vsel vm1, $0x39E8, v10  }
0x55: {  	_ =	strace $0x8000004A;
	s29 =	sshrl.u32 s1, $0x1;
	s6 =	sand.u32 $0x6000, s6;
	v11 =	vsel vm1, $0x7DE8, v11;
	v12 =	vsel vm1, $0x3E28, v12;
	v13 =	vsel vm1, $0x8228, v13  }
0x56: {  	s1 =	ssub.s32 s1, s29;
	s8 =	sshrl.u32 s4, $0x3;
	s7 =	sand.u32 $0x1FE0000, s7;
	v14 =	vsel vm1, $0x4268, v14;
	v15 =	vsel vm1, $0x8668, v15;
	v0 =	vsel vm0, $0x2530, v0  }
0x57: {  	s31 =	smax.u32 s1, $0x1;
	s1 =	simm.s32 $0x0;
	s0 =	sadd.s32 s8, s0;
	v1 =	vsel vm0, $0x6930, v1;
	v2 =	vsel vm0, $0x2970, v2;
	v3 =	vsel vm0, $0x6D70, v3  }
0x58: {  	s6 =	sor.u32 s6, s7;
	[dreg:$0x4] =	wrdreg s31;
	s0 =	sadd.s32 $0xF43000, s0;
	v4 =	vsel vm0, $0x2DB0, v4;
	v5 =	vsel vm0, $0x71B0, v5;
	v6 =	vsel vm0, $0x31F0, v6  }
0x59: {  	s7 =	sshrl.u32 s6, $0x3;
	s6 =	sadd.s32 $0xC0000, s6;
	[dreg:$0x3] =	wrdreg s0;
	v7 =	vsel vm0, $0x75F0, v7;
	v8 =	vsel vm0, $0x3630, v8;
	v9 =	vsel vm0, $0x7A30, v9  }
0x5a: {  	s7 =	sadd.s32 s2, s7;
	s30 =	sshrl.u32 s6, $0x3;
	s6 =	simm.s32 $0x2;
	v10 =	vsel vm0, $0x3A70, v10;
	v11 =	vsel vm0, $0x7E70, v11;
	v12 =	vsel vm0, $0x3EB0, v12  }
0x5b: {  	s8 =	sadd.s32 s2, s30;
	s11 =	sadd.s32 $0x1000, s7;
	s12 =	sadd.s32 $0x2000, s7;
	v13 =	vsel vm0, $0x82B0, v13;
	v14 =	vsel vm0, $0x42F0, v14;
	v15 =	vsel vm0, $0x86F0, v15  }
.LBB2_1:
0x5c: {  	[dreg:$0x5] =	wrdreg s1  }
0x5d: {  	s0 =	rddreg [dreg:$0x3];
	s31 =	simm.s32 $0x4  }
0x5e: {  	[tilespmem:s3], [sflag:$0x4] =	stream.linear.gather [hbm4b:s0+s3], $0x6400, $0x38;
	[tilespmem:$0x1EC00] =	vst v63  }
0x5f: {  	_ =	swait.ge [sflag:s31], $0x6400  }
0x60: {  	s10 =	sadd.s32 $0x0, s7;
	s1 =	simm.s32 $0x16488;
	[sflag:s31] =	ssyncset.done $0x0  }
0x61: {  	s9 =	simm.s32 $0x16400;
	s0 =	simm.s32 $0x10;
	[sflag:s31] =	ssyncadd.s32 $0xFFFF9C00  }
.LBB2_2:
0x62: {  	[hbm4b:s10+s3] =	stream.linear.scatter [tilespmem:s9], [sflag:$0x3], $0x80, $0x38;
	[tilespmem:$0x1EC00] =	vst v63  }
0x63: {  	s10 =	smov.u32 s0;
	s9 =	smov.u32 s1;
	p0 =	sne.s32 s0, $0x3F0  }
.Ltmp0:
0x64: {  	s0 =	sadd.s32 $0x10, s0;
	(pc) =	sbr.rel @p0 .LBB2_2-.Ltmp0, $2  }
0x65: {  	_ =	sdelay $0x2  }
0x66: {  	s1 =	sadd.s32 $0x88, s1;
	s10 =	sadd.s32 s10, s7  }
0x67: {  	[hbm4b:s10+s3] =	stream.linear.scatter [tilespmem:s9], [sflag:$0x3], $0x80, $0x38;
	[tilespmem:$0x1EC00] =	vst v63  }
0x68: {  	s0 =	simm.s32 $0x18600  }
0x69: {  	s1 =	simm.s32 $0x10;
	s10 =	sadd.s32 $0x0, s11;
	s9 =	simm.s32 $0x18688  }
.LBB2_4:
0x6a: {  	[hbm4b:s10+s3] =	stream.linear.scatter [tilespmem:s0], [sflag:$0x3], $0x80, $0x38;
	[tilespmem:$0x1EC00] =	vst v63  }
0x6b: {  	s10 =	smov.u32 s1;
	s0 =	smov.u32 s9;
	p0 =	sne.s32 s1, $0x3F0  }
.Ltmp1:
0x6c: {  	s1 =	sadd.s32 $0x10, s1;
	(pc) =	sbr.rel @p0 .LBB2_4-.Ltmp1, $2  }
0x6d: {  	_ =	sdelay $0x2  }
0x6e: {  	s9 =	sadd.s32 $0x88, s9;
	s10 =	sadd.s32 s10, s11  }
0x6f: {  	[hbm4b:s10+s3] =	stream.linear.scatter [tilespmem:s0], [sflag:$0x3], $0x80, $0x38;
	[tilespmem:$0x1EC00] =	vst v63  }
0x70: {  	s0 =	simm.s32 $0x1A800  }
0x71: {  	s1 =	simm.s32 $0x10;
	s10 =	sadd.s32 $0x0, s12;
	s9 =	simm.s32 $0x1A888  }
.LBB2_6:
0x72: {  	[hbm4b:s10+s3] =	stream.linear.scatter [tilespmem:s0], [sflag:$0x3], $0x80, $0x38;
	[tilespmem:$0x1EC00] =	vst v63  }
0x73: {  	s10 =	smov.u32 s1;
	s0 =	smov.u32 s9;
	p0 =	sne.s32 s1, $0x3F0  }
.Ltmp2:
0x74: {  	s1 =	sadd.s32 $0x10, s1;
	(pc) =	sbr.rel @p0 .LBB2_6-.Ltmp2, $2  }
0x75: {  	_ =	sdelay $0x2  }
0x76: {  	s9 =	sadd.s32 $0x88, s9;
	s10 =	sadd.s32 s10, s12  }
0x77: {  	[hbm4b:s10+s3] =	stream.linear.scatter [tilespmem:s0], [sflag:$0x3], $0x80, $0x38;
	[tilespmem:$0x1EC00] =	vst v63  }
0x78: {  	s0 =	sadd.s32 $0x3000, s7;
	s1 =	simm.s32 $0x1CA00  }
0x79: {  	s9 =	simm.s32 $0x10;
	s10 =	simm.s32 $0x1CA88;
	s16 =	sadd.s32 $0x0, s0  }
.LBB2_8:
0x7a: {  	[hbm4b:s16+s3] =	stream.linear.scatter [tilespmem:s1], [sflag:$0x3], $0x80, $0x38;
	[tilespmem:$0x1EC00] =	vst v63  }
0x7b: {  	s16 =	smov.u32 s9;
	s1 =	smov.u32 s10;
	p0 =	sne.s32 s9, $0x3F0  }
.Ltmp3:
0x7c: {  	s9 =	sadd.s32 $0x10, s9;
	(pc) =	sbr.rel @p0 .LBB2_8-.Ltmp3, $2  }
0x7d: {  	_ =	sdelay $0x2  }
0x7e: {  	s10 =	sadd.s32 $0x88, s10;
	s16 =	sadd.s32 s16, s0  }
0x7f: {  	[hbm4b:s16+s3] =	stream.linear.scatter [tilespmem:s1], [sflag:$0x3], $0x80, $0x38;
	[tilespmem:$0x1EC00] =	vst v63  }
0x80: {  	s10 =	simm.s32 $0x0;
	s0 =	simm.s32 $0x6400  }
0x81: {  	[tilespmem:s0], [sflag:$0x1] =	stream.indirect.gather [hbm4b:s5+s13], $0x20, s10, s13, $0xb8;
	[tilespmem:$0x1EC00] =	vst v63  }
0x82: {  	s15 =	simm.s32 $0x7400  }
0x83: {  	[tilespmem:s15], [sflag:$0x1] =	stream.indirect.gather [hbm4b:s5+s13], $0x20, s13, s13, $0xb8;
	[tilespmem:$0x1EC00] =	vst v63  }
0x84: {  	s16 =	simm.s32 $0x100  }
0x85: {  	[tilespmem:s17], [sflag:$0x1] =	stream.indirect.gather [hbm4b:s5+s13], $0x20, s16, s13, $0xb8;
	[tilespmem:$0x1EC00] =	vst v63  }
0x86: {  	s18 =	simm.s32 $0x180  }
0x87: {  	[tilespmem:s19], [sflag:$0x1] =	stream.indirect.gather [hbm4b:s5+s13], $0x20, s18, s13, $0xb8;
	[tilespmem:$0x1EC00] =	vst v63  }
0x88: {  	s20 =	simm.s32 $0x200  }
0x89: {  	[tilespmem:s21], [sflag:$0x1] =	stream.indirect.gather [hbm4b:s5+s13], $0x20, s20, s13, $0xb8;
	[tilespmem:$0x1EC00] =	vst v63  }
0x8a: {  	s29 =	simm.s32 $0x280  }
0x8b: {  	[tilespmem:s23], [sflag:$0x1] =	stream.indirect.gather [hbm4b:s5+s13], $0x20, s29, s13, $0xb8;
	[tilespmem:$0x1EC00] =	vst v63  }
0x8c: {  	s30 =	simm.s32 $0x300  }
0x8d: {  	[tilespmem:s25], [sflag:$0x1] =	stream.indirect.gather [hbm4b:s5+s13], $0x20, s30, s13, $0xb8;
	[tilespmem:$0x1EC00] =	vst v63  }
0x8e: {  	s31 =	simm.s32 $0x380;
	s9 =	simm.s32 $0x0  }
0x8f: {  	[tilespmem:s28], [sflag:$0x1] =	stream.indirect.gather [hbm4b:s5+s13], $0x20, s31, s13, $0xb8;
	[tilespmem:$0x1EC00] =	vst v63  }
.LBB2_10:
0x90: {  	s30 =	sshll.u32 s9, $0xB  }
0x91: {  	s0 =	simm.s32 $0xE400;
	s29 =	sor.u32 $0x400, s30  }
0x92: {  	[tilespmem:s0], [sflag:$0x2] =	stream.indirect.gather [hbm4b:s5+s13], $0x20, s29, s13, $0xb8;
	[tilespmem:$0x1EC00] =	vst v63  }
0x93: {  	s1 =	simm.s32 $0xF400;
	s18 =	sor.u32 $0x480, s30  }
0x94: {  	[tilespmem:s1], [sflag:$0x2] =	stream.indirect.gather [hbm4b:s5+s13], $0x20, s18, s13, $0xb8;
	[tilespmem:$0x1EC00] =	vst v63  }
0x95: {  	s31 =	simm.s32 $0x10400;
	s20 =	sor.u32 $0x500, s30  }
0x96: {  	[tilespmem:s31], [sflag:$0x2] =	stream.indirect.gather [hbm4b:s5+s13], $0x20, s20, s13, $0xb8;
	[tilespmem:$0x1EC00] =	vst v63  }
0x97: {  	s15 =	simm.s32 $0x11400;
	s14 =	sor.u32 $0x580, s30  }
0x98: {  	[tilespmem:s15], [sflag:$0x2] =	stream.indirect.gather [hbm4b:s5+s13], $0x20, s14, s13, $0xb8;
	[tilespmem:$0x1EC00] =	vst v63  }
0x99: {  	s16 =	sor.u32 $0x600, s30;
	s18 =	simm.s32 $0x12400  }
0x9a: {  	[tilespmem:s18], [sflag:$0x2] =	stream.indirect.gather [hbm4b:s5+s13], $0x20, s16, s13, $0xb8;
	[tilespmem:$0x1EC00] =	vst v63  }
0x9b: {  	s20 =	sor.u32 $0x680, s30;
	s31 =	simm.s32 $0x13400  }
0x9c: {  	[tilespmem:s31], [sflag:$0x2] =	stream.indirect.gather [hbm4b:s5+s13], $0x20, s20, s13, $0xb8;
	[tilespmem:$0x1EC00] =	vst v63  }
0x9d: {  	s1 =	sor.u32 $0x700, s30;
	s14 =	simm.s32 $0x14400  }
0x9e: {  	[tilespmem:s14], [sflag:$0x2] =	stream.indirect.gather [hbm4b:s5+s13], $0x20, s1, s13, $0xb8;
	[tilespmem:$0x1EC00] =	vst v63  }
0x9f: {  	s15 =	sor.u32 $0x780, s30;
	s16 =	simm.s32 $0x15400  }
0xa0: {  	[tilespmem:s16], [sflag:$0x2] =	stream.indirect.gather [hbm4b:s5+s13], $0x20, s15, s13, $0xb8;
	[tilespmem:$0x1EC00] =	vst v63  }
0xa1: {  	_ =	swait.ge [sflag:s22], $0x1000  }
0xa2: {  	[sflag:s22] =	ssyncset.done $0x0  }
0xa3: {  	[sflag:s22] =	ssyncadd.s32 $0xFFFFF000  }
0xa4: {  	_ =	swait.ge [sflag:s22], $0x1000  }
0xa5: {  	[sflag:s22] =	ssyncset.done $0x0  }
0xa6: {  	[sflag:s22] =	ssyncadd.s32 $0xFFFFF000  }
0xa7: {  	_ =	swait.ge [sflag:s22], $0x1000  }
0xa8: {  	[sflag:s22] =	ssyncset.done $0x0  }
0xa9: {  	[sflag:s22] =	ssyncadd.s32 $0xFFFFF000  }
0xaa: {  	_ =	swait.ge [sflag:s22], $0x1000  }
0xab: {  	[sflag:s22] =	ssyncset.done $0x0  }
0xac: {  	[sflag:s22] =	ssyncadd.s32 $0xFFFFF000  }
0xad: {  	_ =	swait.ge [sflag:s22], $0x1000  }
0xae: {  	[sflag:s22] =	ssyncset.done $0x0  }
0xaf: {  	[sflag:s22] =	ssyncadd.s32 $0xFFFFF000  }
0xb0: {  	_ =	swait.ge [sflag:s22], $0x1000  }
0xb1: {  	[sflag:s22] =	ssyncset.done $0x0  }
0xb2: {  	[sflag:s22] =	ssyncadd.s32 $0xFFFFF000  }
0xb3: {  	_ =	swait.ge [sflag:s22], $0x1000  }
0xb4: {  	[sflag:s22] =	ssyncset.done $0x0  }
0xb5: {  	[sflag:s22] =	ssyncadd.s32 $0xFFFFF000  }
0xb6: {  	_ =	swait.ge [sflag:s22], $0x1000  }
0xb7: {  	[sflag:s22] =	ssyncset.done $0x0  }
0xb8: {  	[sflag:s22] =	ssyncadd.s32 $0xFFFFF000  }
0xb9: {  	_ =	swait.ge [sflag:s24], $0x8000  }
0xba: {  	v16 =	vmov s10;
	[sflag:s24] =	ssyncset.done $0x0  }
0xbb: {  	v16 =	vand.u32 $0x7C, v16;
	s0 =	simm.s32 $0x6440;
	[sflag:s24] =	ssyncadd.s32 $0xFFFF8000  }
0xbc: {  	v18 =	vadd.s32 v0, v16;
	v17 =	vld [tilespmem:s0+$0xFFFFFFC0]  }
0xbd: {  	v16 =	vadd.s32 v1, v16;
	v19 =	vld [tilespmem:s0+$0xFFFFFFD0];
	_ =	sdelay $0x2  }
0xbe: {  	s18 =	simm.s32 $0x1  }
0xbf: {  	[tilespmem:v18+s26+$0x0] =	vst.idx.msk $0xffff, v17;
	v17 =	vmov s18  }
0xc0: {  	[tilespmem:v16+s26+$0x0] =	vst.idx.msk $0xffff, v19;
	v16 =	vand.u32 $0x7D, v17  }
0xc1: {  	v17 =	vld [tilespmem:s0+$0xFFFFFFE0];
	v18 =	vadd.s32 v0, v16  }
0xc2: {  	v19 =	vld [tilespmem:s0+$0xFFFFFFF0];
	v16 =	vadd.s32 v1, v16;
	_ =	sdelay $0x2  }
0xc3: {  	s20 =	simm.s32 $0x2  }
0xc4: {  	[tilespmem:v18+s26+$0x0] =	vst.idx.msk $0xffff, v17;
	v17 =	vmov s20  }
0xc5: {  	[tilespmem:v16+s26+$0x0] =	vst.idx.msk $0xffff, v19;
	v16 =	vand.u32 $0x7E, v17  }
0xc6: {  	v17 =	vld [tilespmem:s0+$0x0];
	v18 =	vadd.s32 v0, v16  }
0xc7: {  	v19 =	vld [tilespmem:s0+$0x10];
	v16 =	vadd.s32 v1, v16;
	_ =	sdelay $0x2  }
0xc8: {  	s31 =	simm.s32 $0x3  }
0xc9: {  	[tilespmem:v18+s26+$0x0] =	vst.idx.msk $0xffff, v17;
	v17 =	vmov s31  }
0xca: {  	[tilespmem:v16+s26+$0x0] =	vst.idx.msk $0xffff, v19;
	v17 =	vand.u32 $0x7F, v17  }
0xcb: {  	v19 =	vld [tilespmem:s0+$0x20];
	v20 =	vadd.s32 v0, v17;
	_ =	sdelay $0x1  }
0xcc: {  	v16 =	vld [tilespmem:s0+$0x30];
	v17 =	vadd.s32 v1, v17;
	_ =	sdelay $0x1  }
0xcd: {  	s1 =	simm.s32 $0x4  }
0xce: {  	s16 =	simm.s32 $0x8;
	v18 =	vmov s1;
	[tilespmem:v20+s26+$0x0] =	vst.idx.msk $0xffff, v19  }
.LBB2_11:
0xcf: {  	p0 =	slt.u32 s16, $0x7C  }
0xd0: {  	v18 =	vand.u32 $0x7C, v18;
	[tilespmem:v17+s26+$0x0] =	vst.idx.msk $0xffff, v16;
	s0 =	sadd.s32 $0x80, s0;
	s18 =	smov.u32 s16;
	s16 =	sadd.s32 $0x4, s16  }
0xd1: {  	v16 =	vld [tilespmem:s0+$0xFFFFFFC0];
	v17 =	vadd.s32 v0, v18  }
0xd2: {  	v18 =	vadd.s32 v1, v18;
	v19 =	vld [tilespmem:s0+$0xFFFFFFD0];
	_ =	sdelay $0x2  }
0xd3: {  	s20 =	sadd.s32 $0x1, s1  }
0xd4: {  	[tilespmem:v17+s26+$0x0] =	vst.idx.msk $0xffff, v16;
	v16 =	vmov s20  }
0xd5: {  	[tilespmem:v18+s26+$0x0] =	vst.idx.msk $0xffff, v19;
	v16 =	vand.u32 $0x7D, v16  }
0xd6: {  	v17 =	vld [tilespmem:s0+$0xFFFFFFE0];
	v18 =	vadd.s32 v0, v16  }
0xd7: {  	v16 =	vadd.s32 v1, v16;
	v19 =	vld [tilespmem:s0+$0xFFFFFFF0];
	_ =	sdelay $0x2  }
0xd8: {  	s20 =	sadd.s32 $0x2, s1  }
0xd9: {  	[tilespmem:v18+s26+$0x0] =	vst.idx.msk $0xffff, v17;
	v17 =	vmov s20  }
0xda: {  	[tilespmem:v16+s26+$0x0] =	vst.idx.msk $0xffff, v19;
	v16 =	vand.u32 $0x7E, v17  }
0xdb: {  	v17 =	vld [tilespmem:s0+$0x0];
	v18 =	vadd.s32 v0, v16  }
0xdc: {  	v16 =	vadd.s32 v1, v16;
	v19 =	vld [tilespmem:s0+$0x10];
	_ =	sdelay $0x2  }
0xdd: {  	s20 =	sadd.s32 $0x3, s1;
	s1 =	smov.u32 s18  }
0xde: {  	[tilespmem:v18+s26+$0x0] =	vst.idx.msk $0xffff, v17;
	v17 =	vmov s20  }
0xdf: {  	[tilespmem:v16+s26+$0x0] =	vst.idx.msk $0xffff, v19;
	v17 =	vand.u32 $0x7F, v17  }
0xe0: {  	v19 =	vld [tilespmem:s0+$0x20];
	v20 =	vadd.s32 v0, v17  }
.Ltmp4:
0xe1: {  	v17 =	vadd.s32 v1, v17;
	v16 =	vld [tilespmem:s0+$0x30];
	(pc) =	sbr.rel @p0 .LBB2_11-.Ltmp4, $2  }
0xe2: {  	_ =	sdelay $0x2  }
0xe3: {  	v18 =	vmov s1;
	[tilespmem:v20+s26+$0x0] =	vst.idx.msk $0xffff, v19  }
0xe4: {  	_ =	sdelay $0x3  }
0xe5: {  	v18 =	vand.u32 $0x7C, v18;
	[tilespmem:v17+s26+$0x0] =	vst.idx.msk $0xffff, v16;
	s0 =	sadd.s32 $0x80, s0  }
0xe6: {  	v16 =	vld [tilespmem:s0+$0xFFFFFFC0];
	v17 =	vadd.s32 v0, v18  }
0xe7: {  	v19 =	vld [tilespmem:s0+$0xFFFFFFD0];
	v18 =	vadd.s32 v1, v18;
	_ =	sdelay $0x2  }
0xe8: {  	s16 =	sadd.s32 $0x1, s1  }
0xe9: {  	[tilespmem:v17+s26+$0x0] =	vst.idx.msk $0xffff, v16;
	v16 =	vmov s16  }
0xea: {  	[tilespmem:v18+s26+$0x0] =	vst.idx.msk $0xffff, v19;
	v16 =	vand.u32 $0x7D, v16  }
0xeb: {  	v17 =	vld [tilespmem:s0+$0xFFFFFFE0];
	v18 =	vadd.s32 v0, v16  }
0xec: {  	v19 =	vld [tilespmem:s0+$0xFFFFFFF0];
	v16 =	vadd.s32 v1, v16;
	_ =	sdelay $0x2  }
0xed: {  	s18 =	sadd.s32 $0x2, s1  }
0xee: {  	[tilespmem:v18+s26+$0x0] =	vst.idx.msk $0xffff, v17;
	v17 =	vmov s18  }
0xef: {  	[tilespmem:v16+s26+$0x0] =	vst.idx.msk $0xffff, v19;
	v16 =	vand.u32 $0x7E, v17  }
0xf0: {  	v17 =	vld [tilespmem:s0+$0x0];
	v18 =	vadd.s32 v0, v16  }
0xf1: {  	v19 =	vld [tilespmem:s0+$0x10];
	v16 =	vadd.s32 v1, v16;
	_ =	sdelay $0x2  }
0xf2: {  	s20 =	sadd.s32 $0x3, s1  }
0xf3: {  	[tilespmem:v18+s26+$0x0] =	vst.idx.msk $0xffff, v17;
	v17 =	vmov s20  }
0xf4: {  	[tilespmem:v16+s26+$0x0] =	vst.idx.msk $0xffff, v19;
	v16 =	vand.u32 $0x7F, v17  }
0xf5: {  	v17 =	vld [tilespmem:s0+$0x20];
	v18 =	vadd.s32 v0, v16  }
0xf6: {  	p1 =	por $0x1, $0x1;
	v19 =	vld [tilespmem:s0+$0x30];
	v20 =	vadd.s32 v1, v16  }
.Ltmp5:
0xf7: {  	_ = 	snop;
	(pc) =	sbr.rel @!p1 .LBB2_16-.Ltmp5, $4  }
0xf8: {  	_ = 	snop  }
0xf9: {  	s1 =	simm.s32 $0x0  }
0xfa: {  	s31 =	simm.s32 $0x4;
	p0 =	por $0x0, $0x0;
	p2 =	por $0x0, $0x0;
	v16 =	vmov s1;
	[tilespmem:v18+s26+$0x0] =	vst.idx.msk $0xffff, v17  }
0xfb: {  	s16 =	simm.s32 $0x0;
	s18 =	simm.s32 $0x7470;
	s0 =	simm.s32 $0x7470;
	[tilespmem:v20+s26+$0x0] =	vst.idx.msk $0xffff, v19;
	v19 =	vmov v16  }
0xfc: {  	v17 =	vand.u32 $0x7C, v16  }
0xfd: {  	v18 =	vld [tilespmem:s0+$0xFFFFFF90];
	v19 =	vadd.s32 v2, v17  }
0xfe: {  	v20 =	vld [tilespmem:s0+$0xFFFFFFA0];
	v17 =	vadd.s32 v3, v17;
	_ =	sdelay $0x2  }
0xff: {  	s16 =	simm.s32 $0x1  }
0x100: {  	[tilespmem:v19+s26+$0x0] =	vst.idx.msk $0xffff, v18;
	v18 =	vmov s16  }
0x101: {  	[tilespmem:v17+s26+$0x0] =	vst.idx.msk $0xffff, v20;
	v17 =	vand.u32 $0x7D, v18  }
0x102: {  	v18 =	vld [tilespmem:s0+$0xFFFFFFB0];
	v19 =	vadd.s32 v2, v17  }
0x103: {  	v20 =	vld [tilespmem:s0+$0xFFFFFFC0];
	v17 =	vadd.s32 v3, v17;
	_ =	sdelay $0x2  }
0x104: {  	s18 =	simm.s32 $0x2  }
0x105: {  	[tilespmem:v19+s26+$0x0] =	vst.idx.msk $0xffff, v18;
	v18 =	vmov s18  }
0x106: {  	[tilespmem:v17+s26+$0x0] =	vst.idx.msk $0xffff, v20;
	v17 =	vand.u32 $0x7E, v18  }
0x107: {  	v18 =	vld [tilespmem:s0+$0xFFFFFFD0];
	v19 =	vadd.s32 v2, v17  }
0x108: {  	v20 =	vld [tilespmem:s0+$0xFFFFFFE0];
	v17 =	vadd.s32 v3, v17;
	_ =	sdelay $0x2  }
0x109: {  	s20 =	simm.s32 $0x3  }
0x10a: {  	[tilespmem:v19+s26+$0x0] =	vst.idx.msk $0xffff, v18;
	v18 =	vmov s20  }
0x10b: {  	[tilespmem:v17+s26+$0x0] =	vst.idx.msk $0xffff, v20;
	v18 =	vand.u32 $0x7F, v18  }
0x10c: {  	p3 =	por $0x1, $0x1;
	v20 =	vld [tilespmem:s0+$0xFFFFFFF0];
	v21 =	vadd.s32 v2, v18  }
.Ltmp6:
0x10d: {  	_ = 	snop;
	(pc) =	sbr.rel @!p3 .LBB2_14-.Ltmp6, $3  }
0x10e: {  	v17 =	vld [tilespmem:s0+$0x0];
	v18 =	vadd.s32 v3, v18;
	_ =	sdelay $0x1  }
0x10f: {  	p2 =	por $0x1, $0x1  }
0x110: {  	s16 =	simm.s32 $0x4;
	s18 =	simm.s32 $0x7470;
	s20 =	simm.s32 $0x8;
	v19 =	vmov s31;
	[tilespmem:v21+s26+$0x0] =	vst.idx.msk $0xffff, v20  }
.LBB2_15:
0x111: {  	p3 =	slt.u32 s20, $0x7C  }
0x112: {  	v19 =	vand.u32 $0x7C, v19;
	[tilespmem:v18+s26+$0x0] =	vst.idx.msk $0xffff, v17;
	s18 =	sadd.s32 $0x80, s18;
	s14 =	smov.u32 s20;
	s20 =	sadd.s32 $0x4, s20  }
0x113: {  	v17 =	vld [tilespmem:s18+$0xFFFFFF90];
	v18 =	vadd.s32 v2, v19  }
0x114: {  	v19 =	vadd.s32 v3, v19;
	v20 =	vld [tilespmem:s18+$0xFFFFFFA0];
	_ =	sdelay $0x2  }
0x115: {  	s15 =	sadd.s32 $0x1, s16  }
0x116: {  	[tilespmem:v18+s26+$0x0] =	vst.idx.msk $0xffff, v17;
	v17 =	vmov s15  }
0x117: {  	[tilespmem:v19+s26+$0x0] =	vst.idx.msk $0xffff, v20;
	v17 =	vand.u32 $0x7D, v17  }
0x118: {  	v18 =	vld [tilespmem:s18+$0xFFFFFFB0];
	v19 =	vadd.s32 v2, v17  }
0x119: {  	v17 =	vadd.s32 v3, v17;
	v20 =	vld [tilespmem:s18+$0xFFFFFFC0];
	_ =	sdelay $0x2  }
0x11a: {  	s15 =	sadd.s32 $0x2, s16  }
0x11b: {  	[tilespmem:v19+s26+$0x0] =	vst.idx.msk $0xffff, v18;
	v18 =	vmov s15  }
0x11c: {  	[tilespmem:v17+s26+$0x0] =	vst.idx.msk $0xffff, v20;
	v17 =	vand.u32 $0x7E, v18  }
0x11d: {  	v18 =	vld [tilespmem:s18+$0xFFFFFFD0];
	v19 =	vadd.s32 v2, v17  }
0x11e: {  	v17 =	vadd.s32 v3, v17;
	v20 =	vld [tilespmem:s18+$0xFFFFFFE0];
	_ =	sdelay $0x2  }
0x11f: {  	s15 =	sadd.s32 $0x3, s16;
	s16 =	smov.u32 s14  }
0x120: {  	[tilespmem:v19+s26+$0x0] =	vst.idx.msk $0xffff, v18;
	v18 =	vmov s15  }
0x121: {  	[tilespmem:v17+s26+$0x0] =	vst.idx.msk $0xffff, v20;
	v18 =	vand.u32 $0x7F, v18  }
0x122: {  	v20 =	vld [tilespmem:s18+$0xFFFFFFF0];
	v21 =	vadd.s32 v2, v18  }
.Ltmp7:
0x123: {  	v18 =	vadd.s32 v3, v18;
	v17 =	vld [tilespmem:s18+$0x0];
	(pc) =	sbr.rel @p3 .LBB2_15-.Ltmp7, $2  }
0x124: {  	_ =	sdelay $0x2  }
0x125: {  	v19 =	vmov s16;
	[tilespmem:v21+s26+$0x0] =	vst.idx.msk $0xffff, v20  }
.LBB2_16:
0x126: {  	_ =	sdelay $0x2  }
0x127: {  	s14 =	sadd.s32 @p2 $0x80, s18  }
0x128: {  	v19 =	vand.u32 $0x7C, v19;
	[tilespmem:v18+s26+$0x0] =	vst.idx.msk @p2 $0xffff, v17;
	s0 =	smov.u32 @p2 s14  }
0x129: {  	v18 =	vadd.s32 v2, v19;
	v17 =	vld [tilespmem:s0+$0xFFFFFF90]  }
0x12a: {  	v19 =	vadd.s32 v3, v19;
	v20 =	vld [tilespmem:s0+$0xFFFFFFA0];
	_ =	sdelay $0x2  }
0x12b: {  	s15 =	sadd.s32 $0x1, s16  }
0x12c: {  	[tilespmem:v18+s26+$0x0] =	vst.idx.msk $0xffff, v17;
	v17 =	vmov s15  }
0x12d: {  	[tilespmem:v19+s26+$0x0] =	vst.idx.msk $0xffff, v20;
	v17 =	vand.u32 $0x7D, v17  }
0x12e: {  	v18 =	vld [tilespmem:s0+$0xFFFFFFB0];
	v19 =	vadd.s32 v2, v17  }
0x12f: {  	v20 =	vld [tilespmem:s0+$0xFFFFFFC0];
	v17 =	vadd.s32 v3, v17;
	_ =	sdelay $0x2  }
0x130: {  	s18 =	sadd.s32 $0x2, s16  }
0x131: {  	[tilespmem:v19+s26+$0x0] =	vst.idx.msk $0xffff, v18;
	v18 =	vmov s18  }
0x132: {  	[tilespmem:v17+s26+$0x0] =	vst.idx.msk $0xffff, v20;
	v17 =	vand.u32 $0x7E, v18  }
0x133: {  	v18 =	vld [tilespmem:s0+$0xFFFFFFD0];
	v19 =	vadd.s32 v2, v17  }
0x134: {  	v20 =	vld [tilespmem:s0+$0xFFFFFFE0];
	v17 =	vadd.s32 v3, v17;
	_ =	sdelay $0x2  }
0x135: {  	s20 =	sadd.s32 $0x3, s16  }
0x136: {  	[tilespmem:v19+s26+$0x0] =	vst.idx.msk $0xffff, v18;
	v18 =	vmov s20  }
0x137: {  	[tilespmem:v17+s26+$0x0] =	vst.idx.msk $0xffff, v20;
	v17 =	vand.u32 $0x7F, v18  }
0x138: {  	v18 =	vld [tilespmem:s0+$0xFFFFFFF0];
	v19 =	vadd.s32 v2, v17  }
0x139: {  	v20 =	vld [tilespmem:s0+$0x0];
	v17 =	vadd.s32 v3, v17  }
.Ltmp8:
0x13a: {  	_ = 	snop;
	(pc) =	sbr.rel @!p1 .LBB2_17-.Ltmp8, $3  }
0x13b: {  	_ =	sdelay $0x1  }
0x13c: {  	[tilespmem:v19+s26+$0x0] =	vst.idx.msk $0xffff, v18  }
0x13d: {  	s0 =	simm.s32 $0x8470;
	[tilespmem:v17+s26+$0x0] =	vst.idx.msk $0xffff, v20  }
0x13e: {  	v16 =	vand.u32 $0x7C, v16  }
0x13f: {  	v17 =	vld [tilespmem:s0+$0xFFFFFF90];
	v18 =	vadd.s32 v4, v16  }
0x140: {  	v19 =	vld [tilespmem:s0+$0xFFFFFFA0];
	v16 =	vadd.s32 v5, v16;
	_ =	sdelay $0x2  }
0x141: {  	s1 =	simm.s32 $0x1  }
0x142: {  	[tilespmem:v18+s26+$0x0] =	vst.idx.msk $0xffff, v17;
	v17 =	vmov s1  }
0x143: {  	[tilespmem:v16+s26+$0x0] =	vst.idx.msk $0xffff, v19;
	v16 =	vand.u32 $0x7D, v17  }
0x144: {  	v17 =	vld [tilespmem:s0+$0xFFFFFFB0];
	v18 =	vadd.s32 v4, v16  }
0x145: {  	v19 =	vld [tilespmem:s0+$0xFFFFFFC0];
	v16 =	vadd.s32 v5, v16;
	_ =	sdelay $0x2  }
0x146: {  	s18 =	simm.s32 $0x2  }
0x147: {  	[tilespmem:v18+s26+$0x0] =	vst.idx.msk $0xffff, v17;
	v17 =	vmov s18  }
0x148: {  	[tilespmem:v16+s26+$0x0] =	vst.idx.msk $0xffff, v19;
	v16 =	vand.u32 $0x7E, v17  }
0x149: {  	v17 =	vld [tilespmem:s0+$0xFFFFFFD0];
	v18 =	vadd.s32 v4, v16  }
0x14a: {  	v19 =	vld [tilespmem:s0+$0xFFFFFFE0];
	v16 =	vadd.s32 v5, v16;
	_ =	sdelay $0x2  }
0x14b: {  	s20 =	simm.s32 $0x3  }
0x14c: {  	[tilespmem:v18+s26+$0x0] =	vst.idx.msk $0xffff, v17;
	v17 =	vmov s20  }
0x14d: {  	[tilespmem:v16+s26+$0x0] =	vst.idx.msk $0xffff, v19;
	v16 =	vand.u32 $0x7F, v17  }
0x14e: {  	p1 =	por $0x1, $0x1;
	v19 =	vld [tilespmem:s0+$0xFFFFFFF0];
	v20 =	vadd.s32 v4, v16  }
.Ltmp9:
0x14f: {  	_ = 	snop;
	(pc) =	sbr.rel @!p1 .LBB2_19-.Ltmp9, $2  }
0x150: {  	v17 =	vld [tilespmem:s0+$0x0];
	v18 =	vadd.s32 v5, v16;
	_ =	sdelay $0x2  }
0x151: {  	p0 =	por $0x1, $0x1;
	s16 =	simm.s32 $0x8470;
	s1 =	simm.s32 $0x8;
	v16 =	vmov s31;
	[tilespmem:v20+s26+$0x0] =	vst.idx.msk $0xffff, v19  }
.LBB2_20:
0x152: {  	p1 =	slt.u32 s1, $0x7C  }
0x153: {  	v16 =	vand.u32 $0x7C, v16;
	[tilespmem:v18+s26+$0x0] =	vst.idx.msk $0xffff, v17;
	s16 =	sadd.s32 $0x80, s16;
	s14 =	smov.u32 s1;
	s1 =	sadd.s32 $0x4, s1  }
0x154: {  	v17 =	vld [tilespmem:s16+$0xFFFFFF90];
	v18 =	vadd.s32 v4, v16  }
0x155: {  	v16 =	vadd.s32 v5, v16;
	v19 =	vld [tilespmem:s16+$0xFFFFFFA0];
	_ =	sdelay $0x2  }
0x156: {  	s15 =	sadd.s32 $0x1, s31  }
0x157: {  	[tilespmem:v18+s26+$0x0] =	vst.idx.msk $0xffff, v17;
	v17 =	vmov s15  }
0x158: {  	[tilespmem:v16+s26+$0x0] =	vst.idx.msk $0xffff, v19;
	v16 =	vand.u32 $0x7D, v17  }
0x159: {  	v17 =	vld [tilespmem:s16+$0xFFFFFFB0];
	v18 =	vadd.s32 v4, v16  }
0x15a: {  	v16 =	vadd.s32 v5, v16;
	v19 =	vld [tilespmem:s16+$0xFFFFFFC0];
	_ =	sdelay $0x2  }
0x15b: {  	s15 =	sadd.s32 $0x2, s31  }
0x15c: {  	[tilespmem:v18+s26+$0x0] =	vst.idx.msk $0xffff, v17;
	v17 =	vmov s15  }
0x15d: {  	[tilespmem:v16+s26+$0x0] =	vst.idx.msk $0xffff, v19;
	v16 =	vand.u32 $0x7E, v17  }
0x15e: {  	v17 =	vld [tilespmem:s16+$0xFFFFFFD0];
	v18 =	vadd.s32 v4, v16  }
0x15f: {  	v16 =	vadd.s32 v5, v16;
	v19 =	vld [tilespmem:s16+$0xFFFFFFE0];
	_ =	sdelay $0x2  }
0x160: {  	s15 =	sadd.s32 $0x3, s31;
	s31 =	smov.u32 s14  }
0x161: {  	[tilespmem:v18+s26+$0x0] =	vst.idx.msk $0xffff, v17;
	v17 =	vmov s15  }
0x162: {  	[tilespmem:v16+s26+$0x0] =	vst.idx.msk $0xffff, v19;
	v16 =	vand.u32 $0x7F, v17  }
0x163: {  	v19 =	vld [tilespmem:s16+$0xFFFFFFF0];
	v20 =	vadd.s32 v4, v16  }
.Ltmp10:
0x164: {  	v18 =	vadd.s32 v5, v16;
	v17 =	vld [tilespmem:s16+$0x0];
	(pc) =	sbr.rel @p1 .LBB2_20-.Ltmp10, $2  }
0x165: {  	_ =	sdelay $0x2  }
0x166: {  	v16 =	vmov s31;
	[tilespmem:v20+s26+$0x0] =	vst.idx.msk $0xffff, v19  }
0x167: {  	s1 =	smov.u32 s31  }
.LBB2_22:
0x168: {  	_ =	sdelay $0x2  }
0x169: {  	s14 =	sadd.s32 @p0 $0x80, s16  }
0x16a: {  	v16 =	vand.u32 $0x7C, v16;
	[tilespmem:v18+s26+$0x0] =	vst.idx.msk @p0 $0xffff, v17;
	s0 =	smov.u32 @p0 s14  }
0x16b: {  	v18 =	vadd.s32 v4, v16;
	v17 =	vld [tilespmem:s0+$0xFFFFFF90]  }
0x16c: {  	v16 =	vadd.s32 v5, v16;
	v19 =	vld [tilespmem:s0+$0xFFFFFFA0];
	_ =	sdelay $0x2  }
0x16d: {  	s16 =	sadd.s32 $0x1, s1  }
0x16e: {  	[tilespmem:v18+s26+$0x0] =	vst.idx.msk $0xffff, v17;
	v17 =	vmov s16  }
0x16f: {  	[tilespmem:v16+s26+$0x0] =	vst.idx.msk $0xffff, v19;
	v16 =	vand.u32 $0x7D, v17  }
0x170: {  	v17 =	vld [tilespmem:s0+$0xFFFFFFB0];
	v18 =	vadd.s32 v4, v16  }
0x171: {  	v19 =	vld [tilespmem:s0+$0xFFFFFFC0];
	v16 =	vadd.s32 v5, v16;
	_ =	sdelay $0x2  }
0x172: {  	s18 =	sadd.s32 $0x2, s1  }
0x173: {  	[tilespmem:v18+s26+$0x0] =	vst.idx.msk $0xffff, v17;
	v17 =	vmov s18  }
0x174: {  	[tilespmem:v16+s26+$0x0] =	vst.idx.msk $0xffff, v19;
	v16 =	vand.u32 $0x7E, v17  }
0x175: {  	v17 =	vld [tilespmem:s0+$0xFFFFFFD0];
	v18 =	vadd.s32 v4, v16  }
0x176: {  	v19 =	vld [tilespmem:s0+$0xFFFFFFE0];
	v16 =	vadd.s32 v5, v16;
	_ =	sdelay $0x2  }
0x177: {  	s20 =	sadd.s32 $0x3, s1  }
0x178: {  	[tilespmem:v18+s26+$0x0] =	vst.idx.msk $0xffff, v17;
	v17 =	vmov s20  }
0x179: {  	[tilespmem:v16+s26+$0x0] =	vst.idx.msk $0xffff, v19;
	v16 =	vand.u32 $0x7F, v17  }
0x17a: {  	v17 =	vld [tilespmem:s0+$0xFFFFFFF0];
	v18 =	vadd.s32 v4, v16  }
0x17b: {  	p1 =	por $0x1, $0x1;
	v19 =	vld [tilespmem:s0+$0x0];
	v20 =	vadd.s32 v5, v16  }
.Ltmp11:
0x17c: {  	_ = 	snop;
	(pc) =	sbr.rel @!p1 .LBB2_26-.Ltmp11, $4  }
0x17d: {  	_ = 	snop  }
0x17e: {  	s1 =	simm.s32 $0x0  }
0x17f: {  	s31 =	simm.s32 $0x4;
	p2 =	por $0x0, $0x0;
	p0 =	por $0x0, $0x0;
	v16 =	vmov s1;
	[tilespmem:v18+s26+$0x0] =	vst.idx.msk $0xffff, v17  }
0x180: {  	s16 =	simm.s32 $0x0;
	s18 =	simm.s32 $0x9470;
	s0 =	simm.s32 $0x9470;
	[tilespmem:v20+s26+$0x0] =	vst.idx.msk $0xffff, v19;
	v19 =	vmov v16  }
0x181: {  	v17 =	vand.u32 $0x7C, v16  }
0x182: {  	v18 =	vld [tilespmem:s0+$0xFFFFFF90];
	v19 =	vadd.s32 v6, v17  }
0x183: {  	v20 =	vld [tilespmem:s0+$0xFFFFFFA0];
	v17 =	vadd.s32 v7, v17;
	_ =	sdelay $0x2  }
0x184: {  	s14 =	simm.s32 $0x1  }
0x185: {  	[tilespmem:v19+s26+$0x0] =	vst.idx.msk $0xffff, v18;
	v18 =	vmov s14  }
0x186: {  	[tilespmem:v17+s26+$0x0] =	vst.idx.msk $0xffff, v20;
	v17 =	vand.u32 $0x7D, v18  }
0x187: {  	v18 =	vld [tilespmem:s0+$0xFFFFFFB0];
	v19 =	vadd.s32 v6, v17  }
0x188: {  	v20 =	vld [tilespmem:s0+$0xFFFFFFC0];
	v17 =	vadd.s32 v7, v17;
	_ =	sdelay $0x2  }
0x189: {  	s18 =	simm.s32 $0x2  }
0x18a: {  	[tilespmem:v19+s26+$0x0] =	vst.idx.msk $0xffff, v18;
	v18 =	vmov s18  }
0x18b: {  	[tilespmem:v17+s26+$0x0] =	vst.idx.msk $0xffff, v20;
	v17 =	vand.u32 $0x7E, v18  }
0x18c: {  	v18 =	vld [tilespmem:s0+$0xFFFFFFD0];
	v19 =	vadd.s32 v6, v17  }
0x18d: {  	v20 =	vld [tilespmem:s0+$0xFFFFFFE0];
	v17 =	vadd.s32 v7, v17;
	_ =	sdelay $0x2  }
0x18e: {  	s20 =	simm.s32 $0x3  }
0x18f: {  	[tilespmem:v19+s26+$0x0] =	vst.idx.msk $0xffff, v18;
	v18 =	vmov s20  }
0x190: {  	[tilespmem:v17+s26+$0x0] =	vst.idx.msk $0xffff, v20;
	v18 =	vand.u32 $0x7F, v18  }
0x191: {  	p3 =	por $0x1, $0x1;
	v20 =	vld [tilespmem:s0+$0xFFFFFFF0];
	v21 =	vadd.s32 v6, v18  }
.Ltmp12:
0x192: {  	_ = 	snop;
	(pc) =	sbr.rel @!p3 .LBB2_24-.Ltmp12, $3  }
0x193: {  	v17 =	vld [tilespmem:s0+$0x0];
	v18 =	vadd.s32 v7, v18;
	_ =	sdelay $0x1  }
0x194: {  	p2 =	por $0x1, $0x1  }
0x195: {  	s16 =	simm.s32 $0x4;
	s18 =	simm.s32 $0x9470;
	s20 =	simm.s32 $0x8;
	v19 =	vmov s31;
	[tilespmem:v21+s26+$0x0] =	vst.idx.msk $0xffff, v20  }
.LBB2_25:
0x196: {  	p3 =	slt.u32 s20, $0x7C  }
0x197: {  	v19 =	vand.u32 $0x7C, v19;
	[tilespmem:v18+s26+$0x0] =	vst.idx.msk $0xffff, v17;
	s18 =	sadd.s32 $0x80, s18;
	s14 =	smov.u32 s20;
	s20 =	sadd.s32 $0x4, s20  }
0x198: {  	v17 =	vld [tilespmem:s18+$0xFFFFFF90];
	v18 =	vadd.s32 v6, v19  }
0x199: {  	v19 =	vadd.s32 v7, v19;
	v20 =	vld [tilespmem:s18+$0xFFFFFFA0];
	_ =	sdelay $0x2  }
0x19a: {  	s15 =	sadd.s32 $0x1, s16  }
0x19b: {  	[tilespmem:v18+s26+$0x0] =	vst.idx.msk $0xffff, v17;
	v17 =	vmov s15  }
0x19c: {  	[tilespmem:v19+s26+$0x0] =	vst.idx.msk $0xffff, v20;
	v17 =	vand.u32 $0x7D, v17  }
0x19d: {  	v18 =	vld [tilespmem:s18+$0xFFFFFFB0];
	v19 =	vadd.s32 v6, v17  }
0x19e: {  	v17 =	vadd.s32 v7, v17;
	v20 =	vld [tilespmem:s18+$0xFFFFFFC0];
	_ =	sdelay $0x2  }
0x19f: {  	s15 =	sadd.s32 $0x2, s16  }
0x1a0: {  	[tilespmem:v19+s26+$0x0] =	vst.idx.msk $0xffff, v18;
	v18 =	vmov s15  }
0x1a1: {  	[tilespmem:v17+s26+$0x0] =	vst.idx.msk $0xffff, v20;
	v17 =	vand.u32 $0x7E, v18  }
0x1a2: {  	v18 =	vld [tilespmem:s18+$0xFFFFFFD0];
	v19 =	vadd.s32 v6, v17  }
0x1a3: {  	v17 =	vadd.s32 v7, v17;
	v20 =	vld [tilespmem:s18+$0xFFFFFFE0];
	_ =	sdelay $0x2  }
0x1a4: {  	s15 =	sadd.s32 $0x3, s16;
	s16 =	smov.u32 s14  }
0x1a5: {  	[tilespmem:v19+s26+$0x0] =	vst.idx.msk $0xffff, v18;
	v18 =	vmov s15  }
0x1a6: {  	[tilespmem:v17+s26+$0x0] =	vst.idx.msk $0xffff, v20;
	v18 =	vand.u32 $0x7F, v18  }
0x1a7: {  	v20 =	vld [tilespmem:s18+$0xFFFFFFF0];
	v21 =	vadd.s32 v6, v18  }
.Ltmp13:
0x1a8: {  	v18 =	vadd.s32 v7, v18;
	v17 =	vld [tilespmem:s18+$0x0];
	(pc) =	sbr.rel @p3 .LBB2_25-.Ltmp13, $2  }
0x1a9: {  	_ =	sdelay $0x2  }
0x1aa: {  	v19 =	vmov s16;
	[tilespmem:v21+s26+$0x0] =	vst.idx.msk $0xffff, v20  }
.LBB2_26:
0x1ab: {  	_ =	sdelay $0x2  }
0x1ac: {  	s14 =	sadd.s32 @p2 $0x80, s18  }
0x1ad: {  	v19 =	vand.u32 $0x7C, v19;
	[tilespmem:v18+s26+$0x0] =	vst.idx.msk @p2 $0xffff, v17;
	s0 =	smov.u32 @p2 s14  }
0x1ae: {  	v18 =	vadd.s32 v6, v19;
	v17 =	vld [tilespmem:s0+$0xFFFFFF90]  }
0x1af: {  	v19 =	vadd.s32 v7, v19;
	v20 =	vld [tilespmem:s0+$0xFFFFFFA0];
	_ =	sdelay $0x2  }
0x1b0: {  	s15 =	sadd.s32 $0x1, s16  }
0x1b1: {  	[tilespmem:v18+s26+$0x0] =	vst.idx.msk $0xffff, v17;
	v17 =	vmov s15  }
0x1b2: {  	[tilespmem:v19+s26+$0x0] =	vst.idx.msk $0xffff, v20;
	v17 =	vand.u32 $0x7D, v17  }
0x1b3: {  	v18 =	vld [tilespmem:s0+$0xFFFFFFB0];
	v19 =	vadd.s32 v6, v17  }
0x1b4: {  	v20 =	vld [tilespmem:s0+$0xFFFFFFC0];
	v17 =	vadd.s32 v7, v17;
	_ =	sdelay $0x2  }
0x1b5: {  	s18 =	sadd.s32 $0x2, s16  }
0x1b6: {  	[tilespmem:v19+s26+$0x0] =	vst.idx.msk $0xffff, v18;
	v18 =	vmov s18  }
0x1b7: {  	[tilespmem:v17+s26+$0x0] =	vst.idx.msk $0xffff, v20;
	v17 =	vand.u32 $0x7E, v18  }
0x1b8: {  	v18 =	vld [tilespmem:s0+$0xFFFFFFD0];
	v19 =	vadd.s32 v6, v17  }
0x1b9: {  	v20 =	vld [tilespmem:s0+$0xFFFFFFE0];
	v17 =	vadd.s32 v7, v17;
	_ =	sdelay $0x2  }
0x1ba: {  	s20 =	sadd.s32 $0x3, s16  }
0x1bb: {  	[tilespmem:v19+s26+$0x0] =	vst.idx.msk $0xffff, v18;
	v18 =	vmov s20  }
0x1bc: {  	[tilespmem:v17+s26+$0x0] =	vst.idx.msk $0xffff, v20;
	v17 =	vand.u32 $0x7F, v18  }
0x1bd: {  	v18 =	vld [tilespmem:s0+$0xFFFFFFF0];
	v19 =	vadd.s32 v6, v17  }
0x1be: {  	v20 =	vld [tilespmem:s0+$0x0];
	v17 =	vadd.s32 v7, v17  }
.Ltmp14:
0x1bf: {  	_ = 	snop;
	(pc) =	sbr.rel @!p1 .LBB2_27-.Ltmp14, $3  }
0x1c0: {  	_ =	sdelay $0x1  }
0x1c1: {  	[tilespmem:v19+s26+$0x0] =	vst.idx.msk $0xffff, v18  }
0x1c2: {  	s0 =	simm.s32 $0xA400;
	[tilespmem:v17+s26+$0x0] =	vst.idx.msk $0xffff, v20  }
0x1c3: {  	v16 =	vand.u32 $0x7C, v16  }
0x1c4: {  	v17 =	vld [tilespmem:s0+$0x0];
	v18 =	vadd.s32 v8, v16  }
0x1c5: {  	v19 =	vld [tilespmem:s0+$0x10];
	v16 =	vadd.s32 v9, v16;
	_ =	sdelay $0x2  }
0x1c6: {  	s1 =	simm.s32 $0x1  }
0x1c7: {  	[tilespmem:v18+s26+$0x0] =	vst.idx.msk $0xffff, v17;
	v17 =	vmov s1  }
0x1c8: {  	[tilespmem:v16+s26+$0x0] =	vst.idx.msk $0xffff, v19;
	v16 =	vand.u32 $0x7D, v17  }
0x1c9: {  	v17 =	vld [tilespmem:s0+$0x20];
	v18 =	vadd.s32 v8, v16  }
0x1ca: {  	v19 =	vld [tilespmem:s0+$0x30];
	v16 =	vadd.s32 v9, v16;
	_ =	sdelay $0x2  }
0x1cb: {  	s18 =	simm.s32 $0x2  }
0x1cc: {  	[tilespmem:v18+s26+$0x0] =	vst.idx.msk $0xffff, v17;
	v17 =	vmov s18  }
0x1cd: {  	[tilespmem:v16+s26+$0x0] =	vst.idx.msk $0xffff, v19;
	v16 =	vand.u32 $0x7E, v17  }
0x1ce: {  	v17 =	vld [tilespmem:s0+$0x40];
	v18 =	vadd.s32 v8, v16  }
0x1cf: {  	v19 =	vld [tilespmem:s0+$0x50];
	v16 =	vadd.s32 v9, v16;
	_ =	sdelay $0x2  }
0x1d0: {  	s20 =	simm.s32 $0x3  }
0x1d1: {  	[tilespmem:v18+s26+$0x0] =	vst.idx.msk $0xffff, v17;
	v17 =	vmov s20  }
0x1d2: {  	[tilespmem:v16+s26+$0x0] =	vst.idx.msk $0xffff, v19;
	v16 =	vand.u32 $0x7F, v17  }
0x1d3: {  	p1 =	por $0x1, $0x1;
	v19 =	vld [tilespmem:s0+$0x60];
	v20 =	vadd.s32 v8, v16  }
.Ltmp15:
0x1d4: {  	_ = 	snop;
	(pc) =	sbr.rel @!p1 .LBB2_29-.Ltmp15, $2  }
0x1d5: {  	v17 =	vld [tilespmem:s0+$0x70];
	v18 =	vadd.s32 v9, v16;
	_ =	sdelay $0x2  }
0x1d6: {  	p0 =	por $0x1, $0x1;
	s16 =	simm.s32 $0xA400;
	s1 =	simm.s32 $0x8;
	v16 =	vmov s31;
	[tilespmem:v20+s26+$0x0] =	vst.idx.msk $0xffff, v19  }
.LBB2_30:
0x1d7: {  	p1 =	slt.u32 s1, $0x7C  }
0x1d8: {  	v16 =	vand.u32 $0x7C, v16;
	[tilespmem:v18+s26+$0x0] =	vst.idx.msk $0xffff, v17;
	s16 =	sadd.s32 $0x80, s16;
	s14 =	smov.u32 s1;
	s1 =	sadd.s32 $0x4, s1  }
0x1d9: {  	v17 =	vld [tilespmem:s16+$0x0];
	v18 =	vadd.s32 v8, v16  }
0x1da: {  	v16 =	vadd.s32 v9, v16;
	v19 =	vld [tilespmem:s16+$0x10];
	_ =	sdelay $0x2  }
0x1db: {  	s15 =	sadd.s32 $0x1, s31  }
0x1dc: {  	[tilespmem:v18+s26+$0x0] =	vst.idx.msk $0xffff, v17;
	v17 =	vmov s15  }
0x1dd: {  	[tilespmem:v16+s26+$0x0] =	vst.idx.msk $0xffff, v19;
	v16 =	vand.u32 $0x7D, v17  }
0x1de: {  	v17 =	vld [tilespmem:s16+$0x20];
	v18 =	vadd.s32 v8, v16  }
0x1df: {  	v16 =	vadd.s32 v9, v16;
	v19 =	vld [tilespmem:s16+$0x30];
	_ =	sdelay $0x2  }
0x1e0: {  	s15 =	sadd.s32 $0x2, s31  }
0x1e1: {  	[tilespmem:v18+s26+$0x0] =	vst.idx.msk $0xffff, v17;
	v17 =	vmov s15  }
0x1e2: {  	[tilespmem:v16+s26+$0x0] =	vst.idx.msk $0xffff, v19;
	v16 =	vand.u32 $0x7E, v17  }
0x1e3: {  	v17 =	vld [tilespmem:s16+$0x40];
	v18 =	vadd.s32 v8, v16  }
0x1e4: {  	v16 =	vadd.s32 v9, v16;
	v19 =	vld [tilespmem:s16+$0x50];
	_ =	sdelay $0x2  }
0x1e5: {  	s15 =	sadd.s32 $0x3, s31;
	s31 =	smov.u32 s14  }
0x1e6: {  	[tilespmem:v18+s26+$0x0] =	vst.idx.msk $0xffff, v17;
	v17 =	vmov s15  }
0x1e7: {  	[tilespmem:v16+s26+$0x0] =	vst.idx.msk $0xffff, v19;
	v16 =	vand.u32 $0x7F, v17  }
0x1e8: {  	v19 =	vld [tilespmem:s16+$0x60];
	v20 =	vadd.s32 v8, v16  }
.Ltmp16:
0x1e9: {  	v18 =	vadd.s32 v9, v16;
	v17 =	vld [tilespmem:s16+$0x70];
	(pc) =	sbr.rel @p1 .LBB2_30-.Ltmp16, $2  }
0x1ea: {  	_ =	sdelay $0x2  }
0x1eb: {  	v16 =	vmov s31;
	[tilespmem:v20+s26+$0x0] =	vst.idx.msk $0xffff, v19  }
0x1ec: {  	s1 =	smov.u32 s31  }
.LBB2_32:
0x1ed: {  	_ =	sdelay $0x2  }
0x1ee: {  	s14 =	sadd.s32 @p0 $0x80, s16  }
0x1ef: {  	v16 =	vand.u32 $0x7C, v16;
	[tilespmem:v18+s26+$0x0] =	vst.idx.msk @p0 $0xffff, v17;
	s0 =	smov.u32 @p0 s14  }
0x1f0: {  	v18 =	vadd.s32 v8, v16;
	v17 =	vld [tilespmem:s0+$0x0]  }
0x1f1: {  	v16 =	vadd.s32 v9, v16;
	v19 =	vld [tilespmem:s0+$0x10];
	_ =	sdelay $0x2  }
0x1f2: {  	s16 =	sadd.s32 $0x1, s1  }
0x1f3: {  	[tilespmem:v18+s26+$0x0] =	vst.idx.msk $0xffff, v17;
	v17 =	vmov s16  }
0x1f4: {  	[tilespmem:v16+s26+$0x0] =	vst.idx.msk $0xffff, v19;
	v16 =	vand.u32 $0x7D, v17  }
0x1f5: {  	v17 =	vld [tilespmem:s0+$0x20];
	v18 =	vadd.s32 v8, v16  }
0x1f6: {  	v19 =	vld [tilespmem:s0+$0x30];
	v16 =	vadd.s32 v9, v16;
	_ =	sdelay $0x2  }
0x1f7: {  	s18 =	sadd.s32 $0x2, s1  }
0x1f8: {  	[tilespmem:v18+s26+$0x0] =	vst.idx.msk $0xffff, v17;
	v17 =	vmov s18  }
0x1f9: {  	[tilespmem:v16+s26+$0x0] =	vst.idx.msk $0xffff, v19;
	v16 =	vand.u32 $0x7E, v17  }
0x1fa: {  	v17 =	vld [tilespmem:s0+$0x40];
	v18 =	vadd.s32 v8, v16  }
0x1fb: {  	v19 =	vld [tilespmem:s0+$0x50];
	v16 =	vadd.s32 v9, v16;
	_ =	sdelay $0x2  }
0x1fc: {  	s20 =	sadd.s32 $0x3, s1  }
0x1fd: {  	[tilespmem:v18+s26+$0x0] =	vst.idx.msk $0xffff, v17;
	v17 =	vmov s20  }
0x1fe: {  	[tilespmem:v16+s26+$0x0] =	vst.idx.msk $0xffff, v19;
	v16 =	vand.u32 $0x7F, v17  }
0x1ff: {  	v17 =	vld [tilespmem:s0+$0x60];
	v18 =	vadd.s32 v8, v16  }
0x200: {  	p1 =	por $0x1, $0x1;
	v19 =	vld [tilespmem:s0+$0x70];
	v20 =	vadd.s32 v9, v16  }
.Ltmp17:
0x201: {  	_ = 	snop;
	(pc) =	sbr.rel @!p1 .LBB2_36-.Ltmp17, $4  }
0x202: {  	_ = 	snop  }
0x203: {  	s1 =	simm.s32 $0x0  }
0x204: {  	s31 =	simm.s32 $0x4;
	p2 =	por $0x0, $0x0;
	p0 =	por $0x0, $0x0;
	v16 =	vmov s1;
	[tilespmem:v18+s26+$0x0] =	vst.idx.msk $0xffff, v17  }
0x205: {  	s16 =	simm.s32 $0x0;
	s18 =	simm.s32 $0xB400;
	s0 =	simm.s32 $0xB400;
	[tilespmem:v20+s26+$0x0] =	vst.idx.msk $0xffff, v19;
	v19 =	vmov v16  }
0x206: {  	v17 =	vand.u32 $0x7C, v16  }
0x207: {  	v18 =	vld [tilespmem:s0+$0x0];
	v19 =	vadd.s32 v10, v17  }
0x208: {  	v20 =	vld [tilespmem:s0+$0x10];
	v17 =	vadd.s32 v11, v17;
	_ =	sdelay $0x2  }
0x209: {  	s14 =	simm.s32 $0x1  }
0x20a: {  	[tilespmem:v19+s26+$0x0] =	vst.idx.msk $0xffff, v18;
	v18 =	vmov s14  }
0x20b: {  	[tilespmem:v17+s26+$0x0] =	vst.idx.msk $0xffff, v20;
	v17 =	vand.u32 $0x7D, v18  }
0x20c: {  	v18 =	vld [tilespmem:s0+$0x20];
	v19 =	vadd.s32 v10, v17  }
0x20d: {  	v20 =	vld [tilespmem:s0+$0x30];
	v17 =	vadd.s32 v11, v17;
	_ =	sdelay $0x2  }
0x20e: {  	s18 =	simm.s32 $0x2  }
0x20f: {  	[tilespmem:v19+s26+$0x0] =	vst.idx.msk $0xffff, v18;
	v18 =	vmov s18  }
0x210: {  	[tilespmem:v17+s26+$0x0] =	vst.idx.msk $0xffff, v20;
	v17 =	vand.u32 $0x7E, v18  }
0x211: {  	v18 =	vld [tilespmem:s0+$0x40];
	v19 =	vadd.s32 v10, v17  }
0x212: {  	v20 =	vld [tilespmem:s0+$0x50];
	v17 =	vadd.s32 v11, v17;
	_ =	sdelay $0x2  }
0x213: {  	s20 =	simm.s32 $0x3  }
0x214: {  	[tilespmem:v19+s26+$0x0] =	vst.idx.msk $0xffff, v18;
	v18 =	vmov s20  }
0x215: {  	[tilespmem:v17+s26+$0x0] =	vst.idx.msk $0xffff, v20;
	v18 =	vand.u32 $0x7F, v18  }
0x216: {  	p3 =	por $0x1, $0x1;
	v20 =	vld [tilespmem:s0+$0x60];
	v21 =	vadd.s32 v10, v18  }
.Ltmp18:
0x217: {  	_ = 	snop;
	(pc) =	sbr.rel @!p3 .LBB2_34-.Ltmp18, $3  }
0x218: {  	v17 =	vld [tilespmem:s0+$0x70];
	v18 =	vadd.s32 v11, v18;
	_ =	sdelay $0x1  }
0x219: {  	p2 =	por $0x1, $0x1  }
0x21a: {  	s16 =	simm.s32 $0x4;
	s18 =	simm.s32 $0xB400;
	s20 =	simm.s32 $0x8;
	v19 =	vmov s31;
	[tilespmem:v21+s26+$0x0] =	vst.idx.msk $0xffff, v20  }
.LBB2_35:
0x21b: {  	p3 =	slt.u32 s20, $0x7C  }
0x21c: {  	v19 =	vand.u32 $0x7C, v19;
	[tilespmem:v18+s26+$0x0] =	vst.idx.msk $0xffff, v17;
	s18 =	sadd.s32 $0x80, s18;
	s14 =	smov.u32 s20;
	s20 =	sadd.s32 $0x4, s20  }
0x21d: {  	v17 =	vld [tilespmem:s18+$0x0];
	v18 =	vadd.s32 v10, v19  }
0x21e: {  	v19 =	vadd.s32 v11, v19;
	v20 =	vld [tilespmem:s18+$0x10];
	_ =	sdelay $0x2  }
0x21f: {  	s15 =	sadd.s32 $0x1, s16  }
0x220: {  	[tilespmem:v18+s26+$0x0] =	vst.idx.msk $0xffff, v17;
	v17 =	vmov s15  }
0x221: {  	[tilespmem:v19+s26+$0x0] =	vst.idx.msk $0xffff, v20;
	v17 =	vand.u32 $0x7D, v17  }
0x222: {  	v18 =	vld [tilespmem:s18+$0x20];
	v19 =	vadd.s32 v10, v17  }
0x223: {  	v17 =	vadd.s32 v11, v17;
	v20 =	vld [tilespmem:s18+$0x30];
	_ =	sdelay $0x2  }
0x224: {  	s15 =	sadd.s32 $0x2, s16  }
0x225: {  	[tilespmem:v19+s26+$0x0] =	vst.idx.msk $0xffff, v18;
	v18 =	vmov s15  }
0x226: {  	[tilespmem:v17+s26+$0x0] =	vst.idx.msk $0xffff, v20;
	v17 =	vand.u32 $0x7E, v18  }
0x227: {  	v18 =	vld [tilespmem:s18+$0x40];
	v19 =	vadd.s32 v10, v17  }
0x228: {  	v17 =	vadd.s32 v11, v17;
	v20 =	vld [tilespmem:s18+$0x50];
	_ =	sdelay $0x2  }
0x229: {  	s15 =	sadd.s32 $0x3, s16;
	s16 =	smov.u32 s14  }
0x22a: {  	[tilespmem:v19+s26+$0x0] =	vst.idx.msk $0xffff, v18;
	v18 =	vmov s15  }
0x22b: {  	[tilespmem:v17+s26+$0x0] =	vst.idx.msk $0xffff, v20;
	v18 =	vand.u32 $0x7F, v18  }
0x22c: {  	v20 =	vld [tilespmem:s18+$0x60];
	v21 =	vadd.s32 v10, v18  }
.Ltmp19:
0x22d: {  	v18 =	vadd.s32 v11, v18;
	v17 =	vld [tilespmem:s18+$0x70];
	(pc) =	sbr.rel @p3 .LBB2_35-.Ltmp19, $2  }
0x22e: {  	_ =	sdelay $0x2  }
0x22f: {  	v19 =	vmov s16;
	[tilespmem:v21+s26+$0x0] =	vst.idx.msk $0xffff, v20  }
.LBB2_36:
0x230: {  	_ =	sdelay $0x2  }
0x231: {  	s14 =	sadd.s32 @p2 $0x80, s18  }
0x232: {  	v19 =	vand.u32 $0x7C, v19;
	[tilespmem:v18+s26+$0x0] =	vst.idx.msk @p2 $0xffff, v17;
	s0 =	smov.u32 @p2 s14  }
0x233: {  	v18 =	vadd.s32 v10, v19;
	v17 =	vld [tilespmem:s0+$0x0]  }
0x234: {  	v19 =	vadd.s32 v11, v19;
	v20 =	vld [tilespmem:s0+$0x10];
	_ =	sdelay $0x2  }
0x235: {  	s15 =	sadd.s32 $0x1, s16  }
0x236: {  	[tilespmem:v18+s26+$0x0] =	vst.idx.msk $0xffff, v17;
	v17 =	vmov s15  }
0x237: {  	[tilespmem:v19+s26+$0x0] =	vst.idx.msk $0xffff, v20;
	v17 =	vand.u32 $0x7D, v17  }
0x238: {  	v18 =	vld [tilespmem:s0+$0x20];
	v19 =	vadd.s32 v10, v17  }
0x239: {  	v20 =	vld [tilespmem:s0+$0x30];
	v17 =	vadd.s32 v11, v17;
	_ =	sdelay $0x2  }
0x23a: {  	s18 =	sadd.s32 $0x2, s16  }
0x23b: {  	[tilespmem:v19+s26+$0x0] =	vst.idx.msk $0xffff, v18;
	v18 =	vmov s18  }
0x23c: {  	[tilespmem:v17+s26+$0x0] =	vst.idx.msk $0xffff, v20;
	v17 =	vand.u32 $0x7E, v18  }
0x23d: {  	v18 =	vld [tilespmem:s0+$0x40];
	v19 =	vadd.s32 v10, v17  }
0x23e: {  	v20 =	vld [tilespmem:s0+$0x50];
	v17 =	vadd.s32 v11, v17;
	_ =	sdelay $0x2  }
0x23f: {  	s20 =	sadd.s32 $0x3, s16  }
0x240: {  	[tilespmem:v19+s26+$0x0] =	vst.idx.msk $0xffff, v18;
	v18 =	vmov s20  }
0x241: {  	[tilespmem:v17+s26+$0x0] =	vst.idx.msk $0xffff, v20;
	v17 =	vand.u32 $0x7F, v18  }
0x242: {  	v18 =	vld [tilespmem:s0+$0x60];
	v19 =	vadd.s32 v10, v17  }
0x243: {  	v20 =	vld [tilespmem:s0+$0x70];
	v17 =	vadd.s32 v11, v17  }
.Ltmp20:
0x244: {  	_ = 	snop;
	(pc) =	sbr.rel @!p1 .LBB2_37-.Ltmp20, $3  }
0x245: {  	_ =	sdelay $0x1  }
0x246: {  	[tilespmem:v19+s26+$0x0] =	vst.idx.msk $0xffff, v18  }
0x247: {  	s0 =	simm.s32 $0xC400;
	[tilespmem:v17+s26+$0x0] =	vst.idx.msk $0xffff, v20  }
0x248: {  	v16 =	vand.u32 $0x7C, v16  }
0x249: {  	v17 =	vld [tilespmem:s0+$0x0];
	v18 =	vadd.s32 v12, v16  }
0x24a: {  	v19 =	vld [tilespmem:s0+$0x10];
	v16 =	vadd.s32 v13, v16;
	_ =	sdelay $0x2  }
0x24b: {  	s1 =	simm.s32 $0x1  }
0x24c: {  	[tilespmem:v18+s26+$0x0] =	vst.idx.msk $0xffff, v17;
	v17 =	vmov s1  }
0x24d: {  	[tilespmem:v16+s26+$0x0] =	vst.idx.msk $0xffff, v19;
	v16 =	vand.u32 $0x7D, v17  }
0x24e: {  	v17 =	vld [tilespmem:s0+$0x20];
	v18 =	vadd.s32 v12, v16  }
0x24f: {  	v19 =	vld [tilespmem:s0+$0x30];
	v16 =	vadd.s32 v13, v16;
	_ =	sdelay $0x2  }
0x250: {  	s18 =	simm.s32 $0x2  }
0x251: {  	[tilespmem:v18+s26+$0x0] =	vst.idx.msk $0xffff, v17;
	v17 =	vmov s18  }
0x252: {  	[tilespmem:v16+s26+$0x0] =	vst.idx.msk $0xffff, v19;
	v16 =	vand.u32 $0x7E, v17  }
0x253: {  	v17 =	vld [tilespmem:s0+$0x40];
	v18 =	vadd.s32 v12, v16  }
0x254: {  	v19 =	vld [tilespmem:s0+$0x50];
	v16 =	vadd.s32 v13, v16;
	_ =	sdelay $0x2  }
0x255: {  	s20 =	simm.s32 $0x3  }
0x256: {  	[tilespmem:v18+s26+$0x0] =	vst.idx.msk $0xffff, v17;
	v17 =	vmov s20  }
0x257: {  	[tilespmem:v16+s26+$0x0] =	vst.idx.msk $0xffff, v19;
	v16 =	vand.u32 $0x7F, v17  }
0x258: {  	p1 =	por $0x1, $0x1;
	v19 =	vld [tilespmem:s0+$0x60];
	v20 =	vadd.s32 v12, v16  }
.Ltmp21:
0x259: {  	_ = 	snop;
	(pc) =	sbr.rel @!p1 .LBB2_39-.Ltmp21, $2  }
0x25a: {  	v17 =	vld [tilespmem:s0+$0x70];
	v18 =	vadd.s32 v13, v16;
	_ =	sdelay $0x2  }
0x25b: {  	p0 =	por $0x1, $0x1;
	s16 =	simm.s32 $0xC400;
	s1 =	simm.s32 $0x8;
	v16 =	vmov s31;
	[tilespmem:v20+s26+$0x0] =	vst.idx.msk $0xffff, v19  }
.LBB2_40:
0x25c: {  	p1 =	slt.u32 s1, $0x7C  }
0x25d: {  	v16 =	vand.u32 $0x7C, v16;
	[tilespmem:v18+s26+$0x0] =	vst.idx.msk $0xffff, v17;
	s16 =	sadd.s32 $0x80, s16;
	s14 =	smov.u32 s1;
	s1 =	sadd.s32 $0x4, s1  }
0x25e: {  	v17 =	vld [tilespmem:s16+$0x0];
	v18 =	vadd.s32 v12, v16  }
0x25f: {  	v16 =	vadd.s32 v13, v16;
	v19 =	vld [tilespmem:s16+$0x10];
	_ =	sdelay $0x2  }
0x260: {  	s15 =	sadd.s32 $0x1, s31  }
0x261: {  	[tilespmem:v18+s26+$0x0] =	vst.idx.msk $0xffff, v17;
	v17 =	vmov s15  }
0x262: {  	[tilespmem:v16+s26+$0x0] =	vst.idx.msk $0xffff, v19;
	v16 =	vand.u32 $0x7D, v17  }
0x263: {  	v17 =	vld [tilespmem:s16+$0x20];
	v18 =	vadd.s32 v12, v16  }
0x264: {  	v16 =	vadd.s32 v13, v16;
	v19 =	vld [tilespmem:s16+$0x30];
	_ =	sdelay $0x2  }
0x265: {  	s15 =	sadd.s32 $0x2, s31  }
0x266: {  	[tilespmem:v18+s26+$0x0] =	vst.idx.msk $0xffff, v17;
	v17 =	vmov s15  }
0x267: {  	[tilespmem:v16+s26+$0x0] =	vst.idx.msk $0xffff, v19;
	v16 =	vand.u32 $0x7E, v17  }
0x268: {  	v17 =	vld [tilespmem:s16+$0x40];
	v18 =	vadd.s32 v12, v16  }
0x269: {  	v16 =	vadd.s32 v13, v16;
	v19 =	vld [tilespmem:s16+$0x50];
	_ =	sdelay $0x2  }
0x26a: {  	s15 =	sadd.s32 $0x3, s31;
	s31 =	smov.u32 s14  }
0x26b: {  	[tilespmem:v18+s26+$0x0] =	vst.idx.msk $0xffff, v17;
	v17 =	vmov s15  }
0x26c: {  	[tilespmem:v16+s26+$0x0] =	vst.idx.msk $0xffff, v19;
	v16 =	vand.u32 $0x7F, v17  }
0x26d: {  	v19 =	vld [tilespmem:s16+$0x60];
	v20 =	vadd.s32 v12, v16  }
.Ltmp22:
0x26e: {  	v18 =	vadd.s32 v13, v16;
	v17 =	vld [tilespmem:s16+$0x70];
	(pc) =	sbr.rel @p1 .LBB2_40-.Ltmp22, $2  }
0x26f: {  	_ =	sdelay $0x2  }
0x270: {  	v16 =	vmov s31;
	[tilespmem:v20+s26+$0x0] =	vst.idx.msk $0xffff, v19  }
0x271: {  	s1 =	smov.u32 s31  }
.LBB2_42:
0x272: {  	_ =	sdelay $0x2  }
0x273: {  	s14 =	sadd.s32 @p0 $0x80, s16  }
0x274: {  	v16 =	vand.u32 $0x7C, v16;
	[tilespmem:v18+s26+$0x0] =	vst.idx.msk @p0 $0xffff, v17;
	s0 =	smov.u32 @p0 s14  }
0x275: {  	v18 =	vadd.s32 v12, v16;
	v17 =	vld [tilespmem:s0+$0x0]  }
0x276: {  	v16 =	vadd.s32 v13, v16;
	v19 =	vld [tilespmem:s0+$0x10];
	_ =	sdelay $0x2  }
0x277: {  	s18 =	sadd.s32 $0x1, s1  }
0x278: {  	[tilespmem:v18+s26+$0x0] =	vst.idx.msk $0xffff, v17;
	v17 =	vmov s18  }
0x279: {  	[tilespmem:v16+s26+$0x0] =	vst.idx.msk $0xffff, v19;
	v16 =	vand.u32 $0x7D, v17  }
0x27a: {  	v17 =	vld [tilespmem:s0+$0x20];
	v18 =	vadd.s32 v12, v16  }
0x27b: {  	v19 =	vld [tilespmem:s0+$0x30];
	v16 =	vadd.s32 v13, v16;
	_ =	sdelay $0x2  }
0x27c: {  	s20 =	sadd.s32 $0x2, s1  }
0x27d: {  	[tilespmem:v18+s26+$0x0] =	vst.idx.msk $0xffff, v17;
	v17 =	vmov s20  }
0x27e: {  	[tilespmem:v16+s26+$0x0] =	vst.idx.msk $0xffff, v19;
	v16 =	vand.u32 $0x7E, v17  }
0x27f: {  	v17 =	vld [tilespmem:s0+$0x40];
	v18 =	vadd.s32 v12, v16  }
0x280: {  	v19 =	vld [tilespmem:s0+$0x50];
	v16 =	vadd.s32 v13, v16;
	_ =	sdelay $0x2  }
0x281: {  	s31 =	sadd.s32 $0x3, s1  }
0x282: {  	[tilespmem:v18+s26+$0x0] =	vst.idx.msk $0xffff, v17;
	v17 =	vmov s31  }
0x283: {  	[tilespmem:v16+s26+$0x0] =	vst.idx.msk $0xffff, v19;
	v16 =	vand.u32 $0x7F, v17  }
0x284: {  	v17 =	vld [tilespmem:s0+$0x60];
	v18 =	vadd.s32 v12, v16  }
0x285: {  	p1 =	por $0x1, $0x1;
	v19 =	vld [tilespmem:s0+$0x70];
	v16 =	vadd.s32 v13, v16  }
.Ltmp23:
0x286: {  	_ = 	snop;
	(pc) =	sbr.rel @!p1 .LBB2_43-.Ltmp23, $3  }
0x287: {  	_ =	sdelay $0x1  }
0x288: {  	s18 =	simm.s32 $0x0;
	[tilespmem:v18+s26+$0x0] =	vst.idx.msk $0xffff, v17  }
0x289: {  	s1 =	simm.s32 $0x4;
	p0 =	por $0x0, $0x0;
	s0 =	simm.s32 $0xD400;
	v18 =	vmov s18;
	[tilespmem:v16+s26+$0x0] =	vst.idx.msk $0xffff, v19  }
0x28a: {  	v16 =	vand.u32 $0x7C, v18  }
0x28b: {  	v17 =	vld [tilespmem:s0+$0x0];
	v18 =	vadd.s32 v14, v16  }
0x28c: {  	v19 =	vld [tilespmem:s0+$0x10];
	v16 =	vadd.s32 v15, v16;
	_ =	sdelay $0x2  }
0x28d: {  	s14 =	simm.s32 $0x1  }
0x28e: {  	[tilespmem:v18+s26+$0x0] =	vst.idx.msk $0xffff, v17;
	v17 =	vmov s14  }
0x28f: {  	[tilespmem:v16+s26+$0x0] =	vst.idx.msk $0xffff, v19;
	v16 =	vand.u32 $0x7D, v17  }
0x290: {  	v17 =	vld [tilespmem:s0+$0x20];
	v18 =	vadd.s32 v14, v16  }
0x291: {  	v19 =	vld [tilespmem:s0+$0x30];
	v16 =	vadd.s32 v15, v16;
	_ =	sdelay $0x2  }
0x292: {  	s20 =	simm.s32 $0x2  }
0x293: {  	[tilespmem:v18+s26+$0x0] =	vst.idx.msk $0xffff, v17;
	v17 =	vmov s20  }
0x294: {  	[tilespmem:v16+s26+$0x0] =	vst.idx.msk $0xffff, v19;
	v16 =	vand.u32 $0x7E, v17  }
0x295: {  	v17 =	vld [tilespmem:s0+$0x40];
	v18 =	vadd.s32 v14, v16  }
0x296: {  	v19 =	vld [tilespmem:s0+$0x50];
	v16 =	vadd.s32 v15, v16;
	_ =	sdelay $0x2  }
0x297: {  	s31 =	simm.s32 $0x3  }
0x298: {  	[tilespmem:v18+s26+$0x0] =	vst.idx.msk $0xffff, v17;
	v17 =	vmov s31  }
0x299: {  	[tilespmem:v16+s26+$0x0] =	vst.idx.msk $0xffff, v19;
	v17 =	vand.u32 $0x7F, v17  }
0x29a: {  	p1 =	por $0x1, $0x1;
	v19 =	vld [tilespmem:s0+$0x60];
	v20 =	vadd.s32 v14, v17  }
.Ltmp24:
0x29b: {  	_ = 	snop;
	(pc) =	sbr.rel @!p1 .LBB2_45-.Ltmp24, $2  }
0x29c: {  	v16 =	vld [tilespmem:s0+$0x70];
	v17 =	vadd.s32 v15, v17;
	_ =	sdelay $0x2  }
0x29d: {  	s18 =	simm.s32 $0x8;
	p0 =	por $0x1, $0x1;
	s16 =	simm.s32 $0xD400;
	v18 =	vmov s1;
	[tilespmem:v20+s26+$0x0] =	vst.idx.msk $0xffff, v19  }
.LBB2_46:
0x29e: {  	p1 =	slt.u32 s18, $0x7C  }
0x29f: {  	v18 =	vand.u32 $0x7C, v18;
	[tilespmem:v17+s26+$0x0] =	vst.idx.msk $0xffff, v16;
	s16 =	sadd.s32 $0x80, s16;
	s14 =	smov.u32 s18;
	s18 =	sadd.s32 $0x4, s18  }
0x2a0: {  	v16 =	vld [tilespmem:s16+$0x0];
	v17 =	vadd.s32 v14, v18  }
0x2a1: {  	v18 =	vadd.s32 v15, v18;
	v19 =	vld [tilespmem:s16+$0x10];
	_ =	sdelay $0x2  }
0x2a2: {  	s15 =	sadd.s32 $0x1, s1  }
0x2a3: {  	[tilespmem:v17+s26+$0x0] =	vst.idx.msk $0xffff, v16;
	v16 =	vmov s15  }
0x2a4: {  	[tilespmem:v18+s26+$0x0] =	vst.idx.msk $0xffff, v19;
	v16 =	vand.u32 $0x7D, v16  }
0x2a5: {  	v17 =	vld [tilespmem:s16+$0x20];
	v18 =	vadd.s32 v14, v16  }
0x2a6: {  	v16 =	vadd.s32 v15, v16;
	v19 =	vld [tilespmem:s16+$0x30];
	_ =	sdelay $0x2  }
0x2a7: {  	s15 =	sadd.s32 $0x2, s1  }
0x2a8: {  	[tilespmem:v18+s26+$0x0] =	vst.idx.msk $0xffff, v17;
	v17 =	vmov s15  }
0x2a9: {  	[tilespmem:v16+s26+$0x0] =	vst.idx.msk $0xffff, v19;
	v16 =	vand.u32 $0x7E, v17  }
0x2aa: {  	v17 =	vld [tilespmem:s16+$0x40];
	v18 =	vadd.s32 v14, v16  }
0x2ab: {  	v16 =	vadd.s32 v15, v16;
	v19 =	vld [tilespmem:s16+$0x50];
	_ =	sdelay $0x2  }
0x2ac: {  	s15 =	sadd.s32 $0x3, s1;
	s1 =	smov.u32 s14  }
0x2ad: {  	[tilespmem:v18+s26+$0x0] =	vst.idx.msk $0xffff, v17;
	v17 =	vmov s15  }
0x2ae: {  	[tilespmem:v16+s26+$0x0] =	vst.idx.msk $0xffff, v19;
	v17 =	vand.u32 $0x7F, v17  }
0x2af: {  	v19 =	vld [tilespmem:s16+$0x60];
	v20 =	vadd.s32 v14, v17  }
.Ltmp25:
0x2b0: {  	v17 =	vadd.s32 v15, v17;
	v16 =	vld [tilespmem:s16+$0x70];
	(pc) =	sbr.rel @p1 .LBB2_46-.Ltmp25, $2  }
0x2b1: {  	_ =	sdelay $0x2  }
0x2b2: {  	v18 =	vmov s1;
	[tilespmem:v20+s26+$0x0] =	vst.idx.msk $0xffff, v19  }
0x2b3: {  	s18 =	smov.u32 s1  }
.LBB2_48:
0x2b4: {  	_ =	sdelay $0x2  }
0x2b5: {  	s1 =	sadd.s32 @p0 $0x80, s16  }
0x2b6: {  	v18 =	vand.u32 $0x7C, v18;
	[tilespmem:v17+s26+$0x0] =	vst.idx.msk @p0 $0xffff, v16;
	s0 =	smov.u32 @p0 s1  }
0x2b7: {  	v17 =	vadd.s32 v14, v18;
	v16 =	vld [tilespmem:s0+$0x0]  }
0x2b8: {  	v18 =	vadd.s32 v15, v18;
	v19 =	vld [tilespmem:s0+$0x10];
	_ =	sdelay $0x2  }
0x2b9: {  	s15 =	sadd.s32 $0x1, s18  }
0x2ba: {  	[tilespmem:v17+s26+$0x0] =	vst.idx.msk $0xffff, v16;
	v16 =	vmov s15  }
0x2bb: {  	[tilespmem:v18+s26+$0x0] =	vst.idx.msk $0xffff, v19;
	v16 =	vand.u32 $0x7D, v16  }
0x2bc: {  	v17 =	vld [tilespmem:s0+$0x20];
	v61 =	vadd.s32 v14, v16  }
0x2bd: {  	v19 =	vld [tilespmem:s0+$0x30];
	v16 =	vadd.s32 v15, v16;
	_ =	sdelay $0x2  }
0x2be: {  	s16 =	sadd.s32 $0x2, s18  }
0x2bf: {  	[tilespmem:v61+s26+$0x0] =	vst.idx.msk $0xffff, v17;
	v17 =	vmov s16  }
0x2c0: {  	[tilespmem:v16+s26+$0x0] =	vst.idx.msk $0xffff, v19;
	v16 =	vand.u32 $0x7E, v17  }
0x2c1: {  	v17 =	vld [tilespmem:s0+$0x40];
	v62 =	vadd.s32 v14, v16  }
0x2c2: {  	v19 =	vld [tilespmem:s0+$0x50];
	v16 =	vadd.s32 v15, v16;
	_ =	sdelay $0x2  }
0x2c3: {  	s18 =	sadd.s32 $0x3, s18  }
0x2c4: {  	[tilespmem:v62+s26+$0x0] =	vst.idx.msk $0xffff, v17;
	v17 =	vmov s18  }
0x2c5: {  	[tilespmem:v16+s26+$0x0] =	vst.idx.msk $0xffff, v19;
	v16 =	vand.u32 $0x7F, v17  }
0x2c6: {  	v17 =	vld [tilespmem:s0+$0x60];
	v63 =	vadd.s32 v14, v16  }
0x2c7: {  	v19 =	vld [tilespmem:s0+$0x70];
	v16 =	vadd.s32 v15, v16  }
0x2c8: {  	s20 =	sadd.s32 s4, s30  }
0x2c9: {  	s31 =	sshll.u32 s20, $0x2;
	s0 =	sand.u32 $0xC00, s20  }
0x2ca: {  	s1 =	sand.u32 $0xFFFC000, s31;
	s0 =	sadd.s32 s2, s0  }
0x2cb: {  	s16 =	simm.s32 $0x10;
	s0 =	sadd.s32 s1, s0;
	[tilespmem:v63+s26+$0x0] =	vst.idx.msk $0xffff, v17  }
0x2cc: {  	s18 =	simm.s32 $0x16488;
	s1 =	simm.s32 $0x16400;
	s20 =	sadd.s32 $0x0, s0;
	[tilespmem:v16+s26+$0x0] =	vst.idx.msk $0xffff, v19  }
.LBB2_49:
0x2cd: {  	[hbm4b:s20+s3] =	stream.linear.scatter [tilespmem:s1], [sflag:$0x3], $0x80, $0x38;
	[tilespmem:$0x1EC00] =	vst v63  }
0x2ce: {  	s14 =	smov.u32 s16;
	s1 =	smov.u32 s18;
	p0 =	sne.s32 s16, $0x3F0  }
.Ltmp26:
0x2cf: {  	s16 =	sadd.s32 $0x10, s16;
	(pc) =	sbr.rel @p0 .LBB2_49-.Ltmp26, $2  }
0x2d0: {  	_ =	sdelay $0x2  }
0x2d1: {  	s18 =	sadd.s32 $0x88, s18;
	s20 =	sadd.s32 s14, s0  }
0x2d2: {  	[hbm4b:s20+s3] =	stream.linear.scatter [tilespmem:s1], [sflag:$0x3], $0x80, $0x38;
	[tilespmem:$0x1EC00] =	vst v63  }
0x2d3: {  	s1 =	sadd.s32 $0x1000, s0;
	s16 =	simm.s32 $0x18600  }
0x2d4: {  	s18 =	simm.s32 $0x10;
	s20 =	simm.s32 $0x18688;
	s31 =	sadd.s32 $0x0, s1  }
.LBB2_51:
0x2d5: {  	[hbm4b:s31+s3] =	stream.linear.scatter [tilespmem:s16], [sflag:$0x3], $0x80, $0x38;
	[tilespmem:$0x1EC00] =	vst v63  }
0x2d6: {  	s14 =	smov.u32 s18;
	s16 =	smov.u32 s20;
	p0 =	sne.s32 s18, $0x3F0  }
.Ltmp27:
0x2d7: {  	s18 =	sadd.s32 $0x10, s18;
	(pc) =	sbr.rel @p0 .LBB2_51-.Ltmp27, $2  }
0x2d8: {  	_ =	sdelay $0x2  }
0x2d9: {  	s20 =	sadd.s32 $0x88, s20;
	s31 =	sadd.s32 s14, s1  }
0x2da: {  	[hbm4b:s31+s3] =	stream.linear.scatter [tilespmem:s16], [sflag:$0x3], $0x80, $0x38;
	[tilespmem:$0x1EC00] =	vst v63  }
0x2db: {  	s1 =	sadd.s32 $0x2000, s0;
	s16 =	simm.s32 $0x1A800  }
0x2dc: {  	s18 =	simm.s32 $0x10;
	s20 =	simm.s32 $0x1A888;
	s31 =	sadd.s32 $0x0, s1  }
.LBB2_53:
0x2dd: {  	[hbm4b:s31+s3] =	stream.linear.scatter [tilespmem:s16], [sflag:$0x3], $0x80, $0x38;
	[tilespmem:$0x1EC00] =	vst v63  }
0x2de: {  	s14 =	smov.u32 s18;
	s16 =	smov.u32 s20;
	p0 =	sne.s32 s18, $0x3F0  }
.Ltmp28:
0x2df: {  	s18 =	sadd.s32 $0x10, s18;
	(pc) =	sbr.rel @p0 .LBB2_53-.Ltmp28, $2  }
0x2e0: {  	_ =	sdelay $0x2  }
0x2e1: {  	s20 =	sadd.s32 $0x88, s20;
	s31 =	sadd.s32 s14, s1  }
0x2e2: {  	[hbm4b:s31+s3] =	stream.linear.scatter [tilespmem:s16], [sflag:$0x3], $0x80, $0x38;
	[tilespmem:$0x1EC00] =	vst v63  }
0x2e3: {  	s0 =	sadd.s32 $0x3000, s0;
	s1 =	simm.s32 $0x1CA00  }
0x2e4: {  	s16 =	simm.s32 $0x10;
	s18 =	simm.s32 $0x1CA88;
	s20 =	sadd.s32 $0x0, s0  }
.LBB2_55:
0x2e5: {  	[hbm4b:s20+s3] =	stream.linear.scatter [tilespmem:s1], [sflag:$0x3], $0x80, $0x38;
	[tilespmem:$0x1EC00] =	vst v63  }
0x2e6: {  	s14 =	smov.u32 s16;
	s1 =	smov.u32 s18;
	p0 =	sne.s32 s16, $0x3F0  }
.Ltmp29:
0x2e7: {  	s16 =	sadd.s32 $0x10, s16;
	(pc) =	sbr.rel @p0 .LBB2_55-.Ltmp29, $2  }
0x2e8: {  	_ =	sdelay $0x2  }
0x2e9: {  	s18 =	sadd.s32 $0x88, s18;
	s20 =	sadd.s32 s14, s0  }
0x2ea: {  	[hbm4b:s20+s3] =	stream.linear.scatter [tilespmem:s1], [sflag:$0x3], $0x80, $0x38;
	[tilespmem:$0x1EC00] =	vst v63  }
0x2eb: {  	s0 =	sadd.s32 $0x800, s30;
	s14 =	simm.s32 $0x6400  }
0x2ec: {  	[tilespmem:s14], [sflag:$0x1] =	stream.indirect.gather [hbm4b:s5+s13], $0x20, s0, s13, $0xb8;
	[tilespmem:$0x1EC00] =	vst v63  }
0x2ed: {  	s15 =	sadd.s32 $0x880, s30;
	s16 =	simm.s32 $0x7400  }
0x2ee: {  	[tilespmem:s16], [sflag:$0x1] =	stream.indirect.gather [hbm4b:s5+s13], $0x20, s15, s13, $0xb8;
	[tilespmem:$0x1EC00] =	vst v63  }
0x2ef: {  	s18 =	sadd.s32 $0x900, s30  }
0x2f0: {  	[tilespmem:s17], [sflag:$0x1] =	stream.indirect.gather [hbm4b:s5+s13], $0x20, s18, s13, $0xb8;
	[tilespmem:$0x1EC00] =	vst v63  }
0x2f1: {  	s20 =	sadd.s32 $0x980, s30  }
0x2f2: {  	[tilespmem:s19], [sflag:$0x1] =	stream.indirect.gather [hbm4b:s5+s13], $0x20, s20, s13, $0xb8;
	[tilespmem:$0x1EC00] =	vst v63  }
0x2f3: {  	s31 =	sadd.s32 $0xA00, s30  }
0x2f4: {  	[tilespmem:s21], [sflag:$0x1] =	stream.indirect.gather [hbm4b:s5+s13], $0x20, s31, s13, $0xb8;
	[tilespmem:$0x1EC00] =	vst v63  }
0x2f5: {  	s1 =	sadd.s32 $0xA80, s30  }
0x2f6: {  	[tilespmem:s23], [sflag:$0x1] =	stream.indirect.gather [hbm4b:s5+s13], $0x20, s1, s13, $0xb8;
	[tilespmem:$0x1EC00] =	vst v63  }
0x2f7: {  	s14 =	sadd.s32 $0xB00, s30  }
0x2f8: {  	[tilespmem:s25], [sflag:$0x1] =	stream.indirect.gather [hbm4b:s5+s13], $0x20, s14, s13, $0xb8;
	[tilespmem:$0x1EC00] =	vst v63  }
0x2f9: {  	s15 =	sadd.s32 $0xB80, s30  }
0x2fa: {  	[tilespmem:s28], [sflag:$0x1] =	stream.indirect.gather [hbm4b:s5+s13], $0x20, s15, s13, $0xb8;
	[tilespmem:$0x1EC00] =	vst v63  }
0x2fb: {  	_ =	swait.ge [sflag:s6], $0x1000  }
0x2fc: {  	[sflag:s6] =	ssyncset.done $0x0  }
0x2fd: {  	[sflag:s6] =	ssyncadd.s32 $0xFFFFF000  }
0x2fe: {  	_ =	swait.ge [sflag:s6], $0x1000  }
0x2ff: {  	[sflag:s6] =	ssyncset.done $0x0  }
0x300: {  	[sflag:s6] =	ssyncadd.s32 $0xFFFFF000  }
0x301: {  	_ =	swait.ge [sflag:s6], $0x1000  }
0x302: {  	[sflag:s6] =	ssyncset.done $0x0  }
0x303: {  	[sflag:s6] =	ssyncadd.s32 $0xFFFFF000  }
0x304: {  	_ =	swait.ge [sflag:s6], $0x1000  }
0x305: {  	[sflag:s6] =	ssyncset.done $0x0  }
0x306: {  	[sflag:s6] =	ssyncadd.s32 $0xFFFFF000  }
0x307: {  	_ =	swait.ge [sflag:s6], $0x1000  }
0x308: {  	[sflag:s6] =	ssyncset.done $0x0  }
0x309: {  	[sflag:s6] =	ssyncadd.s32 $0xFFFFF000  }
0x30a: {  	_ =	swait.ge [sflag:s6], $0x1000  }
0x30b: {  	[sflag:s6] =	ssyncset.done $0x0  }
0x30c: {  	[sflag:s6] =	ssyncadd.s32 $0xFFFFF000  }
0x30d: {  	_ =	swait.ge [sflag:s6], $0x1000  }
0x30e: {  	[sflag:s6] =	ssyncset.done $0x0  }
0x30f: {  	[sflag:s6] =	ssyncadd.s32 $0xFFFFF000  }
0x310: {  	_ =	swait.ge [sflag:s6], $0x1000  }
0x311: {  	[sflag:s6] =	ssyncset.done $0x0  }
0x312: {  	[sflag:s6] =	ssyncadd.s32 $0xFFFFF000  }
0x313: {  	s16 =	simm.s32 $0x0;
	_ =	swait.ge [sflag:s24], $0x8000  }
0x314: {  	v16 =	vmov s16;
	[sflag:s24] =	ssyncset.done $0x0  }
0x315: {  	s0 =	simm.s32 $0xE440;
	v16 =	vand.u32 $0x7C, v16;
	[sflag:s24] =	ssyncadd.s32 $0xFFFF8000  }
0x316: {  	v18 =	vadd.s32 v0, v16;
	v17 =	vld [tilespmem:s0+$0xFFFFFFC0]  }
0x317: {  	v20 =	vadd.s32 v1, v16;
	v19 =	vld [tilespmem:s0+$0xFFFFFFD0];
	_ =	sdelay $0x2  }
0x318: {  	s18 =	simm.s32 $0x1  }
0x319: {  	[tilespmem:v18+s26+$0x0] =	vst.idx.msk $0xffff, v17;
	v17 =	vmov s18  }
0x31a: {  	[tilespmem:v20+s26+$0x0] =	vst.idx.msk $0xffff, v19;
	v17 =	vand.u32 $0x7D, v17  }
0x31b: {  	v18 =	vld [tilespmem:s0+$0xFFFFFFE0];
	v19 =	vadd.s32 v0, v17  }
0x31c: {  	v20 =	vld [tilespmem:s0+$0xFFFFFFF0];
	v21 =	vadd.s32 v1, v17;
	_ =	sdelay $0x2  }
0x31d: {  	s20 =	simm.s32 $0x2  }
0x31e: {  	[tilespmem:v19+s26+$0x0] =	vst.idx.msk $0xffff, v18;
	v18 =	vmov s20  }
0x31f: {  	[tilespmem:v21+s26+$0x0] =	vst.idx.msk $0xffff, v20;
	v18 =	vand.u32 $0x7E, v18  }
0x320: {  	v19 =	vld [tilespmem:s0+$0x0];
	v20 =	vadd.s32 v0, v18  }
0x321: {  	v21 =	vld [tilespmem:s0+$0x10];
	v22 =	vadd.s32 v1, v18;
	_ =	sdelay $0x2  }
0x322: {  	s31 =	simm.s32 $0x3  }
0x323: {  	[tilespmem:v20+s26+$0x0] =	vst.idx.msk $0xffff, v19;
	v19 =	vmov s31  }
0x324: {  	[tilespmem:v22+s26+$0x0] =	vst.idx.msk $0xffff, v21;
	v19 =	vand.u32 $0x7F, v19  }
0x325: {  	v23 =	vld [tilespmem:s0+$0x20];
	v24 =	vadd.s32 v0, v19;
	_ =	sdelay $0x1  }
0x326: {  	v20 =	vld [tilespmem:s0+$0x30];
	v21 =	vadd.s32 v1, v19;
	_ =	sdelay $0x1  }
0x327: {  	s30 =	simm.s32 $0x4  }
0x328: {  	s16 =	simm.s32 $0x8;
	s1 =	simm.s32 $0x4;
	v22 =	vmov s30;
	[tilespmem:v24+s26+$0x0] =	vst.idx.msk $0xffff, v23  }
.LBB2_57:
0x329: {  	p0 =	slt.u32 s16, $0x7C  }
0x32a: {  	v22 =	vand.u32 $0x7C, v22;
	[tilespmem:v21+s26+$0x0] =	vst.idx.msk $0xffff, v20;
	s0 =	sadd.s32 $0x80, s0;
	s14 =	smov.u32 s16;
	s16 =	sadd.s32 $0x4, s16  }
0x32b: {  	v20 =	vld [tilespmem:s0+$0xFFFFFFC0];
	v21 =	vadd.s32 v0, v22  }
0x32c: {  	v22 =	vadd.s32 v1, v22;
	v23 =	vld [tilespmem:s0+$0xFFFFFFD0];
	_ =	sdelay $0x2  }
0x32d: {  	s15 =	sadd.s32 $0x1, s1  }
0x32e: {  	[tilespmem:v21+s26+$0x0] =	vst.idx.msk $0xffff, v20;
	v20 =	vmov s15  }
0x32f: {  	[tilespmem:v22+s26+$0x0] =	vst.idx.msk $0xffff, v23;
	v20 =	vand.u32 $0x7D, v20  }
0x330: {  	v21 =	vld [tilespmem:s0+$0xFFFFFFE0];
	v22 =	vadd.s32 v0, v20  }
0x331: {  	v20 =	vadd.s32 v1, v20;
	v23 =	vld [tilespmem:s0+$0xFFFFFFF0];
	_ =	sdelay $0x2  }
0x332: {  	s15 =	sadd.s32 $0x2, s1  }
0x333: {  	[tilespmem:v22+s26+$0x0] =	vst.idx.msk $0xffff, v21;
	v21 =	vmov s15  }
0x334: {  	[tilespmem:v20+s26+$0x0] =	vst.idx.msk $0xffff, v23;
	v20 =	vand.u32 $0x7E, v21  }
0x335: {  	v21 =	vld [tilespmem:s0+$0x0];
	v22 =	vadd.s32 v0, v20  }
0x336: {  	v20 =	vadd.s32 v1, v20;
	v23 =	vld [tilespmem:s0+$0x10];
	_ =	sdelay $0x2  }
0x337: {  	s15 =	sadd.s32 $0x3, s1;
	s1 =	smov.u32 s14  }
0x338: {  	[tilespmem:v22+s26+$0x0] =	vst.idx.msk $0xffff, v21;
	v21 =	vmov s15  }
0x339: {  	[tilespmem:v20+s26+$0x0] =	vst.idx.msk $0xffff, v23;
	v21 =	vand.u32 $0x7F, v21  }
0x33a: {  	v23 =	vld [tilespmem:s0+$0x20];
	v24 =	vadd.s32 v0, v21  }
.Ltmp30:
0x33b: {  	v21 =	vadd.s32 v1, v21;
	v20 =	vld [tilespmem:s0+$0x30];
	(pc) =	sbr.rel @p0 .LBB2_57-.Ltmp30, $2  }
0x33c: {  	_ =	sdelay $0x2  }
0x33d: {  	v22 =	vmov s1;
	[tilespmem:v24+s26+$0x0] =	vst.idx.msk $0xffff, v23  }
0x33e: {  	_ =	sdelay $0x3  }
0x33f: {  	v22 =	vand.u32 $0x7C, v22;
	[tilespmem:v21+s26+$0x0] =	vst.idx.msk $0xffff, v20;
	s0 =	sadd.s32 $0x80, s0  }
0x340: {  	v20 =	vld [tilespmem:s0+$0xFFFFFFC0];
	v54 =	vadd.s32 v0, v22  }
0x341: {  	v23 =	vld [tilespmem:s0+$0xFFFFFFD0];
	v22 =	vadd.s32 v1, v22;
	_ =	sdelay $0x2  }
0x342: {  	s14 =	sadd.s32 $0x1, s1  }
0x343: {  	[tilespmem:v54+s26+$0x0] =	vst.idx.msk $0xffff, v20;
	v20 =	vmov s14  }
0x344: {  	[tilespmem:v22+s26+$0x0] =	vst.idx.msk $0xffff, v23;
	v20 =	vand.u32 $0x7D, v20  }
0x345: {  	v21 =	vld [tilespmem:s0+$0xFFFFFFE0];
	v55 =	vadd.s32 v0, v20  }
0x346: {  	v23 =	vld [tilespmem:s0+$0xFFFFFFF0];
	v20 =	vadd.s32 v1, v20;
	_ =	sdelay $0x2  }
0x347: {  	s20 =	sadd.s32 $0x2, s1  }
0x348: {  	v56 =	vmov s20;
	[tilespmem:v55+s26+$0x0] =	vst.idx.msk $0xffff, v21  }
0x349: {  	[tilespmem:v20+s26+$0x0] =	vst.idx.msk $0xffff, v23;
	v20 =	vand.u32 $0x7E, v56  }
0x34a: {  	v57 =	vld [tilespmem:s0+$0x0];
	v58 =	vadd.s32 v0, v20  }
0x34b: {  	v23 =	vld [tilespmem:s0+$0x10];
	v20 =	vadd.s32 v1, v20;
	_ =	sdelay $0x2  }
0x34c: {  	s31 =	sadd.s32 $0x3, s1  }
0x34d: {  	v59 =	vmov s31;
	[tilespmem:v58+s26+$0x0] =	vst.idx.msk $0xffff, v57  }
0x34e: {  	[tilespmem:v20+s26+$0x0] =	vst.idx.msk $0xffff, v23;
	v20 =	vand.u32 $0x7F, v59  }
0x34f: {  	v60 =	vld [tilespmem:s0+$0x20];
	v61 =	vadd.s32 v0, v20  }
0x350: {  	v23 =	vld [tilespmem:s0+$0x30];
	v20 =	vadd.s32 v1, v20;
	_ =	sdelay $0x3  }
0x351: {  	[tilespmem:v61+s26+$0x0] =	vst.idx.msk $0xffff, v60  }
0x352: {  	s0 =	simm.s32 $0xF470;
	[tilespmem:v20+s26+$0x0] =	vst.idx.msk $0xffff, v23  }
0x353: {  	v62 =	vadd.s32 v2, v16;
	v20 =	vld [tilespmem:s0+$0xFFFFFF90]  }
0x354: {  	v16 =	vadd.s32 v3, v16;
	v22 =	vld [tilespmem:s0+$0xFFFFFFA0];
	_ =	sdelay $0x3  }
0x355: {  	[tilespmem:v62+s26+$0x0] =	vst.idx.msk $0xffff, v20  }
0x356: {  	[tilespmem:v16+s26+$0x0] =	vst.idx.msk $0xffff, v22  }
0x357: {  	v20 =	vadd.s32 v2, v17;
	v16 =	vld [tilespmem:s0+$0xFFFFFFB0]  }
0x358: {  	v17 =	vadd.s32 v3, v17;
	v21 =	vld [tilespmem:s0+$0xFFFFFFC0];
	_ =	sdelay $0x3  }
0x359: {  	[tilespmem:v20+s26+$0x0] =	vst.idx.msk $0xffff, v16  }
0x35a: {  	[tilespmem:v17+s26+$0x0] =	vst.idx.msk $0xffff, v21  }
0x35b: {  	v17 =	vadd.s32 v2, v18;
	v16 =	vld [tilespmem:s0+$0xFFFFFFD0]  }
0x35c: {  	v18 =	vadd.s32 v3, v18;
	v20 =	vld [tilespmem:s0+$0xFFFFFFE0];
	_ =	sdelay $0x3  }
0x35d: {  	[tilespmem:v17+s26+$0x0] =	vst.idx.msk $0xffff, v16  }
0x35e: {  	[tilespmem:v18+s26+$0x0] =	vst.idx.msk $0xffff, v20  }
0x35f: {  	v63 =	vadd.s32 v2, v19;
	v20 =	vld [tilespmem:s0+$0xFFFFFFF0];
	_ =	sdelay $0x1  }
0x360: {  	v17 =	vadd.s32 v3, v19;
	v16 =	vld [tilespmem:s0+$0x0];
	_ =	sdelay $0x2  }
0x361: {  	s1 =	simm.s32 $0x8;
	v18 =	vmov s30;
	[tilespmem:v63+s26+$0x0] =	vst.idx.msk $0xffff, v20  }
.LBB2_59:
0x362: {  	p0 =	slt.u32 s1, $0x7C  }
0x363: {  	v18 =	vand.u32 $0x7C, v18;
	[tilespmem:v17+s26+$0x0] =	vst.idx.msk $0xffff, v16;
	s0 =	sadd.s32 $0x80, s0;
	s14 =	smov.u32 s1;
	s1 =	sadd.s32 $0x4, s1  }
0x364: {  	v16 =	vld [tilespmem:s0+$0xFFFFFF90];
	v17 =	vadd.s32 v2, v18  }
0x365: {  	v18 =	vadd.s32 v3, v18;
	v19 =	vld [tilespmem:s0+$0xFFFFFFA0];
	_ =	sdelay $0x2  }
0x366: {  	s15 =	sadd.s32 $0x1, s30  }
0x367: {  	[tilespmem:v17+s26+$0x0] =	vst.idx.msk $0xffff, v16;
	v16 =	vmov s15  }
0x368: {  	[tilespmem:v18+s26+$0x0] =	vst.idx.msk $0xffff, v19;
	v16 =	vand.u32 $0x7D, v16  }
0x369: {  	v17 =	vld [tilespmem:s0+$0xFFFFFFB0];
	v18 =	vadd.s32 v2, v16  }
0x36a: {  	v16 =	vadd.s32 v3, v16;
	v19 =	vld [tilespmem:s0+$0xFFFFFFC0];
	_ =	sdelay $0x2  }
0x36b: {  	s15 =	sadd.s32 $0x2, s30  }
0x36c: {  	[tilespmem:v18+s26+$0x0] =	vst.idx.msk $0xffff, v17;
	v17 =	vmov s15  }
0x36d: {  	[tilespmem:v16+s26+$0x0] =	vst.idx.msk $0xffff, v19;
	v16 =	vand.u32 $0x7E, v17  }
0x36e: {  	v17 =	vld [tilespmem:s0+$0xFFFFFFD0];
	v18 =	vadd.s32 v2, v16  }
0x36f: {  	v16 =	vadd.s32 v3, v16;
	v19 =	vld [tilespmem:s0+$0xFFFFFFE0];
	_ =	sdelay $0x2  }
0x370: {  	s15 =	sadd.s32 $0x3, s30;
	s30 =	smov.u32 s14  }
0x371: {  	[tilespmem:v18+s26+$0x0] =	vst.idx.msk $0xffff, v17;
	v17 =	vmov s15  }
0x372: {  	[tilespmem:v16+s26+$0x0] =	vst.idx.msk $0xffff, v19;
	v17 =	vand.u32 $0x7F, v17  }
0x373: {  	v19 =	vld [tilespmem:s0+$0xFFFFFFF0];
	v20 =	vadd.s32 v2, v17  }
.Ltmp31:
0x374: {  	v17 =	vadd.s32 v3, v17;
	v16 =	vld [tilespmem:s0+$0x0];
	(pc) =	sbr.rel @p0 .LBB2_59-.Ltmp31, $2  }
0x375: {  	_ =	sdelay $0x2  }
0x376: {  	v18 =	vmov s30;
	[tilespmem:v20+s26+$0x0] =	vst.idx.msk $0xffff, v19  }
0x377: {  	_ =	sdelay $0x3  }
0x378: {  	v18 =	vand.u32 $0x7C, v18;
	[tilespmem:v17+s26+$0x0] =	vst.idx.msk $0xffff, v16;
	s0 =	sadd.s32 $0x80, s0  }
0x379: {  	v16 =	vld [tilespmem:s0+$0xFFFFFF90];
	v17 =	vadd.s32 v2, v18  }
0x37a: {  	v19 =	vld [tilespmem:s0+$0xFFFFFFA0];
	v18 =	vadd.s32 v3, v18;
	_ =	sdelay $0x2  }
0x37b: {  	s1 =	sadd.s32 $0x1, s30  }
0x37c: {  	[tilespmem:v17+s26+$0x0] =	vst.idx.msk $0xffff, v16;
	v16 =	vmov s1  }
0x37d: {  	[tilespmem:v18+s26+$0x0] =	vst.idx.msk $0xffff, v19;
	v16 =	vand.u32 $0x7D, v16  }
0x37e: {  	v17 =	vld [tilespmem:s0+$0xFFFFFFB0];
	v18 =	vadd.s32 v2, v16  }
0x37f: {  	v19 =	vld [tilespmem:s0+$0xFFFFFFC0];
	v16 =	vadd.s32 v3, v16;
	_ =	sdelay $0x2  }
0x380: {  	s20 =	sadd.s32 $0x2, s30  }
0x381: {  	[tilespmem:v18+s26+$0x0] =	vst.idx.msk $0xffff, v17;
	v17 =	vmov s20  }
0x382: {  	[tilespmem:v16+s26+$0x0] =	vst.idx.msk $0xffff, v19;
	v16 =	vand.u32 $0x7E, v17  }
0x383: {  	v17 =	vld [tilespmem:s0+$0xFFFFFFD0];
	v18 =	vadd.s32 v2, v16  }
0x384: {  	v19 =	vld [tilespmem:s0+$0xFFFFFFE0];
	v16 =	vadd.s32 v3, v16;
	_ =	sdelay $0x2  }
0x385: {  	s31 =	sadd.s32 $0x3, s30  }
0x386: {  	[tilespmem:v18+s26+$0x0] =	vst.idx.msk $0xffff, v17;
	v17 =	vmov s31  }
0x387: {  	[tilespmem:v16+s26+$0x0] =	vst.idx.msk $0xffff, v19;
	v16 =	vand.u32 $0x7F, v17  }
0x388: {  	v17 =	vld [tilespmem:s0+$0xFFFFFFF0];
	v18 =	vadd.s32 v2, v16  }
0x389: {  	p1 =	por $0x1, $0x1;
	v19 =	vld [tilespmem:s0+$0x0];
	v20 =	vadd.s32 v3, v16  }
.Ltmp32:
0x38a: {  	_ = 	snop;
	(pc) =	sbr.rel @!p1 .LBB2_64-.Ltmp32, $4  }
0x38b: {  	_ = 	snop  }
0x38c: {  	s1 =	simm.s32 $0x0  }
0x38d: {  	s30 =	simm.s32 $0x4;
	p0 =	por $0x0, $0x0;
	s18 =	simm.s32 $0x10470;
	v16 =	vmov s1;
	[tilespmem:v18+s26+$0x0] =	vst.idx.msk $0xffff, v17  }
0x38e: {  	s16 =	simm.s32 $0x0;
	p2 =	por $0x0, $0x0;
	s0 =	simm.s32 $0x10470;
	[tilespmem:v20+s26+$0x0] =	vst.idx.msk $0xffff, v19;
	v19 =	vmov v16  }
0x38f: {  	v17 =	vand.u32 $0x7C, v16  }
0x390: {  	v18 =	vld [tilespmem:s0+$0xFFFFFF90];
	v19 =	vadd.s32 v4, v17  }
0x391: {  	v20 =	vld [tilespmem:s0+$0xFFFFFFA0];
	v17 =	vadd.s32 v5, v17;
	_ =	sdelay $0x2  }
0x392: {  	s14 =	simm.s32 $0x1  }
0x393: {  	[tilespmem:v19+s26+$0x0] =	vst.idx.msk $0xffff, v18;
	v18 =	vmov s14  }
0x394: {  	[tilespmem:v17+s26+$0x0] =	vst.idx.msk $0xffff, v20;
	v17 =	vand.u32 $0x7D, v18  }
0x395: {  	v18 =	vld [tilespmem:s0+$0xFFFFFFB0];
	v19 =	vadd.s32 v4, v17  }
0x396: {  	v20 =	vld [tilespmem:s0+$0xFFFFFFC0];
	v17 =	vadd.s32 v5, v17;
	_ =	sdelay $0x2  }
0x397: {  	s20 =	simm.s32 $0x2  }
0x398: {  	[tilespmem:v19+s26+$0x0] =	vst.idx.msk $0xffff, v18;
	v18 =	vmov s20  }
0x399: {  	[tilespmem:v17+s26+$0x0] =	vst.idx.msk $0xffff, v20;
	v17 =	vand.u32 $0x7E, v18  }
0x39a: {  	v18 =	vld [tilespmem:s0+$0xFFFFFFD0];
	v19 =	vadd.s32 v4, v17  }
0x39b: {  	v20 =	vld [tilespmem:s0+$0xFFFFFFE0];
	v17 =	vadd.s32 v5, v17;
	_ =	sdelay $0x2  }
0x39c: {  	s31 =	simm.s32 $0x3  }
0x39d: {  	[tilespmem:v19+s26+$0x0] =	vst.idx.msk $0xffff, v18;
	v18 =	vmov s31  }
0x39e: {  	[tilespmem:v17+s26+$0x0] =	vst.idx.msk $0xffff, v20;
	v18 =	vand.u32 $0x7F, v18  }
0x39f: {  	p3 =	por $0x1, $0x1;
	v20 =	vld [tilespmem:s0+$0xFFFFFFF0];
	v21 =	vadd.s32 v4, v18  }
.Ltmp33:
0x3a0: {  	_ = 	snop;
	(pc) =	sbr.rel @!p3 .LBB2_62-.Ltmp33, $3  }
0x3a1: {  	v17 =	vld [tilespmem:s0+$0x0];
	v18 =	vadd.s32 v5, v18;
	_ =	sdelay $0x1  }
0x3a2: {  	p2 =	por $0x1, $0x1  }
0x3a3: {  	s18 =	simm.s32 $0x10470;
	s16 =	simm.s32 $0x4;
	s20 =	simm.s32 $0x8;
	v19 =	vmov s30;
	[tilespmem:v21+s26+$0x0] =	vst.idx.msk $0xffff, v20  }
.LBB2_63:
0x3a4: {  	p3 =	slt.u32 s20, $0x7C  }
0x3a5: {  	v19 =	vand.u32 $0x7C, v19;
	[tilespmem:v18+s26+$0x0] =	vst.idx.msk $0xffff, v17;
	s18 =	sadd.s32 $0x80, s18;
	s14 =	smov.u32 s20;
	s20 =	sadd.s32 $0x4, s20  }
0x3a6: {  	v17 =	vld [tilespmem:s18+$0xFFFFFF90];
	v18 =	vadd.s32 v4, v19  }
0x3a7: {  	v19 =	vadd.s32 v5, v19;
	v20 =	vld [tilespmem:s18+$0xFFFFFFA0];
	_ =	sdelay $0x2  }
0x3a8: {  	s15 =	sadd.s32 $0x1, s16  }
0x3a9: {  	[tilespmem:v18+s26+$0x0] =	vst.idx.msk $0xffff, v17;
	v17 =	vmov s15  }
0x3aa: {  	[tilespmem:v19+s26+$0x0] =	vst.idx.msk $0xffff, v20;
	v17 =	vand.u32 $0x7D, v17  }
0x3ab: {  	v18 =	vld [tilespmem:s18+$0xFFFFFFB0];
	v19 =	vadd.s32 v4, v17  }
0x3ac: {  	v17 =	vadd.s32 v5, v17;
	v20 =	vld [tilespmem:s18+$0xFFFFFFC0];
	_ =	sdelay $0x2  }
0x3ad: {  	s15 =	sadd.s32 $0x2, s16  }
0x3ae: {  	[tilespmem:v19+s26+$0x0] =	vst.idx.msk $0xffff, v18;
	v18 =	vmov s15  }
0x3af: {  	[tilespmem:v17+s26+$0x0] =	vst.idx.msk $0xffff, v20;
	v17 =	vand.u32 $0x7E, v18  }
0x3b0: {  	v18 =	vld [tilespmem:s18+$0xFFFFFFD0];
	v19 =	vadd.s32 v4, v17  }
0x3b1: {  	v17 =	vadd.s32 v5, v17;
	v20 =	vld [tilespmem:s18+$0xFFFFFFE0];
	_ =	sdelay $0x2  }
0x3b2: {  	s15 =	sadd.s32 $0x3, s16;
	s16 =	smov.u32 s14  }
0x3b3: {  	[tilespmem:v19+s26+$0x0] =	vst.idx.msk $0xffff, v18;
	v18 =	vmov s15  }
0x3b4: {  	[tilespmem:v17+s26+$0x0] =	vst.idx.msk $0xffff, v20;
	v18 =	vand.u32 $0x7F, v18  }
0x3b5: {  	v20 =	vld [tilespmem:s18+$0xFFFFFFF0];
	v21 =	vadd.s32 v4, v18  }
.Ltmp34:
0x3b6: {  	v18 =	vadd.s32 v5, v18;
	v17 =	vld [tilespmem:s18+$0x0];
	(pc) =	sbr.rel @p3 .LBB2_63-.Ltmp34, $2  }
0x3b7: {  	_ =	sdelay $0x2  }
0x3b8: {  	v19 =	vmov s16;
	[tilespmem:v21+s26+$0x0] =	vst.idx.msk $0xffff, v20  }
.LBB2_64:
0x3b9: {  	_ =	sdelay $0x2  }
0x3ba: {  	s14 =	sadd.s32 @p2 $0x80, s18  }
0x3bb: {  	v19 =	vand.u32 $0x7C, v19;
	[tilespmem:v18+s26+$0x0] =	vst.idx.msk @p2 $0xffff, v17;
	s0 =	smov.u32 @p2 s14  }
0x3bc: {  	v18 =	vadd.s32 v4, v19;
	v17 =	vld [tilespmem:s0+$0xFFFFFF90]  }
0x3bd: {  	v19 =	vadd.s32 v5, v19;
	v20 =	vld [tilespmem:s0+$0xFFFFFFA0];
	_ =	sdelay $0x2  }
0x3be: {  	s18 =	sadd.s32 $0x1, s16  }
0x3bf: {  	[tilespmem:v18+s26+$0x0] =	vst.idx.msk $0xffff, v17;
	v17 =	vmov s18  }
0x3c0: {  	[tilespmem:v19+s26+$0x0] =	vst.idx.msk $0xffff, v20;
	v17 =	vand.u32 $0x7D, v17  }
0x3c1: {  	v18 =	vld [tilespmem:s0+$0xFFFFFFB0];
	v19 =	vadd.s32 v4, v17  }
0x3c2: {  	v20 =	vld [tilespmem:s0+$0xFFFFFFC0];
	v17 =	vadd.s32 v5, v17;
	_ =	sdelay $0x2  }
0x3c3: {  	s20 =	sadd.s32 $0x2, s16  }
0x3c4: {  	[tilespmem:v19+s26+$0x0] =	vst.idx.msk $0xffff, v18;
	v18 =	vmov s20  }
0x3c5: {  	[tilespmem:v17+s26+$0x0] =	vst.idx.msk $0xffff, v20;
	v17 =	vand.u32 $0x7E, v18  }
0x3c6: {  	v18 =	vld [tilespmem:s0+$0xFFFFFFD0];
	v19 =	vadd.s32 v4, v17  }
0x3c7: {  	v20 =	vld [tilespmem:s0+$0xFFFFFFE0];
	v17 =	vadd.s32 v5, v17;
	_ =	sdelay $0x2  }
0x3c8: {  	s31 =	sadd.s32 $0x3, s16  }
0x3c9: {  	[tilespmem:v19+s26+$0x0] =	vst.idx.msk $0xffff, v18;
	v18 =	vmov s31  }
0x3ca: {  	[tilespmem:v17+s26+$0x0] =	vst.idx.msk $0xffff, v20;
	v17 =	vand.u32 $0x7F, v18  }
0x3cb: {  	v18 =	vld [tilespmem:s0+$0xFFFFFFF0];
	v19 =	vadd.s32 v4, v17  }
0x3cc: {  	v20 =	vld [tilespmem:s0+$0x0];
	v17 =	vadd.s32 v5, v17  }
.Ltmp35:
0x3cd: {  	_ = 	snop;
	(pc) =	sbr.rel @!p1 .LBB2_65-.Ltmp35, $3  }
0x3ce: {  	_ =	sdelay $0x1  }
0x3cf: {  	[tilespmem:v19+s26+$0x0] =	vst.idx.msk $0xffff, v18  }
0x3d0: {  	s0 =	simm.s32 $0x11470;
	[tilespmem:v17+s26+$0x0] =	vst.idx.msk $0xffff, v20  }
0x3d1: {  	v16 =	vand.u32 $0x7C, v16  }
0x3d2: {  	v17 =	vld [tilespmem:s0+$0xFFFFFF90];
	v18 =	vadd.s32 v6, v16  }
0x3d3: {  	v19 =	vld [tilespmem:s0+$0xFFFFFFA0];
	v16 =	vadd.s32 v7, v16;
	_ =	sdelay $0x2  }
0x3d4: {  	s1 =	simm.s32 $0x1  }
0x3d5: {  	[tilespmem:v18+s26+$0x0] =	vst.idx.msk $0xffff, v17;
	v17 =	vmov s1  }
0x3d6: {  	[tilespmem:v16+s26+$0x0] =	vst.idx.msk $0xffff, v19;
	v16 =	vand.u32 $0x7D, v17  }
0x3d7: {  	v17 =	vld [tilespmem:s0+$0xFFFFFFB0];
	v18 =	vadd.s32 v6, v16  }
0x3d8: {  	v19 =	vld [tilespmem:s0+$0xFFFFFFC0];
	v16 =	vadd.s32 v7, v16;
	_ =	sdelay $0x2  }
0x3d9: {  	s20 =	simm.s32 $0x2  }
0x3da: {  	[tilespmem:v18+s26+$0x0] =	vst.idx.msk $0xffff, v17;
	v17 =	vmov s20  }
0x3db: {  	[tilespmem:v16+s26+$0x0] =	vst.idx.msk $0xffff, v19;
	v16 =	vand.u32 $0x7E, v17  }
0x3dc: {  	v17 =	vld [tilespmem:s0+$0xFFFFFFD0];
	v18 =	vadd.s32 v6, v16  }
0x3dd: {  	v19 =	vld [tilespmem:s0+$0xFFFFFFE0];
	v16 =	vadd.s32 v7, v16;
	_ =	sdelay $0x2  }
0x3de: {  	s31 =	simm.s32 $0x3  }
0x3df: {  	[tilespmem:v18+s26+$0x0] =	vst.idx.msk $0xffff, v17;
	v17 =	vmov s31  }
0x3e0: {  	[tilespmem:v16+s26+$0x0] =	vst.idx.msk $0xffff, v19;
	v16 =	vand.u32 $0x7F, v17  }
0x3e1: {  	p1 =	por $0x1, $0x1;
	v19 =	vld [tilespmem:s0+$0xFFFFFFF0];
	v20 =	vadd.s32 v6, v16  }
.Ltmp36:
0x3e2: {  	_ = 	snop;
	(pc) =	sbr.rel @!p1 .LBB2_67-.Ltmp36, $2  }
0x3e3: {  	v17 =	vld [tilespmem:s0+$0x0];
	v18 =	vadd.s32 v7, v16;
	_ =	sdelay $0x2  }
0x3e4: {  	p0 =	por $0x1, $0x1;
	s16 =	simm.s32 $0x11470;
	s1 =	simm.s32 $0x8;
	v16 =	vmov s30;
	[tilespmem:v20+s26+$0x0] =	vst.idx.msk $0xffff, v19  }
.LBB2_68:
0x3e5: {  	p1 =	slt.u32 s1, $0x7C  }
0x3e6: {  	v16 =	vand.u32 $0x7C, v16;
	[tilespmem:v18+s26+$0x0] =	vst.idx.msk $0xffff, v17;
	s16 =	sadd.s32 $0x80, s16;
	s14 =	smov.u32 s1;
	s1 =	sadd.s32 $0x4, s1  }
0x3e7: {  	v17 =	vld [tilespmem:s16+$0xFFFFFF90];
	v18 =	vadd.s32 v6, v16  }
0x3e8: {  	v16 =	vadd.s32 v7, v16;
	v19 =	vld [tilespmem:s16+$0xFFFFFFA0];
	_ =	sdelay $0x2  }
0x3e9: {  	s15 =	sadd.s32 $0x1, s30  }
0x3ea: {  	[tilespmem:v18+s26+$0x0] =	vst.idx.msk $0xffff, v17;
	v17 =	vmov s15  }
0x3eb: {  	[tilespmem:v16+s26+$0x0] =	vst.idx.msk $0xffff, v19;
	v16 =	vand.u32 $0x7D, v17  }
0x3ec: {  	v17 =	vld [tilespmem:s16+$0xFFFFFFB0];
	v18 =	vadd.s32 v6, v16  }
0x3ed: {  	v16 =	vadd.s32 v7, v16;
	v19 =	vld [tilespmem:s16+$0xFFFFFFC0];
	_ =	sdelay $0x2  }
0x3ee: {  	s15 =	sadd.s32 $0x2, s30  }
0x3ef: {  	[tilespmem:v18+s26+$0x0] =	vst.idx.msk $0xffff, v17;
	v17 =	vmov s15  }
0x3f0: {  	[tilespmem:v16+s26+$0x0] =	vst.idx.msk $0xffff, v19;
	v16 =	vand.u32 $0x7E, v17  }
0x3f1: {  	v17 =	vld [tilespmem:s16+$0xFFFFFFD0];
	v18 =	vadd.s32 v6, v16  }
0x3f2: {  	v16 =	vadd.s32 v7, v16;
	v19 =	vld [tilespmem:s16+$0xFFFFFFE0];
	_ =	sdelay $0x2  }
0x3f3: {  	s15 =	sadd.s32 $0x3, s30;
	s30 =	smov.u32 s14  }
0x3f4: {  	[tilespmem:v18+s26+$0x0] =	vst.idx.msk $0xffff, v17;
	v17 =	vmov s15  }
0x3f5: {  	[tilespmem:v16+s26+$0x0] =	vst.idx.msk $0xffff, v19;
	v16 =	vand.u32 $0x7F, v17  }
0x3f6: {  	v19 =	vld [tilespmem:s16+$0xFFFFFFF0];
	v20 =	vadd.s32 v6, v16  }
.Ltmp37:
0x3f7: {  	v18 =	vadd.s32 v7, v16;
	v17 =	vld [tilespmem:s16+$0x0];
	(pc) =	sbr.rel @p1 .LBB2_68-.Ltmp37, $2  }
0x3f8: {  	_ =	sdelay $0x2  }
0x3f9: {  	v16 =	vmov s30;
	[tilespmem:v20+s26+$0x0] =	vst.idx.msk $0xffff, v19  }
0x3fa: {  	s1 =	smov.u32 s30  }
.LBB2_70:
0x3fb: {  	_ =	sdelay $0x2  }
0x3fc: {  	s14 =	sadd.s32 @p0 $0x80, s16  }
0x3fd: {  	v16 =	vand.u32 $0x7C, v16;
	[tilespmem:v18+s26+$0x0] =	vst.idx.msk @p0 $0xffff, v17;
	s0 =	smov.u32 @p0 s14  }
0x3fe: {  	v18 =	vadd.s32 v6, v16;
	v17 =	vld [tilespmem:s0+$0xFFFFFF90]  }
0x3ff: {  	v16 =	vadd.s32 v7, v16;
	v19 =	vld [tilespmem:s0+$0xFFFFFFA0];
	_ =	sdelay $0x2  }
0x400: {  	s18 =	sadd.s32 $0x1, s1  }
0x401: {  	[tilespmem:v18+s26+$0x0] =	vst.idx.msk $0xffff, v17;
	v17 =	vmov s18  }
0x402: {  	[tilespmem:v16+s26+$0x0] =	vst.idx.msk $0xffff, v19;
	v16 =	vand.u32 $0x7D, v17  }
0x403: {  	v17 =	vld [tilespmem:s0+$0xFFFFFFB0];
	v18 =	vadd.s32 v6, v16  }
0x404: {  	v19 =	vld [tilespmem:s0+$0xFFFFFFC0];
	v16 =	vadd.s32 v7, v16;
	_ =	sdelay $0x2  }
0x405: {  	s20 =	sadd.s32 $0x2, s1  }
0x406: {  	[tilespmem:v18+s26+$0x0] =	vst.idx.msk $0xffff, v17;
	v17 =	vmov s20  }
0x407: {  	[tilespmem:v16+s26+$0x0] =	vst.idx.msk $0xffff, v19;
	v16 =	vand.u32 $0x7E, v17  }
0x408: {  	v17 =	vld [tilespmem:s0+$0xFFFFFFD0];
	v18 =	vadd.s32 v6, v16  }
0x409: {  	v19 =	vld [tilespmem:s0+$0xFFFFFFE0];
	v16 =	vadd.s32 v7, v16;
	_ =	sdelay $0x2  }
0x40a: {  	s31 =	sadd.s32 $0x3, s1  }
0x40b: {  	[tilespmem:v18+s26+$0x0] =	vst.idx.msk $0xffff, v17;
	v17 =	vmov s31  }
0x40c: {  	[tilespmem:v16+s26+$0x0] =	vst.idx.msk $0xffff, v19;
	v16 =	vand.u32 $0x7F, v17  }
0x40d: {  	v17 =	vld [tilespmem:s0+$0xFFFFFFF0];
	v18 =	vadd.s32 v6, v16  }
0x40e: {  	p1 =	por $0x1, $0x1;
	v19 =	vld [tilespmem:s0+$0x0];
	v20 =	vadd.s32 v7, v16  }
.Ltmp38:
0x40f: {  	_ = 	snop;
	(pc) =	sbr.rel @!p1 .LBB2_74-.Ltmp38, $4  }
0x410: {  	_ = 	snop  }
0x411: {  	s1 =	simm.s32 $0x0  }
0x412: {  	s30 =	simm.s32 $0x4;
	s16 =	simm.s32 $0x0;
	p2 =	por $0x0, $0x0;
	v16 =	vmov s1;
	[tilespmem:v18+s26+$0x0] =	vst.idx.msk $0xffff, v17  }
0x413: {  	p0 =	por $0x0, $0x0;
	s18 =	simm.s32 $0x12400;
	s0 =	simm.s32 $0x12400;
	[tilespmem:v20+s26+$0x0] =	vst.idx.msk $0xffff, v19;
	v19 =	vmov v16  }
0x414: {  	v17 =	vand.u32 $0x7C, v16  }
0x415: {  	v18 =	vld [tilespmem:s0+$0x0];
	v19 =	vadd.s32 v8, v17  }
0x416: {  	v20 =	vld [tilespmem:s0+$0x10];
	v17 =	vadd.s32 v9, v17;
	_ =	sdelay $0x2  }
0x417: {  	s14 =	simm.s32 $0x1  }
0x418: {  	[tilespmem:v19+s26+$0x0] =	vst.idx.msk $0xffff, v18;
	v18 =	vmov s14  }
0x419: {  	[tilespmem:v17+s26+$0x0] =	vst.idx.msk $0xffff, v20;
	v17 =	vand.u32 $0x7D, v18  }
0x41a: {  	v18 =	vld [tilespmem:s0+$0x20];
	v19 =	vadd.s32 v8, v17  }
0x41b: {  	v20 =	vld [tilespmem:s0+$0x30];
	v17 =	vadd.s32 v9, v17;
	_ =	sdelay $0x2  }
0x41c: {  	s20 =	simm.s32 $0x2  }
0x41d: {  	[tilespmem:v19+s26+$0x0] =	vst.idx.msk $0xffff, v18;
	v18 =	vmov s20  }
0x41e: {  	[tilespmem:v17+s26+$0x0] =	vst.idx.msk $0xffff, v20;
	v17 =	vand.u32 $0x7E, v18  }
0x41f: {  	v18 =	vld [tilespmem:s0+$0x40];
	v19 =	vadd.s32 v8, v17  }
0x420: {  	v20 =	vld [tilespmem:s0+$0x50];
	v17 =	vadd.s32 v9, v17;
	_ =	sdelay $0x2  }
0x421: {  	s31 =	simm.s32 $0x3  }
0x422: {  	[tilespmem:v19+s26+$0x0] =	vst.idx.msk $0xffff, v18;
	v18 =	vmov s31  }
0x423: {  	[tilespmem:v17+s26+$0x0] =	vst.idx.msk $0xffff, v20;
	v18 =	vand.u32 $0x7F, v18  }
0x424: {  	p3 =	por $0x1, $0x1;
	v20 =	vld [tilespmem:s0+$0x60];
	v21 =	vadd.s32 v8, v18  }
.Ltmp39:
0x425: {  	_ = 	snop;
	(pc) =	sbr.rel @!p3 .LBB2_72-.Ltmp39, $3  }
0x426: {  	v17 =	vld [tilespmem:s0+$0x70];
	v18 =	vadd.s32 v9, v18;
	_ =	sdelay $0x1  }
0x427: {  	p2 =	por $0x1, $0x1  }
0x428: {  	s18 =	simm.s32 $0x12400;
	s16 =	simm.s32 $0x4;
	s20 =	simm.s32 $0x8;
	v19 =	vmov s30;
	[tilespmem:v21+s26+$0x0] =	vst.idx.msk $0xffff, v20  }
.LBB2_73:
0x429: {  	p3 =	slt.u32 s20, $0x7C  }
0x42a: {  	v19 =	vand.u32 $0x7C, v19;
	[tilespmem:v18+s26+$0x0] =	vst.idx.msk $0xffff, v17;
	s18 =	sadd.s32 $0x80, s18;
	s14 =	smov.u32 s20;
	s20 =	sadd.s32 $0x4, s20  }
0x42b: {  	v17 =	vld [tilespmem:s18+$0x0];
	v18 =	vadd.s32 v8, v19  }
0x42c: {  	v19 =	vadd.s32 v9, v19;
	v20 =	vld [tilespmem:s18+$0x10];
	_ =	sdelay $0x2  }
0x42d: {  	s15 =	sadd.s32 $0x1, s16  }
0x42e: {  	[tilespmem:v18+s26+$0x0] =	vst.idx.msk $0xffff, v17;
	v17 =	vmov s15  }
0x42f: {  	[tilespmem:v19+s26+$0x0] =	vst.idx.msk $0xffff, v20;
	v17 =	vand.u32 $0x7D, v17  }
0x430: {  	v18 =	vld [tilespmem:s18+$0x20];
	v19 =	vadd.s32 v8, v17  }
0x431: {  	v17 =	vadd.s32 v9, v17;
	v20 =	vld [tilespmem:s18+$0x30];
	_ =	sdelay $0x2  }
0x432: {  	s15 =	sadd.s32 $0x2, s16  }
0x433: {  	[tilespmem:v19+s26+$0x0] =	vst.idx.msk $0xffff, v18;
	v18 =	vmov s15  }
0x434: {  	[tilespmem:v17+s26+$0x0] =	vst.idx.msk $0xffff, v20;
	v17 =	vand.u32 $0x7E, v18  }
0x435: {  	v18 =	vld [tilespmem:s18+$0x40];
	v19 =	vadd.s32 v8, v17  }
0x436: {  	v17 =	vadd.s32 v9, v17;
	v20 =	vld [tilespmem:s18+$0x50];
	_ =	sdelay $0x2  }
0x437: {  	s15 =	sadd.s32 $0x3, s16;
	s16 =	smov.u32 s14  }
0x438: {  	[tilespmem:v19+s26+$0x0] =	vst.idx.msk $0xffff, v18;
	v18 =	vmov s15  }
0x439: {  	[tilespmem:v17+s26+$0x0] =	vst.idx.msk $0xffff, v20;
	v18 =	vand.u32 $0x7F, v18  }
0x43a: {  	v20 =	vld [tilespmem:s18+$0x60];
	v21 =	vadd.s32 v8, v18  }
.Ltmp40:
0x43b: {  	v18 =	vadd.s32 v9, v18;
	v17 =	vld [tilespmem:s18+$0x70];
	(pc) =	sbr.rel @p3 .LBB2_73-.Ltmp40, $2  }
0x43c: {  	_ =	sdelay $0x2  }
0x43d: {  	v19 =	vmov s16;
	[tilespmem:v21+s26+$0x0] =	vst.idx.msk $0xffff, v20  }
.LBB2_74:
0x43e: {  	_ =	sdelay $0x2  }
0x43f: {  	s14 =	sadd.s32 @p2 $0x80, s18  }
0x440: {  	v19 =	vand.u32 $0x7C, v19;
	[tilespmem:v18+s26+$0x0] =	vst.idx.msk @p2 $0xffff, v17;
	s0 =	smov.u32 @p2 s14  }
0x441: {  	v18 =	vadd.s32 v8, v19;
	v17 =	vld [tilespmem:s0+$0x0]  }
0x442: {  	v19 =	vadd.s32 v9, v19;
	v20 =	vld [tilespmem:s0+$0x10];
	_ =	sdelay $0x2  }
0x443: {  	s18 =	sadd.s32 $0x1, s16  }
0x444: {  	[tilespmem:v18+s26+$0x0] =	vst.idx.msk $0xffff, v17;
	v17 =	vmov s18  }
0x445: {  	[tilespmem:v19+s26+$0x0] =	vst.idx.msk $0xffff, v20;
	v17 =	vand.u32 $0x7D, v17  }
0x446: {  	v18 =	vld [tilespmem:s0+$0x20];
	v19 =	vadd.s32 v8, v17  }
0x447: {  	v20 =	vld [tilespmem:s0+$0x30];
	v17 =	vadd.s32 v9, v17;
	_ =	sdelay $0x2  }
0x448: {  	s20 =	sadd.s32 $0x2, s16  }
0x449: {  	[tilespmem:v19+s26+$0x0] =	vst.idx.msk $0xffff, v18;
	v18 =	vmov s20  }
0x44a: {  	[tilespmem:v17+s26+$0x0] =	vst.idx.msk $0xffff, v20;
	v17 =	vand.u32 $0x7E, v18  }
0x44b: {  	v18 =	vld [tilespmem:s0+$0x40];
	v19 =	vadd.s32 v8, v17  }
0x44c: {  	v20 =	vld [tilespmem:s0+$0x50];
	v17 =	vadd.s32 v9, v17;
	_ =	sdelay $0x2  }
0x44d: {  	s31 =	sadd.s32 $0x3, s16  }
0x44e: {  	[tilespmem:v19+s26+$0x0] =	vst.idx.msk $0xffff, v18;
	v18 =	vmov s31  }
0x44f: {  	[tilespmem:v17+s26+$0x0] =	vst.idx.msk $0xffff, v20;
	v17 =	vand.u32 $0x7F, v18  }
0x450: {  	v18 =	vld [tilespmem:s0+$0x60];
	v19 =	vadd.s32 v8, v17  }
0x451: {  	v20 =	vld [tilespmem:s0+$0x70];
	v17 =	vadd.s32 v9, v17  }
.Ltmp41:
0x452: {  	_ = 	snop;
	(pc) =	sbr.rel @!p1 .LBB2_75-.Ltmp41, $3  }
0x453: {  	_ =	sdelay $0x1  }
0x454: {  	[tilespmem:v19+s26+$0x0] =	vst.idx.msk $0xffff, v18  }
0x455: {  	s0 =	simm.s32 $0x13400;
	[tilespmem:v17+s26+$0x0] =	vst.idx.msk $0xffff, v20  }
0x456: {  	v16 =	vand.u32 $0x7C, v16  }
0x457: {  	v17 =	vld [tilespmem:s0+$0x0];
	v18 =	vadd.s32 v10, v16  }
0x458: {  	v19 =	vld [tilespmem:s0+$0x10];
	v16 =	vadd.s32 v11, v16;
	_ =	sdelay $0x2  }
0x459: {  	s1 =	simm.s32 $0x1  }
0x45a: {  	[tilespmem:v18+s26+$0x0] =	vst.idx.msk $0xffff, v17;
	v17 =	vmov s1  }
0x45b: {  	[tilespmem:v16+s26+$0x0] =	vst.idx.msk $0xffff, v19;
	v16 =	vand.u32 $0x7D, v17  }
0x45c: {  	v17 =	vld [tilespmem:s0+$0x20];
	v18 =	vadd.s32 v10, v16  }
0x45d: {  	v19 =	vld [tilespmem:s0+$0x30];
	v16 =	vadd.s32 v11, v16;
	_ =	sdelay $0x2  }
0x45e: {  	s20 =	simm.s32 $0x2  }
0x45f: {  	[tilespmem:v18+s26+$0x0] =	vst.idx.msk $0xffff, v17;
	v17 =	vmov s20  }
0x460: {  	[tilespmem:v16+s26+$0x0] =	vst.idx.msk $0xffff, v19;
	v16 =	vand.u32 $0x7E, v17  }
0x461: {  	v17 =	vld [tilespmem:s0+$0x40];
	v18 =	vadd.s32 v10, v16  }
0x462: {  	v19 =	vld [tilespmem:s0+$0x50];
	v16 =	vadd.s32 v11, v16;
	_ =	sdelay $0x2  }
0x463: {  	s31 =	simm.s32 $0x3  }
0x464: {  	[tilespmem:v18+s26+$0x0] =	vst.idx.msk $0xffff, v17;
	v17 =	vmov s31  }
0x465: {  	[tilespmem:v16+s26+$0x0] =	vst.idx.msk $0xffff, v19;
	v16 =	vand.u32 $0x7F, v17  }
0x466: {  	p1 =	por $0x1, $0x1;
	v19 =	vld [tilespmem:s0+$0x60];
	v20 =	vadd.s32 v10, v16  }
.Ltmp42:
0x467: {  	_ = 	snop;
	(pc) =	sbr.rel @!p1 .LBB2_77-.Ltmp42, $2  }
0x468: {  	v17 =	vld [tilespmem:s0+$0x70];
	v18 =	vadd.s32 v11, v16;
	_ =	sdelay $0x2  }
0x469: {  	p0 =	por $0x1, $0x1;
	s16 =	simm.s32 $0x13400;
	s1 =	simm.s32 $0x8;
	v16 =	vmov s30;
	[tilespmem:v20+s26+$0x0] =	vst.idx.msk $0xffff, v19  }
.LBB2_78:
0x46a: {  	p1 =	slt.u32 s1, $0x7C  }
0x46b: {  	v16 =	vand.u32 $0x7C, v16;
	[tilespmem:v18+s26+$0x0] =	vst.idx.msk $0xffff, v17;
	s16 =	sadd.s32 $0x80, s16;
	s14 =	smov.u32 s1;
	s1 =	sadd.s32 $0x4, s1  }
0x46c: {  	v17 =	vld [tilespmem:s16+$0x0];
	v18 =	vadd.s32 v10, v16  }
0x46d: {  	v16 =	vadd.s32 v11, v16;
	v19 =	vld [tilespmem:s16+$0x10];
	_ =	sdelay $0x2  }
0x46e: {  	s15 =	sadd.s32 $0x1, s30  }
0x46f: {  	[tilespmem:v18+s26+$0x0] =	vst.idx.msk $0xffff, v17;
	v17 =	vmov s15  }
0x470: {  	[tilespmem:v16+s26+$0x0] =	vst.idx.msk $0xffff, v19;
	v16 =	vand.u32 $0x7D, v17  }
0x471: {  	v17 =	vld [tilespmem:s16+$0x20];
	v18 =	vadd.s32 v10, v16  }
0x472: {  	v16 =	vadd.s32 v11, v16;
	v19 =	vld [tilespmem:s16+$0x30];
	_ =	sdelay $0x2  }
0x473: {  	s15 =	sadd.s32 $0x2, s30  }
0x474: {  	[tilespmem:v18+s26+$0x0] =	vst.idx.msk $0xffff, v17;
	v17 =	vmov s15  }
0x475: {  	[tilespmem:v16+s26+$0x0] =	vst.idx.msk $0xffff, v19;
	v16 =	vand.u32 $0x7E, v17  }
0x476: {  	v17 =	vld [tilespmem:s16+$0x40];
	v18 =	vadd.s32 v10, v16  }
0x477: {  	v16 =	vadd.s32 v11, v16;
	v19 =	vld [tilespmem:s16+$0x50];
	_ =	sdelay $0x2  }
0x478: {  	s15 =	sadd.s32 $0x3, s30;
	s30 =	smov.u32 s14  }
0x479: {  	[tilespmem:v18+s26+$0x0] =	vst.idx.msk $0xffff, v17;
	v17 =	vmov s15  }
0x47a: {  	[tilespmem:v16+s26+$0x0] =	vst.idx.msk $0xffff, v19;
	v16 =	vand.u32 $0x7F, v17  }
0x47b: {  	v19 =	vld [tilespmem:s16+$0x60];
	v20 =	vadd.s32 v10, v16  }
.Ltmp43:
0x47c: {  	v18 =	vadd.s32 v11, v16;
	v17 =	vld [tilespmem:s16+$0x70];
	(pc) =	sbr.rel @p1 .LBB2_78-.Ltmp43, $2  }
0x47d: {  	_ =	sdelay $0x2  }
0x47e: {  	v16 =	vmov s30;
	[tilespmem:v20+s26+$0x0] =	vst.idx.msk $0xffff, v19  }
0x47f: {  	s1 =	smov.u32 s30  }
.LBB2_80:
0x480: {  	_ =	sdelay $0x2  }
0x481: {  	s14 =	sadd.s32 @p0 $0x80, s16  }
0x482: {  	v16 =	vand.u32 $0x7C, v16;
	[tilespmem:v18+s26+$0x0] =	vst.idx.msk @p0 $0xffff, v17;
	s0 =	smov.u32 @p0 s14  }
0x483: {  	v18 =	vadd.s32 v10, v16;
	v17 =	vld [tilespmem:s0+$0x0]  }
0x484: {  	v16 =	vadd.s32 v11, v16;
	v19 =	vld [tilespmem:s0+$0x10];
	_ =	sdelay $0x2  }
0x485: {  	s18 =	sadd.s32 $0x1, s1  }
0x486: {  	[tilespmem:v18+s26+$0x0] =	vst.idx.msk $0xffff, v17;
	v17 =	vmov s18  }
0x487: {  	[tilespmem:v16+s26+$0x0] =	vst.idx.msk $0xffff, v19;
	v16 =	vand.u32 $0x7D, v17  }
0x488: {  	v17 =	vld [tilespmem:s0+$0x20];
	v18 =	vadd.s32 v10, v16  }
0x489: {  	v19 =	vld [tilespmem:s0+$0x30];
	v16 =	vadd.s32 v11, v16;
	_ =	sdelay $0x2  }
0x48a: {  	s20 =	sadd.s32 $0x2, s1  }
0x48b: {  	[tilespmem:v18+s26+$0x0] =	vst.idx.msk $0xffff, v17;
	v17 =	vmov s20  }
0x48c: {  	[tilespmem:v16+s26+$0x0] =	vst.idx.msk $0xffff, v19;
	v16 =	vand.u32 $0x7E, v17  }
0x48d: {  	v17 =	vld [tilespmem:s0+$0x40];
	v18 =	vadd.s32 v10, v16  }
0x48e: {  	v19 =	vld [tilespmem:s0+$0x50];
	v16 =	vadd.s32 v11, v16;
	_ =	sdelay $0x2  }
0x48f: {  	s31 =	sadd.s32 $0x3, s1  }
0x490: {  	[tilespmem:v18+s26+$0x0] =	vst.idx.msk $0xffff, v17;
	v17 =	vmov s31  }
0x491: {  	[tilespmem:v16+s26+$0x0] =	vst.idx.msk $0xffff, v19;
	v16 =	vand.u32 $0x7F, v17  }
0x492: {  	v17 =	vld [tilespmem:s0+$0x60];
	v18 =	vadd.s32 v10, v16  }
0x493: {  	p1 =	por $0x1, $0x1;
	v19 =	vld [tilespmem:s0+$0x70];
	v20 =	vadd.s32 v11, v16  }
.Ltmp44:
0x494: {  	_ = 	snop;
	(pc) =	sbr.rel @!p1 .LBB2_84-.Ltmp44, $4  }
0x495: {  	_ = 	snop  }
0x496: {  	s1 =	simm.s32 $0x0  }
0x497: {  	s30 =	simm.s32 $0x4;
	s16 =	simm.s32 $0x0;
	p2 =	por $0x0, $0x0;
	v16 =	vmov s1;
	[tilespmem:v18+s26+$0x0] =	vst.idx.msk $0xffff, v17  }
0x498: {  	p0 =	por $0x0, $0x0;
	s18 =	simm.s32 $0x14400;
	s0 =	simm.s32 $0x14400;
	[tilespmem:v20+s26+$0x0] =	vst.idx.msk $0xffff, v19;
	v19 =	vmov v16  }
0x499: {  	v17 =	vand.u32 $0x7C, v16  }
0x49a: {  	v18 =	vld [tilespmem:s0+$0x0];
	v19 =	vadd.s32 v12, v17  }
0x49b: {  	v20 =	vld [tilespmem:s0+$0x10];
	v17 =	vadd.s32 v13, v17;
	_ =	sdelay $0x2  }
0x49c: {  	s14 =	simm.s32 $0x1  }
0x49d: {  	[tilespmem:v19+s26+$0x0] =	vst.idx.msk $0xffff, v18;
	v18 =	vmov s14  }
0x49e: {  	[tilespmem:v17+s26+$0x0] =	vst.idx.msk $0xffff, v20;
	v17 =	vand.u32 $0x7D, v18  }
0x49f: {  	v18 =	vld [tilespmem:s0+$0x20];
	v19 =	vadd.s32 v12, v17  }
0x4a0: {  	v20 =	vld [tilespmem:s0+$0x30];
	v17 =	vadd.s32 v13, v17;
	_ =	sdelay $0x2  }
0x4a1: {  	s20 =	simm.s32 $0x2  }
0x4a2: {  	[tilespmem:v19+s26+$0x0] =	vst.idx.msk $0xffff, v18;
	v18 =	vmov s20  }
0x4a3: {  	[tilespmem:v17+s26+$0x0] =	vst.idx.msk $0xffff, v20;
	v17 =	vand.u32 $0x7E, v18  }
0x4a4: {  	v18 =	vld [tilespmem:s0+$0x40];
	v19 =	vadd.s32 v12, v17  }
0x4a5: {  	v20 =	vld [tilespmem:s0+$0x50];
	v17 =	vadd.s32 v13, v17;
	_ =	sdelay $0x2  }
0x4a6: {  	s31 =	simm.s32 $0x3  }
0x4a7: {  	[tilespmem:v19+s26+$0x0] =	vst.idx.msk $0xffff, v18;
	v18 =	vmov s31  }
0x4a8: {  	[tilespmem:v17+s26+$0x0] =	vst.idx.msk $0xffff, v20;
	v18 =	vand.u32 $0x7F, v18  }
0x4a9: {  	p3 =	por $0x1, $0x1;
	v20 =	vld [tilespmem:s0+$0x60];
	v21 =	vadd.s32 v12, v18  }
.Ltmp45:
0x4aa: {  	_ = 	snop;
	(pc) =	sbr.rel @!p3 .LBB2_82-.Ltmp45, $3  }
0x4ab: {  	v17 =	vld [tilespmem:s0+$0x70];
	v18 =	vadd.s32 v13, v18;
	_ =	sdelay $0x1  }
0x4ac: {  	p2 =	por $0x1, $0x1  }
0x4ad: {  	s18 =	simm.s32 $0x14400;
	s16 =	simm.s32 $0x4;
	s20 =	simm.s32 $0x8;
	v19 =	vmov s30;
	[tilespmem:v21+s26+$0x0] =	vst.idx.msk $0xffff, v20  }
.LBB2_83:
0x4ae: {  	p3 =	slt.u32 s20, $0x7C  }
0x4af: {  	v19 =	vand.u32 $0x7C, v19;
	[tilespmem:v18+s26+$0x0] =	vst.idx.msk $0xffff, v17;
	s18 =	sadd.s32 $0x80, s18;
	s14 =	smov.u32 s20;
	s20 =	sadd.s32 $0x4, s20  }
0x4b0: {  	v17 =	vld [tilespmem:s18+$0x0];
	v18 =	vadd.s32 v12, v19  }
0x4b1: {  	v19 =	vadd.s32 v13, v19;
	v20 =	vld [tilespmem:s18+$0x10];
	_ =	sdelay $0x2  }
0x4b2: {  	s15 =	sadd.s32 $0x1, s16  }
0x4b3: {  	[tilespmem:v18+s26+$0x0] =	vst.idx.msk $0xffff, v17;
	v17 =	vmov s15  }
0x4b4: {  	[tilespmem:v19+s26+$0x0] =	vst.idx.msk $0xffff, v20;
	v17 =	vand.u32 $0x7D, v17  }
0x4b5: {  	v18 =	vld [tilespmem:s18+$0x20];
	v19 =	vadd.s32 v12, v17  }
0x4b6: {  	v17 =	vadd.s32 v13, v17;
	v20 =	vld [tilespmem:s18+$0x30];
	_ =	sdelay $0x2  }
0x4b7: {  	s15 =	sadd.s32 $0x2, s16  }
0x4b8: {  	[tilespmem:v19+s26+$0x0] =	vst.idx.msk $0xffff, v18;
	v18 =	vmov s15  }
0x4b9: {  	[tilespmem:v17+s26+$0x0] =	vst.idx.msk $0xffff, v20;
	v17 =	vand.u32 $0x7E, v18  }
0x4ba: {  	v18 =	vld [tilespmem:s18+$0x40];
	v19 =	vadd.s32 v12, v17  }
0x4bb: {  	v17 =	vadd.s32 v13, v17;
	v20 =	vld [tilespmem:s18+$0x50];
	_ =	sdelay $0x2  }
0x4bc: {  	s15 =	sadd.s32 $0x3, s16;
	s16 =	smov.u32 s14  }
0x4bd: {  	[tilespmem:v19+s26+$0x0] =	vst.idx.msk $0xffff, v18;
	v18 =	vmov s15  }
0x4be: {  	[tilespmem:v17+s26+$0x0] =	vst.idx.msk $0xffff, v20;
	v18 =	vand.u32 $0x7F, v18  }
0x4bf: {  	v20 =	vld [tilespmem:s18+$0x60];
	v21 =	vadd.s32 v12, v18  }
.Ltmp46:
0x4c0: {  	v18 =	vadd.s32 v13, v18;
	v17 =	vld [tilespmem:s18+$0x70];
	(pc) =	sbr.rel @p3 .LBB2_83-.Ltmp46, $2  }
0x4c1: {  	_ =	sdelay $0x2  }
0x4c2: {  	v19 =	vmov s16;
	[tilespmem:v21+s26+$0x0] =	vst.idx.msk $0xffff, v20  }
.LBB2_84:
0x4c3: {  	_ =	sdelay $0x2  }
0x4c4: {  	s14 =	sadd.s32 @p2 $0x80, s18  }
0x4c5: {  	v19 =	vand.u32 $0x7C, v19;
	[tilespmem:v18+s26+$0x0] =	vst.idx.msk @p2 $0xffff, v17;
	s0 =	smov.u32 @p2 s14  }
0x4c6: {  	v18 =	vadd.s32 v12, v19;
	v17 =	vld [tilespmem:s0+$0x0]  }
0x4c7: {  	v19 =	vadd.s32 v13, v19;
	v20 =	vld [tilespmem:s0+$0x10];
	_ =	sdelay $0x2  }
0x4c8: {  	s18 =	sadd.s32 $0x1, s16  }
0x4c9: {  	[tilespmem:v18+s26+$0x0] =	vst.idx.msk $0xffff, v17;
	v17 =	vmov s18  }
0x4ca: {  	[tilespmem:v19+s26+$0x0] =	vst.idx.msk $0xffff, v20;
	v17 =	vand.u32 $0x7D, v17  }
0x4cb: {  	v18 =	vld [tilespmem:s0+$0x20];
	v19 =	vadd.s32 v12, v17  }
0x4cc: {  	v20 =	vld [tilespmem:s0+$0x30];
	v17 =	vadd.s32 v13, v17;
	_ =	sdelay $0x2  }
0x4cd: {  	s20 =	sadd.s32 $0x2, s16  }
0x4ce: {  	[tilespmem:v19+s26+$0x0] =	vst.idx.msk $0xffff, v18;
	v18 =	vmov s20  }
0x4cf: {  	[tilespmem:v17+s26+$0x0] =	vst.idx.msk $0xffff, v20;
	v17 =	vand.u32 $0x7E, v18  }
0x4d0: {  	v18 =	vld [tilespmem:s0+$0x40];
	v19 =	vadd.s32 v12, v17  }
0x4d1: {  	v20 =	vld [tilespmem:s0+$0x50];
	v17 =	vadd.s32 v13, v17;
	_ =	sdelay $0x2  }
0x4d2: {  	s31 =	sadd.s32 $0x3, s16  }
0x4d3: {  	[tilespmem:v19+s26+$0x0] =	vst.idx.msk $0xffff, v18;
	v18 =	vmov s31  }
0x4d4: {  	[tilespmem:v17+s26+$0x0] =	vst.idx.msk $0xffff, v20;
	v17 =	vand.u32 $0x7F, v18  }
0x4d5: {  	v18 =	vld [tilespmem:s0+$0x60];
	v19 =	vadd.s32 v12, v17  }
0x4d6: {  	v20 =	vld [tilespmem:s0+$0x70];
	v17 =	vadd.s32 v13, v17  }
.Ltmp47:
0x4d7: {  	_ = 	snop;
	(pc) =	sbr.rel @!p1 .LBB2_85-.Ltmp47, $3  }
0x4d8: {  	_ =	sdelay $0x1  }
0x4d9: {  	[tilespmem:v19+s26+$0x0] =	vst.idx.msk $0xffff, v18  }
0x4da: {  	s0 =	simm.s32 $0x15400;
	[tilespmem:v17+s26+$0x0] =	vst.idx.msk $0xffff, v20  }
0x4db: {  	v16 =	vand.u32 $0x7C, v16  }
0x4dc: {  	v17 =	vld [tilespmem:s0+$0x0];
	v18 =	vadd.s32 v14, v16  }
0x4dd: {  	v19 =	vld [tilespmem:s0+$0x10];
	v16 =	vadd.s32 v15, v16;
	_ =	sdelay $0x2  }
0x4de: {  	s1 =	simm.s32 $0x1  }
0x4df: {  	[tilespmem:v18+s26+$0x0] =	vst.idx.msk $0xffff, v17;
	v17 =	vmov s1  }
0x4e0: {  	[tilespmem:v16+s26+$0x0] =	vst.idx.msk $0xffff, v19;
	v16 =	vand.u32 $0x7D, v17  }
0x4e1: {  	v17 =	vld [tilespmem:s0+$0x20];
	v18 =	vadd.s32 v14, v16  }
0x4e2: {  	v19 =	vld [tilespmem:s0+$0x30];
	v16 =	vadd.s32 v15, v16;
	_ =	sdelay $0x2  }
0x4e3: {  	s20 =	simm.s32 $0x2  }
0x4e4: {  	[tilespmem:v18+s26+$0x0] =	vst.idx.msk $0xffff, v17;
	v17 =	vmov s20  }
0x4e5: {  	[tilespmem:v16+s26+$0x0] =	vst.idx.msk $0xffff, v19;
	v16 =	vand.u32 $0x7E, v17  }
0x4e6: {  	v17 =	vld [tilespmem:s0+$0x40];
	v18 =	vadd.s32 v14, v16  }
0x4e7: {  	v19 =	vld [tilespmem:s0+$0x50];
	v16 =	vadd.s32 v15, v16;
	_ =	sdelay $0x2  }
0x4e8: {  	s31 =	simm.s32 $0x3  }
0x4e9: {  	[tilespmem:v18+s26+$0x0] =	vst.idx.msk $0xffff, v17;
	v17 =	vmov s31  }
0x4ea: {  	[tilespmem:v16+s26+$0x0] =	vst.idx.msk $0xffff, v19;
	v16 =	vand.u32 $0x7F, v17  }
0x4eb: {  	p1 =	por $0x1, $0x1;
	v19 =	vld [tilespmem:s0+$0x60];
	v20 =	vadd.s32 v14, v16  }
.Ltmp48:
0x4ec: {  	_ = 	snop;
	(pc) =	sbr.rel @!p1 .LBB2_87-.Ltmp48, $2  }
0x4ed: {  	v17 =	vld [tilespmem:s0+$0x70];
	v18 =	vadd.s32 v15, v16;
	_ =	sdelay $0x2  }
0x4ee: {  	p0 =	por $0x1, $0x1;
	s16 =	simm.s32 $0x15400;
	s1 =	simm.s32 $0x8;
	v16 =	vmov s30;
	[tilespmem:v20+s26+$0x0] =	vst.idx.msk $0xffff, v19  }
.LBB2_88:
0x4ef: {  	p1 =	slt.u32 s1, $0x7C  }
0x4f0: {  	v16 =	vand.u32 $0x7C, v16;
	[tilespmem:v18+s26+$0x0] =	vst.idx.msk $0xffff, v17;
	s16 =	sadd.s32 $0x80, s16;
	s14 =	smov.u32 s1;
	s1 =	sadd.s32 $0x4, s1  }
0x4f1: {  	v17 =	vld [tilespmem:s16+$0x0];
	v18 =	vadd.s32 v14, v16  }
0x4f2: {  	v16 =	vadd.s32 v15, v16;
	v19 =	vld [tilespmem:s16+$0x10];
	_ =	sdelay $0x2  }
0x4f3: {  	s15 =	sadd.s32 $0x1, s30  }
0x4f4: {  	[tilespmem:v18+s26+$0x0] =	vst.idx.msk $0xffff, v17;
	v17 =	vmov s15  }
0x4f5: {  	[tilespmem:v16+s26+$0x0] =	vst.idx.msk $0xffff, v19;
	v16 =	vand.u32 $0x7D, v17  }
0x4f6: {  	v17 =	vld [tilespmem:s16+$0x20];
	v18 =	vadd.s32 v14, v16  }
0x4f7: {  	v16 =	vadd.s32 v15, v16;
	v19 =	vld [tilespmem:s16+$0x30];
	_ =	sdelay $0x2  }
0x4f8: {  	s15 =	sadd.s32 $0x2, s30  }
0x4f9: {  	[tilespmem:v18+s26+$0x0] =	vst.idx.msk $0xffff, v17;
	v17 =	vmov s15  }
0x4fa: {  	[tilespmem:v16+s26+$0x0] =	vst.idx.msk $0xffff, v19;
	v16 =	vand.u32 $0x7E, v17  }
0x4fb: {  	v17 =	vld [tilespmem:s16+$0x40];
	v18 =	vadd.s32 v14, v16  }
0x4fc: {  	v16 =	vadd.s32 v15, v16;
	v19 =	vld [tilespmem:s16+$0x50];
	_ =	sdelay $0x2  }
0x4fd: {  	s15 =	sadd.s32 $0x3, s30;
	s30 =	smov.u32 s14  }
0x4fe: {  	[tilespmem:v18+s26+$0x0] =	vst.idx.msk $0xffff, v17;
	v17 =	vmov s15  }
0x4ff: {  	[tilespmem:v16+s26+$0x0] =	vst.idx.msk $0xffff, v19;
	v16 =	vand.u32 $0x7F, v17  }
0x500: {  	v19 =	vld [tilespmem:s16+$0x60];
	v20 =	vadd.s32 v14, v16  }
.Ltmp49:
0x501: {  	v18 =	vadd.s32 v15, v16;
	v17 =	vld [tilespmem:s16+$0x70];
	(pc) =	sbr.rel @p1 .LBB2_88-.Ltmp49, $2  }
0x502: {  	_ =	sdelay $0x2  }
0x503: {  	v16 =	vmov s30;
	[tilespmem:v20+s26+$0x0] =	vst.idx.msk $0xffff, v19  }
0x504: {  	s1 =	smov.u32 s30  }
.LBB2_90:
0x505: {  	_ =	sdelay $0x2  }
0x506: {  	s14 =	sadd.s32 @p0 $0x80, s16  }
0x507: {  	v16 =	vand.u32 $0x7C, v16;
	[tilespmem:v18+s26+$0x0] =	vst.idx.msk @p0 $0xffff, v17;
	s0 =	smov.u32 @p0 s14  }
0x508: {  	v60 =	vadd.s32 v14, v16;
	v17 =	vld [tilespmem:s0+$0x0]  }
0x509: {  	v16 =	vadd.s32 v15, v16;
	v19 =	vld [tilespmem:s0+$0x10];
	_ =	sdelay $0x2  }
0x50a: {  	s16 =	sadd.s32 $0x1, s1  }
0x50b: {  	[tilespmem:v60+s26+$0x0] =	vst.idx.msk $0xffff, v17;
	v17 =	vmov s16  }
0x50c: {  	[tilespmem:v16+s26+$0x0] =	vst.idx.msk $0xffff, v19;
	v16 =	vand.u32 $0x7D, v17  }
0x50d: {  	v17 =	vld [tilespmem:s0+$0x20];
	v61 =	vadd.s32 v14, v16  }
0x50e: {  	v19 =	vld [tilespmem:s0+$0x30];
	v16 =	vadd.s32 v15, v16;
	_ =	sdelay $0x2  }
0x50f: {  	s18 =	sadd.s32 $0x2, s1  }
0x510: {  	[tilespmem:v61+s26+$0x0] =	vst.idx.msk $0xffff, v17;
	v17 =	vmov s18  }
0x511: {  	[tilespmem:v16+s26+$0x0] =	vst.idx.msk $0xffff, v19;
	v16 =	vand.u32 $0x7E, v17  }
0x512: {  	v17 =	vld [tilespmem:s0+$0x40];
	v62 =	vadd.s32 v14, v16  }
0x513: {  	v19 =	vld [tilespmem:s0+$0x50];
	v16 =	vadd.s32 v15, v16;
	_ =	sdelay $0x2  }
0x514: {  	s20 =	sadd.s32 $0x3, s1  }
0x515: {  	[tilespmem:v62+s26+$0x0] =	vst.idx.msk $0xffff, v17;
	v17 =	vmov s20  }
0x516: {  	[tilespmem:v16+s26+$0x0] =	vst.idx.msk $0xffff, v19;
	v16 =	vand.u32 $0x7F, v17  }
0x517: {  	v17 =	vld [tilespmem:s0+$0x60];
	v63 =	vadd.s32 v14, v16  }
0x518: {  	v19 =	vld [tilespmem:s0+$0x70];
	v16 =	vadd.s32 v15, v16  }
0x519: {  	s30 =	sadd.s32 s4, s29  }
0x51a: {  	s31 =	sshll.u32 s30, $0x2;
	s0 =	sand.u32 $0xC00, s30  }
0x51b: {  	s1 =	sand.u32 $0xFFFC000, s31;
	s0 =	sadd.s32 s2, s0  }
0x51c: {  	s16 =	simm.s32 $0x10;
	s0 =	sadd.s32 s1, s0;
	[tilespmem:v63+s26+$0x0] =	vst.idx.msk $0xffff, v17  }
0x51d: {  	s18 =	simm.s32 $0x16488;
	s1 =	simm.s32 $0x16400;
	s20 =	sadd.s32 $0x0, s0;
	[tilespmem:v16+s26+$0x0] =	vst.idx.msk $0xffff, v19  }
.LBB2_91:
0x51e: {  	[hbm4b:s20+s3] =	stream.linear.scatter [tilespmem:s1], [sflag:$0x3], $0x80, $0x38;
	[tilespmem:$0x1EC00] =	vst v63  }
0x51f: {  	s14 =	smov.u32 s16;
	s1 =	smov.u32 s18;
	p0 =	sne.s32 s16, $0x3F0  }
.Ltmp50:
0x520: {  	s16 =	sadd.s32 $0x10, s16;
	(pc) =	sbr.rel @p0 .LBB2_91-.Ltmp50, $2  }
0x521: {  	_ =	sdelay $0x2  }
0x522: {  	s18 =	sadd.s32 $0x88, s18;
	s20 =	sadd.s32 s14, s0  }
0x523: {  	[hbm4b:s20+s3] =	stream.linear.scatter [tilespmem:s1], [sflag:$0x3], $0x80, $0x38;
	[tilespmem:$0x1EC00] =	vst v63  }
0x524: {  	s1 =	sadd.s32 $0x1000, s0;
	s16 =	simm.s32 $0x18600  }
0x525: {  	s18 =	simm.s32 $0x10;
	s20 =	simm.s32 $0x18688;
	s29 =	sadd.s32 $0x0, s1  }
.LBB2_93:
0x526: {  	[hbm4b:s29+s3] =	stream.linear.scatter [tilespmem:s16], [sflag:$0x3], $0x80, $0x38;
	[tilespmem:$0x1EC00] =	vst v63  }
0x527: {  	s14 =	smov.u32 s18;
	s16 =	smov.u32 s20;
	p0 =	sne.s32 s18, $0x3F0  }
.Ltmp51:
0x528: {  	s18 =	sadd.s32 $0x10, s18;
	(pc) =	sbr.rel @p0 .LBB2_93-.Ltmp51, $2  }
0x529: {  	_ =	sdelay $0x2  }
0x52a: {  	s20 =	sadd.s32 $0x88, s20;
	s29 =	sadd.s32 s14, s1  }
0x52b: {  	[hbm4b:s29+s3] =	stream.linear.scatter [tilespmem:s16], [sflag:$0x3], $0x80, $0x38;
	[tilespmem:$0x1EC00] =	vst v63  }
0x52c: {  	s1 =	sadd.s32 $0x2000, s0;
	s16 =	simm.s32 $0x1A800  }
0x52d: {  	s18 =	simm.s32 $0x10;
	s20 =	simm.s32 $0x1A888;
	s29 =	sadd.s32 $0x0, s1  }
.LBB2_95:
0x52e: {  	[hbm4b:s29+s3] =	stream.linear.scatter [tilespmem:s16], [sflag:$0x3], $0x80, $0x38;
	[tilespmem:$0x1EC00] =	vst v63  }
0x52f: {  	s14 =	smov.u32 s18;
	s16 =	smov.u32 s20;
	p0 =	sne.s32 s18, $0x3F0  }
.Ltmp52:
0x530: {  	s18 =	sadd.s32 $0x10, s18;
	(pc) =	sbr.rel @p0 .LBB2_95-.Ltmp52, $2  }
0x531: {  	_ =	sdelay $0x2  }
0x532: {  	s20 =	sadd.s32 $0x88, s20;
	s29 =	sadd.s32 s14, s1  }
0x533: {  	[hbm4b:s29+s3] =	stream.linear.scatter [tilespmem:s16], [sflag:$0x3], $0x80, $0x38;
	[tilespmem:$0x1EC00] =	vst v63  }
0x534: {  	s0 =	sadd.s32 $0x3000, s0;
	s1 =	simm.s32 $0x1CA00  }
0x535: {  	s16 =	simm.s32 $0x10;
	s18 =	simm.s32 $0x1CA88;
	s20 =	sadd.s32 $0x0, s0  }
.LBB2_97:
0x536: {  	[hbm4b:s20+s3] =	stream.linear.scatter [tilespmem:s1], [sflag:$0x3], $0x80, $0x38;
	[tilespmem:$0x1EC00] =	vst v63  }
0x537: {  	s14 =	smov.u32 s16;
	s1 =	smov.u32 s18;
	p0 =	sne.s32 s16, $0x3F0  }
.Ltmp53:
0x538: {  	s16 =	sadd.s32 $0x10, s16;
	(pc) =	sbr.rel @p0 .LBB2_97-.Ltmp53, $2  }
0x539: {  	_ =	sdelay $0x2  }
0x53a: {  	s18 =	sadd.s32 $0x88, s18;
	s20 =	sadd.s32 s14, s0  }
0x53b: {  	s9 =	sadd.s32 $0x1, s9  }
0x53c: {  	p0 =	sne.s32 s9, $0xC  }
.Ltmp54:
0x53d: {  	_ = 	snop;
	(pc) =	sbr.rel @p0 .LBB2_10-.Ltmp54, $4  }
.Ltmp55:
0x53e: {  	_ = 	snop;
	(pc) =	sbr.rel @!p0 .LBB2_99-.Ltmp55, $4  }
0x53f: {  	_ = 	snop  }
0x540: {  	_ = 	snop  }
0x541: {  	[hbm4b:s20+s3] =	stream.linear.scatter [tilespmem:s1], [sflag:$0x3], $0x80, $0x38;
	[tilespmem:$0x1EC00] =	vst v63  }
0x542: {  	_ = 	snop  }
.LBB2_17:
.Ltmp56:
0x543: {  	(pc) =	sbr.rel .LBB2_22-.Ltmp56, $2  }
0x544: {  	_ =	sdelay $0x2  }
0x545: {  	s16 =	simm.s32 $0x8470  }
.LBB2_27:
.Ltmp57:
0x546: {  	(pc) =	sbr.rel .LBB2_32-.Ltmp57, $2  }
0x547: {  	_ =	sdelay $0x2  }
0x548: {  	s16 =	simm.s32 $0xA400  }
.LBB2_37:
.Ltmp58:
0x549: {  	(pc) =	sbr.rel .LBB2_42-.Ltmp58, $2  }
0x54a: {  	_ =	sdelay $0x2  }
0x54b: {  	s16 =	simm.s32 $0xC400  }
.LBB2_43:
.Ltmp59:
0x54c: {  	(pc) =	sbr.rel .LBB2_48-.Ltmp59, $2  }
0x54d: {  	_ =	sdelay $0x2  }
0x54e: {  	s16 =	simm.s32 $0xD400  }
.LBB2_65:
.Ltmp60:
0x54f: {  	(pc) =	sbr.rel .LBB2_70-.Ltmp60, $2  }
0x550: {  	_ =	sdelay $0x2  }
0x551: {  	s16 =	simm.s32 $0x11470  }
.LBB2_75:
.Ltmp61:
0x552: {  	(pc) =	sbr.rel .LBB2_80-.Ltmp61, $2  }
0x553: {  	_ =	sdelay $0x2  }
0x554: {  	s16 =	simm.s32 $0x13400  }
.LBB2_85:
.Ltmp62:
0x555: {  	(pc) =	sbr.rel .LBB2_90-.Ltmp62, $2  }
0x556: {  	_ =	sdelay $0x2  }
0x557: {  	s16 =	simm.s32 $0x15400  }
.LBB2_14:
.Ltmp63:
0x558: {  	(pc) =	sbr.rel .LBB2_16-.Ltmp63, $2  }
0x559: {  	_ =	sdelay $0x2  }
0x55a: {  	s18 =	simm.s32 $0x7470;
	s16 =	simm.s32 $0x4  }
.LBB2_19:
.Ltmp64:
0x55b: {  	(pc) =	sbr.rel .LBB2_22-.Ltmp64, $2  }
0x55c: {  	_ =	sdelay $0x2  }
0x55d: {  	s16 =	simm.s32 $0x8470;
	s1 =	simm.s32 $0x4  }
.LBB2_24:
.Ltmp65:
0x55e: {  	(pc) =	sbr.rel .LBB2_26-.Ltmp65, $2  }
0x55f: {  	_ =	sdelay $0x2  }
0x560: {  	s18 =	simm.s32 $0x9470;
	s16 =	simm.s32 $0x4  }
.LBB2_29:
.Ltmp66:
0x561: {  	(pc) =	sbr.rel .LBB2_32-.Ltmp66, $2  }
0x562: {  	_ =	sdelay $0x2  }
0x563: {  	s16 =	simm.s32 $0xA400;
	s1 =	simm.s32 $0x4  }
.LBB2_34:
.Ltmp67:
0x564: {  	(pc) =	sbr.rel .LBB2_36-.Ltmp67, $2  }
0x565: {  	_ =	sdelay $0x2  }
0x566: {  	s18 =	simm.s32 $0xB400;
	s16 =	simm.s32 $0x4  }
.LBB2_39:
.Ltmp68:
0x567: {  	(pc) =	sbr.rel .LBB2_42-.Ltmp68, $2  }
0x568: {  	_ =	sdelay $0x2  }
0x569: {  	s16 =	simm.s32 $0xC400;
	s1 =	simm.s32 $0x4  }
.LBB2_45:
.Ltmp69:
0x56a: {  	(pc) =	sbr.rel .LBB2_48-.Ltmp69, $2  }
0x56b: {  	_ =	sdelay $0x2  }
0x56c: {  	s16 =	simm.s32 $0xD400;
	s18 =	simm.s32 $0x4  }
.LBB2_62:
.Ltmp70:
0x56d: {  	(pc) =	sbr.rel .LBB2_64-.Ltmp70, $2  }
0x56e: {  	_ =	sdelay $0x2  }
0x56f: {  	s18 =	simm.s32 $0x10470;
	s16 =	simm.s32 $0x4  }
.LBB2_67:
.Ltmp71:
0x570: {  	(pc) =	sbr.rel .LBB2_70-.Ltmp71, $2  }
0x571: {  	_ =	sdelay $0x2  }
0x572: {  	s16 =	simm.s32 $0x11470;
	s1 =	simm.s32 $0x4  }
.LBB2_72:
.Ltmp72:
0x573: {  	(pc) =	sbr.rel .LBB2_74-.Ltmp72, $2  }
0x574: {  	_ =	sdelay $0x2  }
0x575: {  	s18 =	simm.s32 $0x12400;
	s16 =	simm.s32 $0x4  }
.LBB2_77:
.Ltmp73:
0x576: {  	(pc) =	sbr.rel .LBB2_80-.Ltmp73, $2  }
0x577: {  	_ =	sdelay $0x2  }
0x578: {  	s16 =	simm.s32 $0x13400;
	s1 =	simm.s32 $0x4  }
.LBB2_82:
.Ltmp74:
0x579: {  	(pc) =	sbr.rel .LBB2_84-.Ltmp74, $2  }
0x57a: {  	_ =	sdelay $0x2  }
0x57b: {  	s18 =	simm.s32 $0x14400;
	s16 =	simm.s32 $0x4  }
.LBB2_87:
.Ltmp75:
0x57c: {  	(pc) =	sbr.rel .LBB2_90-.Ltmp75, $2  }
0x57d: {  	_ =	sdelay $0x2  }
0x57e: {  	s16 =	simm.s32 $0x15400;
	s1 =	simm.s32 $0x4  }
.LBB2_99:
0x57f: {  	_ =	swait.ge [sflag:s22], $0x1000  }
0x580: {  	[sflag:s22] =	ssyncset.done $0x0  }
0x581: {  	[sflag:s22] =	ssyncadd.s32 $0xFFFFF000  }
0x582: {  	_ =	swait.ge [sflag:s22], $0x1000  }
0x583: {  	[sflag:s22] =	ssyncset.done $0x0  }
0x584: {  	[sflag:s22] =	ssyncadd.s32 $0xFFFFF000  }
0x585: {  	_ =	swait.ge [sflag:s22], $0x1000  }
0x586: {  	[sflag:s22] =	ssyncset.done $0x0  }
0x587: {  	[sflag:s22] =	ssyncadd.s32 $0xFFFFF000  }
0x588: {  	_ =	swait.ge [sflag:s22], $0x1000  }
0x589: {  	[sflag:s22] =	ssyncset.done $0x0  }
0x58a: {  	[sflag:s22] =	ssyncadd.s32 $0xFFFFF000  }
0x58b: {  	_ =	swait.ge [sflag:s22], $0x1000  }
0x58c: {  	[sflag:s22] =	ssyncset.done $0x0  }
0x58d: {  	[sflag:s22] =	ssyncadd.s32 $0xFFFFF000  }
0x58e: {  	_ =	swait.ge [sflag:s22], $0x1000  }
0x58f: {  	[sflag:s22] =	ssyncset.done $0x0  }
0x590: {  	[sflag:s22] =	ssyncadd.s32 $0xFFFFF000  }
0x591: {  	_ =	swait.ge [sflag:s22], $0x1000  }
0x592: {  	[sflag:s22] =	ssyncset.done $0x0  }
0x593: {  	[sflag:s22] =	ssyncadd.s32 $0xFFFFF000  }
0x594: {  	_ =	swait.ge [sflag:s22], $0x1000  }
0x595: {  	[sflag:s22] =	ssyncset.done $0x0  }
0x596: {  	[sflag:s22] =	ssyncadd.s32 $0xFFFFF000  }
0x597: {  	s0 =	simm.s32 $0x0;
	_ =	swait.ge [sflag:s24], $0x8000  }
0x598: {  	v16 =	vmov s0;
	[sflag:s24] =	ssyncset.done $0x0  }
0x599: {  	s0 =	simm.s32 $0x6440;
	v16 =	vand.u32 $0x7C, v16;
	[sflag:s24] =	ssyncadd.s32 $0xFFFF8000  }
0x59a: {  	v18 =	vadd.s32 v0, v16;
	v17 =	vld [tilespmem:s0+$0xFFFFFFC0]  }
0x59b: {  	v20 =	vadd.s32 v1, v16;
	v19 =	vld [tilespmem:s0+$0xFFFFFFD0];
	_ =	sdelay $0x2  }
0x59c: {  	s1 =	simm.s32 $0x1  }
0x59d: {  	[tilespmem:v18+s26+$0x0] =	vst.idx.msk $0xffff, v17;
	v17 =	vmov s1  }
0x59e: {  	[tilespmem:v20+s26+$0x0] =	vst.idx.msk $0xffff, v19;
	v17 =	vand.u32 $0x7D, v17  }
0x59f: {  	v18 =	vld [tilespmem:s0+$0xFFFFFFE0];
	v19 =	vadd.s32 v0, v17  }
0x5a0: {  	v20 =	vld [tilespmem:s0+$0xFFFFFFF0];
	v21 =	vadd.s32 v1, v17;
	_ =	sdelay $0x2  }
0x5a1: {  	s30 =	simm.s32 $0x2  }
0x5a2: {  	[tilespmem:v19+s26+$0x0] =	vst.idx.msk $0xffff, v18;
	v18 =	vmov s30  }
0x5a3: {  	[tilespmem:v21+s26+$0x0] =	vst.idx.msk $0xffff, v20;
	v18 =	vand.u32 $0x7E, v18  }
0x5a4: {  	v19 =	vld [tilespmem:s0+$0x0];
	v20 =	vadd.s32 v0, v18  }
0x5a5: {  	v21 =	vld [tilespmem:s0+$0x10];
	v22 =	vadd.s32 v1, v18;
	_ =	sdelay $0x2  }
0x5a6: {  	s31 =	simm.s32 $0x3  }
0x5a7: {  	[tilespmem:v20+s26+$0x0] =	vst.idx.msk $0xffff, v19;
	v19 =	vmov s31  }
0x5a8: {  	[tilespmem:v22+s26+$0x0] =	vst.idx.msk $0xffff, v21;
	v19 =	vand.u32 $0x7F, v19  }
0x5a9: {  	v23 =	vld [tilespmem:s0+$0x20];
	v24 =	vadd.s32 v0, v19;
	_ =	sdelay $0x1  }
0x5aa: {  	v20 =	vld [tilespmem:s0+$0x30];
	v21 =	vadd.s32 v1, v19;
	_ =	sdelay $0x1  }
0x5ab: {  	s9 =	simm.s32 $0x4  }
0x5ac: {  	s10 =	simm.s32 $0x8;
	s1 =	simm.s32 $0x4;
	v22 =	vmov s9;
	[tilespmem:v24+s26+$0x0] =	vst.idx.msk $0xffff, v23  }
.LBB2_100:
0x5ad: {  	p0 =	slt.u32 s10, $0x7C  }
0x5ae: {  	v22 =	vand.u32 $0x7C, v22;
	[tilespmem:v21+s26+$0x0] =	vst.idx.msk $0xffff, v20;
	s0 =	sadd.s32 $0x80, s0;
	s14 =	smov.u32 s10;
	s10 =	sadd.s32 $0x4, s10  }
0x5af: {  	v20 =	vld [tilespmem:s0+$0xFFFFFFC0];
	v21 =	vadd.s32 v0, v22  }
0x5b0: {  	v22 =	vadd.s32 v1, v22;
	v23 =	vld [tilespmem:s0+$0xFFFFFFD0];
	_ =	sdelay $0x2  }
0x5b1: {  	s15 =	sadd.s32 $0x1, s1  }
0x5b2: {  	[tilespmem:v21+s26+$0x0] =	vst.idx.msk $0xffff, v20;
	v20 =	vmov s15  }
0x5b3: {  	[tilespmem:v22+s26+$0x0] =	vst.idx.msk $0xffff, v23;
	v20 =	vand.u32 $0x7D, v20  }
0x5b4: {  	v21 =	vld [tilespmem:s0+$0xFFFFFFE0];
	v22 =	vadd.s32 v0, v20  }
0x5b5: {  	v20 =	vadd.s32 v1, v20;
	v23 =	vld [tilespmem:s0+$0xFFFFFFF0];
	_ =	sdelay $0x2  }
0x5b6: {  	s15 =	sadd.s32 $0x2, s1  }
0x5b7: {  	[tilespmem:v22+s26+$0x0] =	vst.idx.msk $0xffff, v21;
	v21 =	vmov s15  }
0x5b8: {  	[tilespmem:v20+s26+$0x0] =	vst.idx.msk $0xffff, v23;
	v20 =	vand.u32 $0x7E, v21  }
0x5b9: {  	v21 =	vld [tilespmem:s0+$0x0];
	v22 =	vadd.s32 v0, v20  }
0x5ba: {  	v20 =	vadd.s32 v1, v20;
	v23 =	vld [tilespmem:s0+$0x10];
	_ =	sdelay $0x2  }
0x5bb: {  	s15 =	sadd.s32 $0x3, s1;
	s1 =	smov.u32 s14  }
0x5bc: {  	[tilespmem:v22+s26+$0x0] =	vst.idx.msk $0xffff, v21;
	v21 =	vmov s15  }
0x5bd: {  	[tilespmem:v20+s26+$0x0] =	vst.idx.msk $0xffff, v23;
	v21 =	vand.u32 $0x7F, v21  }
0x5be: {  	v23 =	vld [tilespmem:s0+$0x20];
	v24 =	vadd.s32 v0, v21  }
.Ltmp76:
0x5bf: {  	v21 =	vadd.s32 v1, v21;
	v20 =	vld [tilespmem:s0+$0x30];
	(pc) =	sbr.rel @p0 .LBB2_100-.Ltmp76, $2  }
0x5c0: {  	_ =	sdelay $0x2  }
0x5c1: {  	v22 =	vmov s1;
	[tilespmem:v24+s26+$0x0] =	vst.idx.msk $0xffff, v23  }
0x5c2: {  	_ =	sdelay $0x3  }
0x5c3: {  	v22 =	vand.u32 $0x7C, v22;
	[tilespmem:v21+s26+$0x0] =	vst.idx.msk $0xffff, v20;
	s0 =	sadd.s32 $0x80, s0  }
0x5c4: {  	v20 =	vld [tilespmem:s0+$0xFFFFFFC0];
	v54 =	vadd.s32 v0, v22  }
0x5c5: {  	v23 =	vld [tilespmem:s0+$0xFFFFFFD0];
	v22 =	vadd.s32 v1, v22;
	_ =	sdelay $0x2  }
0x5c6: {  	s10 =	sadd.s32 $0x1, s1  }
0x5c7: {  	[tilespmem:v54+s26+$0x0] =	vst.idx.msk $0xffff, v20;
	v20 =	vmov s10  }
0x5c8: {  	[tilespmem:v22+s26+$0x0] =	vst.idx.msk $0xffff, v23;
	v20 =	vand.u32 $0x7D, v20  }
0x5c9: {  	v21 =	vld [tilespmem:s0+$0xFFFFFFE0];
	v55 =	vadd.s32 v0, v20  }
0x5ca: {  	v23 =	vld [tilespmem:s0+$0xFFFFFFF0];
	v20 =	vadd.s32 v1, v20;
	_ =	sdelay $0x2  }
0x5cb: {  	s30 =	sadd.s32 $0x2, s1  }
0x5cc: {  	v56 =	vmov s30;
	[tilespmem:v55+s26+$0x0] =	vst.idx.msk $0xffff, v21  }
0x5cd: {  	[tilespmem:v20+s26+$0x0] =	vst.idx.msk $0xffff, v23;
	v20 =	vand.u32 $0x7E, v56  }
0x5ce: {  	v57 =	vld [tilespmem:s0+$0x0];
	v58 =	vadd.s32 v0, v20  }
0x5cf: {  	v23 =	vld [tilespmem:s0+$0x10];
	v20 =	vadd.s32 v1, v20;
	_ =	sdelay $0x2  }
0x5d0: {  	s31 =	sadd.s32 $0x3, s1  }
0x5d1: {  	v59 =	vmov s31;
	[tilespmem:v58+s26+$0x0] =	vst.idx.msk $0xffff, v57  }
0x5d2: {  	[tilespmem:v20+s26+$0x0] =	vst.idx.msk $0xffff, v23;
	v20 =	vand.u32 $0x7F, v59  }
0x5d3: {  	v60 =	vld [tilespmem:s0+$0x20];
	v61 =	vadd.s32 v0, v20  }
0x5d4: {  	v23 =	vld [tilespmem:s0+$0x30];
	v20 =	vadd.s32 v1, v20;
	_ =	sdelay $0x3  }
0x5d5: {  	[tilespmem:v61+s26+$0x0] =	vst.idx.msk $0xffff, v60  }
0x5d6: {  	s0 =	simm.s32 $0x7470;
	[tilespmem:v20+s26+$0x0] =	vst.idx.msk $0xffff, v23  }
0x5d7: {  	v62 =	vadd.s32 v2, v16;
	v20 =	vld [tilespmem:s0+$0xFFFFFF90]  }
0x5d8: {  	v16 =	vadd.s32 v3, v16;
	v22 =	vld [tilespmem:s0+$0xFFFFFFA0];
	_ =	sdelay $0x3  }
0x5d9: {  	[tilespmem:v62+s26+$0x0] =	vst.idx.msk $0xffff, v20  }
0x5da: {  	[tilespmem:v16+s26+$0x0] =	vst.idx.msk $0xffff, v22  }
0x5db: {  	v20 =	vadd.s32 v2, v17;
	v16 =	vld [tilespmem:s0+$0xFFFFFFB0]  }
0x5dc: {  	v17 =	vadd.s32 v3, v17;
	v21 =	vld [tilespmem:s0+$0xFFFFFFC0];
	_ =	sdelay $0x3  }
0x5dd: {  	[tilespmem:v20+s26+$0x0] =	vst.idx.msk $0xffff, v16  }
0x5de: {  	[tilespmem:v17+s26+$0x0] =	vst.idx.msk $0xffff, v21  }
0x5df: {  	v17 =	vadd.s32 v2, v18;
	v16 =	vld [tilespmem:s0+$0xFFFFFFD0]  }
0x5e0: {  	v18 =	vadd.s32 v3, v18;
	v20 =	vld [tilespmem:s0+$0xFFFFFFE0];
	_ =	sdelay $0x3  }
0x5e1: {  	[tilespmem:v17+s26+$0x0] =	vst.idx.msk $0xffff, v16  }
0x5e2: {  	[tilespmem:v18+s26+$0x0] =	vst.idx.msk $0xffff, v20  }
0x5e3: {  	v63 =	vadd.s32 v2, v19;
	v20 =	vld [tilespmem:s0+$0xFFFFFFF0];
	_ =	sdelay $0x1  }
0x5e4: {  	v17 =	vadd.s32 v3, v19;
	v16 =	vld [tilespmem:s0+$0x0];
	_ =	sdelay $0x2  }
0x5e5: {  	s1 =	simm.s32 $0x8;
	v18 =	vmov s9;
	[tilespmem:v63+s26+$0x0] =	vst.idx.msk $0xffff, v20  }
.LBB2_102:
0x5e6: {  	p0 =	slt.u32 s1, $0x7C  }
0x5e7: {  	v18 =	vand.u32 $0x7C, v18;
	[tilespmem:v17+s26+$0x0] =	vst.idx.msk $0xffff, v16;
	s0 =	sadd.s32 $0x80, s0;
	s10 =	smov.u32 s1;
	s1 =	sadd.s32 $0x4, s1  }
0x5e8: {  	v16 =	vld [tilespmem:s0+$0xFFFFFF90];
	v17 =	vadd.s32 v2, v18  }
0x5e9: {  	v18 =	vadd.s32 v3, v18;
	v19 =	vld [tilespmem:s0+$0xFFFFFFA0];
	_ =	sdelay $0x2  }
0x5ea: {  	s14 =	sadd.s32 $0x1, s9  }
0x5eb: {  	[tilespmem:v17+s26+$0x0] =	vst.idx.msk $0xffff, v16;
	v16 =	vmov s14  }
0x5ec: {  	[tilespmem:v18+s26+$0x0] =	vst.idx.msk $0xffff, v19;
	v16 =	vand.u32 $0x7D, v16  }
0x5ed: {  	v17 =	vld [tilespmem:s0+$0xFFFFFFB0];
	v18 =	vadd.s32 v2, v16  }
0x5ee: {  	v16 =	vadd.s32 v3, v16;
	v19 =	vld [tilespmem:s0+$0xFFFFFFC0];
	_ =	sdelay $0x2  }
0x5ef: {  	s14 =	sadd.s32 $0x2, s9  }
0x5f0: {  	[tilespmem:v18+s26+$0x0] =	vst.idx.msk $0xffff, v17;
	v17 =	vmov s14  }
0x5f1: {  	[tilespmem:v16+s26+$0x0] =	vst.idx.msk $0xffff, v19;
	v16 =	vand.u32 $0x7E, v17  }
0x5f2: {  	v17 =	vld [tilespmem:s0+$0xFFFFFFD0];
	v18 =	vadd.s32 v2, v16  }
0x5f3: {  	v16 =	vadd.s32 v3, v16;
	v19 =	vld [tilespmem:s0+$0xFFFFFFE0];
	_ =	sdelay $0x2  }
0x5f4: {  	s14 =	sadd.s32 $0x3, s9;
	s9 =	smov.u32 s10  }
0x5f5: {  	[tilespmem:v18+s26+$0x0] =	vst.idx.msk $0xffff, v17;
	v17 =	vmov s14  }
0x5f6: {  	[tilespmem:v16+s26+$0x0] =	vst.idx.msk $0xffff, v19;
	v17 =	vand.u32 $0x7F, v17  }
0x5f7: {  	v19 =	vld [tilespmem:s0+$0xFFFFFFF0];
	v20 =	vadd.s32 v2, v17  }
.Ltmp77:
0x5f8: {  	v17 =	vadd.s32 v3, v17;
	v16 =	vld [tilespmem:s0+$0x0];
	(pc) =	sbr.rel @p0 .LBB2_102-.Ltmp77, $2  }
0x5f9: {  	_ =	sdelay $0x2  }
0x5fa: {  	v18 =	vmov s9;
	[tilespmem:v20+s26+$0x0] =	vst.idx.msk $0xffff, v19  }
0x5fb: {  	_ =	sdelay $0x3  }
0x5fc: {  	v18 =	vand.u32 $0x7C, v18;
	[tilespmem:v17+s26+$0x0] =	vst.idx.msk $0xffff, v16;
	s0 =	sadd.s32 $0x80, s0  }
0x5fd: {  	v16 =	vld [tilespmem:s0+$0xFFFFFF90];
	v17 =	vadd.s32 v2, v18  }
0x5fe: {  	v19 =	vld [tilespmem:s0+$0xFFFFFFA0];
	v18 =	vadd.s32 v3, v18;
	_ =	sdelay $0x2  }
0x5ff: {  	s1 =	sadd.s32 $0x1, s9  }
0x600: {  	[tilespmem:v17+s26+$0x0] =	vst.idx.msk $0xffff, v16;
	v16 =	vmov s1  }
0x601: {  	[tilespmem:v18+s26+$0x0] =	vst.idx.msk $0xffff, v19;
	v16 =	vand.u32 $0x7D, v16  }
0x602: {  	v17 =	vld [tilespmem:s0+$0xFFFFFFB0];
	v18 =	vadd.s32 v2, v16  }
0x603: {  	v19 =	vld [tilespmem:s0+$0xFFFFFFC0];
	v16 =	vadd.s32 v3, v16;
	_ =	sdelay $0x2  }
0x604: {  	s30 =	sadd.s32 $0x2, s9  }
0x605: {  	[tilespmem:v18+s26+$0x0] =	vst.idx.msk $0xffff, v17;
	v17 =	vmov s30  }
0x606: {  	[tilespmem:v16+s26+$0x0] =	vst.idx.msk $0xffff, v19;
	v16 =	vand.u32 $0x7E, v17  }
0x607: {  	v17 =	vld [tilespmem:s0+$0xFFFFFFD0];
	v18 =	vadd.s32 v2, v16  }
0x608: {  	v19 =	vld [tilespmem:s0+$0xFFFFFFE0];
	v16 =	vadd.s32 v3, v16;
	_ =	sdelay $0x2  }
0x609: {  	s31 =	sadd.s32 $0x3, s9  }
0x60a: {  	[tilespmem:v18+s26+$0x0] =	vst.idx.msk $0xffff, v17;
	v17 =	vmov s31  }
0x60b: {  	[tilespmem:v16+s26+$0x0] =	vst.idx.msk $0xffff, v19;
	v16 =	vand.u32 $0x7F, v17  }
0x60c: {  	v17 =	vld [tilespmem:s0+$0xFFFFFFF0];
	v18 =	vadd.s32 v2, v16  }
0x60d: {  	p1 =	por $0x1, $0x1;
	v19 =	vld [tilespmem:s0+$0x0];
	v20 =	vadd.s32 v3, v16  }
.Ltmp78:
0x60e: {  	_ = 	snop;
	(pc) =	sbr.rel @!p1 .LBB2_107-.Ltmp78, $4  }
0x60f: {  	_ = 	snop  }
0x610: {  	s1 =	simm.s32 $0x0  }
0x611: {  	s9 =	simm.s32 $0x4;
	p0 =	por $0x0, $0x0;
	s16 =	simm.s32 $0x8470;
	v16 =	vmov s1;
	[tilespmem:v18+s26+$0x0] =	vst.idx.msk $0xffff, v17  }
0x612: {  	s10 =	simm.s32 $0x0;
	p2 =	por $0x0, $0x0;
	s0 =	simm.s32 $0x8470;
	[tilespmem:v20+s26+$0x0] =	vst.idx.msk $0xffff, v19;
	v19 =	vmov v16  }
0x613: {  	v17 =	vand.u32 $0x7C, v16  }
0x614: {  	v18 =	vld [tilespmem:s0+$0xFFFFFF90];
	v19 =	vadd.s32 v4, v17  }
0x615: {  	v20 =	vld [tilespmem:s0+$0xFFFFFFA0];
	v17 =	vadd.s32 v5, v17;
	_ =	sdelay $0x2  }
0x616: {  	s10 =	simm.s32 $0x1  }
0x617: {  	[tilespmem:v19+s26+$0x0] =	vst.idx.msk $0xffff, v18;
	v18 =	vmov s10  }
0x618: {  	[tilespmem:v17+s26+$0x0] =	vst.idx.msk $0xffff, v20;
	v17 =	vand.u32 $0x7D, v18  }
0x619: {  	v18 =	vld [tilespmem:s0+$0xFFFFFFB0];
	v19 =	vadd.s32 v4, v17  }
0x61a: {  	v20 =	vld [tilespmem:s0+$0xFFFFFFC0];
	v17 =	vadd.s32 v5, v17;
	_ =	sdelay $0x2  }
0x61b: {  	s30 =	simm.s32 $0x2  }
0x61c: {  	[tilespmem:v19+s26+$0x0] =	vst.idx.msk $0xffff, v18;
	v18 =	vmov s30  }
0x61d: {  	[tilespmem:v17+s26+$0x0] =	vst.idx.msk $0xffff, v20;
	v17 =	vand.u32 $0x7E, v18  }
0x61e: {  	v18 =	vld [tilespmem:s0+$0xFFFFFFD0];
	v19 =	vadd.s32 v4, v17  }
0x61f: {  	v20 =	vld [tilespmem:s0+$0xFFFFFFE0];
	v17 =	vadd.s32 v5, v17;
	_ =	sdelay $0x2  }
0x620: {  	s31 =	simm.s32 $0x3  }
0x621: {  	[tilespmem:v19+s26+$0x0] =	vst.idx.msk $0xffff, v18;
	v18 =	vmov s31  }
0x622: {  	[tilespmem:v17+s26+$0x0] =	vst.idx.msk $0xffff, v20;
	v18 =	vand.u32 $0x7F, v18  }
0x623: {  	p3 =	por $0x1, $0x1;
	v20 =	vld [tilespmem:s0+$0xFFFFFFF0];
	v21 =	vadd.s32 v4, v18  }
.Ltmp79:
0x624: {  	_ = 	snop;
	(pc) =	sbr.rel @!p3 .LBB2_105-.Ltmp79, $3  }
0x625: {  	v17 =	vld [tilespmem:s0+$0x0];
	v18 =	vadd.s32 v5, v18;
	_ =	sdelay $0x1  }
0x626: {  	s18 =	simm.s32 $0x8  }
0x627: {  	p2 =	por $0x1, $0x1;
	s16 =	simm.s32 $0x8470;
	s10 =	simm.s32 $0x4;
	v19 =	vmov s9;
	[tilespmem:v21+s26+$0x0] =	vst.idx.msk $0xffff, v20  }
.LBB2_106:
0x628: {  	p3 =	slt.u32 s18, $0x7C  }
0x629: {  	v19 =	vand.u32 $0x7C, v19;
	[tilespmem:v18+s26+$0x0] =	vst.idx.msk $0xffff, v17;
	s16 =	sadd.s32 $0x80, s16;
	s14 =	smov.u32 s18;
	s18 =	sadd.s32 $0x4, s18  }
0x62a: {  	v17 =	vld [tilespmem:s16+$0xFFFFFF90];
	v18 =	vadd.s32 v4, v19  }
0x62b: {  	v19 =	vadd.s32 v5, v19;
	v20 =	vld [tilespmem:s16+$0xFFFFFFA0];
	_ =	sdelay $0x2  }
0x62c: {  	s15 =	sadd.s32 $0x1, s10  }
0x62d: {  	[tilespmem:v18+s26+$0x0] =	vst.idx.msk $0xffff, v17;
	v17 =	vmov s15  }
0x62e: {  	[tilespmem:v19+s26+$0x0] =	vst.idx.msk $0xffff, v20;
	v17 =	vand.u32 $0x7D, v17  }
0x62f: {  	v18 =	vld [tilespmem:s16+$0xFFFFFFB0];
	v19 =	vadd.s32 v4, v17  }
0x630: {  	v17 =	vadd.s32 v5, v17;
	v20 =	vld [tilespmem:s16+$0xFFFFFFC0];
	_ =	sdelay $0x2  }
0x631: {  	s15 =	sadd.s32 $0x2, s10  }
0x632: {  	[tilespmem:v19+s26+$0x0] =	vst.idx.msk $0xffff, v18;
	v18 =	vmov s15  }
0x633: {  	[tilespmem:v17+s26+$0x0] =	vst.idx.msk $0xffff, v20;
	v17 =	vand.u32 $0x7E, v18  }
0x634: {  	v18 =	vld [tilespmem:s16+$0xFFFFFFD0];
	v19 =	vadd.s32 v4, v17  }
0x635: {  	v17 =	vadd.s32 v5, v17;
	v20 =	vld [tilespmem:s16+$0xFFFFFFE0];
	_ =	sdelay $0x2  }
0x636: {  	s15 =	sadd.s32 $0x3, s10;
	s10 =	smov.u32 s14  }
0x637: {  	[tilespmem:v19+s26+$0x0] =	vst.idx.msk $0xffff, v18;
	v18 =	vmov s15  }
0x638: {  	[tilespmem:v17+s26+$0x0] =	vst.idx.msk $0xffff, v20;
	v18 =	vand.u32 $0x7F, v18  }
0x639: {  	v20 =	vld [tilespmem:s16+$0xFFFFFFF0];
	v21 =	vadd.s32 v4, v18  }
.Ltmp80:
0x63a: {  	v18 =	vadd.s32 v5, v18;
	v17 =	vld [tilespmem:s16+$0x0];
	(pc) =	sbr.rel @p3 .LBB2_106-.Ltmp80, $2  }
0x63b: {  	_ =	sdelay $0x2  }
0x63c: {  	v19 =	vmov s10;
	[tilespmem:v21+s26+$0x0] =	vst.idx.msk $0xffff, v20  }
.LBB2_107:
0x63d: {  	_ =	sdelay $0x2  }
0x63e: {  	s14 =	sadd.s32 @p2 $0x80, s16  }
0x63f: {  	v19 =	vand.u32 $0x7C, v19;
	[tilespmem:v18+s26+$0x0] =	vst.idx.msk @p2 $0xffff, v17;
	s0 =	smov.u32 @p2 s14  }
0x640: {  	v18 =	vadd.s32 v4, v19;
	v17 =	vld [tilespmem:s0+$0xFFFFFF90]  }
0x641: {  	v19 =	vadd.s32 v5, v19;
	v20 =	vld [tilespmem:s0+$0xFFFFFFA0];
	_ =	sdelay $0x2  }
0x642: {  	s29 =	sadd.s32 $0x1, s10  }
0x643: {  	[tilespmem:v18+s26+$0x0] =	vst.idx.msk $0xffff, v17;
	v17 =	vmov s29  }
0x644: {  	[tilespmem:v19+s26+$0x0] =	vst.idx.msk $0xffff, v20;
	v17 =	vand.u32 $0x7D, v17  }
0x645: {  	v18 =	vld [tilespmem:s0+$0xFFFFFFB0];
	v19 =	vadd.s32 v4, v17  }
0x646: {  	v20 =	vld [tilespmem:s0+$0xFFFFFFC0];
	v17 =	vadd.s32 v5, v17;
	_ =	sdelay $0x2  }
0x647: {  	s30 =	sadd.s32 $0x2, s10  }
0x648: {  	[tilespmem:v19+s26+$0x0] =	vst.idx.msk $0xffff, v18;
	v18 =	vmov s30  }
0x649: {  	[tilespmem:v17+s26+$0x0] =	vst.idx.msk $0xffff, v20;
	v17 =	vand.u32 $0x7E, v18  }
0x64a: {  	v18 =	vld [tilespmem:s0+$0xFFFFFFD0];
	v19 =	vadd.s32 v4, v17  }
0x64b: {  	v20 =	vld [tilespmem:s0+$0xFFFFFFE0];
	v17 =	vadd.s32 v5, v17;
	_ =	sdelay $0x2  }
0x64c: {  	s31 =	sadd.s32 $0x3, s10  }
0x64d: {  	[tilespmem:v19+s26+$0x0] =	vst.idx.msk $0xffff, v18;
	v18 =	vmov s31  }
0x64e: {  	[tilespmem:v17+s26+$0x0] =	vst.idx.msk $0xffff, v20;
	v17 =	vand.u32 $0x7F, v18  }
0x64f: {  	v18 =	vld [tilespmem:s0+$0xFFFFFFF0];
	v19 =	vadd.s32 v4, v17  }
0x650: {  	v20 =	vld [tilespmem:s0+$0x0];
	v17 =	vadd.s32 v5, v17  }
.Ltmp81:
0x651: {  	_ = 	snop;
	(pc) =	sbr.rel @!p1 .LBB2_108-.Ltmp81, $3  }
0x652: {  	_ =	sdelay $0x1  }
0x653: {  	[tilespmem:v19+s26+$0x0] =	vst.idx.msk $0xffff, v18  }
0x654: {  	s0 =	simm.s32 $0x9470;
	[tilespmem:v17+s26+$0x0] =	vst.idx.msk $0xffff, v20  }
0x655: {  	v16 =	vand.u32 $0x7C, v16  }
0x656: {  	v17 =	vld [tilespmem:s0+$0xFFFFFF90];
	v18 =	vadd.s32 v6, v16  }
0x657: {  	v19 =	vld [tilespmem:s0+$0xFFFFFFA0];
	v16 =	vadd.s32 v7, v16;
	_ =	sdelay $0x2  }
0x658: {  	s1 =	simm.s32 $0x1  }
0x659: {  	[tilespmem:v18+s26+$0x0] =	vst.idx.msk $0xffff, v17;
	v17 =	vmov s1  }
0x65a: {  	[tilespmem:v16+s26+$0x0] =	vst.idx.msk $0xffff, v19;
	v16 =	vand.u32 $0x7D, v17  }
0x65b: {  	v17 =	vld [tilespmem:s0+$0xFFFFFFB0];
	v18 =	vadd.s32 v6, v16  }
0x65c: {  	v19 =	vld [tilespmem:s0+$0xFFFFFFC0];
	v16 =	vadd.s32 v7, v16;
	_ =	sdelay $0x2  }
0x65d: {  	s30 =	simm.s32 $0x2  }
0x65e: {  	[tilespmem:v18+s26+$0x0] =	vst.idx.msk $0xffff, v17;
	v17 =	vmov s30  }
0x65f: {  	[tilespmem:v16+s26+$0x0] =	vst.idx.msk $0xffff, v19;
	v16 =	vand.u32 $0x7E, v17  }
0x660: {  	v17 =	vld [tilespmem:s0+$0xFFFFFFD0];
	v18 =	vadd.s32 v6, v16  }
0x661: {  	v19 =	vld [tilespmem:s0+$0xFFFFFFE0];
	v16 =	vadd.s32 v7, v16;
	_ =	sdelay $0x2  }
0x662: {  	s31 =	simm.s32 $0x3  }
0x663: {  	[tilespmem:v18+s26+$0x0] =	vst.idx.msk $0xffff, v17;
	v17 =	vmov s31  }
0x664: {  	[tilespmem:v16+s26+$0x0] =	vst.idx.msk $0xffff, v19;
	v16 =	vand.u32 $0x7F, v17  }
0x665: {  	p1 =	por $0x1, $0x1;
	v19 =	vld [tilespmem:s0+$0xFFFFFFF0];
	v20 =	vadd.s32 v6, v16  }
.Ltmp82:
0x666: {  	_ = 	snop;
	(pc) =	sbr.rel @!p1 .LBB2_110-.Ltmp82, $2  }
0x667: {  	v17 =	vld [tilespmem:s0+$0x0];
	v18 =	vadd.s32 v7, v16;
	_ =	sdelay $0x2  }
0x668: {  	p0 =	por $0x1, $0x1;
	s10 =	simm.s32 $0x9470;
	s1 =	simm.s32 $0x8;
	v16 =	vmov s9;
	[tilespmem:v20+s26+$0x0] =	vst.idx.msk $0xffff, v19  }
.LBB2_111:
0x669: {  	p1 =	slt.u32 s1, $0x7C  }
0x66a: {  	v16 =	vand.u32 $0x7C, v16;
	[tilespmem:v18+s26+$0x0] =	vst.idx.msk $0xffff, v17;
	s10 =	sadd.s32 $0x80, s10;
	s14 =	smov.u32 s1;
	s1 =	sadd.s32 $0x4, s1  }
0x66b: {  	v17 =	vld [tilespmem:s10+$0xFFFFFF90];
	v18 =	vadd.s32 v6, v16  }
0x66c: {  	v16 =	vadd.s32 v7, v16;
	v19 =	vld [tilespmem:s10+$0xFFFFFFA0];
	_ =	sdelay $0x2  }
0x66d: {  	s15 =	sadd.s32 $0x1, s9  }
0x66e: {  	[tilespmem:v18+s26+$0x0] =	vst.idx.msk $0xffff, v17;
	v17 =	vmov s15  }
0x66f: {  	[tilespmem:v16+s26+$0x0] =	vst.idx.msk $0xffff, v19;
	v16 =	vand.u32 $0x7D, v17  }
0x670: {  	v17 =	vld [tilespmem:s10+$0xFFFFFFB0];
	v18 =	vadd.s32 v6, v16  }
0x671: {  	v16 =	vadd.s32 v7, v16;
	v19 =	vld [tilespmem:s10+$0xFFFFFFC0];
	_ =	sdelay $0x2  }
0x672: {  	s15 =	sadd.s32 $0x2, s9  }
0x673: {  	[tilespmem:v18+s26+$0x0] =	vst.idx.msk $0xffff, v17;
	v17 =	vmov s15  }
0x674: {  	[tilespmem:v16+s26+$0x0] =	vst.idx.msk $0xffff, v19;
	v16 =	vand.u32 $0x7E, v17  }
0x675: {  	v17 =	vld [tilespmem:s10+$0xFFFFFFD0];
	v18 =	vadd.s32 v6, v16  }
0x676: {  	v16 =	vadd.s32 v7, v16;
	v19 =	vld [tilespmem:s10+$0xFFFFFFE0];
	_ =	sdelay $0x2  }
0x677: {  	s15 =	sadd.s32 $0x3, s9;
	s9 =	smov.u32 s14  }
0x678: {  	[tilespmem:v18+s26+$0x0] =	vst.idx.msk $0xffff, v17;
	v17 =	vmov s15  }
0x679: {  	[tilespmem:v16+s26+$0x0] =	vst.idx.msk $0xffff, v19;
	v16 =	vand.u32 $0x7F, v17  }
0x67a: {  	v19 =	vld [tilespmem:s10+$0xFFFFFFF0];
	v20 =	vadd.s32 v6, v16  }
.Ltmp83:
0x67b: {  	v18 =	vadd.s32 v7, v16;
	v17 =	vld [tilespmem:s10+$0x0];
	(pc) =	sbr.rel @p1 .LBB2_111-.Ltmp83, $2  }
0x67c: {  	_ =	sdelay $0x2  }
0x67d: {  	v16 =	vmov s9;
	[tilespmem:v20+s26+$0x0] =	vst.idx.msk $0xffff, v19  }
0x67e: {  	s1 =	smov.u32 s9  }
.LBB2_113:
0x67f: {  	_ =	sdelay $0x2  }
0x680: {  	s9 =	sadd.s32 @p0 $0x80, s10  }
0x681: {  	v16 =	vand.u32 $0x7C, v16;
	[tilespmem:v18+s26+$0x0] =	vst.idx.msk @p0 $0xffff, v17;
	s0 =	smov.u32 @p0 s9  }
0x682: {  	v18 =	vadd.s32 v6, v16;
	v17 =	vld [tilespmem:s0+$0xFFFFFF90]  }
0x683: {  	v16 =	vadd.s32 v7, v16;
	v19 =	vld [tilespmem:s0+$0xFFFFFFA0];
	_ =	sdelay $0x2  }
0x684: {  	s29 =	sadd.s32 $0x1, s1  }
0x685: {  	[tilespmem:v18+s26+$0x0] =	vst.idx.msk $0xffff, v17;
	v17 =	vmov s29  }
0x686: {  	[tilespmem:v16+s26+$0x0] =	vst.idx.msk $0xffff, v19;
	v16 =	vand.u32 $0x7D, v17  }
0x687: {  	v17 =	vld [tilespmem:s0+$0xFFFFFFB0];
	v18 =	vadd.s32 v6, v16  }
0x688: {  	v19 =	vld [tilespmem:s0+$0xFFFFFFC0];
	v16 =	vadd.s32 v7, v16;
	_ =	sdelay $0x2  }
0x689: {  	s30 =	sadd.s32 $0x2, s1  }
0x68a: {  	[tilespmem:v18+s26+$0x0] =	vst.idx.msk $0xffff, v17;
	v17 =	vmov s30  }
0x68b: {  	[tilespmem:v16+s26+$0x0] =	vst.idx.msk $0xffff, v19;
	v16 =	vand.u32 $0x7E, v17  }
0x68c: {  	v17 =	vld [tilespmem:s0+$0xFFFFFFD0];
	v18 =	vadd.s32 v6, v16  }
0x68d: {  	v19 =	vld [tilespmem:s0+$0xFFFFFFE0];
	v16 =	vadd.s32 v7, v16;
	_ =	sdelay $0x2  }
0x68e: {  	s31 =	sadd.s32 $0x3, s1  }
0x68f: {  	[tilespmem:v18+s26+$0x0] =	vst.idx.msk $0xffff, v17;
	v17 =	vmov s31  }
0x690: {  	[tilespmem:v16+s26+$0x0] =	vst.idx.msk $0xffff, v19;
	v16 =	vand.u32 $0x7F, v17  }
0x691: {  	v17 =	vld [tilespmem:s0+$0xFFFFFFF0];
	v18 =	vadd.s32 v6, v16  }
0x692: {  	p1 =	por $0x1, $0x1;
	v19 =	vld [tilespmem:s0+$0x0];
	v20 =	vadd.s32 v7, v16  }
.Ltmp84:
0x693: {  	_ = 	snop;
	(pc) =	sbr.rel @!p1 .LBB2_117-.Ltmp84, $4  }
0x694: {  	_ = 	snop  }
0x695: {  	s1 =	simm.s32 $0x0  }
0x696: {  	s16 =	simm.s32 $0xA400;
	s10 =	simm.s32 $0x0;
	p2 =	por $0x0, $0x0;
	v16 =	vmov s1;
	[tilespmem:v18+s26+$0x0] =	vst.idx.msk $0xffff, v17  }
0x697: {  	s9 =	simm.s32 $0x4;
	p0 =	por $0x0, $0x0;
	s0 =	simm.s32 $0xA400;
	[tilespmem:v20+s26+$0x0] =	vst.idx.msk $0xffff, v19;
	v19 =	vmov v16  }
0x698: {  	v17 =	vand.u32 $0x7C, v16  }
0x699: {  	v18 =	vld [tilespmem:s0+$0x0];
	v19 =	vadd.s32 v8, v17  }
0x69a: {  	v20 =	vld [tilespmem:s0+$0x10];
	v17 =	vadd.s32 v9, v17;
	_ =	sdelay $0x2  }
0x69b: {  	s10 =	simm.s32 $0x1  }
0x69c: {  	[tilespmem:v19+s26+$0x0] =	vst.idx.msk $0xffff, v18;
	v18 =	vmov s10  }
0x69d: {  	[tilespmem:v17+s26+$0x0] =	vst.idx.msk $0xffff, v20;
	v17 =	vand.u32 $0x7D, v18  }
0x69e: {  	v18 =	vld [tilespmem:s0+$0x20];
	v19 =	vadd.s32 v8, v17  }
0x69f: {  	v20 =	vld [tilespmem:s0+$0x30];
	v17 =	vadd.s32 v9, v17;
	_ =	sdelay $0x2  }
0x6a0: {  	s30 =	simm.s32 $0x2  }
0x6a1: {  	[tilespmem:v19+s26+$0x0] =	vst.idx.msk $0xffff, v18;
	v18 =	vmov s30  }
0x6a2: {  	[tilespmem:v17+s26+$0x0] =	vst.idx.msk $0xffff, v20;
	v17 =	vand.u32 $0x7E, v18  }
0x6a3: {  	v18 =	vld [tilespmem:s0+$0x40];
	v19 =	vadd.s32 v8, v17  }
0x6a4: {  	v20 =	vld [tilespmem:s0+$0x50];
	v17 =	vadd.s32 v9, v17;
	_ =	sdelay $0x2  }
0x6a5: {  	s31 =	simm.s32 $0x3  }
0x6a6: {  	[tilespmem:v19+s26+$0x0] =	vst.idx.msk $0xffff, v18;
	v18 =	vmov s31  }
0x6a7: {  	[tilespmem:v17+s26+$0x0] =	vst.idx.msk $0xffff, v20;
	v18 =	vand.u32 $0x7F, v18  }
0x6a8: {  	p3 =	por $0x1, $0x1;
	v20 =	vld [tilespmem:s0+$0x60];
	v21 =	vadd.s32 v8, v18  }
.Ltmp85:
0x6a9: {  	_ = 	snop;
	(pc) =	sbr.rel @!p3 .LBB2_115-.Ltmp85, $3  }
0x6aa: {  	v17 =	vld [tilespmem:s0+$0x70];
	v18 =	vadd.s32 v9, v18;
	_ =	sdelay $0x1  }
0x6ab: {  	s18 =	simm.s32 $0x8  }
0x6ac: {  	p2 =	por $0x1, $0x1;
	s16 =	simm.s32 $0xA400;
	s10 =	simm.s32 $0x4;
	v19 =	vmov s9;
	[tilespmem:v21+s26+$0x0] =	vst.idx.msk $0xffff, v20  }
.LBB2_116:
0x6ad: {  	p3 =	slt.u32 s18, $0x7C  }
0x6ae: {  	v19 =	vand.u32 $0x7C, v19;
	[tilespmem:v18+s26+$0x0] =	vst.idx.msk $0xffff, v17;
	s16 =	sadd.s32 $0x80, s16;
	s14 =	smov.u32 s18;
	s18 =	sadd.s32 $0x4, s18  }
0x6af: {  	v17 =	vld [tilespmem:s16+$0x0];
	v18 =	vadd.s32 v8, v19  }
0x6b0: {  	v19 =	vadd.s32 v9, v19;
	v20 =	vld [tilespmem:s16+$0x10];
	_ =	sdelay $0x2  }
0x6b1: {  	s15 =	sadd.s32 $0x1, s10  }
0x6b2: {  	[tilespmem:v18+s26+$0x0] =	vst.idx.msk $0xffff, v17;
	v17 =	vmov s15  }
0x6b3: {  	[tilespmem:v19+s26+$0x0] =	vst.idx.msk $0xffff, v20;
	v17 =	vand.u32 $0x7D, v17  }
0x6b4: {  	v18 =	vld [tilespmem:s16+$0x20];
	v19 =	vadd.s32 v8, v17  }
0x6b5: {  	v17 =	vadd.s32 v9, v17;
	v20 =	vld [tilespmem:s16+$0x30];
	_ =	sdelay $0x2  }
0x6b6: {  	s15 =	sadd.s32 $0x2, s10  }
0x6b7: {  	[tilespmem:v19+s26+$0x0] =	vst.idx.msk $0xffff, v18;
	v18 =	vmov s15  }
0x6b8: {  	[tilespmem:v17+s26+$0x0] =	vst.idx.msk $0xffff, v20;
	v17 =	vand.u32 $0x7E, v18  }
0x6b9: {  	v18 =	vld [tilespmem:s16+$0x40];
	v19 =	vadd.s32 v8, v17  }
0x6ba: {  	v17 =	vadd.s32 v9, v17;
	v20 =	vld [tilespmem:s16+$0x50];
	_ =	sdelay $0x2  }
0x6bb: {  	s15 =	sadd.s32 $0x3, s10;
	s10 =	smov.u32 s14  }
0x6bc: {  	[tilespmem:v19+s26+$0x0] =	vst.idx.msk $0xffff, v18;
	v18 =	vmov s15  }
0x6bd: {  	[tilespmem:v17+s26+$0x0] =	vst.idx.msk $0xffff, v20;
	v18 =	vand.u32 $0x7F, v18  }
0x6be: {  	v20 =	vld [tilespmem:s16+$0x60];
	v21 =	vadd.s32 v8, v18  }
.Ltmp86:
0x6bf: {  	v18 =	vadd.s32 v9, v18;
	v17 =	vld [tilespmem:s16+$0x70];
	(pc) =	sbr.rel @p3 .LBB2_116-.Ltmp86, $2  }
0x6c0: {  	_ =	sdelay $0x2  }
0x6c1: {  	v19 =	vmov s10;
	[tilespmem:v21+s26+$0x0] =	vst.idx.msk $0xffff, v20  }
.LBB2_117:
0x6c2: {  	_ =	sdelay $0x2  }
0x6c3: {  	s14 =	sadd.s32 @p2 $0x80, s16  }
0x6c4: {  	v19 =	vand.u32 $0x7C, v19;
	[tilespmem:v18+s26+$0x0] =	vst.idx.msk @p2 $0xffff, v17;
	s0 =	smov.u32 @p2 s14  }
0x6c5: {  	v18 =	vadd.s32 v8, v19;
	v17 =	vld [tilespmem:s0+$0x0]  }
0x6c6: {  	v19 =	vadd.s32 v9, v19;
	v20 =	vld [tilespmem:s0+$0x10];
	_ =	sdelay $0x2  }
0x6c7: {  	s29 =	sadd.s32 $0x1, s10  }
0x6c8: {  	[tilespmem:v18+s26+$0x0] =	vst.idx.msk $0xffff, v17;
	v17 =	vmov s29  }
0x6c9: {  	[tilespmem:v19+s26+$0x0] =	vst.idx.msk $0xffff, v20;
	v17 =	vand.u32 $0x7D, v17  }
0x6ca: {  	v18 =	vld [tilespmem:s0+$0x20];
	v19 =	vadd.s32 v8, v17  }
0x6cb: {  	v20 =	vld [tilespmem:s0+$0x30];
	v17 =	vadd.s32 v9, v17;
	_ =	sdelay $0x2  }
0x6cc: {  	s30 =	sadd.s32 $0x2, s10  }
0x6cd: {  	[tilespmem:v19+s26+$0x0] =	vst.idx.msk $0xffff, v18;
	v18 =	vmov s30  }
0x6ce: {  	[tilespmem:v17+s26+$0x0] =	vst.idx.msk $0xffff, v20;
	v17 =	vand.u32 $0x7E, v18  }
0x6cf: {  	v18 =	vld [tilespmem:s0+$0x40];
	v19 =	vadd.s32 v8, v17  }
0x6d0: {  	v20 =	vld [tilespmem:s0+$0x50];
	v17 =	vadd.s32 v9, v17;
	_ =	sdelay $0x2  }
0x6d1: {  	s31 =	sadd.s32 $0x3, s10  }
0x6d2: {  	[tilespmem:v19+s26+$0x0] =	vst.idx.msk $0xffff, v18;
	v18 =	vmov s31  }
0x6d3: {  	[tilespmem:v17+s26+$0x0] =	vst.idx.msk $0xffff, v20;
	v17 =	vand.u32 $0x7F, v18  }
0x6d4: {  	v18 =	vld [tilespmem:s0+$0x60];
	v19 =	vadd.s32 v8, v17  }
0x6d5: {  	v20 =	vld [tilespmem:s0+$0x70];
	v17 =	vadd.s32 v9, v17  }
.Ltmp87:
0x6d6: {  	_ = 	snop;
	(pc) =	sbr.rel @!p1 .LBB2_118-.Ltmp87, $3  }
0x6d7: {  	_ =	sdelay $0x1  }
0x6d8: {  	[tilespmem:v19+s26+$0x0] =	vst.idx.msk $0xffff, v18  }
0x6d9: {  	s0 =	simm.s32 $0xB400;
	[tilespmem:v17+s26+$0x0] =	vst.idx.msk $0xffff, v20  }
0x6da: {  	v16 =	vand.u32 $0x7C, v16  }
0x6db: {  	v17 =	vld [tilespmem:s0+$0x0];
	v18 =	vadd.s32 v10, v16  }
0x6dc: {  	v19 =	vld [tilespmem:s0+$0x10];
	v16 =	vadd.s32 v11, v16;
	_ =	sdelay $0x2  }
0x6dd: {  	s1 =	simm.s32 $0x1  }
0x6de: {  	[tilespmem:v18+s26+$0x0] =	vst.idx.msk $0xffff, v17;
	v17 =	vmov s1  }
0x6df: {  	[tilespmem:v16+s26+$0x0] =	vst.idx.msk $0xffff, v19;
	v16 =	vand.u32 $0x7D, v17  }
0x6e0: {  	v17 =	vld [tilespmem:s0+$0x20];
	v18 =	vadd.s32 v10, v16  }
0x6e1: {  	v19 =	vld [tilespmem:s0+$0x30];
	v16 =	vadd.s32 v11, v16;
	_ =	sdelay $0x2  }
0x6e2: {  	s30 =	simm.s32 $0x2  }
0x6e3: {  	[tilespmem:v18+s26+$0x0] =	vst.idx.msk $0xffff, v17;
	v17 =	vmov s30  }
0x6e4: {  	[tilespmem:v16+s26+$0x0] =	vst.idx.msk $0xffff, v19;
	v16 =	vand.u32 $0x7E, v17  }
0x6e5: {  	v17 =	vld [tilespmem:s0+$0x40];
	v18 =	vadd.s32 v10, v16  }
0x6e6: {  	v19 =	vld [tilespmem:s0+$0x50];
	v16 =	vadd.s32 v11, v16;
	_ =	sdelay $0x2  }
0x6e7: {  	s31 =	simm.s32 $0x3  }
0x6e8: {  	[tilespmem:v18+s26+$0x0] =	vst.idx.msk $0xffff, v17;
	v17 =	vmov s31  }
0x6e9: {  	[tilespmem:v16+s26+$0x0] =	vst.idx.msk $0xffff, v19;
	v16 =	vand.u32 $0x7F, v17  }
0x6ea: {  	p1 =	por $0x1, $0x1;
	v19 =	vld [tilespmem:s0+$0x60];
	v20 =	vadd.s32 v10, v16  }
.Ltmp88:
0x6eb: {  	_ = 	snop;
	(pc) =	sbr.rel @!p1 .LBB2_120-.Ltmp88, $2  }
0x6ec: {  	v17 =	vld [tilespmem:s0+$0x70];
	v18 =	vadd.s32 v11, v16;
	_ =	sdelay $0x2  }
0x6ed: {  	p0 =	por $0x1, $0x1;
	s10 =	simm.s32 $0xB400;
	s1 =	simm.s32 $0x8;
	v16 =	vmov s9;
	[tilespmem:v20+s26+$0x0] =	vst.idx.msk $0xffff, v19  }
.LBB2_121:
0x6ee: {  	p1 =	slt.u32 s1, $0x7C  }
0x6ef: {  	v16 =	vand.u32 $0x7C, v16;
	[tilespmem:v18+s26+$0x0] =	vst.idx.msk $0xffff, v17;
	s10 =	sadd.s32 $0x80, s10;
	s14 =	smov.u32 s1;
	s1 =	sadd.s32 $0x4, s1  }
0x6f0: {  	v17 =	vld [tilespmem:s10+$0x0];
	v18 =	vadd.s32 v10, v16  }
0x6f1: {  	v16 =	vadd.s32 v11, v16;
	v19 =	vld [tilespmem:s10+$0x10];
	_ =	sdelay $0x2  }
0x6f2: {  	s15 =	sadd.s32 $0x1, s9  }
0x6f3: {  	[tilespmem:v18+s26+$0x0] =	vst.idx.msk $0xffff, v17;
	v17 =	vmov s15  }
0x6f4: {  	[tilespmem:v16+s26+$0x0] =	vst.idx.msk $0xffff, v19;
	v16 =	vand.u32 $0x7D, v17  }
0x6f5: {  	v17 =	vld [tilespmem:s10+$0x20];
	v18 =	vadd.s32 v10, v16  }
0x6f6: {  	v16 =	vadd.s32 v11, v16;
	v19 =	vld [tilespmem:s10+$0x30];
	_ =	sdelay $0x2  }
0x6f7: {  	s15 =	sadd.s32 $0x2, s9  }
0x6f8: {  	[tilespmem:v18+s26+$0x0] =	vst.idx.msk $0xffff, v17;
	v17 =	vmov s15  }
0x6f9: {  	[tilespmem:v16+s26+$0x0] =	vst.idx.msk $0xffff, v19;
	v16 =	vand.u32 $0x7E, v17  }
0x6fa: {  	v17 =	vld [tilespmem:s10+$0x40];
	v18 =	vadd.s32 v10, v16  }
0x6fb: {  	v16 =	vadd.s32 v11, v16;
	v19 =	vld [tilespmem:s10+$0x50];
	_ =	sdelay $0x2  }
0x6fc: {  	s15 =	sadd.s32 $0x3, s9;
	s9 =	smov.u32 s14  }
0x6fd: {  	[tilespmem:v18+s26+$0x0] =	vst.idx.msk $0xffff, v17;
	v17 =	vmov s15  }
0x6fe: {  	[tilespmem:v16+s26+$0x0] =	vst.idx.msk $0xffff, v19;
	v16 =	vand.u32 $0x7F, v17  }
0x6ff: {  	v19 =	vld [tilespmem:s10+$0x60];
	v20 =	vadd.s32 v10, v16  }
.Ltmp89:
0x700: {  	v18 =	vadd.s32 v11, v16;
	v17 =	vld [tilespmem:s10+$0x70];
	(pc) =	sbr.rel @p1 .LBB2_121-.Ltmp89, $2  }
0x701: {  	_ =	sdelay $0x2  }
0x702: {  	v16 =	vmov s9;
	[tilespmem:v20+s26+$0x0] =	vst.idx.msk $0xffff, v19  }
0x703: {  	s1 =	smov.u32 s9  }
.LBB2_123:
0x704: {  	_ =	sdelay $0x2  }
0x705: {  	s9 =	sadd.s32 @p0 $0x80, s10  }
0x706: {  	v16 =	vand.u32 $0x7C, v16;
	[tilespmem:v18+s26+$0x0] =	vst.idx.msk @p0 $0xffff, v17;
	s0 =	smov.u32 @p0 s9  }
0x707: {  	v18 =	vadd.s32 v10, v16;
	v17 =	vld [tilespmem:s0+$0x0]  }
0x708: {  	v16 =	vadd.s32 v11, v16;
	v19 =	vld [tilespmem:s0+$0x10];
	_ =	sdelay $0x2  }
0x709: {  	s29 =	sadd.s32 $0x1, s1  }
0x70a: {  	[tilespmem:v18+s26+$0x0] =	vst.idx.msk $0xffff, v17;
	v17 =	vmov s29  }
0x70b: {  	[tilespmem:v16+s26+$0x0] =	vst.idx.msk $0xffff, v19;
	v16 =	vand.u32 $0x7D, v17  }
0x70c: {  	v17 =	vld [tilespmem:s0+$0x20];
	v18 =	vadd.s32 v10, v16  }
0x70d: {  	v19 =	vld [tilespmem:s0+$0x30];
	v16 =	vadd.s32 v11, v16;
	_ =	sdelay $0x2  }
0x70e: {  	s30 =	sadd.s32 $0x2, s1  }
0x70f: {  	[tilespmem:v18+s26+$0x0] =	vst.idx.msk $0xffff, v17;
	v17 =	vmov s30  }
0x710: {  	[tilespmem:v16+s26+$0x0] =	vst.idx.msk $0xffff, v19;
	v16 =	vand.u32 $0x7E, v17  }
0x711: {  	v17 =	vld [tilespmem:s0+$0x40];
	v18 =	vadd.s32 v10, v16  }
0x712: {  	v19 =	vld [tilespmem:s0+$0x50];
	v16 =	vadd.s32 v11, v16;
	_ =	sdelay $0x2  }
0x713: {  	s31 =	sadd.s32 $0x3, s1  }
0x714: {  	[tilespmem:v18+s26+$0x0] =	vst.idx.msk $0xffff, v17;
	v17 =	vmov s31  }
0x715: {  	[tilespmem:v16+s26+$0x0] =	vst.idx.msk $0xffff, v19;
	v16 =	vand.u32 $0x7F, v17  }
0x716: {  	v17 =	vld [tilespmem:s0+$0x60];
	v18 =	vadd.s32 v10, v16  }
0x717: {  	p1 =	por $0x1, $0x1;
	v19 =	vld [tilespmem:s0+$0x70];
	v20 =	vadd.s32 v11, v16  }
.Ltmp90:
0x718: {  	_ = 	snop;
	(pc) =	sbr.rel @!p1 .LBB2_127-.Ltmp90, $4  }
0x719: {  	_ = 	snop  }
0x71a: {  	s1 =	simm.s32 $0x0  }
0x71b: {  	s16 =	simm.s32 $0xC400;
	s10 =	simm.s32 $0x0;
	p2 =	por $0x0, $0x0;
	v16 =	vmov s1;
	[tilespmem:v18+s26+$0x0] =	vst.idx.msk $0xffff, v17  }
0x71c: {  	s9 =	simm.s32 $0x4;
	p0 =	por $0x0, $0x0;
	s0 =	simm.s32 $0xC400;
	[tilespmem:v20+s26+$0x0] =	vst.idx.msk $0xffff, v19;
	v19 =	vmov v16  }
0x71d: {  	v17 =	vand.u32 $0x7C, v16  }
0x71e: {  	v18 =	vld [tilespmem:s0+$0x0];
	v19 =	vadd.s32 v12, v17  }
0x71f: {  	v20 =	vld [tilespmem:s0+$0x10];
	v17 =	vadd.s32 v13, v17;
	_ =	sdelay $0x2  }
0x720: {  	s10 =	simm.s32 $0x1  }
0x721: {  	[tilespmem:v19+s26+$0x0] =	vst.idx.msk $0xffff, v18;
	v18 =	vmov s10  }
0x722: {  	[tilespmem:v17+s26+$0x0] =	vst.idx.msk $0xffff, v20;
	v17 =	vand.u32 $0x7D, v18  }
0x723: {  	v18 =	vld [tilespmem:s0+$0x20];
	v19 =	vadd.s32 v12, v17  }
0x724: {  	v20 =	vld [tilespmem:s0+$0x30];
	v17 =	vadd.s32 v13, v17;
	_ =	sdelay $0x2  }
0x725: {  	s30 =	simm.s32 $0x2  }
0x726: {  	[tilespmem:v19+s26+$0x0] =	vst.idx.msk $0xffff, v18;
	v18 =	vmov s30  }
0x727: {  	[tilespmem:v17+s26+$0x0] =	vst.idx.msk $0xffff, v20;
	v17 =	vand.u32 $0x7E, v18  }
0x728: {  	v18 =	vld [tilespmem:s0+$0x40];
	v19 =	vadd.s32 v12, v17  }
0x729: {  	v20 =	vld [tilespmem:s0+$0x50];
	v17 =	vadd.s32 v13, v17;
	_ =	sdelay $0x2  }
0x72a: {  	s31 =	simm.s32 $0x3  }
0x72b: {  	[tilespmem:v19+s26+$0x0] =	vst.idx.msk $0xffff, v18;
	v18 =	vmov s31  }
0x72c: {  	[tilespmem:v17+s26+$0x0] =	vst.idx.msk $0xffff, v20;
	v18 =	vand.u32 $0x7F, v18  }
0x72d: {  	p3 =	por $0x1, $0x1;
	v20 =	vld [tilespmem:s0+$0x60];
	v21 =	vadd.s32 v12, v18  }
.Ltmp91:
0x72e: {  	_ = 	snop;
	(pc) =	sbr.rel @!p3 .LBB2_125-.Ltmp91, $3  }
0x72f: {  	v17 =	vld [tilespmem:s0+$0x70];
	v18 =	vadd.s32 v13, v18;
	_ =	sdelay $0x1  }
0x730: {  	s18 =	simm.s32 $0x8  }
0x731: {  	p2 =	por $0x1, $0x1;
	s16 =	simm.s32 $0xC400;
	s10 =	simm.s32 $0x4;
	v19 =	vmov s9;
	[tilespmem:v21+s26+$0x0] =	vst.idx.msk $0xffff, v20  }
.LBB2_126:
0x732: {  	p3 =	slt.u32 s18, $0x7C  }
0x733: {  	v19 =	vand.u32 $0x7C, v19;
	[tilespmem:v18+s26+$0x0] =	vst.idx.msk $0xffff, v17;
	s16 =	sadd.s32 $0x80, s16;
	s14 =	smov.u32 s18;
	s18 =	sadd.s32 $0x4, s18  }
0x734: {  	v17 =	vld [tilespmem:s16+$0x0];
	v18 =	vadd.s32 v12, v19  }
0x735: {  	v19 =	vadd.s32 v13, v19;
	v20 =	vld [tilespmem:s16+$0x10];
	_ =	sdelay $0x2  }
0x736: {  	s15 =	sadd.s32 $0x1, s10  }
0x737: {  	[tilespmem:v18+s26+$0x0] =	vst.idx.msk $0xffff, v17;
	v17 =	vmov s15  }
0x738: {  	[tilespmem:v19+s26+$0x0] =	vst.idx.msk $0xffff, v20;
	v17 =	vand.u32 $0x7D, v17  }
0x739: {  	v18 =	vld [tilespmem:s16+$0x20];
	v19 =	vadd.s32 v12, v17  }
0x73a: {  	v17 =	vadd.s32 v13, v17;
	v20 =	vld [tilespmem:s16+$0x30];
	_ =	sdelay $0x2  }
0x73b: {  	s15 =	sadd.s32 $0x2, s10  }
0x73c: {  	[tilespmem:v19+s26+$0x0] =	vst.idx.msk $0xffff, v18;
	v18 =	vmov s15  }
0x73d: {  	[tilespmem:v17+s26+$0x0] =	vst.idx.msk $0xffff, v20;
	v17 =	vand.u32 $0x7E, v18  }
0x73e: {  	v18 =	vld [tilespmem:s16+$0x40];
	v19 =	vadd.s32 v12, v17  }
0x73f: {  	v17 =	vadd.s32 v13, v17;
	v20 =	vld [tilespmem:s16+$0x50];
	_ =	sdelay $0x2  }
0x740: {  	s15 =	sadd.s32 $0x3, s10;
	s10 =	smov.u32 s14  }
0x741: {  	[tilespmem:v19+s26+$0x0] =	vst.idx.msk $0xffff, v18;
	v18 =	vmov s15  }
0x742: {  	[tilespmem:v17+s26+$0x0] =	vst.idx.msk $0xffff, v20;
	v18 =	vand.u32 $0x7F, v18  }
0x743: {  	v20 =	vld [tilespmem:s16+$0x60];
	v21 =	vadd.s32 v12, v18  }
.Ltmp92:
0x744: {  	v18 =	vadd.s32 v13, v18;
	v17 =	vld [tilespmem:s16+$0x70];
	(pc) =	sbr.rel @p3 .LBB2_126-.Ltmp92, $2  }
0x745: {  	_ =	sdelay $0x2  }
0x746: {  	v19 =	vmov s10;
	[tilespmem:v21+s26+$0x0] =	vst.idx.msk $0xffff, v20  }
.LBB2_127:
0x747: {  	_ =	sdelay $0x2  }
0x748: {  	s14 =	sadd.s32 @p2 $0x80, s16  }
0x749: {  	v19 =	vand.u32 $0x7C, v19;
	[tilespmem:v18+s26+$0x0] =	vst.idx.msk @p2 $0xffff, v17;
	s0 =	smov.u32 @p2 s14  }
0x74a: {  	v18 =	vadd.s32 v12, v19;
	v17 =	vld [tilespmem:s0+$0x0]  }
0x74b: {  	v19 =	vadd.s32 v13, v19;
	v20 =	vld [tilespmem:s0+$0x10];
	_ =	sdelay $0x2  }
0x74c: {  	s29 =	sadd.s32 $0x1, s10  }
0x74d: {  	[tilespmem:v18+s26+$0x0] =	vst.idx.msk $0xffff, v17;
	v17 =	vmov s29  }
0x74e: {  	[tilespmem:v19+s26+$0x0] =	vst.idx.msk $0xffff, v20;
	v17 =	vand.u32 $0x7D, v17  }
0x74f: {  	v18 =	vld [tilespmem:s0+$0x20];
	v19 =	vadd.s32 v12, v17  }
0x750: {  	v20 =	vld [tilespmem:s0+$0x30];
	v17 =	vadd.s32 v13, v17;
	_ =	sdelay $0x2  }
0x751: {  	s30 =	sadd.s32 $0x2, s10  }
0x752: {  	[tilespmem:v19+s26+$0x0] =	vst.idx.msk $0xffff, v18;
	v18 =	vmov s30  }
0x753: {  	[tilespmem:v17+s26+$0x0] =	vst.idx.msk $0xffff, v20;
	v17 =	vand.u32 $0x7E, v18  }
0x754: {  	v18 =	vld [tilespmem:s0+$0x40];
	v19 =	vadd.s32 v12, v17  }
0x755: {  	v20 =	vld [tilespmem:s0+$0x50];
	v17 =	vadd.s32 v13, v17;
	_ =	sdelay $0x2  }
0x756: {  	s31 =	sadd.s32 $0x3, s10  }
0x757: {  	[tilespmem:v19+s26+$0x0] =	vst.idx.msk $0xffff, v18;
	v18 =	vmov s31  }
0x758: {  	[tilespmem:v17+s26+$0x0] =	vst.idx.msk $0xffff, v20;
	v17 =	vand.u32 $0x7F, v18  }
0x759: {  	v18 =	vld [tilespmem:s0+$0x60];
	v19 =	vadd.s32 v12, v17  }
0x75a: {  	v20 =	vld [tilespmem:s0+$0x70];
	v17 =	vadd.s32 v13, v17  }
.Ltmp93:
0x75b: {  	_ = 	snop;
	(pc) =	sbr.rel @!p1 .LBB2_128-.Ltmp93, $3  }
0x75c: {  	_ =	sdelay $0x1  }
0x75d: {  	[tilespmem:v19+s26+$0x0] =	vst.idx.msk $0xffff, v18  }
0x75e: {  	s0 =	simm.s32 $0xD400;
	[tilespmem:v17+s26+$0x0] =	vst.idx.msk $0xffff, v20  }
0x75f: {  	v16 =	vand.u32 $0x7C, v16  }
0x760: {  	v17 =	vld [tilespmem:s0+$0x0];
	v18 =	vadd.s32 v14, v16  }
0x761: {  	v19 =	vld [tilespmem:s0+$0x10];
	v16 =	vadd.s32 v15, v16;
	_ =	sdelay $0x2  }
0x762: {  	s1 =	simm.s32 $0x1  }
0x763: {  	[tilespmem:v18+s26+$0x0] =	vst.idx.msk $0xffff, v17;
	v17 =	vmov s1  }
0x764: {  	[tilespmem:v16+s26+$0x0] =	vst.idx.msk $0xffff, v19;
	v16 =	vand.u32 $0x7D, v17  }
0x765: {  	v17 =	vld [tilespmem:s0+$0x20];
	v18 =	vadd.s32 v14, v16  }
0x766: {  	v19 =	vld [tilespmem:s0+$0x30];
	v16 =	vadd.s32 v15, v16;
	_ =	sdelay $0x2  }
0x767: {  	s30 =	simm.s32 $0x2  }
0x768: {  	[tilespmem:v18+s26+$0x0] =	vst.idx.msk $0xffff, v17;
	v17 =	vmov s30  }
0x769: {  	[tilespmem:v16+s26+$0x0] =	vst.idx.msk $0xffff, v19;
	v16 =	vand.u32 $0x7E, v17  }
0x76a: {  	v17 =	vld [tilespmem:s0+$0x40];
	v18 =	vadd.s32 v14, v16  }
0x76b: {  	v19 =	vld [tilespmem:s0+$0x50];
	v16 =	vadd.s32 v15, v16;
	_ =	sdelay $0x2  }
0x76c: {  	s31 =	simm.s32 $0x3  }
0x76d: {  	[tilespmem:v18+s26+$0x0] =	vst.idx.msk $0xffff, v17;
	v17 =	vmov s31  }
0x76e: {  	[tilespmem:v16+s26+$0x0] =	vst.idx.msk $0xffff, v19;
	v16 =	vand.u32 $0x7F, v17  }
0x76f: {  	p1 =	por $0x1, $0x1;
	v19 =	vld [tilespmem:s0+$0x60];
	v20 =	vadd.s32 v14, v16  }
.Ltmp94:
0x770: {  	_ = 	snop;
	(pc) =	sbr.rel @!p1 .LBB2_130-.Ltmp94, $2  }
0x771: {  	v17 =	vld [tilespmem:s0+$0x70];
	v18 =	vadd.s32 v15, v16;
	_ =	sdelay $0x2  }
0x772: {  	p0 =	por $0x1, $0x1;
	s10 =	simm.s32 $0xD400;
	s1 =	simm.s32 $0x8;
	v16 =	vmov s9;
	[tilespmem:v20+s26+$0x0] =	vst.idx.msk $0xffff, v19  }
.LBB2_131:
0x773: {  	p1 =	slt.u32 s1, $0x7C  }
0x774: {  	v16 =	vand.u32 $0x7C, v16;
	[tilespmem:v18+s26+$0x0] =	vst.idx.msk $0xffff, v17;
	s10 =	sadd.s32 $0x80, s10;
	s14 =	smov.u32 s1;
	s1 =	sadd.s32 $0x4, s1  }
0x775: {  	v17 =	vld [tilespmem:s10+$0x0];
	v18 =	vadd.s32 v14, v16  }
0x776: {  	v16 =	vadd.s32 v15, v16;
	v19 =	vld [tilespmem:s10+$0x10];
	_ =	sdelay $0x2  }
0x777: {  	s15 =	sadd.s32 $0x1, s9  }
0x778: {  	[tilespmem:v18+s26+$0x0] =	vst.idx.msk $0xffff, v17;
	v17 =	vmov s15  }
0x779: {  	[tilespmem:v16+s26+$0x0] =	vst.idx.msk $0xffff, v19;
	v16 =	vand.u32 $0x7D, v17  }
0x77a: {  	v17 =	vld [tilespmem:s10+$0x20];
	v18 =	vadd.s32 v14, v16  }
0x77b: {  	v16 =	vadd.s32 v15, v16;
	v19 =	vld [tilespmem:s10+$0x30];
	_ =	sdelay $0x2  }
0x77c: {  	s15 =	sadd.s32 $0x2, s9  }
0x77d: {  	[tilespmem:v18+s26+$0x0] =	vst.idx.msk $0xffff, v17;
	v17 =	vmov s15  }
0x77e: {  	[tilespmem:v16+s26+$0x0] =	vst.idx.msk $0xffff, v19;
	v16 =	vand.u32 $0x7E, v17  }
0x77f: {  	v17 =	vld [tilespmem:s10+$0x40];
	v18 =	vadd.s32 v14, v16  }
0x780: {  	v16 =	vadd.s32 v15, v16;
	v19 =	vld [tilespmem:s10+$0x50];
	_ =	sdelay $0x2  }
0x781: {  	s15 =	sadd.s32 $0x3, s9;
	s9 =	smov.u32 s14  }
0x782: {  	[tilespmem:v18+s26+$0x0] =	vst.idx.msk $0xffff, v17;
	v17 =	vmov s15  }
0x783: {  	[tilespmem:v16+s26+$0x0] =	vst.idx.msk $0xffff, v19;
	v16 =	vand.u32 $0x7F, v17  }
0x784: {  	v19 =	vld [tilespmem:s10+$0x60];
	v20 =	vadd.s32 v14, v16  }
.Ltmp95:
0x785: {  	v18 =	vadd.s32 v15, v16;
	v17 =	vld [tilespmem:s10+$0x70];
	(pc) =	sbr.rel @p1 .LBB2_131-.Ltmp95, $2  }
0x786: {  	_ =	sdelay $0x2  }
0x787: {  	v16 =	vmov s9;
	[tilespmem:v20+s26+$0x0] =	vst.idx.msk $0xffff, v19  }
0x788: {  	s1 =	smov.u32 s9  }
.LBB2_133:
0x789: {  	_ =	sdelay $0x2  }
0x78a: {  	s9 =	sadd.s32 @p0 $0x80, s10  }
0x78b: {  	v16 =	vand.u32 $0x7C, v16;
	[tilespmem:v18+s26+$0x0] =	vst.idx.msk @p0 $0xffff, v17;
	s0 =	smov.u32 @p0 s9  }
0x78c: {  	v60 =	vadd.s32 v14, v16;
	v17 =	vld [tilespmem:s0+$0x0]  }
0x78d: {  	v16 =	vadd.s32 v15, v16;
	v19 =	vld [tilespmem:s0+$0x10];
	_ =	sdelay $0x2  }
0x78e: {  	s29 =	sadd.s32 $0x1, s1  }
0x78f: {  	[tilespmem:v60+s26+$0x0] =	vst.idx.msk $0xffff, v17;
	v17 =	vmov s29  }
0x790: {  	[tilespmem:v16+s26+$0x0] =	vst.idx.msk $0xffff, v19;
	v16 =	vand.u32 $0x7D, v17  }
0x791: {  	v17 =	vld [tilespmem:s0+$0x20];
	v61 =	vadd.s32 v14, v16  }
0x792: {  	v19 =	vld [tilespmem:s0+$0x30];
	v16 =	vadd.s32 v15, v16;
	_ =	sdelay $0x2  }
0x793: {  	s30 =	sadd.s32 $0x2, s1  }
0x794: {  	[tilespmem:v61+s26+$0x0] =	vst.idx.msk $0xffff, v17;
	v17 =	vmov s30  }
0x795: {  	[tilespmem:v16+s26+$0x0] =	vst.idx.msk $0xffff, v19;
	v16 =	vand.u32 $0x7E, v17  }
0x796: {  	v17 =	vld [tilespmem:s0+$0x40];
	v62 =	vadd.s32 v14, v16  }
0x797: {  	v19 =	vld [tilespmem:s0+$0x50];
	v16 =	vadd.s32 v15, v16;
	_ =	sdelay $0x2  }
0x798: {  	s31 =	sadd.s32 $0x3, s1  }
0x799: {  	[tilespmem:v62+s26+$0x0] =	vst.idx.msk $0xffff, v17;
	v17 =	vmov s31  }
0x79a: {  	[tilespmem:v16+s26+$0x0] =	vst.idx.msk $0xffff, v19;
	v16 =	vand.u32 $0x7F, v17  }
0x79b: {  	v17 =	vld [tilespmem:s0+$0x60];
	v63 =	vadd.s32 v14, v16  }
0x79c: {  	v19 =	vld [tilespmem:s0+$0x70];
	v16 =	vadd.s32 v15, v16;
	_ =	sdelay $0x3  }
0x79d: {  	s1 =	simm.s32 $0x10;
	[tilespmem:v63+s26+$0x0] =	vst.idx.msk $0xffff, v17  }
0x79e: {  	s10 =	sadd.s32 $0x0, s8;
	s9 =	simm.s32 $0x16488;
	s0 =	simm.s32 $0x16400;
	[tilespmem:v16+s26+$0x0] =	vst.idx.msk $0xffff, v19  }
.LBB2_134:
0x79f: {  	[hbm4b:s10+s3] =	stream.linear.scatter [tilespmem:s0], [sflag:$0x3], $0x80, $0x38;
	[tilespmem:$0x1EC00] =	vst v63  }
0x7a0: {  	s10 =	smov.u32 s1;
	s0 =	smov.u32 s9;
	p0 =	sne.s32 s1, $0x3F0  }
.Ltmp96:
0x7a1: {  	s1 =	sadd.s32 $0x10, s1;
	(pc) =	sbr.rel @p0 .LBB2_134-.Ltmp96, $2  }
0x7a2: {  	_ =	sdelay $0x2  }
0x7a3: {  	s9 =	sadd.s32 $0x88, s9;
	s10 =	sadd.s32 s10, s8  }
0x7a4: {  	[hbm4b:s10+s3] =	stream.linear.scatter [tilespmem:s0], [sflag:$0x3], $0x80, $0x38;
	[tilespmem:$0x1EC00] =	vst v63  }
0x7a5: {  	s0 =	sadd.s32 $0x1000, s8;
	s1 =	simm.s32 $0x18600  }
0x7a6: {  	s9 =	simm.s32 $0x10;
	s10 =	simm.s32 $0x18688;
	s16 =	sadd.s32 $0x0, s0  }
.LBB2_136:
0x7a7: {  	[hbm4b:s16+s3] =	stream.linear.scatter [tilespmem:s1], [sflag:$0x3], $0x80, $0x38;
	[tilespmem:$0x1EC00] =	vst v63  }
0x7a8: {  	s14 =	smov.u32 s9;
	s1 =	smov.u32 s10;
	p0 =	sne.s32 s9, $0x3F0  }
.Ltmp97:
0x7a9: {  	s9 =	sadd.s32 $0x10, s9;
	(pc) =	sbr.rel @p0 .LBB2_136-.Ltmp97, $2  }
0x7aa: {  	_ =	sdelay $0x2  }
0x7ab: {  	s10 =	sadd.s32 $0x88, s10;
	s16 =	sadd.s32 s14, s0  }
0x7ac: {  	[hbm4b:s16+s3] =	stream.linear.scatter [tilespmem:s1], [sflag:$0x3], $0x80, $0x38;
	[tilespmem:$0x1EC00] =	vst v63  }
0x7ad: {  	s0 =	sadd.s32 $0x2000, s8;
	s1 =	simm.s32 $0x1A800  }
0x7ae: {  	s9 =	simm.s32 $0x10;
	s10 =	simm.s32 $0x1A888;
	s16 =	sadd.s32 $0x0, s0  }
.LBB2_138:
0x7af: {  	[hbm4b:s16+s3] =	stream.linear.scatter [tilespmem:s1], [sflag:$0x3], $0x80, $0x38;
	[tilespmem:$0x1EC00] =	vst v63  }
0x7b0: {  	s14 =	smov.u32 s9;
	s1 =	smov.u32 s10;
	p0 =	sne.s32 s9, $0x3F0  }
.Ltmp98:
0x7b1: {  	s9 =	sadd.s32 $0x10, s9;
	(pc) =	sbr.rel @p0 .LBB2_138-.Ltmp98, $2  }
0x7b2: {  	_ =	sdelay $0x2  }
0x7b3: {  	s10 =	sadd.s32 $0x88, s10;
	s16 =	sadd.s32 s14, s0  }
0x7b4: {  	[hbm4b:s16+s3] =	stream.linear.scatter [tilespmem:s1], [sflag:$0x3], $0x80, $0x38;
	[tilespmem:$0x1EC00] =	vst v63  }
0x7b5: {  	s0 =	sadd.s32 $0x3000, s8;
	s1 =	simm.s32 $0x1CA00  }
0x7b6: {  	s9 =	simm.s32 $0x10;
	s10 =	simm.s32 $0x1CA88;
	s16 =	sadd.s32 $0x0, s0  }
.LBB2_140:
0x7b7: {  	[hbm4b:s16+s3] =	stream.linear.scatter [tilespmem:s1], [sflag:$0x3], $0x80, $0x38;
	[tilespmem:$0x1EC00] =	vst v63  }
0x7b8: {  	s14 =	smov.u32 s9;
	s1 =	smov.u32 s10;
	p0 =	sne.s32 s9, $0x3F0  }
.Ltmp99:
0x7b9: {  	s9 =	sadd.s32 $0x10, s9;
	(pc) =	sbr.rel @p0 .LBB2_140-.Ltmp99, $2  }
0x7ba: {  	_ =	sdelay $0x2  }
0x7bb: {  	s10 =	sadd.s32 $0x88, s10;
	s16 =	sadd.s32 s14, s0  }
0x7bc: {  	[hbm4b:s16+s3] =	stream.linear.scatter [tilespmem:s1], [sflag:$0x3], $0x80, $0x38;
	[tilespmem:$0x1EC00] =	vst v63  }
0x7bd: {  	_ =	swait.ge [sflag:s24], $0x8000  }
0x7be: {  	s31 =	rddreg [dreg:$0x5]  }
0x7bf: {  	s0 =	rddreg [dreg:$0x4];
	s1 =	sadd.s32 $0x1, s31  }
0x7c0: {  	p0 =	sne.s32 s1, s0  }
.Ltmp100:
0x7c1: {  	_ = 	snop;
	(pc) =	sbr.rel @p0 .LBB2_1-.Ltmp100, $4  }
.Ltmp101:
0x7c2: {  	_ = 	snop;
	(pc) =	sbr.rel @!p0 .LBB2_142-.Ltmp101, $4  }
0x7c3: {  	_ = 	snop  }
0x7c4: {  	[sflag:s24] =	ssyncset.done $0x0  }
0x7c5: {  	[sflag:s24] =	ssyncadd.s32 $0xFFFF8000  }
0x7c6: {  	_ = 	snop  }
.LBB2_108:
.Ltmp102:
0x7c7: {  	(pc) =	sbr.rel .LBB2_113-.Ltmp102, $2  }
0x7c8: {  	_ =	sdelay $0x2  }
0x7c9: {  	s10 =	simm.s32 $0x9470  }
.LBB2_118:
.Ltmp103:
0x7ca: {  	(pc) =	sbr.rel .LBB2_123-.Ltmp103, $2  }
0x7cb: {  	_ =	sdelay $0x2  }
0x7cc: {  	s10 =	simm.s32 $0xB400  }
.LBB2_128:
.Ltmp104:
0x7cd: {  	(pc) =	sbr.rel .LBB2_133-.Ltmp104, $2  }
0x7ce: {  	_ =	sdelay $0x2  }
0x7cf: {  	s10 =	simm.s32 $0xD400  }
.LBB2_105:
.Ltmp105:
0x7d0: {  	(pc) =	sbr.rel .LBB2_107-.Ltmp105, $2  }
0x7d1: {  	_ =	sdelay $0x2  }
0x7d2: {  	s16 =	simm.s32 $0x8470;
	s10 =	simm.s32 $0x4  }
.LBB2_110:
.Ltmp106:
0x7d3: {  	(pc) =	sbr.rel .LBB2_113-.Ltmp106, $2  }
0x7d4: {  	_ =	sdelay $0x2  }
0x7d5: {  	s10 =	simm.s32 $0x9470;
	s1 =	simm.s32 $0x4  }
.LBB2_115:
.Ltmp107:
0x7d6: {  	(pc) =	sbr.rel .LBB2_117-.Ltmp107, $2  }
0x7d7: {  	_ =	sdelay $0x2  }
0x7d8: {  	s16 =	simm.s32 $0xA400;
	s10 =	simm.s32 $0x4  }
.LBB2_120:
.Ltmp108:
0x7d9: {  	(pc) =	sbr.rel .LBB2_123-.Ltmp108, $2  }
0x7da: {  	_ =	sdelay $0x2  }
0x7db: {  	s10 =	simm.s32 $0xB400;
	s1 =	simm.s32 $0x4  }
.LBB2_125:
.Ltmp109:
0x7dc: {  	(pc) =	sbr.rel .LBB2_127-.Ltmp109, $2  }
0x7dd: {  	_ =	sdelay $0x2  }
0x7de: {  	s16 =	simm.s32 $0xC400;
	s10 =	simm.s32 $0x4  }
.LBB2_130:
.Ltmp110:
0x7df: {  	(pc) =	sbr.rel .LBB2_133-.Ltmp110, $2  }
0x7e0: {  	_ =	sdelay $0x2  }
0x7e1: {  	s10 =	simm.s32 $0xD400;
	s1 =	simm.s32 $0x4  }
.LBB2_142:
0x7e2: {  	_ =	sfence.sel $0x180000  }
0x7e3: {  	[bflag:$0x0] =	sbarrier.arrive $0xFFFF  }
0x7e4: {  	_ =	strace $0x9000004A  }
0x7e5: {  	s0 =	stileid.u32;
	[bflag:$0x2] =	sbarrier.arrive $0xFFFF  }
0x7e6: {  	p0 =	sne.s32 s0, $0x0;
	s0 =	rddreg [dreg:$0x2]  }
0x7e7: {  	s0 =	sadd.s32 @!p0 $0x100000, s0  }
0x7e8: {  	[sflag:s0] =	ssyncadd.tile.s32 @!p0 $0x1;
	_ =	shalt  }
.Lfunc_end2:
_tile_overlayer_lowered:
.L_overlay_start_2:
0x7e9: {  	(tag) =	ssettag $0x2  }
0x7ea: {  	s0 =	rddreg [dreg:$0x0];
	s2 =	stileid.u32  }
0x7eb: {  	s1 =	rddreg [dreg:$0x1];
	p0 =	sne.s32 s2, $0x0  }
0x7ec: {  	s3 =	rddreg [dreg:$0x2];
	[bflag:$0x3] =	sbarrier.arrive $0xFFFF;
	s2 =	simm.s32 @!p0 $0x1C04  }
0x7ed: {  	[timem:s3], [sflag:s2] =	dma.local @!p0 [hbm:s0], s1  }
0x7ee: {  	s0 =	simm.s32 @!p0 $0x4  }
0x7ef: {  	_ =	swait.ge @!p0 [sflag:s0], s1  }
0x7f0: {  	s1 =	ssub.s32 @!p0 $0x0, s1;
	[sflag:s0] =	ssyncset.done @!p0 $0x0  }
0x7f1: {  	[sflag:s0] =	ssyncadd.s32 @!p0 s1  }
0x7f2: {  	[bflag:$0x3] =	sbarrier.arrive $0xFFFF  }
0x7f3: {  	_ =	shalt  }

// kernel: sparse-core-data-format-call.cloned.1.call-start
scs
called_computation_lowered:
.L_overlay_start_0:
0x0: {  	s2 =	sld [smem:$0x3FD9]  }
0x1: {  	s3 =	sld [smem:$0x3FFE];
	_ =	sdelay $0x1  }
0x2: {  	s1 =	srdreg.scid  }
0x3: {  	s0 =	sand.u32 $0x1, s1  }
0x4: {  	s18 =	sshll.u32 s0, $0xA;
	s2 =	sadd.s32 s3, s2  }
0x5: {  	s2 =	sadd.s32 s2, s18  }
0x6: {  	[smem:$0x3FC6] =	sst s2  }
0x7: {  	_ = 	snop  }
0x8: {  	s2 =	sld [smem:$0x3FC8];
	(tm) =	ssettm $0x1  }
0x9: {  	s19 =	sld [smem:$0x3FFB];
	_ =	sdelay $0x3  }
0xa: {  	_ =	strace s19  }
0xb: {  	s3 =	sld [smem:$0x3FFC];
	_ =	sdelay $0x3  }
0xc: {  	_ =	strace s3  }
0xd: {  	s3 =	sld [smem:$0x3FFD];
	_ =	sdelay $0x3  }
0xe: {  	_ =	strace s3  }
0xf: {  	_ =	strace $0x8FFFFFFF  }
0x10: {  	s20 =	sld [smem:$0x3FDB];
	_ =	sdelay $0x1  }
0x11: {  	s4 =	simm.s32 $_scs_section_size  }
0x12: {  	s5 =	simm.s32 $_size__tile_overlayer_lowered;
	s6 =	simm.s32 $_tile_overlayer_lowered  }
0x13: {  	s23 =	simm.s32 $0x1BFF;
	s22 =	sshll.u32 s6, $0x1;
	s3 =	sadd.s32 s4, s20  }
0x14: {  	s7 =	simm.s32 $0x0;
	s21 =	sshll.u32 s5, $0x1;
	s5 =	sadd.s32 s22, s3  }
0x15: {  	[timem:s7], [sflag:s23] =	dma.local [hbm:s5], s21  }
0x16: {  	_ =	swait.ge [sflag:s23], s21  }
0x17: {  	s4 =	ssub.s32 $0x0, s21;
	[sflag:s23] =	ssyncset.done $0x0  }
0x18: {  	[sflag:s23] =	ssyncadd.s32 s4;
	_ =	sdelay $0x1  }
0x19: {  	s24 =	simm.s32 $0x1B8B  }
0x1a: {  	_ =	swait.ge [sflag:s24], $0x1  }
0x1b: {  	[sflag:s24] =	ssyncset.done $0x0  }
0x1c: {  	s26 =	simm.s32 $0x1B8E;
	s25 =	sld [smem:$0x3FFE];
	[sflag:s24] =	ssyncadd.s32 $0xFFFFFFFF  }
0x1d: {  	s27 =	simm.s32 $execute0_lowered;
	[smem:$0x3FD2] =	sst s26  }
0x1e: {  	s5 =	sshll.u32 s27, $0x1;
	_ =	strace $0x80000046;
	[dreg:$0x1] =	wrdreg $0xFFFFFFFF  }
0x1f: {  	s28 =	simm.s32 $_size_execute0_lowered;
	s3 =	sadd.s32 s3, s5;
	[dreg:$0x0] =	wrdreg $0x0  }
0x20: {  	s5 =	sshll.u32 s28, $0x1;
	[dreg:$0x2] =	wrdreg s3  }
0x21: {  	[dreg:$0x3] =	wrdreg s5  }
0x22: {  	[dreg:$0x4] =	wrdreg $0xC0  }
0x23: {  	_ =	task [dreg:s7], $0x5FFFF  }
0x24: {  	[dreg:$0x1] =	wrdreg $0xFFFFFFFF  }
0x25: {  	[dreg:$0x0] =	wrdreg $0x60  }
0x26: {  	[dreg:$0x2] =	wrdreg s2  }
0x27: {  	[dreg:$0x3] =	wrdreg s25  }
0x28: {  	[dreg:$0x4] =	wrdreg $0x9  }
0x29: {  	_ =	task.clear_ibuf [dreg:s7], $0x5FFFF;
	_ =	strace $0x90000046  }
0x2a: {  	s29 =	simm.s32 $0x9;
	_ =	strace $0x80000048  }
0x2b: {  	_ =	swait.ge [sflag:s29], $0x1  }
0x2c: {  	[sflag:s29] =	ssyncadd.s32 $0xFFFFFFFF  }
0x2d: {  	_ =	strace $0x90000048  }
0x2e: {  	_ =	sfence  }
0x2f: {  	s30 =	sld [smem:$0x0];
	_ =	sdelay $0x2  }
0x30: {  	s31 =	sshll.u32 s1, $0xD;
	s1 =	sshrl.u32 s1, $0x2  }
0x31: {  	s3 =	sand.u32 $0x4000, s31;
	s1 =	sadd.s32 s1, s30  }
0x32: {  	s0 =	sor.u32 s3, s0;
	s1 =	sshll.u32 s1, $0x11  }
0x33: {  	s0 =	sor.u32 s1, s0  }
0x34: {  	s0 =	sadd.s32 $0x8F2B, s0  }
0x35: {  	[sflag:s0] =	ssyncadd.remote.s32 $0x1  }
0x36: {  	_ =	sfence.sel $0xFFFF  }
0x37: {  	[dreg:$0x0] =	wrdreg $0xFFFFFFFF;
	(pc) =	sbr.abs _section_cstart, $3  }
0x38: {  	[dreg:$0x1] =	wrdreg $0xFFFFFFFF  }
0x39: {  	_ =	task.clear_ibuf [dreg:s7], $0x2FFFF;
	_ =	strace $0x9FFFFFFF  }
0x3a: {  	(tm) =	ssettm $0x7FFFFFFF  }
0x3b: {  	_ =	shalt  }
tec
execute0_lowered:
.L_overlay_start_1:
0x0: {  	(tag) =	ssettag $0x1  }
0x1: {  	s0 =	srdreg.scid;
	s2 =	rddreg [dreg:$0x0]  }
0x2: {  	s5 =	rddreg [dreg:$0x1];
	s1 =	stileid.u32  }
0x3: {  	s4 =	simm.s32 $0x1;
	s6 =	simm.s32 $0x2;
	s15 =	simm.s32 $0x0  }
0x4: {  	p0 =	por $0x0, $0x0;
	s8 =	simm.s32 $0x80;
	s0 =	sshll.u32 s0, $0x4  }
0x5: {  	s14 =	simm.s32 $0x0;
	s9 =	simm.s32 $0x0;
	s3 =	sand.u32 $0x10, s0  }
.Ltmp0:
0x6: {  	s10 =	simm.s32 $0x0;
	s3 =	sor.u32 s1, s3;
	(pc) =	sbr.rel .LBB1_1-.Ltmp0, $4  }
0x7: {  	s0 =	rddreg [dreg:$0x2];
	_ =	strace $0x80000047;
	s3 =	sshll.u32 s3, $0x7  }
0x8: {  	s12 =	simm.s32 $0x0;
	[sflag:s4] =	ssyncpa.u1 $0x0;
	s7 =	ssub.s32 $0xF4200, s3  }
0x9: {  	s13 =	simm.s32 $0x0;
	[sflag:s6] =	ssyncpa.u1 $0x0;
	s6 =	sshrl.u32 s7, $0xC  }
0xa: {  	s5 =	sadd.s32 $0xA00, s5;
	s11 =	smov.u32 s3;
	s7 =	sadd.s32 $0x2, s6  }
.LBB1_5:
0xb: {  	p1 =	slt.u32 s13, $0x2  }
0xc: {  	s17 =	smov.u32 s15;
	p2 =	sgt.s32 @!p1 s15, $0xF41C8;
	s16 =	sshra.s32 @!p1 s15, $0x1F  }
0xd: {  	p3 =	sgt.s32 @!p1 s14, $0x60;
	s18 =	sshra.s32 @!p1 s14, $0x1F;
	p2 =	por !p2, p1  }
0xe: {  	s15 =	sand.u32 @!p1 s16, s15;
	p3 =	por !p3, p1;
	s16 =	smov.u32 s14  }
0xf: {  	s14 =	sand.u32 @!p1 s18, s14;
	s17 =	simm.s32 @p2 $0xF41C8;
	s16 =	simm.s32 @p3 $0x60  }
0x10: {  	s15 =	ssub.s32 @!p1 s17, s15;
	s14 =	ssub.s32 @!p1 s16, s14  }
0x11: {  	s18 =	smov.u32 s12;
	s16 =	sadd.s32 @!p1 $0xFFF0BE38, s15;
	s17 =	sadd.s32 @!p1 $0xFFFFFFA0, s14  }
0x12: {  	s15 =	ssub.s32 @!p1 $0xF4248, s15;
	p2 =	sgt.s32 @!p1 s16, $0x7F;
	p3 =	sgt.s32 @!p1 s17, $0x1F  }
0x13: {  	s14 =	ssub.s32 @!p1 $0x80, s14;
	p2 =	por !p2, p1;
	p3 =	por !p3, p1  }
0x14: {  	s16 =	sadd.s32 $0x1000, s11;
	s15 =	simm.s32 @!p2 $0x0;
	s14 =	simm.s32 @!p3 $0x0  }
0x15: {  	p2 =	sgt.s32 s16, $0xF4240;
	s14 =	smul.u32 @!p1 s14, s15;
	s15 =	sadd.s32 $0x20, s12  }
0x16: {  	s18 =	smov.u32 @p2 s15  }
0x17: {  	s16 =	smov.u32 @p2 s3;
	p2 =	sgt.s32 s18, $0x1F  }
0x18: {  	s18 =	simm.s32 @p2 $0x0;
	p2 =	sne.s32 s13, s7  }
.Ltmp1:
0x19: {  	p0 =	por !p0, !p0;
	s17 =	simm.s32 @!p1 $0x2;
	(pc) =	sbr.rel @!p2 .LBB1_6-.Ltmp1, $4  }
0x1a: {  	s15 =	smov.u32 s9;
	s9 =	smov.u32 s11;
	s14 =	sand.u32 @!p1 $0x3FFFFFFF, s14  }
0x1b: {  	s11 =	smov.u32 s16;
	_ =	swait.ge @!p1 [sflag:s17], s14;
	s19 =	ssub.s32 @!p1 $0x0, s14  }
0x1c: {  	s14 =	smov.u32 s10;
	s13 =	sadd.s32 $0x1, s13;
	[sflag:s17] =	ssyncset.done @!p1 $0x0  }
0x1d: {  	s10 =	smov.u32 s12;
	s12 =	smov.u32 s18;
	[sflag:s17] =	ssyncadd.s32 @!p1 s19  }
.LBB1_1:
0x1e: {  	p1 =	sgt.u32 s13, s6  }
0x1f: {  	s16 =	sshrl.u32 @!p1 s12, $0x3  }
0x20: {  	s17 =	sshll.u32 @!p1 s11, $0x3;
	s16 =	smul.u32 @!p1 $0x7A1400, s16  }
0x21: {  	s18 =	sshll.u32 @!p1 s12, $0x7;
	s17 =	sand.u32 @!p1 $0xFFFFFC00, s17  }
0x22: {  	s16 =	sadd.s32 @!p1 s16, s17;
	s17 =	sand.u32 @!p1 $0x380, s18  }
0x23: {  	s18 =	sand.u32 @!p1 $0x7F, s11;
	s16 =	sor.u32 @!p1 s17, s16  }
0x24: {  	s17 =	sor.u32 @!p1 s18, s16  }
0x25: {  	s18 =	smulhi.u32 @!p1 $0x218D6287, s17;
	_ =	sdelay $0x1  }
0x26: {  	s16 =	smulhi.u32 @!p1 $0x218D6287, s16;
	s18 =	sshrl.u32 @!p1 s18, $0x11  }
0x27: {  	s18 =	smul.u32 @!p1 $0xF4280, s18  }
0x28: {  	s19 =	sxor.u32 @!p1 $0xFFFFFFFF, s13;
	s16 =	sshrl.u32 @!p1 s16, $0x11  }
0x29: {  	s19 =	sshll.u32 @!p1 s19, $0xC;
	s16 =	sand.u32 @!p1 $0x1F, s16;
	s17 =	ssub.s32 @!p1 s17, s18  }
0x2a: {  	s16 =	smul.u32 @!p1 $0x1E850, s16;
	s18 =	sshrl.u32 @!p1 s17, $0x3;
	s17 =	sand.u32 @!p1 $0x7, s17  }
0x2b: {  	s19 =	sand.u32 @!p1 $0x1000, s19;
	s18 =	sadd.s32 @!p1 s2, s18;
	s17 =	sshll.u32 @!p1 s17, $0x12  }
0x2c: {  	s16 =	sadd.s32 @!p1 s16, s18;
	s17 =	sor.u32 @!p1 $0x400, s17;
	s18 =	simm.s32 @!p1 $0x7A1400  }
0x2d: {  	[tilespmem:s19], [sflag:$0x1] =	stream.strided.gather @!p1 [hbm4b:s16+s17], $0x1000, s18, s17, $0x38;
	[tilespmem:$0x4100] =	vst v63  }
0x2e: {  	p1 =	seq.s32 s13, $0x0  }
0x2f: {  	p2 =	sge.u32 @!p1 s13, s7  }
0x30: {  	p1 =	por p1, p2  }
.Ltmp2:
0x31: {  	_ = 	snop;
	(pc) =	sbr.rel @p1 .LBB1_5-.Ltmp2, $1  }
0x32: {  	_ =	sdelay $0x3  }
0x33: {  	s16 =	simm.s32 $0x1  }
0x34: {  	_ =	swait.ge [sflag:s4], $0x1000;
	s16 =	simm.s32 @!p0 $0x0  }
0x35: {  	[sflag:s4] =	ssyncset.done $0x0;
	s17 =	sshll.u32 s16, $0xC  }
0x36: {  	[sflag:s4] =	ssyncadd.s32 $0xFFFFF000;
	s17 =	sor.u32 $0x40, s17  }
0x37: {  	s16 =	smul.u32 $0x4200, s16;
	v0 =	vld [tilespmem:s17+$0x30]  }
0x38: {  	v1 =	vld [tilespmem:s17+$0xFFFFFFD0]  }
0x39: {  	s16 =	sshrl.u32 s16, $0x2;
	v5 =	vld [tilespmem:s17+$0xFFFFFFE0]  }
0x3a: {  	v6 =	vld [tilespmem:s17+$0xFFFFFFF0];
	s19 =	sor.u32 $0x2000, s16  }
0x3b: {  	s31 =	sand.u32 $0x1, s13;
	v4 =	vld [tilespmem:s17+$0x0];
	s18 =	sadd.s32 $0x0, s19  }
0x3c: {  	v3 =	vld [tilespmem:s17+$0x10];
	s16 =	smul.u32 $0x4200, s31;
	[tilespmem:s18+$0xE70 ss:$0x21] =	vst.msk $0xffff, v0  }
0x3d: {  	v2 =	vld [tilespmem:s17+$0x20];
	[tilespmem:s18+$0x210 ss:$0x21] =	vst.msk $0xffff, v1  }
0x3e: {  	s16 =	sshrl.u32 s16, $0x2;
	v1 =	vld [tilespmem:s17+$0xFFFFFFC0];
	[tilespmem:s18+$0x420 ss:$0x21] =	vst.msk $0xffff, v5;
	s17 =	sadd.s32 $0x80, s17  }
0x3f: {  	s20 =	simm.s32 $0x4;
	s21 =	simm.s32 $0x8;
	s16 =	sor.u32 $0x2000, s16;
	[tilespmem:s18+$0x630 ss:$0x21] =	vst.msk $0xffff, v6;
	v0 =	vld [tilespmem:s17+$0x30]  }
.LBB1_3:
0x40: {  	p1 =	sne.s32 s21, $0x7C;
	v5 =	vld [tilespmem:s17+$0xFFFFFFD0];
	[tilespmem:s18+$0x840 ss:$0x21] =	vst.msk $0xffff, v4  }
0x41: {  	v6 =	vld [tilespmem:s17+$0xFFFFFFE0];
	[tilespmem:s18+$0xA50 ss:$0x21] =	vst.msk $0xffff, v3  }
0x42: {  	s22 =	sshra.s32 s20, $0x2;
	s20 =	smov.u32 s21;
	v7 =	vld [tilespmem:s17+$0xFFFFFFF0];
	[tilespmem:s18+$0xC60 ss:$0x21] =	vst.msk $0xffff, v2  }
.Ltmp3:
0x43: {  	v4 =	vld [tilespmem:s17+$0x0];
	[tilespmem:s18+$0x0 ss:$0x21] =	vst.msk $0xffff, v1;
	s18 =	sadd.s32 s22, s19;
	(pc) =	sbr.rel @p1 .LBB1_3-.Ltmp3, $4  }
0x44: {  	v3 =	vld [tilespmem:s17+$0x10];
	[tilespmem:s18+$0xE70 ss:$0x21] =	vst.msk $0xffff, v0  }
0x45: {  	[tilespmem:s18+$0x210 ss:$0x21] =	vst.msk $0xffff, v5;
	v2 =	vld [tilespmem:s17+$0x20]  }
0x46: {  	v1 =	vld [tilespmem:s17+$0xFFFFFFC0];
	[tilespmem:s18+$0x420 ss:$0x21] =	vst.msk $0xffff, v6;
	s17 =	sadd.s32 $0x80, s17  }
0x47: {  	s21 =	sadd.s32 $0x4, s21;
	v0 =	vld [tilespmem:s17+$0x30];
	[tilespmem:s18+$0x630 ss:$0x21] =	vst.msk $0xffff, v7  }
0x48: {  	s21 =	sshll.u32 s9, $0x7;
	s22 =	sshll.u32 s10, $0x3;
	s20 =	sshra.s32 s20, $0x2  }
0x49: {  	p1 =	sgt.s32 s9, $0xF41C8;
	s30 =	sshra.s32 s9, $0x1F;
	s25 =	sshra.s32 s10, $0x1F  }
0x4a: {  	v5 =	vld [tilespmem:s17+$0xFFFFFFD0];
	s28 =	sshrl.u32 s10, $0x3;
	s23 =	sand.u32 $0xFFFFFC00, s21;
	s22 =	sand.u32 $0xFFFFFC00, s22  }
0x4b: {  	[tilespmem:s18+$0x840 ss:$0x21] =	vst.msk $0xffff, v4;
	v58 =	vld [tilespmem:s17+$0xFFFFFFE0];
	s21 =	sand.u32 $0x380, s21;
	s19 =	sadd.s32 s20, s19;
	s22 =	sadd.s32 s22, s23  }
0x4c: {  	v59 =	vld [tilespmem:s17+$0xFFFFFFF0];
	[tilespmem:s18+$0xA50 ss:$0x21] =	vst.msk $0xffff, v3;
	s29 =	sor.u32 s21, s22;
	s21 =	smov.u32 s9;
	s22 =	sand.u32 s30, s9  }
0x4d: {  	v60 =	vld [tilespmem:s17+$0x0];
	[tilespmem:s18+$0xC60 ss:$0x21] =	vst.msk $0xffff, v2;
	s30 =	sand.u32 $0x7, s10;
	s20 =	sshrl.u32 s29, $0x7;
	s21 =	simm.s32 @!p1 $0xF41C8  }
0x4e: {  	v61 =	vld [tilespmem:s17+$0x10];
	[tilespmem:s18+$0x0 ss:$0x21] =	vst.msk $0xffff, v1;
	p1 =	sgt.s32 s10, $0x60;
	s24 =	ssub.s32 s21, s22;
	s21 =	smov.u32 s10  }
0x4f: {  	v62 =	vld [tilespmem:s17+$0x20];
	[tilespmem:s19+$0xE70 ss:$0x21] =	vst.msk $0xffff, v0;
	s31 =	smulhi.u32 $0x218DDDB, s20;
	s22 =	sand.u32 s25, s10;
	s21 =	simm.s32 @!p1 $0x60  }
0x50: {  	v63 =	vld [tilespmem:s17+$0xFFFFFFC0];
	[tilespmem:s19+$0x210 ss:$0x21] =	vst.msk $0xffff, v5;
	s26 =	sadd.s32 $0xFFF0BE38, s24;
	s17 =	ssub.s32 $0xF4248, s24;
	s21 =	ssub.s32 s21, s22  }
0x51: {  	[tilespmem:s19+$0x420 ss:$0x21] =	vst.msk $0xffff, v58;
	s23 =	sshrl.u32 s31, $0xD;
	p1 =	sgt.s32 s26, $0x7F;
	s27 =	sadd.s32 $0xFFFFFFA0, s21  }
0x52: {  	[tilespmem:s19+$0x630 ss:$0x21] =	vst.msk $0xffff, v59;
	s23 =	smul.u32 $0xF4248, s23;
	s18 =	ssub.s32 $0x80, s21;
	p2 =	sgt.s32 s27, $0x1F  }
.Ltmp4:
0x53: {  	[tilespmem:s19+$0x840 ss:$0x21] =	vst.msk $0xffff, v60;
	s17 =	simm.s32 @p1 $0x0;
	s18 =	simm.s32 @p2 $0x0;
	(pc) =	sbr.rel .LBB1_5-.Ltmp4, $4  }
0x54: {  	s29 =	sand.u32 $0xF, s28;
	[tilespmem:s19+$0xA50 ss:$0x21] =	vst.msk $0xffff, v61;
	s20 =	ssub.s32 s20, s23;
	s17 =	smul.u32 s18, s17  }
0x55: {  	[tilespmem:s19+$0xC60 ss:$0x21] =	vst.msk $0xffff, v62;
	s21 =	sshll.u32 s30, $0x12;
	s20 =	sshll.u32 s20, $0x4;
	s18 =	sadd.s32 s5, s29  }
0x56: {  	[tilespmem:s19+$0x0 ss:$0x21] =	vst.msk $0xffff, v63;
	s31 =	sor.u32 $0x20, s21;
	s18 =	sadd.s32 s20, s18;
	s17 =	sand.u32 $0x3FFFFFFF, s17  }
0x57: {  	[hbm4b:s18+s31] =	stream.strided.scatter [tilespmem:s16], [sflag:$0x2], s17, s8, s31, $0x10;
	[tilespmem:$0x4100] =	vst v63  }
.LBB1_6:
0x58: {  	_ =	sfence.sel $0x180000  }
0x59: {  	s2 =	simm.s32 $0x1;
	[bflag:$0x0] =	sbarrier.arrive $0xFFFF  }
0x5a: {  	s31 =	simm.s32 $0x2;
	[sflag:s2] =	ssyncpa.u1 $0x1  }
0x5b: {  	[sflag:s31] =	ssyncpa.u1 $0x1  }
0x5c: {  	p0 =	sne.s32 s1, $0x0;
	_ =	strace $0x90000047  }
0x5d: {  	s0 =	sadd.s32 @!p0 $0x100000, s0;
	[bflag:$0x2] =	sbarrier.arrive $0xFFFF  }
0x5e: {  	[sflag:s0] =	ssyncadd.tile.s32 @!p0 $0x1;
	_ =	shalt  }
.Lfunc_end1:
_tile_overlayer_lowered:
.L_overlay_start_2:
0x5f: {  	(tag) =	ssettag $0x2  }
0x60: {  	s0 =	rddreg [dreg:$0x0];
	s2 =	stileid.u32  }
0x61: {  	s1 =	rddreg [dreg:$0x1];
	p0 =	sne.s32 s2, $0x0  }
0x62: {  	s3 =	rddreg [dreg:$0x2];
	[bflag:$0x3] =	sbarrier.arrive $0xFFFF;
	s2 =	simm.s32 @!p0 $0x1C01  }
0x63: {  	[timem:s3], [sflag:s2] =	dma.local @!p0 [hbm:s0], s1  }
0x64: {  	s0 =	simm.s32 @!p0 $0x1  }
0x65: {  	_ =	swait.ge @!p0 [sflag:s0], s1  }
0x66: {  	s1 =	ssub.s32 @!p0 $0x0, s1;
	[sflag:s0] =	ssyncset.done @!p0 $0x0  }
0x67: {  	[sflag:s0] =	ssyncadd.s32 @!p0 s1  }
0x68: {  	[bflag:$0x3] =	sbarrier.arrive $0xFFFF  }
0x69: {  	_ =	shalt  }

</sc_bundles>
